<compile_context>
chip_gen: v7x
topology: tpu7x:2x2x1
jax: 0.10.2.dev20260603
libtpu: 0.0.44.dev20260713+nightly
codegen_flags: <defaults>
</compile_context>

<pallas_src>
import jax
import jax.numpy as jnp
from jax import lax
from jax.experimental import pallas as pl
from jax.experimental.pallas import tpu as pltpu
from jax.experimental.pallas import tpu_sc as plsc

N = 10000
D = 128
E = 320000
NC = 2
NS = 16
NW = NC * NS
CHUNK = 64
CPT = 162
EPT = CPT * CHUNK
EPAD = NW * EPT
NPAD = 10240
RPT = NPAD // NS
DUMMY = NPAD - 1

_mesh = plsc.VectorSubcoreMesh(
    core_axis_name="c", subcore_axis_name="s", num_cores=NC, num_subcores=NS
)


def _scat_body(src_hbm, dst_hbm, h_hbm, zeros_hbm, flag_hbm, out_hbm,
               src_v, dst_v, buf0, buf1, buf2, flag_v, acc,
               sem0, sem1, sem2, sem3, sem4, sem5):
    c = lax.axis_index("c")
    s = lax.axis_index("s")
    wid = c * NS + s
    pltpu.sync_copy(zeros_hbm.at[pl.ds(s * RPT, RPT)], acc.at[pl.ds(s * RPT, RPT)])
    pltpu.sync_copy(flag_hbm, flag_v)
    gath = flag_v[...][0] > 0

    @pl.when(jnp.logical_not(gath))
    def _():
        pltpu.sync_copy(h_hbm.at[pl.ds(0, CHUNK)], buf0)
        pltpu.sync_copy(h_hbm.at[pl.ds(0, CHUNK)], buf1)
        pltpu.sync_copy(h_hbm.at[pl.ds(0, CHUNK)], buf2)

    plsc.subcore_barrier()

    third = CPT // 3
    for t in range(3):
        pltpu.sync_copy(src_hbm.at[wid * 3 + t], src_v)
        pltpu.sync_copy(dst_hbm.at[wid * 3 + t], dst_v)

        @pl.when(gath)
        def _():
            pltpu.async_copy(h_hbm.at[src_v.at[0]], buf0, sem0)
            pltpu.async_copy(h_hbm.at[src_v.at[1]], buf1, sem1)
            pltpu.async_copy(h_hbm.at[src_v.at[2]], buf2, sem2)

        def body(i, carry):
            j = 3 * i
            for (jj, bb, gsem, csem) in ((j, buf0, sem0, sem3),
                                         (j + 1, buf1, sem1, sem4),
                                         (j + 2, buf2, sem2, sem5)):
                @pl.when(gath)
                def _():
                    pltpu.make_async_copy(h_hbm.at[src_v.at[jj]], bb, gsem).wait()

                pltpu.async_copy(bb, acc.at[dst_v.at[jj]], csem, add=True)
                pltpu.make_async_copy(bb, acc.at[dst_v.at[jj]], csem).wait()

                @pl.when(jnp.logical_and(gath, jj + 3 < third))
                def _():
                    pltpu.async_copy(h_hbm.at[src_v.at[jj + 3]], bb, gsem)

            return carry

        lax.fori_loop(0, third // 3, body, 0)
    plsc.subcore_barrier()
    pltpu.sync_copy(acc.at[pl.ds(s * RPT, RPT)], out_hbm.at[c, pl.ds(s * RPT, RPT)])


_scat_call = pl.kernel(
    _scat_body,
    out_type=jax.ShapeDtypeStruct((NC, NPAD, D), jnp.float32),
    mesh=_mesh,
    scratch_types=[
        pltpu.VMEM((CPT // 3, CHUNK), jnp.int32),
        pltpu.VMEM((CPT // 3, CHUNK), jnp.int32),
        pltpu.VMEM((CHUNK, D), jnp.float32),
        pltpu.VMEM((CHUNK, D), jnp.float32),
        pltpu.VMEM((CHUNK, D), jnp.float32),
        pltpu.VMEM((16,), jnp.int32),
        pltpu.VMEM_SHARED((NPAD, D), jnp.float32),
        pltpu.SemaphoreType.DMA,
        pltpu.SemaphoreType.DMA,
        pltpu.SemaphoreType.DMA,
        pltpu.SemaphoreType.DMA,
        pltpu.SemaphoreType.DMA,
        pltpu.SemaphoreType.DMA,
    ],
)


BM = 1024


def _dinv(d0_ref, d1_ref):
    deg = d0_ref[:, 0:1] + d1_ref[:, 0:1]
    return jnp.where(deg > 0, lax.rsqrt(deg), 0.0)


def _mm_body(x_ref, w_ref, d0_ref, d1_ref, o_ref):
    dinv = _dinv(d0_ref, d1_ref)
    o_ref[...] = jnp.dot(x_ref[...], w_ref[...],
                         preferred_element_type=jnp.float32) * dinv


_mm_call = pl.pallas_call(
    _mm_body,
    grid=(NPAD // BM,),
    in_specs=[
        pl.BlockSpec((BM, D), lambda i: (i, 0)),
        pl.BlockSpec((D, D), lambda i: (0, 0)),
        pl.BlockSpec((BM, 8), lambda i: (i, 0)),
        pl.BlockSpec((BM, 8), lambda i: (i, 0)),
    ],
    out_specs=pl.BlockSpec((BM, D), lambda i: (i, 0)),
    out_shape=jax.ShapeDtypeStruct((NPAD, D), jnp.float32),
)


def _comb_mm_body(p0_ref, p1_ref, d0_ref, d1_ref, b_ref, w_ref, emb_ref, h2_ref):
    dinv = _dinv(d0_ref, d1_ref)
    emb = (p0_ref[...] + p1_ref[...]) * dinv + b_ref[...]
    emb_ref[...] = emb
    h2_ref[...] = jnp.dot(emb, w_ref[...],
                          preferred_element_type=jnp.float32) * dinv


_comb_mm_call = pl.pallas_call(
    _comb_mm_body,
    grid=(NPAD // BM,),
    in_specs=[
        pl.BlockSpec((BM, D), lambda i: (i, 0)),
        pl.BlockSpec((BM, D), lambda i: (i, 0)),
        pl.BlockSpec((BM, 8), lambda i: (i, 0)),
        pl.BlockSpec((BM, 8), lambda i: (i, 0)),
        pl.BlockSpec((1, D), lambda i: (0, 0)),
        pl.BlockSpec((D, D), lambda i: (0, 0)),
    ],
    out_specs=[
        pl.BlockSpec((BM, D), lambda i: (i, 0)),
        pl.BlockSpec((BM, D), lambda i: (i, 0)),
    ],
    out_shape=[
        jax.ShapeDtypeStruct((NPAD, D), jnp.float32),
        jax.ShapeDtypeStruct((NPAD, D), jnp.float32),
    ],
)


def _comb_body(p0_ref, p1_ref, d0_ref, d1_ref, b_ref, o_ref):
    dinv = _dinv(d0_ref, d1_ref)
    o_ref[...] = (p0_ref[...] + p1_ref[...]) * dinv + b_ref[...]


_comb_call = pl.pallas_call(
    _comb_body,
    grid=(NPAD // BM,),
    in_specs=[
        pl.BlockSpec((BM, D), lambda i: (i, 0)),
        pl.BlockSpec((BM, D), lambda i: (i, 0)),
        pl.BlockSpec((BM, 8), lambda i: (i, 0)),
        pl.BlockSpec((BM, 8), lambda i: (i, 0)),
        pl.BlockSpec((1, D), lambda i: (0, 0)),
    ],
    out_specs=pl.BlockSpec((BM, D), lambda i: (i, 0)),
    out_shape=jax.ShapeDtypeStruct((NPAD, D), jnp.float32),
)


def kernel(x, edge_index, W_enc, b_enc, W_dec, b_dec):
    src = edge_index[0]
    dst = edge_index[1]
    loop = jnp.arange(N, dtype=edge_index.dtype)
    pad = jnp.full((EPAD - E - N,), DUMMY, dtype=edge_index.dtype)
    src_a = jnp.concatenate([src, loop, pad]).reshape(NW, CPT, CHUNK)
    dst_a = jnp.concatenate([dst, loop, pad]).reshape(NW, CPT, CHUNK)
    xp = jnp.concatenate([x, jnp.zeros((NPAD - N, D), x.dtype)])
    z128 = jnp.zeros((NPAD, D), jnp.float32)
    ones_mat = jnp.ones((NPAD, D), jnp.float32)
    f0 = jnp.zeros((16,), jnp.int32)
    f1 = jnp.ones((16,), jnp.int32)

    src_h = src_a.reshape(NW * 3, CPT // 3, CHUNK)
    dst_h = dst_a.reshape(NW * 3, CPT // 3, CHUNK)
    degp = _scat_call(src_h, dst_h, ones_mat, z128, f0)
    d0, d1 = degp[0, :, :8], degp[1, :, :8]
    h1 = _mm_call(xp, W_enc, d0, d1)
    p = _scat_call(src_h, dst_h, h1, z128, f1)
    emb, h2 = _comb_mm_call(p[0], p[1], d0, d1, b_enc.reshape(1, D), W_dec)
    p2 = _scat_call(src_h, dst_h, h2, z128, f1)
    rec = _comb_call(p2[0], p2[1], d0, d1, b_dec.reshape(1, D))
    return emb[:N], rec[:N]

# --- scband reference (transcript-rebuilt; emitter-appended) ---
"""Pipeline reference for scband-local-ae-69320772157915 (READ-ONLY COPY).

The authoritative reference and input builder live on the scoring server;
editing this copy changes nothing except your own understanding.
"""

import jax, jax.numpy as jnp
import numpy as np

N_NODES = 10000
N_EDGES = 320000
D_IN = 128
D_OUT = 128


def _gcn_conv(x, edge_index, W, b):
    # Faithful GCNConv: add self-loops, symmetric deg^-1/2 normalization,
    # linear transform, scatter-add aggregation, bias.
    src = edge_index[0]
    dst = edge_index[1]
    loop = jnp.arange(N_NODES, dtype=edge_index.dtype)
    src = jnp.concatenate([src, loop])
    dst = jnp.concatenate([dst, loop])
    deg = jnp.zeros((N_NODES,), dtype=x.dtype).at[dst].add(1.0)
    deg_inv_sqrt = jnp.where(deg > 0, deg ** -0.5, 0.0)
    norm = deg_inv_sqrt[src] * deg_inv_sqrt[dst]
    h = x @ W
    msg = h[src] * norm[:, None]
    out = jax.ops.segment_sum(msg, dst, num_segments=N_NODES)
    return out + b


def setup_inputs(seed: int = 0) -> dict:
    key = jax.random.key(seed)
    k1, k2, k3, k4, k5, k6 = jax.random.split(key, 6)
    x = jax.random.normal(k1, (N_NODES, D_IN), dtype=jnp.float32)
    edge_index = jax.random.randint(k2, (2, N_EDGES), 0, N_NODES, dtype=jnp.int32)
    # encoder GCNConv weight/bias (glorot-style init)
    W_enc = jax.random.normal(k3, (D_IN, D_OUT), dtype=jnp.float32) * (1.0 / np.sqrt(D_IN))
    b_enc = jnp.zeros((D_OUT,), dtype=jnp.float32)
    # decoder GCNConv weight/bias
    W_dec = jax.random.normal(k4, (D_OUT, D_IN), dtype=jnp.float32) * (1.0 / np.sqrt(D_OUT))
    b_dec = jnp.zeros((D_IN,), dtype=jnp.float32)
    return {"x": x, "edge_index": edge_index, "W_enc": W_enc, "b_enc": b_enc, "W_dec": W_dec, "b_dec": b_dec}


def reference(x, edge_index, W_enc, b_enc, W_dec, b_dec):
    loc_emb = _gcn_conv(x, edge_index, W_enc, b_enc)
    loc_reconstruct = _gcn_conv(loc_emb, edge_index, W_dec, b_dec)
    return (loc_emb, loc_reconstruct)

if __name__ == "__main__":
    import jax
    _d = setup_inputs()
    print(jax.jit(kernel)(*tuple(_d.values())))

</pallas_src>

<mosaic_0001>
#map = affine_map<(d0, d1) -> (0, 0, 0)>
#map1 = affine_map<(d0, d1) -> (0, 0)>
#map2 = affine_map<(d0, d1) -> (0)>
module attributes {stable_mosaic.version = 14 : i64} {
  func.func @_scat_body(%arg0: i32, %arg1: i32, %arg2: memref<96x54x64xi32, #tpu.memory_space<hbm>>, %arg3: memref<96x54x64xi32, #tpu.memory_space<hbm>>, %arg4: memref<10240x128xf32, #tpu.memory_space<hbm>>, %arg5: memref<10240x128xf32, #tpu.memory_space<hbm>>, %arg6: memref<16xi32, #tpu.memory_space<hbm>>, %arg7: memref<2x10240x128xf32, #tpu.memory_space<hbm>>, %arg8: memref<54x64xi32, #tpu.memory_space<vmem>>, %arg9: memref<54x64xi32, #tpu.memory_space<vmem>>, %arg10: memref<64x128xf32, #tpu.memory_space<vmem>>, %arg11: memref<64x128xf32, #tpu.memory_space<vmem>>, %arg12: memref<64x128xf32, #tpu.memory_space<vmem>>, %arg13: memref<16xi32, #tpu.memory_space<vmem>>, %arg14: memref<10240x128xf32, #tpu.memory_space<vmem_shared>>, %arg15: memref<!tpu.dma_semaphore, #tpu.memory_space<semaphore_mem>>, %arg16: memref<!tpu.dma_semaphore, #tpu.memory_space<semaphore_mem>>, %arg17: memref<!tpu.dma_semaphore, #tpu.memory_space<semaphore_mem>>, %arg18: memref<!tpu.dma_semaphore, #tpu.memory_space<semaphore_mem>>, %arg19: memref<!tpu.dma_semaphore, #tpu.memory_space<semaphore_mem>>, %arg20: memref<!tpu.dma_semaphore, #tpu.memory_space<semaphore_mem>>) attributes {dimension_semantics = [#tpu.dimension_semantics<core_parallel>, #tpu.dimension_semantics<subcore_parallel>], iteration_bounds = array<i64: 2, 16>, scalar_prefetch = 0 : i64, scratch_operands = 13 : i64, tpu.core_type = #tpu.core_type<sc_vector_subcore>, window_params = [{transform_indices = #map}, {transform_indices = #map}, {transform_indices = #map1}, {transform_indices = #map1}, {transform_indices = #map2}, {transform_indices = #map}]} {
    %mul3A = arith.constant 16 : i32
    %mul3A_0 = arith.muli %arg0, %mul3A : i32
    %add3A = arith.addi %mul3A_0, %arg1 : i32
    %mul3A_1 = arith.constant 640 : i32
    %mul3A_2 = arith.muli %arg1, %mul3A_1 : i32
    %mul3A_3 = arith.constant 640 : i32
    %mul3A_4 = arith.muli %arg1, %mul3A_3 : i32
    "tpu.region"() ({
      %run_scoped3A = tpu.sem_alloc : memref<!tpu.dma_semaphore, #tpu.memory_space<semaphore_mem>>
      %dma_start3A = arith.constant 0 : i32
      %dma_start3A_65 = tpu.memref_slice %arg14[%mul3A_4, %dma_start3A] : memref<10240x128xf32, #tpu.memory_space<vmem_shared>> -> memref<640x128xf32, #tpu.memory_space<vmem_shared>>
      %dma_start3A_66 = arith.constant 0 : i32
      %dma_start3A_67 = tpu.memref_slice %arg5[%mul3A_2, %dma_start3A_66] : memref<10240x128xf32, #tpu.memory_space<hbm>> -> memref<640x128xf32, #tpu.memory_space<hbm>>
      tpu.enqueue_dma source(%dma_start3A_67 : memref<640x128xf32, #tpu.memory_space<hbm>>) target(%dma_start3A_65 : memref<640x128xf32, #tpu.memory_space<vmem_shared>>) target_semaphore(%run_scoped3A : memref<!tpu.dma_semaphore, #tpu.memory_space<semaphore_mem>>)
      %dma_wait3A = arith.constant 0 : i32
      %dma_wait3A_68 = tpu.memref_slice %arg14[%mul3A_4, %dma_wait3A] : memref<10240x128xf32, #tpu.memory_space<vmem_shared>> -> memref<640x128xf32, #tpu.memory_space<vmem_shared>>
      %dma_wait3A_69 = arith.constant 0 : i32
      %dma_wait3A_70 = tpu.memref_slice %arg5[%mul3A_2, %dma_wait3A_69] : memref<10240x128xf32, #tpu.memory_space<hbm>> -> memref<640x128xf32, #tpu.memory_space<hbm>>
      tpu.wait_dma2 semaphore(%run_scoped3A : memref<!tpu.dma_semaphore, #tpu.memory_space<semaphore_mem>>) src(%dma_wait3A_70 : memref<640x128xf32, #tpu.memory_space<hbm>>) dst(%dma_wait3A_68 : memref<640x128xf32, #tpu.memory_space<vmem_shared>>)
      tpu.yield
    }) : () -> ()
    "tpu.region"() ({
      %run_scoped3A = tpu.sem_alloc : memref<!tpu.dma_semaphore, #tpu.memory_space<semaphore_mem>>
      tpu.enqueue_dma source(%arg6 : memref<16xi32, #tpu.memory_space<hbm>>) target(%arg13 : memref<16xi32, #tpu.memory_space<vmem>>) target_semaphore(%run_scoped3A : memref<!tpu.dma_semaphore, #tpu.memory_space<semaphore_mem>>)
      tpu.wait_dma2 semaphore(%run_scoped3A : memref<!tpu.dma_semaphore, #tpu.memory_space<semaphore_mem>>) src(%arg6 : memref<16xi32, #tpu.memory_space<hbm>>) dst(%arg13 : memref<16xi32, #tpu.memory_space<vmem>>)
      tpu.yield
    }) : () -> ()
    %get3A = arith.constant 0 : index
    %get3A_5 = tpu.vector_load %arg13[%get3A] {strides = array<i32>} : memref<16xi32, #tpu.memory_space<vmem>>, vector<16xi32>,
    %get3A_6 = vector.shape_cast %get3A_5 : vector<16xi32> to vector<16xi32>
    %slice3A = vector.extract_strided_slice %get3A_6 {offsets = [0], sizes = [1], strides = [1]} : vector<16xi32> to vector<1xi32>
    %squeeze3A = vector.extract %slice3A[0] : i32 from vector<1xi32>
    %gt3A = arith.constant 0 : i32
    %gt3A_7 = arith.cmpi sgt, %squeeze3A, %gt3A : i32
    %not3A = arith.constant true
    %not3A_8 = arith.xori %gt3A_7, %not3A : i1
    %convert_element_type3A = arith.extui %not3A_8 : i1 to i32
    %cond3A = arith.constant 0 : i32
    %cond3A_9 = arith.cmpi ne, %convert_element_type3A, %cond3A : i32
    scf.if %cond3A_9 {
      "tpu.region"() ({
        %run_scoped3A = tpu.sem_alloc : memref<!tpu.dma_semaphore, #tpu.memory_space<semaphore_mem>>
        %dma_start3A = arith.constant 0 : i32
        %dma_start3A_65 = arith.constant 0 : i32
        %dma_start3A_66 = tpu.memref_slice %arg4[%dma_start3A, %dma_start3A_65] : memref<10240x128xf32, #tpu.memory_space<hbm>> -> memref<64x128xf32, #tpu.memory_space<hbm>>
        %dma_start3A_67 = arith.constant 0 : i32
        %dma_start3A_68 = arith.constant 0 : i32
        %dma_start3A_69 = tpu.memref_slice %arg4[%dma_start3A_67, %dma_start3A_68] : memref<10240x128xf32, #tpu.memory_space<hbm>> -> memref<64x128xf32, #tpu.memory_space<hbm>>
        tpu.enqueue_dma source(%dma_start3A_69 : memref<64x128xf32, #tpu.memory_space<hbm>>) target(%arg10 : memref<64x128xf32, #tpu.memory_space<vmem>>) target_semaphore(%run_scoped3A : memref<!tpu.dma_semaphore, #tpu.memory_space<semaphore_mem>>)
        %dma_wait3A = arith.constant 0 : i32
        %dma_wait3A_70 = arith.constant 0 : i32
        %dma_wait3A_71 = tpu.memref_slice %arg4[%dma_wait3A, %dma_wait3A_70] : memref<10240x128xf32, #tpu.memory_space<hbm>> -> memref<64x128xf32, #tpu.memory_space<hbm>>
        %dma_wait3A_72 = arith.constant 0 : i32
        %dma_wait3A_73 = arith.constant 0 : i32
        %dma_wait3A_74 = tpu.memref_slice %arg4[%dma_wait3A_72, %dma_wait3A_73] : memref<10240x128xf32, #tpu.memory_space<hbm>> -> memref<64x128xf32, #tpu.memory_space<hbm>>
        tpu.wait_dma2 semaphore(%run_scoped3A : memref<!tpu.dma_semaphore, #tpu.memory_space<semaphore_mem>>) src(%dma_wait3A_74 : memref<64x128xf32, #tpu.memory_space<hbm>>) dst(%arg10 : memref<64x128xf32, #tpu.memory_space<vmem>>)
        tpu.yield
      }) : () -> ()
      "tpu.region"() ({
        %run_scoped3A = tpu.sem_alloc : memref<!tpu.dma_semaphore, #tpu.memory_space<semaphore_mem>>
        %dma_start3A = arith.constant 0 : i32
        %dma_start3A_65 = arith.constant 0 : i32
        %dma_start3A_66 = tpu.memref_slice %arg4[%dma_start3A, %dma_start3A_65] : memref<10240x128xf32, #tpu.memory_space<hbm>> -> memref<64x128xf32, #tpu.memory_space<hbm>>
        %dma_start3A_67 = arith.constant 0 : i32
        %dma_start3A_68 = arith.constant 0 : i32
        %dma_start3A_69 = tpu.memref_slice %arg4[%dma_start3A_67, %dma_start3A_68] : memref<10240x128xf32, #tpu.memory_space<hbm>> -> memref<64x128xf32, #tpu.memory_space<hbm>>
        tpu.enqueue_dma source(%dma_start3A_69 : memref<64x128xf32, #tpu.memory_space<hbm>>) target(%arg11 : memref<64x128xf32, #tpu.memory_space<vmem>>) target_semaphore(%run_scoped3A : memref<!tpu.dma_semaphore, #tpu.memory_space<semaphore_mem>>)
        %dma_wait3A = arith.constant 0 : i32
        %dma_wait3A_70 = arith.constant 0 : i32
        %dma_wait3A_71 = tpu.memref_slice %arg4[%dma_wait3A, %dma_wait3A_70] : memref<10240x128xf32, #tpu.memory_space<hbm>> -> memref<64x128xf32, #tpu.memory_space<hbm>>
        %dma_wait3A_72 = arith.constant 0 : i32
        %dma_wait3A_73 = arith.constant 0 : i32
        %dma_wait3A_74 = tpu.memref_slice %arg4[%dma_wait3A_72, %dma_wait3A_73] : memref<10240x128xf32, #tpu.memory_space<hbm>> -> memref<64x128xf32, #tpu.memory_space<hbm>>
        tpu.wait_dma2 semaphore(%run_scoped3A : memref<!tpu.dma_semaphore, #tpu.memory_space<semaphore_mem>>) src(%dma_wait3A_74 : memref<64x128xf32, #tpu.memory_space<hbm>>) dst(%arg11 : memref<64x128xf32, #tpu.memory_space<vmem>>)
        tpu.yield
      }) : () -> ()
      "tpu.region"() ({
        %run_scoped3A = tpu.sem_alloc : memref<!tpu.dma_semaphore, #tpu.memory_space<semaphore_mem>>
        %dma_start3A = arith.constant 0 : i32
        %dma_start3A_65 = arith.constant 0 : i32
        %dma_start3A_66 = tpu.memref_slice %arg4[%dma_start3A, %dma_start3A_65] : memref<10240x128xf32, #tpu.memory_space<hbm>> -> memref<64x128xf32, #tpu.memory_space<hbm>>
        %dma_start3A_67 = arith.constant 0 : i32
        %dma_start3A_68 = arith.constant 0 : i32
        %dma_start3A_69 = tpu.memref_slice %arg4[%dma_start3A_67, %dma_start3A_68] : memref<10240x128xf32, #tpu.memory_space<hbm>> -> memref<64x128xf32, #tpu.memory_space<hbm>>
        tpu.enqueue_dma source(%dma_start3A_69 : memref<64x128xf32, #tpu.memory_space<hbm>>) target(%arg12 : memref<64x128xf32, #tpu.memory_space<vmem>>) target_semaphore(%run_scoped3A : memref<!tpu.dma_semaphore, #tpu.memory_space<semaphore_mem>>)
        %dma_wait3A = arith.constant 0 : i32
        %dma_wait3A_70 = arith.constant 0 : i32
        %dma_wait3A_71 = tpu.memref_slice %arg4[%dma_wait3A, %dma_wait3A_70] : memref<10240x128xf32, #tpu.memory_space<hbm>> -> memref<64x128xf32, #tpu.memory_space<hbm>>
        %dma_wait3A_72 = arith.constant 0 : i32
        %dma_wait3A_73 = arith.constant 0 : i32
        %dma_wait3A_74 = tpu.memref_slice %arg4[%dma_wait3A_72, %dma_wait3A_73] : memref<10240x128xf32, #tpu.memory_space<hbm>> -> memref<64x128xf32, #tpu.memory_space<hbm>>
        tpu.wait_dma2 semaphore(%run_scoped3A : memref<!tpu.dma_semaphore, #tpu.memory_space<semaphore_mem>>) src(%dma_wait3A_74 : memref<64x128xf32, #tpu.memory_space<hbm>>) dst(%arg12 : memref<64x128xf32, #tpu.memory_space<vmem>>)
        tpu.yield
      }) : () -> ()
    } else {
    }
    %barrier3A = arith.constant 0 : index
    tpu.barrier barrier_id(%barrier3A)
    %mul3A_10 = arith.constant 3 : i32
    %mul3A_11 = arith.muli %add3A, %mul3A_10 : i32
    %add3A_12 = arith.constant 0 : i32
    %add3A_13 = arith.addi %mul3A_11, %add3A_12 : i32
    "tpu.region"() ({
      %run_scoped3A = tpu.sem_alloc : memref<!tpu.dma_semaphore, #tpu.memory_space<semaphore_mem>>
      %dma_start3A = arith.constant 0 : i32
      %dma_start3A_65 = arith.constant 0 : i32
      %dma_start3A_66 = tpu.memref_slice %arg2[%add3A_13, %dma_start3A, %dma_start3A_65] : memref<96x54x64xi32, #tpu.memory_space<hbm>> -> memref<1x54x64xi32, #tpu.memory_space<hbm>>
      %dma_start3A_67 = tpu.memref_squeeze %dma_start3A_66 : memref<1x54x64xi32, #tpu.memory_space<hbm>> -> memref<54x64xi32, #tpu.memory_space<hbm>>
      %dma_start3A_68 = arith.constant 0 : i32
      %dma_start3A_69 = arith.constant 0 : i32
      %dma_start3A_70 = tpu.memref_slice %arg2[%add3A_13, %dma_start3A_68, %dma_start3A_69] : memref<96x54x64xi32, #tpu.memory_space<hbm>> -> memref<1x54x64xi32, #tpu.memory_space<hbm>>
      %dma_start3A_71 = tpu.memref_squeeze %dma_start3A_70 : memref<1x54x64xi32, #tpu.memory_space<hbm>> -> memref<54x64xi32, #tpu.memory_space<hbm>>
      tpu.enqueue_dma source(%dma_start3A_71 : memref<54x64xi32, #tpu.memory_space<hbm>>) target(%arg8 : memref<54x64xi32, #tpu.memory_space<vmem>>) target_semaphore(%run_scoped3A : memref<!tpu.dma_semaphore, #tpu.memory_space<semaphore_mem>>)
      %dma_wait3A = arith.constant 0 : i32
      %dma_wait3A_72 = arith.constant 0 : i32
      %dma_wait3A_73 = tpu.memref_slice %arg2[%add3A_13, %dma_wait3A, %dma_wait3A_72] : memref<96x54x64xi32, #tpu.memory_space<hbm>> -> memref<1x54x64xi32, #tpu.memory_space<hbm>>
      %dma_wait3A_74 = tpu.memref_squeeze %dma_wait3A_73 : memref<1x54x64xi32, #tpu.memory_space<hbm>> -> memref<54x64xi32, #tpu.memory_space<hbm>>
      %dma_wait3A_75 = arith.constant 0 : i32
      %dma_wait3A_76 = arith.constant 0 : i32
      %dma_wait3A_77 = tpu.memref_slice %arg2[%add3A_13, %dma_wait3A_75, %dma_wait3A_76] : memref<96x54x64xi32, #tpu.memory_space<hbm>> -> memref<1x54x64xi32, #tpu.memory_space<hbm>>
      %dma_wait3A_78 = tpu.memref_squeeze %dma_wait3A_77 : memref<1x54x64xi32, #tpu.memory_space<hbm>> -> memref<54x64xi32, #tpu.memory_space<hbm>>
      tpu.wait_dma2 semaphore(%run_scoped3A : memref<!tpu.dma_semaphore, #tpu.memory_space<semaphore_mem>>) src(%dma_wait3A_78 : memref<54x64xi32, #tpu.memory_space<hbm>>) dst(%arg8 : memref<54x64xi32, #tpu.memory_space<vmem>>)
      tpu.yield
    }) : () -> ()
    %mul3A_14 = arith.constant 3 : i32
    %mul3A_15 = arith.muli %add3A, %mul3A_14 : i32
    %add3A_16 = arith.constant 0 : i32
    %add3A_17 = arith.addi %mul3A_15, %add3A_16 : i32
    "tpu.region"() ({
      %run_scoped3A = tpu.sem_alloc : memref<!tpu.dma_semaphore, #tpu.memory_space<semaphore_mem>>
      %dma_start3A = arith.constant 0 : i32
      %dma_start3A_65 = arith.constant 0 : i32
      %dma_start3A_66 = tpu.memref_slice %arg3[%add3A_17, %dma_start3A, %dma_start3A_65] : memref<96x54x64xi32, #tpu.memory_space<hbm>> -> memref<1x54x64xi32, #tpu.memory_space<hbm>>
      %dma_start3A_67 = tpu.memref_squeeze %dma_start3A_66 : memref<1x54x64xi32, #tpu.memory_space<hbm>> -> memref<54x64xi32, #tpu.memory_space<hbm>>
      %dma_start3A_68 = arith.constant 0 : i32
      %dma_start3A_69 = arith.constant 0 : i32
      %dma_start3A_70 = tpu.memref_slice %arg3[%add3A_17, %dma_start3A_68, %dma_start3A_69] : memref<96x54x64xi32, #tpu.memory_space<hbm>> -> memref<1x54x64xi32, #tpu.memory_space<hbm>>
      %dma_start3A_71 = tpu.memref_squeeze %dma_start3A_70 : memref<1x54x64xi32, #tpu.memory_space<hbm>> -> memref<54x64xi32, #tpu.memory_space<hbm>>
      tpu.enqueue_dma source(%dma_start3A_71 : memref<54x64xi32, #tpu.memory_space<hbm>>) target(%arg9 : memref<54x64xi32, #tpu.memory_space<vmem>>) target_semaphore(%run_scoped3A : memref<!tpu.dma_semaphore, #tpu.memory_space<semaphore_mem>>)
      %dma_wait3A = arith.constant 0 : i32
      %dma_wait3A_72 = arith.constant 0 : i32
      %dma_wait3A_73 = tpu.memref_slice %arg3[%add3A_17, %dma_wait3A, %dma_wait3A_72] : memref<96x54x64xi32, #tpu.memory_space<hbm>> -> memref<1x54x64xi32, #tpu.memory_space<hbm>>
      %dma_wait3A_74 = tpu.memref_squeeze %dma_wait3A_73 : memref<1x54x64xi32, #tpu.memory_space<hbm>> -> memref<54x64xi32, #tpu.memory_space<hbm>>
      %dma_wait3A_75 = arith.constant 0 : i32
      %dma_wait3A_76 = arith.constant 0 : i32
      %dma_wait3A_77 = tpu.memref_slice %arg3[%add3A_17, %dma_wait3A_75, %dma_wait3A_76] : memref<96x54x64xi32, #tpu.memory_space<hbm>> -> memref<1x54x64xi32, #tpu.memory_space<hbm>>
      %dma_wait3A_78 = tpu.memref_squeeze %dma_wait3A_77 : memref<1x54x64xi32, #tpu.memory_space<hbm>> -> memref<54x64xi32, #tpu.memory_space<hbm>>
      tpu.wait_dma2 semaphore(%run_scoped3A : memref<!tpu.dma_semaphore, #tpu.memory_space<semaphore_mem>>) src(%dma_wait3A_78 : memref<54x64xi32, #tpu.memory_space<hbm>>) dst(%arg9 : memref<54x64xi32, #tpu.memory_space<vmem>>)
      tpu.yield
    }) : () -> ()
    %convert_element_type3A_18 = arith.extui %gt3A_7 : i1 to i32
    %cond3A_19 = arith.constant 0 : i32
    %cond3A_20 = arith.cmpi ne, %convert_element_type3A_18, %cond3A_19 : i32
    scf.if %cond3A_20 {
      %dma_start3A = arith.constant 0 : i32
      %dma_start3A_65 = arith.constant 0 : i32
      %dma_start3A_66 = tpu.memref_slice %arg8[%dma_start3A, %dma_start3A_65] : memref<54x64xi32, #tpu.memory_space<vmem>> -> memref<1x64xi32, #tpu.memory_space<vmem>>
      %dma_start3A_67 = tpu.memref_squeeze %dma_start3A_66 : memref<1x64xi32, #tpu.memory_space<vmem>> -> memref<64xi32, #tpu.memory_space<vmem>>
      %dma_start3A_68 = arith.constant 0 : i32
      %dma_start3A_69 = arith.constant 0 : i32
      %dma_start3A_70 = tpu.memref_slice %arg4[%dma_start3A_68, %dma_start3A_69] : memref<10240x128xf32, #tpu.memory_space<hbm>> -> memref<10240x128xf32, #tpu.memory_space<hbm>>
      tpu.enqueue_indirect_dma source(%dma_start3A_70 : memref<10240x128xf32, #tpu.memory_space<hbm>>) target(%arg10 : memref<64x128xf32, #tpu.memory_space<vmem>>) offsets(%dma_start3A_67 : memref<64xi32, #tpu.memory_space<vmem>>) semaphore(%arg15 : memref<!tpu.dma_semaphore, #tpu.memory_space<semaphore_mem>>)
      %dma_start3A_71 = arith.constant 1 : i32
      %dma_start3A_72 = arith.constant 0 : i32
      %dma_start3A_73 = tpu.memref_slice %arg8[%dma_start3A_71, %dma_start3A_72] : memref<54x64xi32, #tpu.memory_space<vmem>> -> memref<1x64xi32, #tpu.memory_space<vmem>>
      %dma_start3A_74 = tpu.memref_squeeze %dma_start3A_73 : memref<1x64xi32, #tpu.memory_space<vmem>> -> memref<64xi32, #tpu.memory_space<vmem>>
      %dma_start3A_75 = arith.constant 0 : i32
      %dma_start3A_76 = arith.constant 0 : i32
      %dma_start3A_77 = tpu.memref_slice %arg4[%dma_start3A_75, %dma_start3A_76] : memref<10240x128xf32, #tpu.memory_space<hbm>> -> memref<10240x128xf32, #tpu.memory_space<hbm>>
      tpu.enqueue_indirect_dma source(%dma_start3A_77 : memref<10240x128xf32, #tpu.memory_space<hbm>>) target(%arg11 : memref<64x128xf32, #tpu.memory_space<vmem>>) offsets(%dma_start3A_74 : memref<64xi32, #tpu.memory_space<vmem>>) semaphore(%arg16 : memref<!tpu.dma_semaphore, #tpu.memory_space<semaphore_mem>>)
      %dma_start3A_78 = arith.constant 2 : i32
      %dma_start3A_79 = arith.constant 0 : i32
      %dma_start3A_80 = tpu.memref_slice %arg8[%dma_start3A_78, %dma_start3A_79] : memref<54x64xi32, #tpu.memory_space<vmem>> -> memref<1x64xi32, #tpu.memory_space<vmem>>
      %dma_start3A_81 = tpu.memref_squeeze %dma_start3A_80 : memref<1x64xi32, #tpu.memory_space<vmem>> -> memref<64xi32, #tpu.memory_space<vmem>>
      %dma_start3A_82 = arith.constant 0 : i32
      %dma_start3A_83 = arith.constant 0 : i32
      %dma_start3A_84 = tpu.memref_slice %arg4[%dma_start3A_82, %dma_start3A_83] : memref<10240x128xf32, #tpu.memory_space<hbm>> -> memref<10240x128xf32, #tpu.memory_space<hbm>>
      tpu.enqueue_indirect_dma source(%dma_start3A_84 : memref<10240x128xf32, #tpu.memory_space<hbm>>) target(%arg12 : memref<64x128xf32, #tpu.memory_space<vmem>>) offsets(%dma_start3A_81 : memref<64xi32, #tpu.memory_space<vmem>>) semaphore(%arg17 : memref<!tpu.dma_semaphore, #tpu.memory_space<semaphore_mem>>)
    } else {
    }
    %scan3A = arith.constant 0 : i32
    %scan3A_21 = arith.constant 0 : i32
    %scan3A_22 = arith.constant 18 : i32
    %scan3A_23 = arith.addi %scan3A_21, %scan3A_22 : i32
    %scan3A_24 = arith.constant 1 : i32
    scf.for %scan3A_65 = %scan3A_21 to %scan3A_23 step %scan3A_24  : i32 {
      %mul3A_66 = arith.constant 3 : i32
      %mul3A_67 = arith.muli %mul3A_66, %scan3A_65 : i32
      %add3A_68 = arith.constant 1 : i32
      %add3A_69 = arith.addi %mul3A_67, %add3A_68 : i32
      %add3A_70 = arith.constant 2 : i32
      %add3A_71 = arith.addi %mul3A_67, %add3A_70 : i32
      %convert_element_type3A_72 = arith.extui %gt3A_7 : i1 to i32
      %cond3A_73 = arith.constant 0 : i32
      %cond3A_74 = arith.cmpi ne, %convert_element_type3A_72, %cond3A_73 : i32
      scf.if %cond3A_74 {
        %dma_wait3A_137 = arith.constant 0 : i32
        %dma_wait3A_138 = tpu.memref_slice %arg8[%mul3A_67, %dma_wait3A_137] : memref<54x64xi32, #tpu.memory_space<vmem>> -> memref<1x64xi32, #tpu.memory_space<vmem>>
        %dma_wait3A_139 = tpu.memref_squeeze %dma_wait3A_138 : memref<1x64xi32, #tpu.memory_space<vmem>> -> memref<64xi32, #tpu.memory_space<vmem>>
        %dma_wait3A_140 = arith.constant 0 : i32
        %dma_wait3A_141 = arith.constant 0 : i32
        %dma_wait3A_142 = tpu.memref_slice %arg4[%dma_wait3A_140, %dma_wait3A_141] : memref<10240x128xf32, #tpu.memory_space<hbm>> -> memref<10240x128xf32, #tpu.memory_space<hbm>>
        tpu.wait_indirect_dma semaphore(%arg15 : memref<!tpu.dma_semaphore, #tpu.memory_space<semaphore_mem>>) src(%dma_wait3A_142 : memref<10240x128xf32, #tpu.memory_space<hbm>>) dst(%arg10 : memref<64x128xf32, #tpu.memory_space<vmem>>)
      } else {
      }
      %dma_start3A = arith.constant 0 : i32
      %dma_start3A_75 = tpu.memref_slice %arg9[%mul3A_67, %dma_start3A] : memref<54x64xi32, #tpu.memory_space<vmem>> -> memref<1x64xi32, #tpu.memory_space<vmem>>
      %dma_start3A_76 = tpu.memref_squeeze %dma_start3A_75 : memref<1x64xi32, #tpu.memory_space<vmem>> -> memref<64xi32, #tpu.memory_space<vmem>>
      %dma_start3A_77 = arith.constant 0 : i32
      %dma_start3A_78 = arith.constant 0 : i32
      %dma_start3A_79 = tpu.memref_slice %arg14[%dma_start3A_77, %dma_start3A_78] : memref<10240x128xf32, #tpu.memory_space<vmem_shared>> -> memref<10240x128xf32, #tpu.memory_space<vmem_shared>>
      tpu.enqueue_indirect_dma source(%arg10 : memref<64x128xf32, #tpu.memory_space<vmem>>) target(%dma_start3A_79 : memref<10240x128xf32, #tpu.memory_space<vmem_shared>>) offsets(%dma_start3A_76 : memref<64xi32, #tpu.memory_space<vmem>>) semaphore(%arg18 : memref<!tpu.dma_semaphore, #tpu.memory_space<semaphore_mem>>) {add = true}
      %dma_wait3A = arith.constant 0 : i32
      %dma_wait3A_80 = tpu.memref_slice %arg9[%mul3A_67, %dma_wait3A] : memref<54x64xi32, #tpu.memory_space<vmem>> -> memref<1x64xi32, #tpu.memory_space<vmem>>
      %dma_wait3A_81 = tpu.memref_squeeze %dma_wait3A_80 : memref<1x64xi32, #tpu.memory_space<vmem>> -> memref<64xi32, #tpu.memory_space<vmem>>
      %dma_wait3A_82 = arith.constant 0 : i32
      %dma_wait3A_83 = arith.constant 0 : i32
      %dma_wait3A_84 = tpu.memref_slice %arg14[%dma_wait3A_82, %dma_wait3A_83] : memref<10240x128xf32, #tpu.memory_space<vmem_shared>> -> memref<10240x128xf32, #tpu.memory_space<vmem_shared>>
      tpu.wait_indirect_dma semaphore(%arg18 : memref<!tpu.dma_semaphore, #tpu.memory_space<semaphore_mem>>) src(%arg10 : memref<64x128xf32, #tpu.memory_space<vmem>>) dst(%dma_wait3A_84 : memref<10240x128xf32, #tpu.memory_space<vmem_shared>>)
      %add3A_85 = arith.constant 3 : i32
      %add3A_86 = arith.addi %mul3A_67, %add3A_85 : i32
      %lt3A = arith.constant 54 : i32
      %lt3A_87 = arith.cmpi slt, %add3A_86, %lt3A : i32
      %and3A = arith.andi %gt3A_7, %lt3A_87 : i1
      %convert_element_type3A_88 = arith.extui %and3A : i1 to i32
      %cond3A_89 = arith.constant 0 : i32
      %cond3A_90 = arith.cmpi ne, %convert_element_type3A_88, %cond3A_89 : i32
      scf.if %cond3A_90 {
        %add3A_137 = arith.constant 3 : i32
        %add3A_138 = arith.addi %mul3A_67, %add3A_137 : i32
        %dma_start3A_139 = arith.constant 0 : i32
        %dma_start3A_140 = tpu.memref_slice %arg8[%add3A_138, %dma_start3A_139] : memref<54x64xi32, #tpu.memory_space<vmem>> -> memref<1x64xi32, #tpu.memory_space<vmem>>
        %dma_start3A_141 = tpu.memref_squeeze %dma_start3A_140 : memref<1x64xi32, #tpu.memory_space<vmem>> -> memref<64xi32, #tpu.memory_space<vmem>>
        %dma_start3A_142 = arith.constant 0 : i32
        %dma_start3A_143 = arith.constant 0 : i32
        %dma_start3A_144 = tpu.memref_slice %arg4[%dma_start3A_142, %dma_start3A_143] : memref<10240x128xf32, #tpu.memory_space<hbm>> -> memref<10240x128xf32, #tpu.memory_space<hbm>>
        tpu.enqueue_indirect_dma source(%dma_start3A_144 : memref<10240x128xf32, #tpu.memory_space<hbm>>) target(%arg10 : memref<64x128xf32, #tpu.memory_space<vmem>>) offsets(%dma_start3A_141 : memref<64xi32, #tpu.memory_space<vmem>>) semaphore(%arg15 : memref<!tpu.dma_semaphore, #tpu.memory_space<semaphore_mem>>)
      } else {
      }
      %convert_element_type3A_91 = arith.extui %gt3A_7 : i1 to i32
      %cond3A_92 = arith.constant 0 : i32
      %cond3A_93 = arith.cmpi ne, %convert_element_type3A_91, %cond3A_92 : i32
      scf.if %cond3A_93 {
        %dma_wait3A_137 = arith.constant 0 : i32
        %dma_wait3A_138 = tpu.memref_slice %arg8[%add3A_69, %dma_wait3A_137] : memref<54x64xi32, #tpu.memory_space<vmem>> -> memref<1x64xi32, #tpu.memory_space<vmem>>
        %dma_wait3A_139 = tpu.memref_squeeze %dma_wait3A_138 : memref<1x64xi32, #tpu.memory_space<vmem>> -> memref<64xi32, #tpu.memory_space<vmem>>
        %dma_wait3A_140 = arith.constant 0 : i32
        %dma_wait3A_141 = arith.constant 0 : i32
        %dma_wait3A_142 = tpu.memref_slice %arg4[%dma_wait3A_140, %dma_wait3A_141] : memref<10240x128xf32, #tpu.memory_space<hbm>> -> memref<10240x128xf32, #tpu.memory_space<hbm>>
        tpu.wait_indirect_dma semaphore(%arg16 : memref<!tpu.dma_semaphore, #tpu.memory_space<semaphore_mem>>) src(%dma_wait3A_142 : memref<10240x128xf32, #tpu.memory_space<hbm>>) dst(%arg11 : memref<64x128xf32, #tpu.memory_space<vmem>>)
      } else {
      }
      %dma_start3A_94 = arith.constant 0 : i32
      %dma_start3A_95 = tpu.memref_slice %arg9[%add3A_69, %dma_start3A_94] : memref<54x64xi32, #tpu.memory_space<vmem>> -> memref<1x64xi32, #tpu.memory_space<vmem>>
      %dma_start3A_96 = tpu.memref_squeeze %dma_start3A_95 : memref<1x64xi32, #tpu.memory_space<vmem>> -> memref<64xi32, #tpu.memory_space<vmem>>
      %dma_start3A_97 = arith.constant 0 : i32
      %dma_start3A_98 = arith.constant 0 : i32
      %dma_start3A_99 = tpu.memref_slice %arg14[%dma_start3A_97, %dma_start3A_98] : memref<10240x128xf32, #tpu.memory_space<vmem_shared>> -> memref<10240x128xf32, #tpu.memory_space<vmem_shared>>
      tpu.enqueue_indirect_dma source(%arg11 : memref<64x128xf32, #tpu.memory_space<vmem>>) target(%dma_start3A_99 : memref<10240x128xf32, #tpu.memory_space<vmem_shared>>) offsets(%dma_start3A_96 : memref<64xi32, #tpu.memory_space<vmem>>) semaphore(%arg19 : memref<!tpu.dma_semaphore, #tpu.memory_space<semaphore_mem>>) {add = true}
      %dma_wait3A_100 = arith.constant 0 : i32
      %dma_wait3A_101 = tpu.memref_slice %arg9[%add3A_69, %dma_wait3A_100] : memref<54x64xi32, #tpu.memory_space<vmem>> -> memref<1x64xi32, #tpu.memory_space<vmem>>
      %dma_wait3A_102 = tpu.memref_squeeze %dma_wait3A_101 : memref<1x64xi32, #tpu.memory_space<vmem>> -> memref<64xi32, #tpu.memory_space<vmem>>
      %dma_wait3A_103 = arith.constant 0 : i32
      %dma_wait3A_104 = arith.constant 0 : i32
      %dma_wait3A_105 = tpu.memref_slice %arg14[%dma_wait3A_103, %dma_wait3A_104] : memref<10240x128xf32, #tpu.memory_space<vmem_shared>> -> memref<10240x128xf32, #tpu.memory_space<vmem_shared>>
      tpu.wait_indirect_dma semaphore(%arg19 : memref<!tpu.dma_semaphore, #tpu.memory_space<semaphore_mem>>) src(%arg11 : memref<64x128xf32, #tpu.memory_space<vmem>>) dst(%dma_wait3A_105 : memref<10240x128xf32, #tpu.memory_space<vmem_shared>>)
      %add3A_106 = arith.constant 3 : i32
      %add3A_107 = arith.addi %add3A_69, %add3A_106 : i32
      %lt3A_108 = arith.constant 54 : i32
      %lt3A_109 = arith.cmpi slt, %add3A_107, %lt3A_108 : i32
      %and3A_110 = arith.andi %gt3A_7, %lt3A_109 : i1
      %convert_element_type3A_111 = arith.extui %and3A_110 : i1 to i32
      %cond3A_112 = arith.constant 0 : i32
      %cond3A_113 = arith.cmpi ne, %convert_element_type3A_111, %cond3A_112 : i32
      scf.if %cond3A_113 {
        %add3A_137 = arith.constant 3 : i32
        %add3A_138 = arith.addi %add3A_69, %add3A_137 : i32
        %dma_start3A_139 = arith.constant 0 : i32
        %dma_start3A_140 = tpu.memref_slice %arg8[%add3A_138, %dma_start3A_139] : memref<54x64xi32, #tpu.memory_space<vmem>> -> memref<1x64xi32, #tpu.memory_space<vmem>>
        %dma_start3A_141 = tpu.memref_squeeze %dma_start3A_140 : memref<1x64xi32, #tpu.memory_space<vmem>> -> memref<64xi32, #tpu.memory_space<vmem>>
        %dma_start3A_142 = arith.constant 0 : i32
        %dma_start3A_143 = arith.constant 0 : i32
        %dma_start3A_144 = tpu.memref_slice %arg4[%dma_start3A_142, %dma_start3A_143] : memref<10240x128xf32, #tpu.memory_space<hbm>> -> memref<10240x128xf32, #tpu.memory_space<hbm>>
        tpu.enqueue_indirect_dma source(%dma_start3A_144 : memref<10240x128xf32, #tpu.memory_space<hbm>>) target(%arg11 : memref<64x128xf32, #tpu.memory_space<vmem>>) offsets(%dma_start3A_141 : memref<64xi32, #tpu.memory_space<vmem>>) semaphore(%arg16 : memref<!tpu.dma_semaphore, #tpu.memory_space<semaphore_mem>>)
      } else {
      }
      %convert_element_type3A_114 = arith.extui %gt3A_7 : i1 to i32
      %cond3A_115 = arith.constant 0 : i32
      %cond3A_116 = arith.cmpi ne, %convert_element_type3A_114, %cond3A_115 : i32
      scf.if %cond3A_116 {
        %dma_wait3A_137 = arith.constant 0 : i32
        %dma_wait3A_138 = tpu.memref_slice %arg8[%add3A_71, %dma_wait3A_137] : memref<54x64xi32, #tpu.memory_space<vmem>> -> memref<1x64xi32, #tpu.memory_space<vmem>>
        %dma_wait3A_139 = tpu.memref_squeeze %dma_wait3A_138 : memref<1x64xi32, #tpu.memory_space<vmem>> -> memref<64xi32, #tpu.memory_space<vmem>>
        %dma_wait3A_140 = arith.constant 0 : i32
        %dma_wait3A_141 = arith.constant 0 : i32
        %dma_wait3A_142 = tpu.memref_slice %arg4[%dma_wait3A_140, %dma_wait3A_141] : memref<10240x128xf32, #tpu.memory_space<hbm>> -> memref<10240x128xf32, #tpu.memory_space<hbm>>
        tpu.wait_indirect_dma semaphore(%arg17 : memref<!tpu.dma_semaphore, #tpu.memory_space<semaphore_mem>>) src(%dma_wait3A_142 : memref<10240x128xf32, #tpu.memory_space<hbm>>) dst(%arg12 : memref<64x128xf32, #tpu.memory_space<vmem>>)
      } else {
      }
      %dma_start3A_117 = arith.constant 0 : i32
      %dma_start3A_118 = tpu.memref_slice %arg9[%add3A_71, %dma_start3A_117] : memref<54x64xi32, #tpu.memory_space<vmem>> -> memref<1x64xi32, #tpu.memory_space<vmem>>
      %dma_start3A_119 = tpu.memref_squeeze %dma_start3A_118 : memref<1x64xi32, #tpu.memory_space<vmem>> -> memref<64xi32, #tpu.memory_space<vmem>>
      %dma_start3A_120 = arith.constant 0 : i32
      %dma_start3A_121 = arith.constant 0 : i32
      %dma_start3A_122 = tpu.memref_slice %arg14[%dma_start3A_120, %dma_start3A_121] : memref<10240x128xf32, #tpu.memory_space<vmem_shared>> -> memref<10240x128xf32, #tpu.memory_space<vmem_shared>>
      tpu.enqueue_indirect_dma source(%arg12 : memref<64x128xf32, #tpu.memory_space<vmem>>) target(%dma_start3A_122 : memref<10240x128xf32, #tpu.memory_space<vmem_shared>>) offsets(%dma_start3A_119 : memref<64xi32, #tpu.memory_space<vmem>>) semaphore(%arg20 : memref<!tpu.dma_semaphore, #tpu.memory_space<semaphore_mem>>) {add = true}
      %dma_wait3A_123 = arith.constant 0 : i32
      %dma_wait3A_124 = tpu.memref_slice %arg9[%add3A_71, %dma_wait3A_123] : memref<54x64xi32, #tpu.memory_space<vmem>> -> memref<1x64xi32, #tpu.memory_space<vmem>>
      %dma_wait3A_125 = tpu.memref_squeeze %dma_wait3A_124 : memref<1x64xi32, #tpu.memory_space<vmem>> -> memref<64xi32, #tpu.memory_space<vmem>>
      %dma_wait3A_126 = arith.constant 0 : i32
      %dma_wait3A_127 = arith.constant 0 : i32
      %dma_wait3A_128 = tpu.memref_slice %arg14[%dma_wait3A_126, %dma_wait3A_127] : memref<10240x128xf32, #tpu.memory_space<vmem_shared>> -> memref<10240x128xf32, #tpu.memory_space<vmem_shared>>
      tpu.wait_indirect_dma semaphore(%arg20 : memref<!tpu.dma_semaphore, #tpu.memory_space<semaphore_mem>>) src(%arg12 : memref<64x128xf32, #tpu.memory_space<vmem>>) dst(%dma_wait3A_128 : memref<10240x128xf32, #tpu.memory_space<vmem_shared>>)
      %add3A_129 = arith.constant 3 : i32
      %add3A_130 = arith.addi %add3A_71, %add3A_129 : i32
      %lt3A_131 = arith.constant 54 : i32
      %lt3A_132 = arith.cmpi slt, %add3A_130, %lt3A_131 : i32
      %and3A_133 = arith.andi %gt3A_7, %lt3A_132 : i1
      %convert_element_type3A_134 = arith.extui %and3A_133 : i1 to i32
      %cond3A_135 = arith.constant 0 : i32
      %cond3A_136 = arith.cmpi ne, %convert_element_type3A_134, %cond3A_135 : i32
      scf.if %cond3A_136 {
        %add3A_137 = arith.constant 3 : i32
        %add3A_138 = arith.addi %add3A_71, %add3A_137 : i32
        %dma_start3A_139 = arith.constant 0 : i32
        %dma_start3A_140 = tpu.memref_slice %arg8[%add3A_138, %dma_start3A_139] : memref<54x64xi32, #tpu.memory_space<vmem>> -> memref<1x64xi32, #tpu.memory_space<vmem>>
        %dma_start3A_141 = tpu.memref_squeeze %dma_start3A_140 : memref<1x64xi32, #tpu.memory_space<vmem>> -> memref<64xi32, #tpu.memory_space<vmem>>
        %dma_start3A_142 = arith.constant 0 : i32
        %dma_start3A_143 = arith.constant 0 : i32
        %dma_start3A_144 = tpu.memref_slice %arg4[%dma_start3A_142, %dma_start3A_143] : memref<10240x128xf32, #tpu.memory_space<hbm>> -> memref<10240x128xf32, #tpu.memory_space<hbm>>
        tpu.enqueue_indirect_dma source(%dma_start3A_144 : memref<10240x128xf32, #tpu.memory_space<hbm>>) target(%arg12 : memref<64x128xf32, #tpu.memory_space<vmem>>) offsets(%dma_start3A_141 : memref<64xi32, #tpu.memory_space<vmem>>) semaphore(%arg17 : memref<!tpu.dma_semaphore, #tpu.memory_space<semaphore_mem>>)
      } else {
      }
    }
    %scan3A_25 = arith.constant 18 : i32
    %mul3A_26 = arith.constant 3 : i32
    %mul3A_27 = arith.muli %add3A, %mul3A_26 : i32
    %add3A_28 = arith.constant 1 : i32
    %add3A_29 = arith.addi %mul3A_27, %add3A_28 : i32
    "tpu.region"() ({
      %run_scoped3A = tpu.sem_alloc : memref<!tpu.dma_semaphore, #tpu.memory_space<semaphore_mem>>
      %dma_start3A = arith.constant 0 : i32
      %dma_start3A_65 = arith.constant 0 : i32
      %dma_start3A_66 = tpu.memref_slice %arg2[%add3A_29, %dma_start3A, %dma_start3A_65] : memref<96x54x64xi32, #tpu.memory_space<hbm>> -> memref<1x54x64xi32, #tpu.memory_space<hbm>>
      %dma_start3A_67 = tpu.memref_squeeze %dma_start3A_66 : memref<1x54x64xi32, #tpu.memory_space<hbm>> -> memref<54x64xi32, #tpu.memory_space<hbm>>
      %dma_start3A_68 = arith.constant 0 : i32
      %dma_start3A_69 = arith.constant 0 : i32
      %dma_start3A_70 = tpu.memref_slice %arg2[%add3A_29, %dma_start3A_68, %dma_start3A_69] : memref<96x54x64xi32, #tpu.memory_space<hbm>> -> memref<1x54x64xi32, #tpu.memory_space<hbm>>
      %dma_start3A_71 = tpu.memref_squeeze %dma_start3A_70 : memref<1x54x64xi32, #tpu.memory_space<hbm>> -> memref<54x64xi32, #tpu.memory_space<hbm>>
      tpu.enqueue_dma source(%dma_start3A_71 : memref<54x64xi32, #tpu.memory_space<hbm>>) target(%arg8 : memref<54x64xi32, #tpu.memory_space<vmem>>) target_semaphore(%run_scoped3A : memref<!tpu.dma_semaphore, #tpu.memory_space<semaphore_mem>>)
      %dma_wait3A = arith.constant 0 : i32
      %dma_wait3A_72 = arith.constant 0 : i32
      %dma_wait3A_73 = tpu.memref_slice %arg2[%add3A_29, %dma_wait3A, %dma_wait3A_72] : memref<96x54x64xi32, #tpu.memory_space<hbm>> -> memref<1x54x64xi32, #tpu.memory_space<hbm>>
      %dma_wait3A_74 = tpu.memref_squeeze %dma_wait3A_73 : memref<1x54x64xi32, #tpu.memory_space<hbm>> -> memref<54x64xi32, #tpu.memory_space<hbm>>
      %dma_wait3A_75 = arith.constant 0 : i32
      %dma_wait3A_76 = arith.constant 0 : i32
      %dma_wait3A_77 = tpu.memref_slice %arg2[%add3A_29, %dma_wait3A_75, %dma_wait3A_76] : memref<96x54x64xi32, #tpu.memory_space<hbm>> -> memref<1x54x64xi32, #tpu.memory_space<hbm>>
      %dma_wait3A_78 = tpu.memref_squeeze %dma_wait3A_77 : memref<1x54x64xi32, #tpu.memory_space<hbm>> -> memref<54x64xi32, #tpu.memory_space<hbm>>
      tpu.wait_dma2 semaphore(%run_scoped3A : memref<!tpu.dma_semaphore, #tpu.memory_space<semaphore_mem>>) src(%dma_wait3A_78 : memref<54x64xi32, #tpu.memory_space<hbm>>) dst(%arg8 : memref<54x64xi32, #tpu.memory_space<vmem>>)
      tpu.yield
    }) : () -> ()
    %mul3A_30 = arith.constant 3 : i32
    %mul3A_31 = arith.muli %add3A, %mul3A_30 : i32
    %add3A_32 = arith.constant 1 : i32
    %add3A_33 = arith.addi %mul3A_31, %add3A_32 : i32
    "tpu.region"() ({
      %run_scoped3A = tpu.sem_alloc : memref<!tpu.dma_semaphore, #tpu.memory_space<semaphore_mem>>
      %dma_start3A = arith.constant 0 : i32
      %dma_start3A_65 = arith.constant 0 : i32
      %dma_start3A_66 = tpu.memref_slice %arg3[%add3A_33, %dma_start3A, %dma_start3A_65] : memref<96x54x64xi32, #tpu.memory_space<hbm>> -> memref<1x54x64xi32, #tpu.memory_space<hbm>>
      %dma_start3A_67 = tpu.memref_squeeze %dma_start3A_66 : memref<1x54x64xi32, #tpu.memory_space<hbm>> -> memref<54x64xi32, #tpu.memory_space<hbm>>
      %dma_start3A_68 = arith.constant 0 : i32
      %dma_start3A_69 = arith.constant 0 : i32
      %dma_start3A_70 = tpu.memref_slice %arg3[%add3A_33, %dma_start3A_68, %dma_start3A_69] : memref<96x54x64xi32, #tpu.memory_space<hbm>> -> memref<1x54x64xi32, #tpu.memory_space<hbm>>
      %dma_start3A_71 = tpu.memref_squeeze %dma_start3A_70 : memref<1x54x64xi32, #tpu.memory_space<hbm>> -> memref<54x64xi32, #tpu.memory_space<hbm>>
      tpu.enqueue_dma source(%dma_start3A_71 : memref<54x64xi32, #tpu.memory_space<hbm>>) target(%arg9 : memref<54x64xi32, #tpu.memory_space<vmem>>) target_semaphore(%run_scoped3A : memref<!tpu.dma_semaphore, #tpu.memory_space<semaphore_mem>>)
      %dma_wait3A = arith.constant 0 : i32
      %dma_wait3A_72 = arith.constant 0 : i32
      %dma_wait3A_73 = tpu.memref_slice %arg3[%add3A_33, %dma_wait3A, %dma_wait3A_72] : memref<96x54x64xi32, #tpu.memory_space<hbm>> -> memref<1x54x64xi32, #tpu.memory_space<hbm>>
      %dma_wait3A_74 = tpu.memref_squeeze %dma_wait3A_73 : memref<1x54x64xi32, #tpu.memory_space<hbm>> -> memref<54x64xi32, #tpu.memory_space<hbm>>
      %dma_wait3A_75 = arith.constant 0 : i32
      %dma_wait3A_76 = arith.constant 0 : i32
      %dma_wait3A_77 = tpu.memref_slice %arg3[%add3A_33, %dma_wait3A_75, %dma_wait3A_76] : memref<96x54x64xi32, #tpu.memory_space<hbm>> -> memref<1x54x64xi32, #tpu.memory_space<hbm>>
      %dma_wait3A_78 = tpu.memref_squeeze %dma_wait3A_77 : memref<1x54x64xi32, #tpu.memory_space<hbm>> -> memref<54x64xi32, #tpu.memory_space<hbm>>
      tpu.wait_dma2 semaphore(%run_scoped3A : memref<!tpu.dma_semaphore, #tpu.memory_space<semaphore_mem>>) src(%dma_wait3A_78 : memref<54x64xi32, #tpu.memory_space<hbm>>) dst(%arg9 : memref<54x64xi32, #tpu.memory_space<vmem>>)
      tpu.yield
    }) : () -> ()
    %convert_element_type3A_34 = arith.extui %gt3A_7 : i1 to i32
    %cond3A_35 = arith.constant 0 : i32
    %cond3A_36 = arith.cmpi ne, %convert_element_type3A_34, %cond3A_35 : i32
    scf.if %cond3A_36 {
      %dma_start3A = arith.constant 0 : i32
      %dma_start3A_65 = arith.constant 0 : i32
      %dma_start3A_66 = tpu.memref_slice %arg8[%dma_start3A, %dma_start3A_65] : memref<54x64xi32, #tpu.memory_space<vmem>> -> memref<1x64xi32, #tpu.memory_space<vmem>>
      %dma_start3A_67 = tpu.memref_squeeze %dma_start3A_66 : memref<1x64xi32, #tpu.memory_space<vmem>> -> memref<64xi32, #tpu.memory_space<vmem>>
      %dma_start3A_68 = arith.constant 0 : i32
      %dma_start3A_69 = arith.constant 0 : i32
      %dma_start3A_70 = tpu.memref_slice %arg4[%dma_start3A_68, %dma_start3A_69] : memref<10240x128xf32, #tpu.memory_space<hbm>> -> memref<10240x128xf32, #tpu.memory_space<hbm>>
      tpu.enqueue_indirect_dma source(%dma_start3A_70 : memref<10240x128xf32, #tpu.memory_space<hbm>>) target(%arg10 : memref<64x128xf32, #tpu.memory_space<vmem>>) offsets(%dma_start3A_67 : memref<64xi32, #tpu.memory_space<vmem>>) semaphore(%arg15 : memref<!tpu.dma_semaphore, #tpu.memory_space<semaphore_mem>>)
      %dma_start3A_71 = arith.constant 1 : i32
      %dma_start3A_72 = arith.constant 0 : i32
      %dma_start3A_73 = tpu.memref_slice %arg8[%dma_start3A_71, %dma_start3A_72] : memref<54x64xi32, #tpu.memory_space<vmem>> -> memref<1x64xi32, #tpu.memory_space<vmem>>
      %dma_start3A_74 = tpu.memref_squeeze %dma_start3A_73 : memref<1x64xi32, #tpu.memory_space<vmem>> -> memref<64xi32, #tpu.memory_space<vmem>>
      %dma_start3A_75 = arith.constant 0 : i32
      %dma_start3A_76 = arith.constant 0 : i32
      %dma_start3A_77 = tpu.memref_slice %arg4[%dma_start3A_75, %dma_start3A_76] : memref<10240x128xf32, #tpu.memory_space<hbm>> -> memref<10240x128xf32, #tpu.memory_space<hbm>>
      tpu.enqueue_indirect_dma source(%dma_start3A_77 : memref<10240x128xf32, #tpu.memory_space<hbm>>) target(%arg11 : memref<64x128xf32, #tpu.memory_space<vmem>>) offsets(%dma_start3A_74 : memref<64xi32, #tpu.memory_space<vmem>>) semaphore(%arg16 : memref<!tpu.dma_semaphore, #tpu.memory_space<semaphore_mem>>)
      %dma_start3A_78 = arith.constant 2 : i32
      %dma_start3A_79 = arith.constant 0 : i32
      %dma_start3A_80 = tpu.memref_slice %arg8[%dma_start3A_78, %dma_start3A_79] : memref<54x64xi32, #tpu.memory_space<vmem>> -> memref<1x64xi32, #tpu.memory_space<vmem>>
      %dma_start3A_81 = tpu.memref_squeeze %dma_start3A_80 : memref<1x64xi32, #tpu.memory_space<vmem>> -> memref<64xi32, #tpu.memory_space<vmem>>
      %dma_start3A_82 = arith.constant 0 : i32
      %dma_start3A_83 = arith.constant 0 : i32
      %dma_start3A_84 = tpu.memref_slice %arg4[%dma_start3A_82, %dma_start3A_83] : memref<10240x128xf32, #tpu.memory_space<hbm>> -> memref<10240x128xf32, #tpu.memory_space<hbm>>
      tpu.enqueue_indirect_dma source(%dma_start3A_84 : memref<10240x128xf32, #tpu.memory_space<hbm>>) target(%arg12 : memref<64x128xf32, #tpu.memory_space<vmem>>) offsets(%dma_start3A_81 : memref<64xi32, #tpu.memory_space<vmem>>) semaphore(%arg17 : memref<!tpu.dma_semaphore, #tpu.memory_space<semaphore_mem>>)
    } else {
    }
    %scan3A_37 = arith.constant 0 : i32
    %scan3A_38 = arith.constant 0 : i32
    %scan3A_39 = arith.constant 18 : i32
    %scan3A_40 = arith.addi %scan3A_38, %scan3A_39 : i32
    %scan3A_41 = arith.constant 1 : i32
    scf.for %scan3A_65 = %scan3A_38 to %scan3A_40 step %scan3A_41  : i32 {
      %mul3A_66 = arith.constant 3 : i32
      %mul3A_67 = arith.muli %mul3A_66, %scan3A_65 : i32
      %add3A_68 = arith.constant 1 : i32
      %add3A_69 = arith.addi %mul3A_67, %add3A_68 : i32
      %add3A_70 = arith.constant 2 : i32
      %add3A_71 = arith.addi %mul3A_67, %add3A_70 : i32
      %convert_element_type3A_72 = arith.extui %gt3A_7 : i1 to i32
      %cond3A_73 = arith.constant 0 : i32
      %cond3A_74 = arith.cmpi ne, %convert_element_type3A_72, %cond3A_73 : i32
      scf.if %cond3A_74 {
        %dma_wait3A_137 = arith.constant 0 : i32
        %dma_wait3A_138 = tpu.memref_slice %arg8[%mul3A_67, %dma_wait3A_137] : memref<54x64xi32, #tpu.memory_space<vmem>> -> memref<1x64xi32, #tpu.memory_space<vmem>>
        %dma_wait3A_139 = tpu.memref_squeeze %dma_wait3A_138 : memref<1x64xi32, #tpu.memory_space<vmem>> -> memref<64xi32, #tpu.memory_space<vmem>>
        %dma_wait3A_140 = arith.constant 0 : i32
        %dma_wait3A_141 = arith.constant 0 : i32
        %dma_wait3A_142 = tpu.memref_slice %arg4[%dma_wait3A_140, %dma_wait3A_141] : memref<10240x128xf32, #tpu.memory_space<hbm>> -> memref<10240x128xf32, #tpu.memory_space<hbm>>
        tpu.wait_indirect_dma semaphore(%arg15 : memref<!tpu.dma_semaphore, #tpu.memory_space<semaphore_mem>>) src(%dma_wait3A_142 : memref<10240x128xf32, #tpu.memory_space<hbm>>) dst(%arg10 : memref<64x128xf32, #tpu.memory_space<vmem>>)
      } else {
      }
      %dma_start3A = arith.constant 0 : i32
      %dma_start3A_75 = tpu.memref_slice %arg9[%mul3A_67, %dma_start3A] : memref<54x64xi32, #tpu.memory_space<vmem>> -> memref<1x64xi32, #tpu.memory_space<vmem>>
      %dma_start3A_76 = tpu.memref_squeeze %dma_start3A_75 : memref<1x64xi32, #tpu.memory_space<vmem>> -> memref<64xi32, #tpu.memory_space<vmem>>
      %dma_start3A_77 = arith.constant 0 : i32
      %dma_start3A_78 = arith.constant 0 : i32
      %dma_start3A_79 = tpu.memref_slice %arg14[%dma_start3A_77, %dma_start3A_78] : memref<10240x128xf32, #tpu.memory_space<vmem_shared>> -> memref<10240x128xf32, #tpu.memory_space<vmem_shared>>
      tpu.enqueue_indirect_dma source(%arg10 : memref<64x128xf32, #tpu.memory_space<vmem>>) target(%dma_start3A_79 : memref<10240x128xf32, #tpu.memory_space<vmem_shared>>) offsets(%dma_start3A_76 : memref<64xi32, #tpu.memory_space<vmem>>) semaphore(%arg18 : memref<!tpu.dma_semaphore, #tpu.memory_space<semaphore_mem>>) {add = true}
      %dma_wait3A = arith.constant 0 : i32
      %dma_wait3A_80 = tpu.memref_slice %arg9[%mul3A_67, %dma_wait3A] : memref<54x64xi32, #tpu.memory_space<vmem>> -> memref<1x64xi32, #tpu.memory_space<vmem>>
      %dma_wait3A_81 = tpu.memref_squeeze %dma_wait3A_80 : memref<1x64xi32, #tpu.memory_space<vmem>> -> memref<64xi32, #tpu.memory_space<vmem>>
      %dma_wait3A_82 = arith.constant 0 : i32
      %dma_wait3A_83 = arith.constant 0 : i32
      %dma_wait3A_84 = tpu.memref_slice %arg14[%dma_wait3A_82, %dma_wait3A_83] : memref<10240x128xf32, #tpu.memory_space<vmem_shared>> -> memref<10240x128xf32, #tpu.memory_space<vmem_shared>>
      tpu.wait_indirect_dma semaphore(%arg18 : memref<!tpu.dma_semaphore, #tpu.memory_space<semaphore_mem>>) src(%arg10 : memref<64x128xf32, #tpu.memory_space<vmem>>) dst(%dma_wait3A_84 : memref<10240x128xf32, #tpu.memory_space<vmem_shared>>)
      %add3A_85 = arith.constant 3 : i32
      %add3A_86 = arith.addi %mul3A_67, %add3A_85 : i32
      %lt3A = arith.constant 54 : i32
      %lt3A_87 = arith.cmpi slt, %add3A_86, %lt3A : i32
      %and3A = arith.andi %gt3A_7, %lt3A_87 : i1
      %convert_element_type3A_88 = arith.extui %and3A : i1 to i32
      %cond3A_89 = arith.constant 0 : i32
      %cond3A_90 = arith.cmpi ne, %convert_element_type3A_88, %cond3A_89 : i32
      scf.if %cond3A_90 {
        %add3A_137 = arith.constant 3 : i32
        %add3A_138 = arith.addi %mul3A_67, %add3A_137 : i32
        %dma_start3A_139 = arith.constant 0 : i32
        %dma_start3A_140 = tpu.memref_slice %arg8[%add3A_138, %dma_start3A_139] : memref<54x64xi32, #tpu.memory_space<vmem>> -> memref<1x64xi32, #tpu.memory_space<vmem>>
        %dma_start3A_141 = tpu.memref_squeeze %dma_start3A_140 : memref<1x64xi32, #tpu.memory_space<vmem>> -> memref<64xi32, #tpu.memory_space<vmem>>
        %dma_start3A_142 = arith.constant 0 : i32
        %dma_start3A_143 = arith.constant 0 : i32
        %dma_start3A_144 = tpu.memref_slice %arg4[%dma_start3A_142, %dma_start3A_143] : memref<10240x128xf32, #tpu.memory_space<hbm>> -> memref<10240x128xf32, #tpu.memory_space<hbm>>
        tpu.enqueue_indirect_dma source(%dma_start3A_144 : memref<10240x128xf32, #tpu.memory_space<hbm>>) target(%arg10 : memref<64x128xf32, #tpu.memory_space<vmem>>) offsets(%dma_start3A_141 : memref<64xi32, #tpu.memory_space<vmem>>) semaphore(%arg15 : memref<!tpu.dma_semaphore, #tpu.memory_space<semaphore_mem>>)
      } else {
      }
      %convert_element_type3A_91 = arith.extui %gt3A_7 : i1 to i32
      %cond3A_92 = arith.constant 0 : i32
      %cond3A_93 = arith.cmpi ne, %convert_element_type3A_91, %cond3A_92 : i32
      scf.if %cond3A_93 {
        %dma_wait3A_137 = arith.constant 0 : i32
        %dma_wait3A_138 = tpu.memref_slice %arg8[%add3A_69, %dma_wait3A_137] : memref<54x64xi32, #tpu.memory_space<vmem>> -> memref<1x64xi32, #tpu.memory_space<vmem>>
        %dma_wait3A_139 = tpu.memref_squeeze %dma_wait3A_138 : memref<1x64xi32, #tpu.memory_space<vmem>> -> memref<64xi32, #tpu.memory_space<vmem>>
        %dma_wait3A_140 = arith.constant 0 : i32
        %dma_wait3A_141 = arith.constant 0 : i32
        %dma_wait3A_142 = tpu.memref_slice %arg4[%dma_wait3A_140, %dma_wait3A_141] : memref<10240x128xf32, #tpu.memory_space<hbm>> -> memref<10240x128xf32, #tpu.memory_space<hbm>>
        tpu.wait_indirect_dma semaphore(%arg16 : memref<!tpu.dma_semaphore, #tpu.memory_space<semaphore_mem>>) src(%dma_wait3A_142 : memref<10240x128xf32, #tpu.memory_space<hbm>>) dst(%arg11 : memref<64x128xf32, #tpu.memory_space<vmem>>)
      } else {
      }
      %dma_start3A_94 = arith.constant 0 : i32
      %dma_start3A_95 = tpu.memref_slice %arg9[%add3A_69, %dma_start3A_94] : memref<54x64xi32, #tpu.memory_space<vmem>> -> memref<1x64xi32, #tpu.memory_space<vmem>>
      %dma_start3A_96 = tpu.memref_squeeze %dma_start3A_95 : memref<1x64xi32, #tpu.memory_space<vmem>> -> memref<64xi32, #tpu.memory_space<vmem>>
      %dma_start3A_97 = arith.constant 0 : i32
      %dma_start3A_98 = arith.constant 0 : i32
      %dma_start3A_99 = tpu.memref_slice %arg14[%dma_start3A_97, %dma_start3A_98] : memref<10240x128xf32, #tpu.memory_space<vmem_shared>> -> memref<10240x128xf32, #tpu.memory_space<vmem_shared>>
      tpu.enqueue_indirect_dma source(%arg11 : memref<64x128xf32, #tpu.memory_space<vmem>>) target(%dma_start3A_99 : memref<10240x128xf32, #tpu.memory_space<vmem_shared>>) offsets(%dma_start3A_96 : memref<64xi32, #tpu.memory_space<vmem>>) semaphore(%arg19 : memref<!tpu.dma_semaphore, #tpu.memory_space<semaphore_mem>>) {add = true}
      %dma_wait3A_100 = arith.constant 0 : i32
      %dma_wait3A_101 = tpu.memref_slice %arg9[%add3A_69, %dma_wait3A_100] : memref<54x64xi32, #tpu.memory_space<vmem>> -> memref<1x64xi32, #tpu.memory_space<vmem>>
      %dma_wait3A_102 = tpu.memref_squeeze %dma_wait3A_101 : memref<1x64xi32, #tpu.memory_space<vmem>> -> memref<64xi32, #tpu.memory_space<vmem>>
      %dma_wait3A_103 = arith.constant 0 : i32
      %dma_wait3A_104 = arith.constant 0 : i32
      %dma_wait3A_105 = tpu.memref_slice %arg14[%dma_wait3A_103, %dma_wait3A_104] : memref<10240x128xf32, #tpu.memory_space<vmem_shared>> -> memref<10240x128xf32, #tpu.memory_space<vmem_shared>>
      tpu.wait_indirect_dma semaphore(%arg19 : memref<!tpu.dma_semaphore, #tpu.memory_space<semaphore_mem>>) src(%arg11 : memref<64x128xf32, #tpu.memory_space<vmem>>) dst(%dma_wait3A_105 : memref<10240x128xf32, #tpu.memory_space<vmem_shared>>)
      %add3A_106 = arith.constant 3 : i32
      %add3A_107 = arith.addi %add3A_69, %add3A_106 : i32
      %lt3A_108 = arith.constant 54 : i32
      %lt3A_109 = arith.cmpi slt, %add3A_107, %lt3A_108 : i32
      %and3A_110 = arith.andi %gt3A_7, %lt3A_109 : i1
      %convert_element_type3A_111 = arith.extui %and3A_110 : i1 to i32
      %cond3A_112 = arith.constant 0 : i32
      %cond3A_113 = arith.cmpi ne, %convert_element_type3A_111, %cond3A_112 : i32
      scf.if %cond3A_113 {
        %add3A_137 = arith.constant 3 : i32
        %add3A_138 = arith.addi %add3A_69, %add3A_137 : i32
        %dma_start3A_139 = arith.constant 0 : i32
        %dma_start3A_140 = tpu.memref_slice %arg8[%add3A_138, %dma_start3A_139] : memref<54x64xi32, #tpu.memory_space<vmem>> -> memref<1x64xi32, #tpu.memory_space<vmem>>
        %dma_start3A_141 = tpu.memref_squeeze %dma_start3A_140 : memref<1x64xi32, #tpu.memory_space<vmem>> -> memref<64xi32, #tpu.memory_space<vmem>>
        %dma_start3A_142 = arith.constant 0 : i32
        %dma_start3A_143 = arith.constant 0 : i32
        %dma_start3A_144 = tpu.memref_slice %arg4[%dma_start3A_142, %dma_start3A_143] : memref<10240x128xf32, #tpu.memory_space<hbm>> -> memref<10240x128xf32, #tpu.memory_space<hbm>>
        tpu.enqueue_indirect_dma source(%dma_start3A_144 : memref<10240x128xf32, #tpu.memory_space<hbm>>) target(%arg11 : memref<64x128xf32, #tpu.memory_space<vmem>>) offsets(%dma_start3A_141 : memref<64xi32, #tpu.memory_space<vmem>>) semaphore(%arg16 : memref<!tpu.dma_semaphore, #tpu.memory_space<semaphore_mem>>)
      } else {
      }
      %convert_element_type3A_114 = arith.extui %gt3A_7 : i1 to i32
      %cond3A_115 = arith.constant 0 : i32
      %cond3A_116 = arith.cmpi ne, %convert_element_type3A_114, %cond3A_115 : i32
      scf.if %cond3A_116 {
        %dma_wait3A_137 = arith.constant 0 : i32
        %dma_wait3A_138 = tpu.memref_slice %arg8[%add3A_71, %dma_wait3A_137] : memref<54x64xi32, #tpu.memory_space<vmem>> -> memref<1x64xi32, #tpu.memory_space<vmem>>
        %dma_wait3A_139 = tpu.memref_squeeze %dma_wait3A_138 : memref<1x64xi32, #tpu.memory_space<vmem>> -> memref<64xi32, #tpu.memory_space<vmem>>
        %dma_wait3A_140 = arith.constant 0 : i32
        %dma_wait3A_141 = arith.constant 0 : i32
        %dma_wait3A_142 = tpu.memref_slice %arg4[%dma_wait3A_140, %dma_wait3A_141] : memref<10240x128xf32, #tpu.memory_space<hbm>> -> memref<10240x128xf32, #tpu.memory_space<hbm>>
        tpu.wait_indirect_dma semaphore(%arg17 : memref<!tpu.dma_semaphore, #tpu.memory_space<semaphore_mem>>) src(%dma_wait3A_142 : memref<10240x128xf32, #tpu.memory_space<hbm>>) dst(%arg12 : memref<64x128xf32, #tpu.memory_space<vmem>>)
      } else {
      }
      %dma_start3A_117 = arith.constant 0 : i32
      %dma_start3A_118 = tpu.memref_slice %arg9[%add3A_71, %dma_start3A_117] : memref<54x64xi32, #tpu.memory_space<vmem>> -> memref<1x64xi32, #tpu.memory_space<vmem>>
      %dma_start3A_119 = tpu.memref_squeeze %dma_start3A_118 : memref<1x64xi32, #tpu.memory_space<vmem>> -> memref<64xi32, #tpu.memory_space<vmem>>
      %dma_start3A_120 = arith.constant 0 : i32
      %dma_start3A_121 = arith.constant 0 : i32
      %dma_start3A_122 = tpu.memref_slice %arg14[%dma_start3A_120, %dma_start3A_121] : memref<10240x128xf32, #tpu.memory_space<vmem_shared>> -> memref<10240x128xf32, #tpu.memory_space<vmem_shared>>
      tpu.enqueue_indirect_dma source(%arg12 : memref<64x128xf32, #tpu.memory_space<vmem>>) target(%dma_start3A_122 : memref<10240x128xf32, #tpu.memory_space<vmem_shared>>) offsets(%dma_start3A_119 : memref<64xi32, #tpu.memory_space<vmem>>) semaphore(%arg20 : memref<!tpu.dma_semaphore, #tpu.memory_space<semaphore_mem>>) {add = true}
      %dma_wait3A_123 = arith.constant 0 : i32
      %dma_wait3A_124 = tpu.memref_slice %arg9[%add3A_71, %dma_wait3A_123] : memref<54x64xi32, #tpu.memory_space<vmem>> -> memref<1x64xi32, #tpu.memory_space<vmem>>
      %dma_wait3A_125 = tpu.memref_squeeze %dma_wait3A_124 : memref<1x64xi32, #tpu.memory_space<vmem>> -> memref<64xi32, #tpu.memory_space<vmem>>
      %dma_wait3A_126 = arith.constant 0 : i32
      %dma_wait3A_127 = arith.constant 0 : i32
      %dma_wait3A_128 = tpu.memref_slice %arg14[%dma_wait3A_126, %dma_wait3A_127] : memref<10240x128xf32, #tpu.memory_space<vmem_shared>> -> memref<10240x128xf32, #tpu.memory_space<vmem_shared>>
      tpu.wait_indirect_dma semaphore(%arg20 : memref<!tpu.dma_semaphore, #tpu.memory_space<semaphore_mem>>) src(%arg12 : memref<64x128xf32, #tpu.memory_space<vmem>>) dst(%dma_wait3A_128 : memref<10240x128xf32, #tpu.memory_space<vmem_shared>>)
      %add3A_129 = arith.constant 3 : i32
      %add3A_130 = arith.addi %add3A_71, %add3A_129 : i32
      %lt3A_131 = arith.constant 54 : i32
      %lt3A_132 = arith.cmpi slt, %add3A_130, %lt3A_131 : i32
      %and3A_133 = arith.andi %gt3A_7, %lt3A_132 : i1
      %convert_element_type3A_134 = arith.extui %and3A_133 : i1 to i32
      %cond3A_135 = arith.constant 0 : i32
      %cond3A_136 = arith.cmpi ne, %convert_element_type3A_134, %cond3A_135 : i32
      scf.if %cond3A_136 {
        %add3A_137 = arith.constant 3 : i32
        %add3A_138 = arith.addi %add3A_71, %add3A_137 : i32
        %dma_start3A_139 = arith.constant 0 : i32
        %dma_start3A_140 = tpu.memref_slice %arg8[%add3A_138, %dma_start3A_139] : memref<54x64xi32, #tpu.memory_space<vmem>> -> memref<1x64xi32, #tpu.memory_space<vmem>>
        %dma_start3A_141 = tpu.memref_squeeze %dma_start3A_140 : memref<1x64xi32, #tpu.memory_space<vmem>> -> memref<64xi32, #tpu.memory_space<vmem>>
        %dma_start3A_142 = arith.constant 0 : i32
        %dma_start3A_143 = arith.constant 0 : i32
        %dma_start3A_144 = tpu.memref_slice %arg4[%dma_start3A_142, %dma_start3A_143] : memref<10240x128xf32, #tpu.memory_space<hbm>> -> memref<10240x128xf32, #tpu.memory_space<hbm>>
        tpu.enqueue_indirect_dma source(%dma_start3A_144 : memref<10240x128xf32, #tpu.memory_space<hbm>>) target(%arg12 : memref<64x128xf32, #tpu.memory_space<vmem>>) offsets(%dma_start3A_141 : memref<64xi32, #tpu.memory_space<vmem>>) semaphore(%arg17 : memref<!tpu.dma_semaphore, #tpu.memory_space<semaphore_mem>>)
      } else {
      }
    }
    %scan3A_42 = arith.constant 18 : i32
    %mul3A_43 = arith.constant 3 : i32
    %mul3A_44 = arith.muli %add3A, %mul3A_43 : i32
    %add3A_45 = arith.constant 2 : i32
    %add3A_46 = arith.addi %mul3A_44, %add3A_45 : i32
    "tpu.region"() ({
      %run_scoped3A = tpu.sem_alloc : memref<!tpu.dma_semaphore, #tpu.memory_space<semaphore_mem>>
      %dma_start3A = arith.constant 0 : i32
      %dma_start3A_65 = arith.constant 0 : i32
      %dma_start3A_66 = tpu.memref_slice %arg2[%add3A_46, %dma_start3A, %dma_start3A_65] : memref<96x54x64xi32, #tpu.memory_space<hbm>> -> memref<1x54x64xi32, #tpu.memory_space<hbm>>
      %dma_start3A_67 = tpu.memref_squeeze %dma_start3A_66 : memref<1x54x64xi32, #tpu.memory_space<hbm>> -> memref<54x64xi32, #tpu.memory_space<hbm>>
      %dma_start3A_68 = arith.constant 0 : i32
      %dma_start3A_69 = arith.constant 0 : i32
      %dma_start3A_70 = tpu.memref_slice %arg2[%add3A_46, %dma_start3A_68, %dma_start3A_69] : memref<96x54x64xi32, #tpu.memory_space<hbm>> -> memref<1x54x64xi32, #tpu.memory_space<hbm>>
      %dma_start3A_71 = tpu.memref_squeeze %dma_start3A_70 : memref<1x54x64xi32, #tpu.memory_space<hbm>> -> memref<54x64xi32, #tpu.memory_space<hbm>>
      tpu.enqueue_dma source(%dma_start3A_71 : memref<54x64xi32, #tpu.memory_space<hbm>>) target(%arg8 : memref<54x64xi32, #tpu.memory_space<vmem>>) target_semaphore(%run_scoped3A : memref<!tpu.dma_semaphore, #tpu.memory_space<semaphore_mem>>)
      %dma_wait3A = arith.constant 0 : i32
      %dma_wait3A_72 = arith.constant 0 : i32
      %dma_wait3A_73 = tpu.memref_slice %arg2[%add3A_46, %dma_wait3A, %dma_wait3A_72] : memref<96x54x64xi32, #tpu.memory_space<hbm>> -> memref<1x54x64xi32, #tpu.memory_space<hbm>>
      %dma_wait3A_74 = tpu.memref_squeeze %dma_wait3A_73 : memref<1x54x64xi32, #tpu.memory_space<hbm>> -> memref<54x64xi32, #tpu.memory_space<hbm>>
      %dma_wait3A_75 = arith.constant 0 : i32
      %dma_wait3A_76 = arith.constant 0 : i32
      %dma_wait3A_77 = tpu.memref_slice %arg2[%add3A_46, %dma_wait3A_75, %dma_wait3A_76] : memref<96x54x64xi32, #tpu.memory_space<hbm>> -> memref<1x54x64xi32, #tpu.memory_space<hbm>>
      %dma_wait3A_78 = tpu.memref_squeeze %dma_wait3A_77 : memref<1x54x64xi32, #tpu.memory_space<hbm>> -> memref<54x64xi32, #tpu.memory_space<hbm>>
      tpu.wait_dma2 semaphore(%run_scoped3A : memref<!tpu.dma_semaphore, #tpu.memory_space<semaphore_mem>>) src(%dma_wait3A_78 : memref<54x64xi32, #tpu.memory_space<hbm>>) dst(%arg8 : memref<54x64xi32, #tpu.memory_space<vmem>>)
      tpu.yield
    }) : () -> ()
    %mul3A_47 = arith.constant 3 : i32
    %mul3A_48 = arith.muli %add3A, %mul3A_47 : i32
    %add3A_49 = arith.constant 2 : i32
    %add3A_50 = arith.addi %mul3A_48, %add3A_49 : i32
    "tpu.region"() ({
      %run_scoped3A = tpu.sem_alloc : memref<!tpu.dma_semaphore, #tpu.memory_space<semaphore_mem>>
      %dma_start3A = arith.constant 0 : i32
      %dma_start3A_65 = arith.constant 0 : i32
      %dma_start3A_66 = tpu.memref_slice %arg3[%add3A_50, %dma_start3A, %dma_start3A_65] : memref<96x54x64xi32, #tpu.memory_space<hbm>> -> memref<1x54x64xi32, #tpu.memory_space<hbm>>
      %dma_start3A_67 = tpu.memref_squeeze %dma_start3A_66 : memref<1x54x64xi32, #tpu.memory_space<hbm>> -> memref<54x64xi32, #tpu.memory_space<hbm>>
      %dma_start3A_68 = arith.constant 0 : i32
      %dma_start3A_69 = arith.constant 0 : i32
      %dma_start3A_70 = tpu.memref_slice %arg3[%add3A_50, %dma_start3A_68, %dma_start3A_69] : memref<96x54x64xi32, #tpu.memory_space<hbm>> -> memref<1x54x64xi32, #tpu.memory_space<hbm>>
      %dma_start3A_71 = tpu.memref_squeeze %dma_start3A_70 : memref<1x54x64xi32, #tpu.memory_space<hbm>> -> memref<54x64xi32, #tpu.memory_space<hbm>>
      tpu.enqueue_dma source(%dma_start3A_71 : memref<54x64xi32, #tpu.memory_space<hbm>>) target(%arg9 : memref<54x64xi32, #tpu.memory_space<vmem>>) target_semaphore(%run_scoped3A : memref<!tpu.dma_semaphore, #tpu.memory_space<semaphore_mem>>)
      %dma_wait3A = arith.constant 0 : i32
      %dma_wait3A_72 = arith.constant 0 : i32
      %dma_wait3A_73 = tpu.memref_slice %arg3[%add3A_50, %dma_wait3A, %dma_wait3A_72] : memref<96x54x64xi32, #tpu.memory_space<hbm>> -> memref<1x54x64xi32, #tpu.memory_space<hbm>>
      %dma_wait3A_74 = tpu.memref_squeeze %dma_wait3A_73 : memref<1x54x64xi32, #tpu.memory_space<hbm>> -> memref<54x64xi32, #tpu.memory_space<hbm>>
      %dma_wait3A_75 = arith.constant 0 : i32
      %dma_wait3A_76 = arith.constant 0 : i32
      %dma_wait3A_77 = tpu.memref_slice %arg3[%add3A_50, %dma_wait3A_75, %dma_wait3A_76] : memref<96x54x64xi32, #tpu.memory_space<hbm>> -> memref<1x54x64xi32, #tpu.memory_space<hbm>>
      %dma_wait3A_78 = tpu.memref_squeeze %dma_wait3A_77 : memref<1x54x64xi32, #tpu.memory_space<hbm>> -> memref<54x64xi32, #tpu.memory_space<hbm>>
      tpu.wait_dma2 semaphore(%run_scoped3A : memref<!tpu.dma_semaphore, #tpu.memory_space<semaphore_mem>>) src(%dma_wait3A_78 : memref<54x64xi32, #tpu.memory_space<hbm>>) dst(%arg9 : memref<54x64xi32, #tpu.memory_space<vmem>>)
      tpu.yield
    }) : () -> ()
    %convert_element_type3A_51 = arith.extui %gt3A_7 : i1 to i32
    %cond3A_52 = arith.constant 0 : i32
    %cond3A_53 = arith.cmpi ne, %convert_element_type3A_51, %cond3A_52 : i32
    scf.if %cond3A_53 {
      %dma_start3A = arith.constant 0 : i32
      %dma_start3A_65 = arith.constant 0 : i32
      %dma_start3A_66 = tpu.memref_slice %arg8[%dma_start3A, %dma_start3A_65] : memref<54x64xi32, #tpu.memory_space<vmem>> -> memref<1x64xi32, #tpu.memory_space<vmem>>
      %dma_start3A_67 = tpu.memref_squeeze %dma_start3A_66 : memref<1x64xi32, #tpu.memory_space<vmem>> -> memref<64xi32, #tpu.memory_space<vmem>>
      %dma_start3A_68 = arith.constant 0 : i32
      %dma_start3A_69 = arith.constant 0 : i32
      %dma_start3A_70 = tpu.memref_slice %arg4[%dma_start3A_68, %dma_start3A_69] : memref<10240x128xf32, #tpu.memory_space<hbm>> -> memref<10240x128xf32, #tpu.memory_space<hbm>>
      tpu.enqueue_indirect_dma source(%dma_start3A_70 : memref<10240x128xf32, #tpu.memory_space<hbm>>) target(%arg10 : memref<64x128xf32, #tpu.memory_space<vmem>>) offsets(%dma_start3A_67 : memref<64xi32, #tpu.memory_space<vmem>>) semaphore(%arg15 : memref<!tpu.dma_semaphore, #tpu.memory_space<semaphore_mem>>)
      %dma_start3A_71 = arith.constant 1 : i32
      %dma_start3A_72 = arith.constant 0 : i32
      %dma_start3A_73 = tpu.memref_slice %arg8[%dma_start3A_71, %dma_start3A_72] : memref<54x64xi32, #tpu.memory_space<vmem>> -> memref<1x64xi32, #tpu.memory_space<vmem>>
      %dma_start3A_74 = tpu.memref_squeeze %dma_start3A_73 : memref<1x64xi32, #tpu.memory_space<vmem>> -> memref<64xi32, #tpu.memory_space<vmem>>
      %dma_start3A_75 = arith.constant 0 : i32
      %dma_start3A_76 = arith.constant 0 : i32
      %dma_start3A_77 = tpu.memref_slice %arg4[%dma_start3A_75, %dma_start3A_76] : memref<10240x128xf32, #tpu.memory_space<hbm>> -> memref<10240x128xf32, #tpu.memory_space<hbm>>
      tpu.enqueue_indirect_dma source(%dma_start3A_77 : memref<10240x128xf32, #tpu.memory_space<hbm>>) target(%arg11 : memref<64x128xf32, #tpu.memory_space<vmem>>) offsets(%dma_start3A_74 : memref<64xi32, #tpu.memory_space<vmem>>) semaphore(%arg16 : memref<!tpu.dma_semaphore, #tpu.memory_space<semaphore_mem>>)
      %dma_start3A_78 = arith.constant 2 : i32
      %dma_start3A_79 = arith.constant 0 : i32
      %dma_start3A_80 = tpu.memref_slice %arg8[%dma_start3A_78, %dma_start3A_79] : memref<54x64xi32, #tpu.memory_space<vmem>> -> memref<1x64xi32, #tpu.memory_space<vmem>>
      %dma_start3A_81 = tpu.memref_squeeze %dma_start3A_80 : memref<1x64xi32, #tpu.memory_space<vmem>> -> memref<64xi32, #tpu.memory_space<vmem>>
      %dma_start3A_82 = arith.constant 0 : i32
      %dma_start3A_83 = arith.constant 0 : i32
      %dma_start3A_84 = tpu.memref_slice %arg4[%dma_start3A_82, %dma_start3A_83] : memref<10240x128xf32, #tpu.memory_space<hbm>> -> memref<10240x128xf32, #tpu.memory_space<hbm>>
      tpu.enqueue_indirect_dma source(%dma_start3A_84 : memref<10240x128xf32, #tpu.memory_space<hbm>>) target(%arg12 : memref<64x128xf32, #tpu.memory_space<vmem>>) offsets(%dma_start3A_81 : memref<64xi32, #tpu.memory_space<vmem>>) semaphore(%arg17 : memref<!tpu.dma_semaphore, #tpu.memory_space<semaphore_mem>>)
    } else {
    }
    %scan3A_54 = arith.constant 0 : i32
    %scan3A_55 = arith.constant 0 : i32
    %scan3A_56 = arith.constant 18 : i32
    %scan3A_57 = arith.addi %scan3A_55, %scan3A_56 : i32
    %scan3A_58 = arith.constant 1 : i32
    scf.for %scan3A_65 = %scan3A_55 to %scan3A_57 step %scan3A_58  : i32 {
      %mul3A_66 = arith.constant 3 : i32
      %mul3A_67 = arith.muli %mul3A_66, %scan3A_65 : i32
      %add3A_68 = arith.constant 1 : i32
      %add3A_69 = arith.addi %mul3A_67, %add3A_68 : i32
      %add3A_70 = arith.constant 2 : i32
      %add3A_71 = arith.addi %mul3A_67, %add3A_70 : i32
      %convert_element_type3A_72 = arith.extui %gt3A_7 : i1 to i32
      %cond3A_73 = arith.constant 0 : i32
      %cond3A_74 = arith.cmpi ne, %convert_element_type3A_72, %cond3A_73 : i32
      scf.if %cond3A_74 {
        %dma_wait3A_137 = arith.constant 0 : i32
        %dma_wait3A_138 = tpu.memref_slice %arg8[%mul3A_67, %dma_wait3A_137] : memref<54x64xi32, #tpu.memory_space<vmem>> -> memref<1x64xi32, #tpu.memory_space<vmem>>
        %dma_wait3A_139 = tpu.memref_squeeze %dma_wait3A_138 : memref<1x64xi32, #tpu.memory_space<vmem>> -> memref<64xi32, #tpu.memory_space<vmem>>
        %dma_wait3A_140 = arith.constant 0 : i32
        %dma_wait3A_141 = arith.constant 0 : i32
        %dma_wait3A_142 = tpu.memref_slice %arg4[%dma_wait3A_140, %dma_wait3A_141] : memref<10240x128xf32, #tpu.memory_space<hbm>> -> memref<10240x128xf32, #tpu.memory_space<hbm>>
        tpu.wait_indirect_dma semaphore(%arg15 : memref<!tpu.dma_semaphore, #tpu.memory_space<semaphore_mem>>) src(%dma_wait3A_142 : memref<10240x128xf32, #tpu.memory_space<hbm>>) dst(%arg10 : memref<64x128xf32, #tpu.memory_space<vmem>>)
      } else {
      }
      %dma_start3A = arith.constant 0 : i32
      %dma_start3A_75 = tpu.memref_slice %arg9[%mul3A_67, %dma_start3A] : memref<54x64xi32, #tpu.memory_space<vmem>> -> memref<1x64xi32, #tpu.memory_space<vmem>>
      %dma_start3A_76 = tpu.memref_squeeze %dma_start3A_75 : memref<1x64xi32, #tpu.memory_space<vmem>> -> memref<64xi32, #tpu.memory_space<vmem>>
      %dma_start3A_77 = arith.constant 0 : i32
      %dma_start3A_78 = arith.constant 0 : i32
      %dma_start3A_79 = tpu.memref_slice %arg14[%dma_start3A_77, %dma_start3A_78] : memref<10240x128xf32, #tpu.memory_space<vmem_shared>> -> memref<10240x128xf32, #tpu.memory_space<vmem_shared>>
      tpu.enqueue_indirect_dma source(%arg10 : memref<64x128xf32, #tpu.memory_space<vmem>>) target(%dma_start3A_79 : memref<10240x128xf32, #tpu.memory_space<vmem_shared>>) offsets(%dma_start3A_76 : memref<64xi32, #tpu.memory_space<vmem>>) semaphore(%arg18 : memref<!tpu.dma_semaphore, #tpu.memory_space<semaphore_mem>>) {add = true}
      %dma_wait3A = arith.constant 0 : i32
      %dma_wait3A_80 = tpu.memref_slice %arg9[%mul3A_67, %dma_wait3A] : memref<54x64xi32, #tpu.memory_space<vmem>> -> memref<1x64xi32, #tpu.memory_space<vmem>>
      %dma_wait3A_81 = tpu.memref_squeeze %dma_wait3A_80 : memref<1x64xi32, #tpu.memory_space<vmem>> -> memref<64xi32, #tpu.memory_space<vmem>>
      %dma_wait3A_82 = arith.constant 0 : i32
      %dma_wait3A_83 = arith.constant 0 : i32
      %dma_wait3A_84 = tpu.memref_slice %arg14[%dma_wait3A_82, %dma_wait3A_83] : memref<10240x128xf32, #tpu.memory_space<vmem_shared>> -> memref<10240x128xf32, #tpu.memory_space<vmem_shared>>
      tpu.wait_indirect_dma semaphore(%arg18 : memref<!tpu.dma_semaphore, #tpu.memory_space<semaphore_mem>>) src(%arg10 : memref<64x128xf32, #tpu.memory_space<vmem>>) dst(%dma_wait3A_84 : memref<10240x128xf32, #tpu.memory_space<vmem_shared>>)
      %add3A_85 = arith.constant 3 : i32
      %add3A_86 = arith.addi %mul3A_67, %add3A_85 : i32
      %lt3A = arith.constant 54 : i32
      %lt3A_87 = arith.cmpi slt, %add3A_86, %lt3A : i32
      %and3A = arith.andi %gt3A_7, %lt3A_87 : i1
      %convert_element_type3A_88 = arith.extui %and3A : i1 to i32
      %cond3A_89 = arith.constant 0 : i32
      %cond3A_90 = arith.cmpi ne, %convert_element_type3A_88, %cond3A_89 : i32
      scf.if %cond3A_90 {
        %add3A_137 = arith.constant 3 : i32
        %add3A_138 = arith.addi %mul3A_67, %add3A_137 : i32
        %dma_start3A_139 = arith.constant 0 : i32
        %dma_start3A_140 = tpu.memref_slice %arg8[%add3A_138, %dma_start3A_139] : memref<54x64xi32, #tpu.memory_space<vmem>> -> memref<1x64xi32, #tpu.memory_space<vmem>>
        %dma_start3A_141 = tpu.memref_squeeze %dma_start3A_140 : memref<1x64xi32, #tpu.memory_space<vmem>> -> memref<64xi32, #tpu.memory_space<vmem>>
        %dma_start3A_142 = arith.constant 0 : i32
        %dma_start3A_143 = arith.constant 0 : i32
        %dma_start3A_144 = tpu.memref_slice %arg4[%dma_start3A_142, %dma_start3A_143] : memref<10240x128xf32, #tpu.memory_space<hbm>> -> memref<10240x128xf32, #tpu.memory_space<hbm>>
        tpu.enqueue_indirect_dma source(%dma_start3A_144 : memref<10240x128xf32, #tpu.memory_space<hbm>>) target(%arg10 : memref<64x128xf32, #tpu.memory_space<vmem>>) offsets(%dma_start3A_141 : memref<64xi32, #tpu.memory_space<vmem>>) semaphore(%arg15 : memref<!tpu.dma_semaphore, #tpu.memory_space<semaphore_mem>>)
      } else {
      }
      %convert_element_type3A_91 = arith.extui %gt3A_7 : i1 to i32
      %cond3A_92 = arith.constant 0 : i32
      %cond3A_93 = arith.cmpi ne, %convert_element_type3A_91, %cond3A_92 : i32
      scf.if %cond3A_93 {
        %dma_wait3A_137 = arith.constant 0 : i32
        %dma_wait3A_138 = tpu.memref_slice %arg8[%add3A_69, %dma_wait3A_137] : memref<54x64xi32, #tpu.memory_space<vmem>> -> memref<1x64xi32, #tpu.memory_space<vmem>>
        %dma_wait3A_139 = tpu.memref_squeeze %dma_wait3A_138 : memref<1x64xi32, #tpu.memory_space<vmem>> -> memref<64xi32, #tpu.memory_space<vmem>>
        %dma_wait3A_140 = arith.constant 0 : i32
        %dma_wait3A_141 = arith.constant 0 : i32
        %dma_wait3A_142 = tpu.memref_slice %arg4[%dma_wait3A_140, %dma_wait3A_141] : memref<10240x128xf32, #tpu.memory_space<hbm>> -> memref<10240x128xf32, #tpu.memory_space<hbm>>
        tpu.wait_indirect_dma semaphore(%arg16 : memref<!tpu.dma_semaphore, #tpu.memory_space<semaphore_mem>>) src(%dma_wait3A_142 : memref<10240x128xf32, #tpu.memory_space<hbm>>) dst(%arg11 : memref<64x128xf32, #tpu.memory_space<vmem>>)
      } else {
      }
      %dma_start3A_94 = arith.constant 0 : i32
      %dma_start3A_95 = tpu.memref_slice %arg9[%add3A_69, %dma_start3A_94] : memref<54x64xi32, #tpu.memory_space<vmem>> -> memref<1x64xi32, #tpu.memory_space<vmem>>
      %dma_start3A_96 = tpu.memref_squeeze %dma_start3A_95 : memref<1x64xi32, #tpu.memory_space<vmem>> -> memref<64xi32, #tpu.memory_space<vmem>>
      %dma_start3A_97 = arith.constant 0 : i32
      %dma_start3A_98 = arith.constant 0 : i32
      %dma_start3A_99 = tpu.memref_slice %arg14[%dma_start3A_97, %dma_start3A_98] : memref<10240x128xf32, #tpu.memory_space<vmem_shared>> -> memref<10240x128xf32, #tpu.memory_space<vmem_shared>>
      tpu.enqueue_indirect_dma source(%arg11 : memref<64x128xf32, #tpu.memory_space<vmem>>) target(%dma_start3A_99 : memref<10240x128xf32, #tpu.memory_space<vmem_shared>>) offsets(%dma_start3A_96 : memref<64xi32, #tpu.memory_space<vmem>>) semaphore(%arg19 : memref<!tpu.dma_semaphore, #tpu.memory_space<semaphore_mem>>) {add = true}
      %dma_wait3A_100 = arith.constant 0 : i32
      %dma_wait3A_101 = tpu.memref_slice %arg9[%add3A_69, %dma_wait3A_100] : memref<54x64xi32, #tpu.memory_space<vmem>> -> memref<1x64xi32, #tpu.memory_space<vmem>>
      %dma_wait3A_102 = tpu.memref_squeeze %dma_wait3A_101 : memref<1x64xi32, #tpu.memory_space<vmem>> -> memref<64xi32, #tpu.memory_space<vmem>>
      %dma_wait3A_103 = arith.constant 0 : i32
      %dma_wait3A_104 = arith.constant 0 : i32
      %dma_wait3A_105 = tpu.memref_slice %arg14[%dma_wait3A_103, %dma_wait3A_104] : memref<10240x128xf32, #tpu.memory_space<vmem_shared>> -> memref<10240x128xf32, #tpu.memory_space<vmem_shared>>
      tpu.wait_indirect_dma semaphore(%arg19 : memref<!tpu.dma_semaphore, #tpu.memory_space<semaphore_mem>>) src(%arg11 : memref<64x128xf32, #tpu.memory_space<vmem>>) dst(%dma_wait3A_105 : memref<10240x128xf32, #tpu.memory_space<vmem_shared>>)
      %add3A_106 = arith.constant 3 : i32
      %add3A_107 = arith.addi %add3A_69, %add3A_106 : i32
      %lt3A_108 = arith.constant 54 : i32
      %lt3A_109 = arith.cmpi slt, %add3A_107, %lt3A_108 : i32
      %and3A_110 = arith.andi %gt3A_7, %lt3A_109 : i1
      %convert_element_type3A_111 = arith.extui %and3A_110 : i1 to i32
      %cond3A_112 = arith.constant 0 : i32
      %cond3A_113 = arith.cmpi ne, %convert_element_type3A_111, %cond3A_112 : i32
      scf.if %cond3A_113 {
        %add3A_137 = arith.constant 3 : i32
        %add3A_138 = arith.addi %add3A_69, %add3A_137 : i32
        %dma_start3A_139 = arith.constant 0 : i32
        %dma_start3A_140 = tpu.memref_slice %arg8[%add3A_138, %dma_start3A_139] : memref<54x64xi32, #tpu.memory_space<vmem>> -> memref<1x64xi32, #tpu.memory_space<vmem>>
        %dma_start3A_141 = tpu.memref_squeeze %dma_start3A_140 : memref<1x64xi32, #tpu.memory_space<vmem>> -> memref<64xi32, #tpu.memory_space<vmem>>
        %dma_start3A_142 = arith.constant 0 : i32
        %dma_start3A_143 = arith.constant 0 : i32
        %dma_start3A_144 = tpu.memref_slice %arg4[%dma_start3A_142, %dma_start3A_143] : memref<10240x128xf32, #tpu.memory_space<hbm>> -> memref<10240x128xf32, #tpu.memory_space<hbm>>
        tpu.enqueue_indirect_dma source(%dma_start3A_144 : memref<10240x128xf32, #tpu.memory_space<hbm>>) target(%arg11 : memref<64x128xf32, #tpu.memory_space<vmem>>) offsets(%dma_start3A_141 : memref<64xi32, #tpu.memory_space<vmem>>) semaphore(%arg16 : memref<!tpu.dma_semaphore, #tpu.memory_space<semaphore_mem>>)
      } else {
      }
      %convert_element_type3A_114 = arith.extui %gt3A_7 : i1 to i32
      %cond3A_115 = arith.constant 0 : i32
      %cond3A_116 = arith.cmpi ne, %convert_element_type3A_114, %cond3A_115 : i32
      scf.if %cond3A_116 {
        %dma_wait3A_137 = arith.constant 0 : i32
        %dma_wait3A_138 = tpu.memref_slice %arg8[%add3A_71, %dma_wait3A_137] : memref<54x64xi32, #tpu.memory_space<vmem>> -> memref<1x64xi32, #tpu.memory_space<vmem>>
        %dma_wait3A_139 = tpu.memref_squeeze %dma_wait3A_138 : memref<1x64xi32, #tpu.memory_space<vmem>> -> memref<64xi32, #tpu.memory_space<vmem>>
        %dma_wait3A_140 = arith.constant 0 : i32
        %dma_wait3A_141 = arith.constant 0 : i32
        %dma_wait3A_142 = tpu.memref_slice %arg4[%dma_wait3A_140, %dma_wait3A_141] : memref<10240x128xf32, #tpu.memory_space<hbm>> -> memref<10240x128xf32, #tpu.memory_space<hbm>>
        tpu.wait_indirect_dma semaphore(%arg17 : memref<!tpu.dma_semaphore, #tpu.memory_space<semaphore_mem>>) src(%dma_wait3A_142 : memref<10240x128xf32, #tpu.memory_space<hbm>>) dst(%arg12 : memref<64x128xf32, #tpu.memory_space<vmem>>)
      } else {
      }
      %dma_start3A_117 = arith.constant 0 : i32
      %dma_start3A_118 = tpu.memref_slice %arg9[%add3A_71, %dma_start3A_117] : memref<54x64xi32, #tpu.memory_space<vmem>> -> memref<1x64xi32, #tpu.memory_space<vmem>>
      %dma_start3A_119 = tpu.memref_squeeze %dma_start3A_118 : memref<1x64xi32, #tpu.memory_space<vmem>> -> memref<64xi32, #tpu.memory_space<vmem>>
      %dma_start3A_120 = arith.constant 0 : i32
      %dma_start3A_121 = arith.constant 0 : i32
      %dma_start3A_122 = tpu.memref_slice %arg14[%dma_start3A_120, %dma_start3A_121] : memref<10240x128xf32, #tpu.memory_space<vmem_shared>> -> memref<10240x128xf32, #tpu.memory_space<vmem_shared>>
      tpu.enqueue_indirect_dma source(%arg12 : memref<64x128xf32, #tpu.memory_space<vmem>>) target(%dma_start3A_122 : memref<10240x128xf32, #tpu.memory_space<vmem_shared>>) offsets(%dma_start3A_119 : memref<64xi32, #tpu.memory_space<vmem>>) semaphore(%arg20 : memref<!tpu.dma_semaphore, #tpu.memory_space<semaphore_mem>>) {add = true}
      %dma_wait3A_123 = arith.constant 0 : i32
      %dma_wait3A_124 = tpu.memref_slice %arg9[%add3A_71, %dma_wait3A_123] : memref<54x64xi32, #tpu.memory_space<vmem>> -> memref<1x64xi32, #tpu.memory_space<vmem>>
      %dma_wait3A_125 = tpu.memref_squeeze %dma_wait3A_124 : memref<1x64xi32, #tpu.memory_space<vmem>> -> memref<64xi32, #tpu.memory_space<vmem>>
      %dma_wait3A_126 = arith.constant 0 : i32
      %dma_wait3A_127 = arith.constant 0 : i32
      %dma_wait3A_128 = tpu.memref_slice %arg14[%dma_wait3A_126, %dma_wait3A_127] : memref<10240x128xf32, #tpu.memory_space<vmem_shared>> -> memref<10240x128xf32, #tpu.memory_space<vmem_shared>>
      tpu.wait_indirect_dma semaphore(%arg20 : memref<!tpu.dma_semaphore, #tpu.memory_space<semaphore_mem>>) src(%arg12 : memref<64x128xf32, #tpu.memory_space<vmem>>) dst(%dma_wait3A_128 : memref<10240x128xf32, #tpu.memory_space<vmem_shared>>)
      %add3A_129 = arith.constant 3 : i32
      %add3A_130 = arith.addi %add3A_71, %add3A_129 : i32
      %lt3A_131 = arith.constant 54 : i32
      %lt3A_132 = arith.cmpi slt, %add3A_130, %lt3A_131 : i32
      %and3A_133 = arith.andi %gt3A_7, %lt3A_132 : i1
      %convert_element_type3A_134 = arith.extui %and3A_133 : i1 to i32
      %cond3A_135 = arith.constant 0 : i32
      %cond3A_136 = arith.cmpi ne, %convert_element_type3A_134, %cond3A_135 : i32
      scf.if %cond3A_136 {
        %add3A_137 = arith.constant 3 : i32
        %add3A_138 = arith.addi %add3A_71, %add3A_137 : i32
        %dma_start3A_139 = arith.constant 0 : i32
        %dma_start3A_140 = tpu.memref_slice %arg8[%add3A_138, %dma_start3A_139] : memref<54x64xi32, #tpu.memory_space<vmem>> -> memref<1x64xi32, #tpu.memory_space<vmem>>
        %dma_start3A_141 = tpu.memref_squeeze %dma_start3A_140 : memref<1x64xi32, #tpu.memory_space<vmem>> -> memref<64xi32, #tpu.memory_space<vmem>>
        %dma_start3A_142 = arith.constant 0 : i32
        %dma_start3A_143 = arith.constant 0 : i32
        %dma_start3A_144 = tpu.memref_slice %arg4[%dma_start3A_142, %dma_start3A_143] : memref<10240x128xf32, #tpu.memory_space<hbm>> -> memref<10240x128xf32, #tpu.memory_space<hbm>>
        tpu.enqueue_indirect_dma source(%dma_start3A_144 : memref<10240x128xf32, #tpu.memory_space<hbm>>) target(%arg12 : memref<64x128xf32, #tpu.memory_space<vmem>>) offsets(%dma_start3A_141 : memref<64xi32, #tpu.memory_space<vmem>>) semaphore(%arg17 : memref<!tpu.dma_semaphore, #tpu.memory_space<semaphore_mem>>)
      } else {
      }
    }
    %scan3A_59 = arith.constant 18 : i32
    %barrier3A_60 = arith.constant 0 : index
    tpu.barrier barrier_id(%barrier3A_60)
    %mul3A_61 = arith.constant 640 : i32
    %mul3A_62 = arith.muli %arg1, %mul3A_61 : i32
    %mul3A_63 = arith.constant 640 : i32
    %mul3A_64 = arith.muli %arg1, %mul3A_63 : i32
    "tpu.region"() ({
      %run_scoped3A = tpu.sem_alloc : memref<!tpu.dma_semaphore, #tpu.memory_space<semaphore_mem>>
      %dma_start3A = arith.constant 0 : i32
      %dma_start3A_65 = tpu.memref_slice %arg7[%arg0, %mul3A_64, %dma_start3A] : memref<2x10240x128xf32, #tpu.memory_space<hbm>> -> memref<1x640x128xf32, #tpu.memory_space<hbm>>
      %dma_start3A_66 = tpu.memref_squeeze %dma_start3A_65 : memref<1x640x128xf32, #tpu.memory_space<hbm>> -> memref<640x128xf32, #tpu.memory_space<hbm>>
      %dma_start3A_67 = arith.constant 0 : i32
      %dma_start3A_68 = tpu.memref_slice %arg14[%mul3A_62, %dma_start3A_67] : memref<10240x128xf32, #tpu.memory_space<vmem_shared>> -> memref<640x128xf32, #tpu.memory_space<vmem_shared>>
      tpu.enqueue_dma source(%dma_start3A_68 : memref<640x128xf32, #tpu.memory_space<vmem_shared>>) target(%dma_start3A_66 : memref<640x128xf32, #tpu.memory_space<hbm>>) target_semaphore(%run_scoped3A : memref<!tpu.dma_semaphore, #tpu.memory_space<semaphore_mem>>)
      %dma_wait3A = arith.constant 0 : i32
      %dma_wait3A_69 = tpu.memref_slice %arg7[%arg0, %mul3A_64, %dma_wait3A] : memref<2x10240x128xf32, #tpu.memory_space<hbm>> -> memref<1x640x128xf32, #tpu.memory_space<hbm>>
      %dma_wait3A_70 = tpu.memref_squeeze %dma_wait3A_69 : memref<1x640x128xf32, #tpu.memory_space<hbm>> -> memref<640x128xf32, #tpu.memory_space<hbm>>
      %dma_wait3A_71 = arith.constant 0 : i32
      %dma_wait3A_72 = tpu.memref_slice %arg14[%mul3A_62, %dma_wait3A_71] : memref<10240x128xf32, #tpu.memory_space<vmem_shared>> -> memref<640x128xf32, #tpu.memory_space<vmem_shared>>
      tpu.wait_dma2 semaphore(%run_scoped3A : memref<!tpu.dma_semaphore, #tpu.memory_space<semaphore_mem>>) src(%dma_wait3A_72 : memref<640x128xf32, #tpu.memory_space<vmem_shared>>) dst(%dma_wait3A_70 : memref<640x128xf32, #tpu.memory_space<hbm>>)
      tpu.yield
    }) : () -> ()
    return
  }
}

#map = affine_map<(d0, d1) -> (0, 0, 0)>
#map1 = affine_map<(d0, d1) -> (0, 0)>
#map2 = affine_map<(d0, d1) -> (0)>
module attributes {stable_mosaic.version = 14 : i64} {
  func.func @_scat_body(%arg0: i32, %arg1: i32, %arg2: memref<96x54x64xi32, #tpu.memory_space<hbm>>, %arg3: memref<96x54x64xi32, #tpu.memory_space<hbm>>, %arg4: memref<10240x128xf32, #tpu.memory_space<hbm>>, %arg5: memref<10240x128xf32, #tpu.memory_space<hbm>>, %arg6: memref<16xi32, #tpu.memory_space<hbm>>, %arg7: memref<2x10240x128xf32, #tpu.memory_space<hbm>>, %arg8: memref<54x64xi32, #tpu.memory_space<vmem>>, %arg9: memref<54x64xi32, #tpu.memory_space<vmem>>, %arg10: memref<64x128xf32, #tpu.memory_space<vmem>>, %arg11: memref<64x128xf32, #tpu.memory_space<vmem>>, %arg12: memref<64x128xf32, #tpu.memory_space<vmem>>, %arg13: memref<16xi32, #tpu.memory_space<vmem>>, %arg14: memref<10240x128xf32, #tpu.memory_space<vmem_shared>>, %arg15: memref<!tpu.dma_semaphore, #tpu.memory_space<semaphore_mem>>, %arg16: memref<!tpu.dma_semaphore, #tpu.memory_space<semaphore_mem>>, %arg17: memref<!tpu.dma_semaphore, #tpu.memory_space<semaphore_mem>>, %arg18: memref<!tpu.dma_semaphore, #tpu.memory_space<semaphore_mem>>, %arg19: memref<!tpu.dma_semaphore, #tpu.memory_space<semaphore_mem>>, %arg20: memref<!tpu.dma_semaphore, #tpu.memory_space<semaphore_mem>>) attributes {dimension_semantics = [#tpu.dimension_semantics<core_parallel>, #tpu.dimension_semantics<subcore_parallel>], iteration_bounds = array<i64: 2, 16>, scalar_prefetch = 0 : i64, scratch_operands = 13 : i64, tpu.core_type = #tpu.core_type<sc_vector_subcore>, window_params = [{transform_indices = #map}, {transform_indices = #map}, {transform_indices = #map1}, {transform_indices = #map1}, {transform_indices = #map2}, {transform_indices = #map}]} {
    %mul3A = arith.constant 16 : i32
    %mul3A_0 = arith.muli %arg0, %mul3A : i32
    %add3A = arith.addi %mul3A_0, %arg1 : i32
    %mul3A_1 = arith.constant 640 : i32
    %mul3A_2 = arith.muli %arg1, %mul3A_1 : i32
    %mul3A_3 = arith.constant 640 : i32
    %mul3A_4 = arith.muli %arg1, %mul3A_3 : i32
    "tpu.region"() ({
      %run_scoped3A = tpu.sem_alloc : memref<!tpu.dma_semaphore, #tpu.memory_space<semaphore_mem>>
      %dma_start3A = arith.constant 0 : i32
      %dma_start3A_65 = tpu.memref_slice %arg14[%mul3A_4, %dma_start3A] : memref<10240x128xf32, #tpu.memory_space<vmem_shared>> -> memref<640x128xf32, #tpu.memory_space<vmem_shared>>
      %dma_start3A_66 = arith.constant 0 : i32
      %dma_start3A_67 = tpu.memref_slice %arg5[%mul3A_2, %dma_start3A_66] : memref<10240x128xf32, #tpu.memory_space<hbm>> -> memref<640x128xf32, #tpu.memory_space<hbm>>
      tpu.enqueue_dma source(%dma_start3A_67 : memref<640x128xf32, #tpu.memory_space<hbm>>) target(%dma_start3A_65 : memref<640x128xf32, #tpu.memory_space<vmem_shared>>) target_semaphore(%run_scoped3A : memref<!tpu.dma_semaphore, #tpu.memory_space<semaphore_mem>>)
      %dma_wait3A = arith.constant 0 : i32
      %dma_wait3A_68 = tpu.memref_slice %arg14[%mul3A_4, %dma_wait3A] : memref<10240x128xf32, #tpu.memory_space<vmem_shared>> -> memref<640x128xf32, #tpu.memory_space<vmem_shared>>
      %dma_wait3A_69 = arith.constant 0 : i32
      %dma_wait3A_70 = tpu.memref_slice %arg5[%mul3A_2, %dma_wait3A_69] : memref<10240x128xf32, #tpu.memory_space<hbm>> -> memref<640x128xf32, #tpu.memory_space<hbm>>
      tpu.wait_dma2 semaphore(%run_scoped3A : memref<!tpu.dma_semaphore, #tpu.memory_space<semaphore_mem>>) src(%dma_wait3A_70 : memref<640x128xf32, #tpu.memory_space<hbm>>) dst(%dma_wait3A_68 : memref<640x128xf32, #tpu.memory_space<vmem_shared>>)
      tpu.yield
    }) : () -> ()
    "tpu.region"() ({
      %run_scoped3A = tpu.sem_alloc : memref<!tpu.dma_semaphore, #tpu.memory_space<semaphore_mem>>
      tpu.enqueue_dma source(%arg6 : memref<16xi32, #tpu.memory_space<hbm>>) target(%arg13 : memref<16xi32, #tpu.memory_space<vmem>>) target_semaphore(%run_scoped3A : memref<!tpu.dma_semaphore, #tpu.memory_space<semaphore_mem>>)
      tpu.wait_dma2 semaphore(%run_scoped3A : memref<!tpu.dma_semaphore, #tpu.memory_space<semaphore_mem>>) src(%arg6 : memref<16xi32, #tpu.memory_space<hbm>>) dst(%arg13 : memref<16xi32, #tpu.memory_space<vmem>>)
      tpu.yield
    }) : () -> ()
    %get3A = arith.constant 0 : index
    %get3A_5 = tpu.vector_load %arg13[%get3A] {strides = array<i32>} : memref<16xi32, #tpu.memory_space<vmem>>, vector<16xi32>,
    %get3A_6 = vector.shape_cast %get3A_5 : vector<16xi32> to vector<16xi32>
    %slice3A = vector.extract_strided_slice %get3A_6 {offsets = [0], sizes = [1], strides = [1]} : vector<16xi32> to vector<1xi32>
    %squeeze3A = vector.extract %slice3A[0] : i32 from vector<1xi32>
    %gt3A = arith.constant 0 : i32
    %gt3A_7 = arith.cmpi sgt, %squeeze3A, %gt3A : i32
    %not3A = arith.constant true
    %not3A_8 = arith.xori %gt3A_7, %not3A : i1
    %convert_element_type3A = arith.extui %not3A_8 : i1 to i32
    %cond3A = arith.constant 0 : i32
    %cond3A_9 = arith.cmpi ne, %convert_element_type3A, %cond3A : i32
    scf.if %cond3A_9 {
      "tpu.region"() ({
        %run_scoped3A = tpu.sem_alloc : memref<!tpu.dma_semaphore, #tpu.memory_space<semaphore_mem>>
        %dma_start3A = arith.constant 0 : i32
        %dma_start3A_65 = arith.constant 0 : i32
        %dma_start3A_66 = tpu.memref_slice %arg4[%dma_start3A, %dma_start3A_65] : memref<10240x128xf32, #tpu.memory_space<hbm>> -> memref<64x128xf32, #tpu.memory_space<hbm>>
        %dma_start3A_67 = arith.constant 0 : i32
        %dma_start3A_68 = arith.constant 0 : i32
        %dma_start3A_69 = tpu.memref_slice %arg4[%dma_start3A_67, %dma_start3A_68] : memref<10240x128xf32, #tpu.memory_space<hbm>> -> memref<64x128xf32, #tpu.memory_space<hbm>>
        tpu.enqueue_dma source(%dma_start3A_69 : memref<64x128xf32, #tpu.memory_space<hbm>>) target(%arg10 : memref<64x128xf32, #tpu.memory_space<vmem>>) target_semaphore(%run_scoped3A : memref<!tpu.dma_semaphore, #tpu.memory_space<semaphore_mem>>)
        %dma_wait3A = arith.constant 0 : i32
        %dma_wait3A_70 = arith.constant 0 : i32
        %dma_wait3A_71 = tpu.memref_slice %arg4[%dma_wait3A, %dma_wait3A_70] : memref<10240x128xf32, #tpu.memory_space<hbm>> -> memref<64x128xf32, #tpu.memory_space<hbm>>
        %dma_wait3A_72 = arith.constant 0 : i32
        %dma_wait3A_73 = arith.constant 0 : i32
        %dma_wait3A_74 = tpu.memref_slice %arg4[%dma_wait3A_72, %dma_wait3A_73] : memref<10240x128xf32, #tpu.memory_space<hbm>> -> memref<64x128xf32, #tpu.memory_space<hbm>>
        tpu.wait_dma2 semaphore(%run_scoped3A : memref<!tpu.dma_semaphore, #tpu.memory_space<semaphore_mem>>) src(%dma_wait3A_74 : memref<64x128xf32, #tpu.memory_space<hbm>>) dst(%arg10 : memref<64x128xf32, #tpu.memory_space<vmem>>)
        tpu.yield
      }) : () -> ()
      "tpu.region"() ({
        %run_scoped3A = tpu.sem_alloc : memref<!tpu.dma_semaphore, #tpu.memory_space<semaphore_mem>>
        %dma_start3A = arith.constant 0 : i32
        %dma_start3A_65 = arith.constant 0 : i32
        %dma_start3A_66 = tpu.memref_slice %arg4[%dma_start3A, %dma_start3A_65] : memref<10240x128xf32, #tpu.memory_space<hbm>> -> memref<64x128xf32, #tpu.memory_space<hbm>>
        %dma_start3A_67 = arith.constant 0 : i32
        %dma_start3A_68 = arith.constant 0 : i32
        %dma_start3A_69 = tpu.memref_slice %arg4[%dma_start3A_67, %dma_start3A_68] : memref<10240x128xf32, #tpu.memory_space<hbm>> -> memref<64x128xf32, #tpu.memory_space<hbm>>
        tpu.enqueue_dma source(%dma_start3A_69 : memref<64x128xf32, #tpu.memory_space<hbm>>) target(%arg11 : memref<64x128xf32, #tpu.memory_space<vmem>>) target_semaphore(%run_scoped3A : memref<!tpu.dma_semaphore, #tpu.memory_space<semaphore_mem>>)
        %dma_wait3A = arith.constant 0 : i32
        %dma_wait3A_70 = arith.constant 0 : i32
        %dma_wait3A_71 = tpu.memref_slice %arg4[%dma_wait3A, %dma_wait3A_70] : memref<10240x128xf32, #tpu.memory_space<hbm>> -> memref<64x128xf32, #tpu.memory_space<hbm>>
        %dma_wait3A_72 = arith.constant 0 : i32
        %dma_wait3A_73 = arith.constant 0 : i32
        %dma_wait3A_74 = tpu.memref_slice %arg4[%dma_wait3A_72, %dma_wait3A_73] : memref<10240x128xf32, #tpu.memory_space<hbm>> -> memref<64x128xf32, #tpu.memory_space<hbm>>
        tpu.wait_dma2 semaphore(%run_scoped3A : memref<!tpu.dma_semaphore, #tpu.memory_space<semaphore_mem>>) src(%dma_wait3A_74 : memref<64x128xf32, #tpu.memory_space<hbm>>) dst(%arg11 : memref<64x128xf32, #tpu.memory_space<vmem>>)
        tpu.yield
      }) : () -> ()
      "tpu.region"() ({
        %run_scoped3A = tpu.sem_alloc : memref<!tpu.dma_semaphore, #tpu.memory_space<semaphore_mem>>
        %dma_start3A = arith.constant 0 : i32
        %dma_start3A_65 = arith.constant 0 : i32
        %dma_start3A_66 = tpu.memref_slice %arg4[%dma_start3A, %dma_start3A_65] : memref<10240x128xf32, #tpu.memory_space<hbm>> -> memref<64x128xf32, #tpu.memory_space<hbm>>
        %dma_start3A_67 = arith.constant 0 : i32
        %dma_start3A_68 = arith.constant 0 : i32
        %dma_start3A_69 = tpu.memref_slice %arg4[%dma_start3A_67, %dma_start3A_68] : memref<10240x128xf32, #tpu.memory_space<hbm>> -> memref<64x128xf32, #tpu.memory_space<hbm>>
        tpu.enqueue_dma source(%dma_start3A_69 : memref<64x128xf32, #tpu.memory_space<hbm>>) target(%arg12 : memref<64x128xf32, #tpu.memory_space<vmem>>) target_semaphore(%run_scoped3A : memref<!tpu.dma_semaphore, #tpu.memory_space<semaphore_mem>>)
        %dma_wait3A = arith.constant 0 : i32
        %dma_wait3A_70 = arith.constant 0 : i32
        %dma_wait3A_71 = tpu.memref_slice %arg4[%dma_wait3A, %dma_wait3A_70] : memref<10240x128xf32, #tpu.memory_space<hbm>> -> memref<64x128xf32, #tpu.memory_space<hbm>>
        %dma_wait3A_72 = arith.constant 0 : i32
        %dma_wait3A_73 = arith.constant 0 : i32
        %dma_wait3A_74 = tpu.memref_slice %arg4[%dma_wait3A_72, %dma_wait3A_73] : memref<10240x128xf32, #tpu.memory_space<hbm>> -> memref<64x128xf32, #tpu.memory_space<hbm>>
        tpu.wait_dma2 semaphore(%run_scoped3A : memref<!tpu.dma_semaphore, #tpu.memory_space<semaphore_mem>>) src(%dma_wait3A_74 : memref<64x128xf32, #tpu.memory_space<hbm>>) dst(%arg12 : memref<64x128xf32, #tpu.memory_space<vmem>>)
        tpu.yield
      }) : () -> ()
    } else {
    }
    %barrier3A = arith.constant 0 : index
    tpu.barrier barrier_id(%barrier3A)
    %mul3A_10 = arith.constant 3 : i32
    %mul3A_11 = arith.muli %add3A, %mul3A_10 : i32
    %add3A_12 = arith.constant 0 : i32
    %add3A_13 = arith.addi %mul3A_11, %add3A_12 : i32
    "tpu.region"() ({
      %run_scoped3A = tpu.sem_alloc : memref<!tpu.dma_semaphore, #tpu.memory_space<semaphore_mem>>
      %dma_start3A = arith.constant 0 : i32
      %dma_start3A_65 = arith.constant 0 : i32
      %dma_start3A_66 = tpu.memref_slice %arg2[%add3A_13, %dma_start3A, %dma_start3A_65] : memref<96x54x64xi32, #tpu.memory_space<hbm>> -> memref<1x54x64xi32, #tpu.memory_space<hbm>>
      %dma_start3A_67 = tpu.memref_squeeze %dma_start3A_66 : memref<1x54x64xi32, #tpu.memory_space<hbm>> -> memref<54x64xi32, #tpu.memory_space<hbm>>
      %dma_start3A_68 = arith.constant 0 : i32
      %dma_start3A_69 = arith.constant 0 : i32
      %dma_start3A_70 = tpu.memref_slice %arg2[%add3A_13, %dma_start3A_68, %dma_start3A_69] : memref<96x54x64xi32, #tpu.memory_space<hbm>> -> memref<1x54x64xi32, #tpu.memory_space<hbm>>
      %dma_start3A_71 = tpu.memref_squeeze %dma_start3A_70 : memref<1x54x64xi32, #tpu.memory_space<hbm>> -> memref<54x64xi32, #tpu.memory_space<hbm>>
      tpu.enqueue_dma source(%dma_start3A_71 : memref<54x64xi32, #tpu.memory_space<hbm>>) target(%arg8 : memref<54x64xi32, #tpu.memory_space<vmem>>) target_semaphore(%run_scoped3A : memref<!tpu.dma_semaphore, #tpu.memory_space<semaphore_mem>>)
      %dma_wait3A = arith.constant 0 : i32
      %dma_wait3A_72 = arith.constant 0 : i32
      %dma_wait3A_73 = tpu.memref_slice %arg2[%add3A_13, %dma_wait3A, %dma_wait3A_72] : memref<96x54x64xi32, #tpu.memory_space<hbm>> -> memref<1x54x64xi32, #tpu.memory_space<hbm>>
      %dma_wait3A_74 = tpu.memref_squeeze %dma_wait3A_73 : memref<1x54x64xi32, #tpu.memory_space<hbm>> -> memref<54x64xi32, #tpu.memory_space<hbm>>
      %dma_wait3A_75 = arith.constant 0 : i32
      %dma_wait3A_76 = arith.constant 0 : i32
      %dma_wait3A_77 = tpu.memref_slice %arg2[%add3A_13, %dma_wait3A_75, %dma_wait3A_76] : memref<96x54x64xi32, #tpu.memory_space<hbm>> -> memref<1x54x64xi32, #tpu.memory_space<hbm>>
      %dma_wait3A_78 = tpu.memref_squeeze %dma_wait3A_77 : memref<1x54x64xi32, #tpu.memory_space<hbm>> -> memref<54x64xi32, #tpu.memory_space<hbm>>
      tpu.wait_dma2 semaphore(%run_scoped3A : memref<!tpu.dma_semaphore, #tpu.memory_space<semaphore_mem>>) src(%dma_wait3A_78 : memref<54x64xi32, #tpu.memory_space<hbm>>) dst(%arg8 : memref<54x64xi32, #tpu.memory_space<vmem>>)
      tpu.yield
    }) : () -> ()
    %mul3A_14 = arith.constant 3 : i32
    %mul3A_15 = arith.muli %add3A, %mul3A_14 : i32
    %add3A_16 = arith.constant 0 : i32
    %add3A_17 = arith.addi %mul3A_15, %add3A_16 : i32
    "tpu.region"() ({
      %run_scoped3A = tpu.sem_alloc : memref<!tpu.dma_semaphore, #tpu.memory_space<semaphore_mem>>
      %dma_start3A = arith.constant 0 : i32
      %dma_start3A_65 = arith.constant 0 : i32
      %dma_start3A_66 = tpu.memref_slice %arg3[%add3A_17, %dma_start3A, %dma_start3A_65] : memref<96x54x64xi32, #tpu.memory_space<hbm>> -> memref<1x54x64xi32, #tpu.memory_space<hbm>>
      %dma_start3A_67 = tpu.memref_squeeze %dma_start3A_66 : memref<1x54x64xi32, #tpu.memory_space<hbm>> -> memref<54x64xi32, #tpu.memory_space<hbm>>
      %dma_start3A_68 = arith.constant 0 : i32
      %dma_start3A_69 = arith.constant 0 : i32
      %dma_start3A_70 = tpu.memref_slice %arg3[%add3A_17, %dma_start3A_68, %dma_start3A_69] : memref<96x54x64xi32, #tpu.memory_space<hbm>> -> memref<1x54x64xi32, #tpu.memory_space<hbm>>
      %dma_start3A_71 = tpu.memref_squeeze %dma_start3A_70 : memref<1x54x64xi32, #tpu.memory_space<hbm>> -> memref<54x64xi32, #tpu.memory_space<hbm>>
      tpu.enqueue_dma source(%dma_start3A_71 : memref<54x64xi32, #tpu.memory_space<hbm>>) target(%arg9 : memref<54x64xi32, #tpu.memory_space<vmem>>) target_semaphore(%run_scoped3A : memref<!tpu.dma_semaphore, #tpu.memory_space<semaphore_mem>>)
      %dma_wait3A = arith.constant 0 : i32
      %dma_wait3A_72 = arith.constant 0 : i32
      %dma_wait3A_73 = tpu.memref_slice %arg3[%add3A_17, %dma_wait3A, %dma_wait3A_72] : memref<96x54x64xi32, #tpu.memory_space<hbm>> -> memref<1x54x64xi32, #tpu.memory_space<hbm>>
      %dma_wait3A_74 = tpu.memref_squeeze %dma_wait3A_73 : memref<1x54x64xi32, #tpu.memory_space<hbm>> -> memref<54x64xi32, #tpu.memory_space<hbm>>
      %dma_wait3A_75 = arith.constant 0 : i32
      %dma_wait3A_76 = arith.constant 0 : i32
      %dma_wait3A_77 = tpu.memref_slice %arg3[%add3A_17, %dma_wait3A_75, %dma_wait3A_76] : memref<96x54x64xi32, #tpu.memory_space<hbm>> -> memref<1x54x64xi32, #tpu.memory_space<hbm>>
      %dma_wait3A_78 = tpu.memref_squeeze %dma_wait3A_77 : memref<1x54x64xi32, #tpu.memory_space<hbm>> -> memref<54x64xi32, #tpu.memory_space<hbm>>
      tpu.wait_dma2 semaphore(%run_scoped3A : memref<!tpu.dma_semaphore, #tpu.memory_space<semaphore_mem>>) src(%dma_wait3A_78 : memref<54x64xi32, #tpu.memory_space<hbm>>) dst(%arg9 : memref<54x64xi32, #tpu.memory_space<vmem>>)
      tpu.yield
    }) : () -> ()
    %convert_element_type3A_18 = arith.extui %gt3A_7 : i1 to i32
    %cond3A_19 = arith.constant 0 : i32
    %cond3A_20 = arith.cmpi ne, %convert_element_type3A_18, %cond3A_19 : i32
    scf.if %cond3A_20 {
      %dma_start3A = arith.constant 0 : i32
      %dma_start3A_65 = arith.constant 0 : i32
      %dma_start3A_66 = tpu.memref_slice %arg8[%dma_start3A, %dma_start3A_65] : memref<54x64xi32, #tpu.memory_space<vmem>> -> memref<1x64xi32, #tpu.memory_space<vmem>>
      %dma_start3A_67 = tpu.memref_squeeze %dma_start3A_66 : memref<1x64xi32, #tpu.memory_space<vmem>> -> memref<64xi32, #tpu.memory_space<vmem>>
      %dma_start3A_68 = arith.constant 0 : i32
      %dma_start3A_69 = arith.constant 0 : i32
      %dma_start3A_70 = tpu.memref_slice %arg4[%dma_start3A_68, %dma_start3A_69] : memref<10240x128xf32, #tpu.memory_space<hbm>> -> memref<10240x128xf32, #tpu.memory_space<hbm>>
      tpu.enqueue_indirect_dma source(%dma_start3A_70 : memref<10240x128xf32, #tpu.memory_space<hbm>>) target(%arg10 : memref<64x128xf32, #tpu.memory_space<vmem>>) offsets(%dma_start3A_67 : memref<64xi32, #tpu.memory_space<vmem>>) semaphore(%arg15 : memref<!tpu.dma_semaphore, #tpu.memory_space<semaphore_mem>>)
      %dma_start3A_71 = arith.constant 1 : i32
      %dma_start3A_72 = arith.constant 0 : i32
      %dma_start3A_73 = tpu.memref_slice %arg8[%dma_start3A_71, %dma_start3A_72] : memref<54x64xi32, #tpu.memory_space<vmem>> -> memref<1x64xi32, #tpu.memory_space<vmem>>
      %dma_start3A_74 = tpu.memref_squeeze %dma_start3A_73 : memref<1x64xi32, #tpu.memory_space<vmem>> -> memref<64xi32, #tpu.memory_space<vmem>>
      %dma_start3A_75 = arith.constant 0 : i32
      %dma_start3A_76 = arith.constant 0 : i32
      %dma_start3A_77 = tpu.memref_slice %arg4[%dma_start3A_75, %dma_start3A_76] : memref<10240x128xf32, #tpu.memory_space<hbm>> -> memref<10240x128xf32, #tpu.memory_space<hbm>>
      tpu.enqueue_indirect_dma source(%dma_start3A_77 : memref<10240x128xf32, #tpu.memory_space<hbm>>) target(%arg11 : memref<64x128xf32, #tpu.memory_space<vmem>>) offsets(%dma_start3A_74 : memref<64xi32, #tpu.memory_space<vmem>>) semaphore(%arg16 : memref<!tpu.dma_semaphore, #tpu.memory_space<semaphore_mem>>)
      %dma_start3A_78 = arith.constant 2 : i32
      %dma_start3A_79 = arith.constant 0 : i32
      %dma_start3A_80 = tpu.memref_slice %arg8[%dma_start3A_78, %dma_start3A_79] : memref<54x64xi32, #tpu.memory_space<vmem>> -> memref<1x64xi32, #tpu.memory_space<vmem>>
      %dma_start3A_81 = tpu.memref_squeeze %dma_start3A_80 : memref<1x64xi32, #tpu.memory_space<vmem>> -> memref<64xi32, #tpu.memory_space<vmem>>
      %dma_start3A_82 = arith.constant 0 : i32
      %dma_start3A_83 = arith.constant 0 : i32
      %dma_start3A_84 = tpu.memref_slice %arg4[%dma_start3A_82, %dma_start3A_83] : memref<10240x128xf32, #tpu.memory_space<hbm>> -> memref<10240x128xf32, #tpu.memory_space<hbm>>
      tpu.enqueue_indirect_dma source(%dma_start3A_84 : memref<10240x128xf32, #tpu.memory_space<hbm>>) target(%arg12 : memref<64x128xf32, #tpu.memory_space<vmem>>) offsets(%dma_start3A_81 : memref<64xi32, #tpu.memory_space<vmem>>) semaphore(%arg17 : memref<!tpu.dma_semaphore, #tpu.memory_space<semaphore_mem>>)
    } else {
    }
    %scan3A = arith.constant 0 : i32
    %scan3A_21 = arith.constant 0 : i32
    %scan3A_22 = arith.constant 18 : i32
    %scan3A_23 = arith.addi %scan3A_21, %scan3A_22 : i32
    %scan3A_24 = arith.constant 1 : i32
    scf.for %scan3A_65 = %scan3A_21 to %scan3A_23 step %scan3A_24  : i32 {
      %mul3A_66 = arith.constant 3 : i32
      %mul3A_67 = arith.muli %mul3A_66, %scan3A_65 : i32
      %add3A_68 = arith.constant 1 : i32
      %add3A_69 = arith.addi %mul3A_67, %add3A_68 : i32
      %add3A_70 = arith.constant 2 : i32
      %add3A_71 = arith.addi %mul3A_67, %add3A_70 : i32
      %convert_element_type3A_72 = arith.extui %gt3A_7 : i1 to i32
      %cond3A_73 = arith.constant 0 : i32
      %cond3A_74 = arith.cmpi ne, %convert_element_type3A_72, %cond3A_73 : i32
      scf.if %cond3A_74 {
        %dma_wait3A_137 = arith.constant 0 : i32
        %dma_wait3A_138 = tpu.memref_slice %arg8[%mul3A_67, %dma_wait3A_137] : memref<54x64xi32, #tpu.memory_space<vmem>> -> memref<1x64xi32, #tpu.memory_space<vmem>>
        %dma_wait3A_139 = tpu.memref_squeeze %dma_wait3A_138 : memref<1x64xi32, #tpu.memory_space<vmem>> -> memref<64xi32, #tpu.memory_space<vmem>>
        %dma_wait3A_140 = arith.constant 0 : i32
        %dma_wait3A_141 = arith.constant 0 : i32
        %dma_wait3A_142 = tpu.memref_slice %arg4[%dma_wait3A_140, %dma_wait3A_141] : memref<10240x128xf32, #tpu.memory_space<hbm>> -> memref<10240x128xf32, #tpu.memory_space<hbm>>
        tpu.wait_indirect_dma semaphore(%arg15 : memref<!tpu.dma_semaphore, #tpu.memory_space<semaphore_mem>>) src(%dma_wait3A_142 : memref<10240x128xf32, #tpu.memory_space<hbm>>) dst(%arg10 : memref<64x128xf32, #tpu.memory_space<vmem>>)
      } else {
      }
      %dma_start3A = arith.constant 0 : i32
      %dma_start3A_75 = tpu.memref_slice %arg9[%mul3A_67, %dma_start3A] : memref<54x64xi32, #tpu.memory_space<vmem>> -> memref<1x64xi32, #tpu.memory_space<vmem>>
      %dma_start3A_76 = tpu.memref_squeeze %dma_start3A_75 : memref<1x64xi32, #tpu.memory_space<vmem>> -> memref<64xi32, #tpu.memory_space<vmem>>
      %dma_start3A_77 = arith.constant 0 : i32
      %dma_start3A_78 = arith.constant 0 : i32
      %dma_start3A_79 = tpu.memref_slice %arg14[%dma_start3A_77, %dma_start3A_78] : memref<10240x128xf32, #tpu.memory_space<vmem_shared>> -> memref<10240x128xf32, #tpu.memory_space<vmem_shared>>
      tpu.enqueue_indirect_dma source(%arg10 : memref<64x128xf32, #tpu.memory_space<vmem>>) target(%dma_start3A_79 : memref<10240x128xf32, #tpu.memory_space<vmem_shared>>) offsets(%dma_start3A_76 : memref<64xi32, #tpu.memory_space<vmem>>) semaphore(%arg18 : memref<!tpu.dma_semaphore, #tpu.memory_space<semaphore_mem>>) {add = true}
      %dma_wait3A = arith.constant 0 : i32
      %dma_wait3A_80 = tpu.memref_slice %arg9[%mul3A_67, %dma_wait3A] : memref<54x64xi32, #tpu.memory_space<vmem>> -> memref<1x64xi32, #tpu.memory_space<vmem>>
      %dma_wait3A_81 = tpu.memref_squeeze %dma_wait3A_80 : memref<1x64xi32, #tpu.memory_space<vmem>> -> memref<64xi32, #tpu.memory_space<vmem>>
      %dma_wait3A_82 = arith.constant 0 : i32
      %dma_wait3A_83 = arith.constant 0 : i32
      %dma_wait3A_84 = tpu.memref_slice %arg14[%dma_wait3A_82, %dma_wait3A_83] : memref<10240x128xf32, #tpu.memory_space<vmem_shared>> -> memref<10240x128xf32, #tpu.memory_space<vmem_shared>>
      tpu.wait_indirect_dma semaphore(%arg18 : memref<!tpu.dma_semaphore, #tpu.memory_space<semaphore_mem>>) src(%arg10 : memref<64x128xf32, #tpu.memory_space<vmem>>) dst(%dma_wait3A_84 : memref<10240x128xf32, #tpu.memory_space<vmem_shared>>)
      %add3A_85 = arith.constant 3 : i32
      %add3A_86 = arith.addi %mul3A_67, %add3A_85 : i32
      %lt3A = arith.constant 54 : i32
      %lt3A_87 = arith.cmpi slt, %add3A_86, %lt3A : i32
      %and3A = arith.andi %gt3A_7, %lt3A_87 : i1
      %convert_element_type3A_88 = arith.extui %and3A : i1 to i32
      %cond3A_89 = arith.constant 0 : i32
      %cond3A_90 = arith.cmpi ne, %convert_element_type3A_88, %cond3A_89 : i32
      scf.if %cond3A_90 {
        %add3A_137 = arith.constant 3 : i32
        %add3A_138 = arith.addi %mul3A_67, %add3A_137 : i32
        %dma_start3A_139 = arith.constant 0 : i32
        %dma_start3A_140 = tpu.memref_slice %arg8[%add3A_138, %dma_start3A_139] : memref<54x64xi32, #tpu.memory_space<vmem>> -> memref<1x64xi32, #tpu.memory_space<vmem>>
        %dma_start3A_141 = tpu.memref_squeeze %dma_start3A_140 : memref<1x64xi32, #tpu.memory_space<vmem>> -> memref<64xi32, #tpu.memory_space<vmem>>
        %dma_start3A_142 = arith.constant 0 : i32
        %dma_start3A_143 = arith.constant 0 : i32
        %dma_start3A_144 = tpu.memref_slice %arg4[%dma_start3A_142, %dma_start3A_143] : memref<10240x128xf32, #tpu.memory_space<hbm>> -> memref<10240x128xf32, #tpu.memory_space<hbm>>
        tpu.enqueue_indirect_dma source(%dma_start3A_144 : memref<10240x128xf32, #tpu.memory_space<hbm>>) target(%arg10 : memref<64x128xf32, #tpu.memory_space<vmem>>) offsets(%dma_start3A_141 : memref<64xi32, #tpu.memory_space<vmem>>) semaphore(%arg15 : memref<!tpu.dma_semaphore, #tpu.memory_space<semaphore_mem>>)
      } else {
      }
      %convert_element_type3A_91 = arith.extui %gt3A_7 : i1 to i32
      %cond3A_92 = arith.constant 0 : i32
      %cond3A_93 = arith.cmpi ne, %convert_element_type3A_91, %cond3A_92 : i32
      scf.if %cond3A_93 {
        %dma_wait3A_137 = arith.constant 0 : i32
        %dma_wait3A_138 = tpu.memref_slice %arg8[%add3A_69, %dma_wait3A_137] : memref<54x64xi32, #tpu.memory_space<vmem>> -> memref<1x64xi32, #tpu.memory_space<vmem>>
        %dma_wait3A_139 = tpu.memref_squeeze %dma_wait3A_138 : memref<1x64xi32, #tpu.memory_space<vmem>> -> memref<64xi32, #tpu.memory_space<vmem>>
        %dma_wait3A_140 = arith.constant 0 : i32
        %dma_wait3A_141 = arith.constant 0 : i32
        %dma_wait3A_142 = tpu.memref_slice %arg4[%dma_wait3A_140, %dma_wait3A_141] : memref<10240x128xf32, #tpu.memory_space<hbm>> -> memref<10240x128xf32, #tpu.memory_space<hbm>>
        tpu.wait_indirect_dma semaphore(%arg16 : memref<!tpu.dma_semaphore, #tpu.memory_space<semaphore_mem>>) src(%dma_wait3A_142 : memref<10240x128xf32, #tpu.memory_space<hbm>>) dst(%arg11 : memref<64x128xf32, #tpu.memory_space<vmem>>)
      } else {
      }
      %dma_start3A_94 = arith.constant 0 : i32
      %dma_start3A_95 = tpu.memref_slice %arg9[%add3A_69, %dma_start3A_94] : memref<54x64xi32, #tpu.memory_space<vmem>> -> memref<1x64xi32, #tpu.memory_space<vmem>>
      %dma_start3A_96 = tpu.memref_squeeze %dma_start3A_95 : memref<1x64xi32, #tpu.memory_space<vmem>> -> memref<64xi32, #tpu.memory_space<vmem>>
      %dma_start3A_97 = arith.constant 0 : i32
      %dma_start3A_98 = arith.constant 0 : i32
      %dma_start3A_99 = tpu.memref_slice %arg14[%dma_start3A_97, %dma_start3A_98] : memref<10240x128xf32, #tpu.memory_space<vmem_shared>> -> memref<10240x128xf32, #tpu.memory_space<vmem_shared>>
      tpu.enqueue_indirect_dma source(%arg11 : memref<64x128xf32, #tpu.memory_space<vmem>>) target(%dma_start3A_99 : memref<10240x128xf32, #tpu.memory_space<vmem_shared>>) offsets(%dma_start3A_96 : memref<64xi32, #tpu.memory_space<vmem>>) semaphore(%arg19 : memref<!tpu.dma_semaphore, #tpu.memory_space<semaphore_mem>>) {add = true}
      %dma_wait3A_100 = arith.constant 0 : i32
      %dma_wait3A_101 = tpu.memref_slice %arg9[%add3A_69, %dma_wait3A_100] : memref<54x64xi32, #tpu.memory_space<vmem>> -> memref<1x64xi32, #tpu.memory_space<vmem>>
      %dma_wait3A_102 = tpu.memref_squeeze %dma_wait3A_101 : memref<1x64xi32, #tpu.memory_space<vmem>> -> memref<64xi32, #tpu.memory_space<vmem>>
      %dma_wait3A_103 = arith.constant 0 : i32
      %dma_wait3A_104 = arith.constant 0 : i32
      %dma_wait3A_105 = tpu.memref_slice %arg14[%dma_wait3A_103, %dma_wait3A_104] : memref<10240x128xf32, #tpu.memory_space<vmem_shared>> -> memref<10240x128xf32, #tpu.memory_space<vmem_shared>>
      tpu.wait_indirect_dma semaphore(%arg19 : memref<!tpu.dma_semaphore, #tpu.memory_space<semaphore_mem>>) src(%arg11 : memref<64x128xf32, #tpu.memory_space<vmem>>) dst(%dma_wait3A_105 : memref<10240x128xf32, #tpu.memory_space<vmem_shared>>)
      %add3A_106 = arith.constant 3 : i32
      %add3A_107 = arith.addi %add3A_69, %add3A_106 : i32
      %lt3A_108 = arith.constant 54 : i32
      %lt3A_109 = arith.cmpi slt, %add3A_107, %lt3A_108 : i32
      %and3A_110 = arith.andi %gt3A_7, %lt3A_109 : i1
      %convert_element_type3A_111 = arith.extui %and3A_110 : i1 to i32
      %cond3A_112 = arith.constant 0 : i32
      %cond3A_113 = arith.cmpi ne, %convert_element_type3A_111, %cond3A_112 : i32
      scf.if %cond3A_113 {
        %add3A_137 = arith.constant 3 : i32
        %add3A_138 = arith.addi %add3A_69, %add3A_137 : i32
        %dma_start3A_139 = arith.constant 0 : i32
        %dma_start3A_140 = tpu.memref_slice %arg8[%add3A_138, %dma_start3A_139] : memref<54x64xi32, #tpu.memory_space<vmem>> -> memref<1x64xi32, #tpu.memory_space<vmem>>
        %dma_start3A_141 = tpu.memref_squeeze %dma_start3A_140 : memref<1x64xi32, #tpu.memory_space<vmem>> -> memref<64xi32, #tpu.memory_space<vmem>>
        %dma_start3A_142 = arith.constant 0 : i32
        %dma_start3A_143 = arith.constant 0 : i32
        %dma_start3A_144 = tpu.memref_slice %arg4[%dma_start3A_142, %dma_start3A_143] : memref<10240x128xf32, #tpu.memory_space<hbm>> -> memref<10240x128xf32, #tpu.memory_space<hbm>>
        tpu.enqueue_indirect_dma source(%dma_start3A_144 : memref<10240x128xf32, #tpu.memory_space<hbm>>) target(%arg11 : memref<64x128xf32, #tpu.memory_space<vmem>>) offsets(%dma_start3A_141 : memref<64xi32, #tpu.memory_space<vmem>>) semaphore(%arg16 : memref<!tpu.dma_semaphore, #tpu.memory_space<semaphore_mem>>)
      } else {
      }
      %convert_element_type3A_114 = arith.extui %gt3A_7 : i1 to i32
      %cond3A_115 = arith.constant 0 : i32
      %cond3A_116 = arith.cmpi ne, %convert_element_type3A_114, %cond3A_115 : i32
      scf.if %cond3A_116 {
        %dma_wait3A_137 = arith.constant 0 : i32
        %dma_wait3A_138 = tpu.memref_slice %arg8[%add3A_71, %dma_wait3A_137] : memref<54x64xi32, #tpu.memory_space<vmem>> -> memref<1x64xi32, #tpu.memory_space<vmem>>
        %dma_wait3A_139 = tpu.memref_squeeze %dma_wait3A_138 : memref<1x64xi32, #tpu.memory_space<vmem>> -> memref<64xi32, #tpu.memory_space<vmem>>
        %dma_wait3A_140 = arith.constant 0 : i32
        %dma_wait3A_141 = arith.constant 0 : i32
        %dma_wait3A_142 = tpu.memref_slice %arg4[%dma_wait3A_140, %dma_wait3A_141] : memref<10240x128xf32, #tpu.memory_space<hbm>> -> memref<10240x128xf32, #tpu.memory_space<hbm>>
        tpu.wait_indirect_dma semaphore(%arg17 : memref<!tpu.dma_semaphore, #tpu.memory_space<semaphore_mem>>) src(%dma_wait3A_142 : memref<10240x128xf32, #tpu.memory_space<hbm>>) dst(%arg12 : memref<64x128xf32, #tpu.memory_space<vmem>>)
      } else {
      }
      %dma_start3A_117 = arith.constant 0 : i32
      %dma_start3A_118 = tpu.memref_slice %arg9[%add3A_71, %dma_start3A_117] : memref<54x64xi32, #tpu.memory_space<vmem>> -> memref<1x64xi32, #tpu.memory_space<vmem>>
      %dma_start3A_119 = tpu.memref_squeeze %dma_start3A_118 : memref<1x64xi32, #tpu.memory_space<vmem>> -> memref<64xi32, #tpu.memory_space<vmem>>
      %dma_start3A_120 = arith.constant 0 : i32
      %dma_start3A_121 = arith.constant 0 : i32
      %dma_start3A_122 = tpu.memref_slice %arg14[%dma_start3A_120, %dma_start3A_121] : memref<10240x128xf32, #tpu.memory_space<vmem_shared>> -> memref<10240x128xf32, #tpu.memory_space<vmem_shared>>
      tpu.enqueue_indirect_dma source(%arg12 : memref<64x128xf32, #tpu.memory_space<vmem>>) target(%dma_start3A_122 : memref<10240x128xf32, #tpu.memory_space<vmem_shared>>) offsets(%dma_start3A_119 : memref<64xi32, #tpu.memory_space<vmem>>) semaphore(%arg20 : memref<!tpu.dma_semaphore, #tpu.memory_space<semaphore_mem>>) {add = true}
      %dma_wait3A_123 = arith.constant 0 : i32
      %dma_wait3A_124 = tpu.memref_slice %arg9[%add3A_71, %dma_wait3A_123] : memref<54x64xi32, #tpu.memory_space<vmem>> -> memref<1x64xi32, #tpu.memory_space<vmem>>
      %dma_wait3A_125 = tpu.memref_squeeze %dma_wait3A_124 : memref<1x64xi32, #tpu.memory_space<vmem>> -> memref<64xi32, #tpu.memory_space<vmem>>
      %dma_wait3A_126 = arith.constant 0 : i32
      %dma_wait3A_127 = arith.constant 0 : i32
      %dma_wait3A_128 = tpu.memref_slice %arg14[%dma_wait3A_126, %dma_wait3A_127] : memref<10240x128xf32, #tpu.memory_space<vmem_shared>> -> memref<10240x128xf32, #tpu.memory_space<vmem_shared>>
      tpu.wait_indirect_dma semaphore(%arg20 : memref<!tpu.dma_semaphore, #tpu.memory_space<semaphore_mem>>) src(%arg12 : memref<64x128xf32, #tpu.memory_space<vmem>>) dst(%dma_wait3A_128 : memref<10240x128xf32, #tpu.memory_space<vmem_shared>>)
      %add3A_129 = arith.constant 3 : i32
      %add3A_130 = arith.addi %add3A_71, %add3A_129 : i32
      %lt3A_131 = arith.constant 54 : i32
      %lt3A_132 = arith.cmpi slt, %add3A_130, %lt3A_131 : i32
      %and3A_133 = arith.andi %gt3A_7, %lt3A_132 : i1
      %convert_element_type3A_134 = arith.extui %and3A_133 : i1 to i32
      %cond3A_135 = arith.constant 0 : i32
      %cond3A_136 = arith.cmpi ne, %convert_element_type3A_134, %cond3A_135 : i32
      scf.if %cond3A_136 {
        %add3A_137 = arith.constant 3 : i32
        %add3A_138 = arith.addi %add3A_71, %add3A_137 : i32
        %dma_start3A_139 = arith.constant 0 : i32
        %dma_start3A_140 = tpu.memref_slice %arg8[%add3A_138, %dma_start3A_139] : memref<54x64xi32, #tpu.memory_space<vmem>> -> memref<1x64xi32, #tpu.memory_space<vmem>>
        %dma_start3A_141 = tpu.memref_squeeze %dma_start3A_140 : memref<1x64xi32, #tpu.memory_space<vmem>> -> memref<64xi32, #tpu.memory_space<vmem>>
        %dma_start3A_142 = arith.constant 0 : i32
        %dma_start3A_143 = arith.constant 0 : i32
        %dma_start3A_144 = tpu.memref_slice %arg4[%dma_start3A_142, %dma_start3A_143] : memref<10240x128xf32, #tpu.memory_space<hbm>> -> memref<10240x128xf32, #tpu.memory_space<hbm>>
        tpu.enqueue_indirect_dma source(%dma_start3A_144 : memref<10240x128xf32, #tpu.memory_space<hbm>>) target(%arg12 : memref<64x128xf32, #tpu.memory_space<vmem>>) offsets(%dma_start3A_141 : memref<64xi32, #tpu.memory_space<vmem>>) semaphore(%arg17 : memref<!tpu.dma_semaphore, #tpu.memory_space<semaphore_mem>>)
      } else {
      }
    }
    %scan3A_25 = arith.constant 18 : i32
    %mul3A_26 = arith.constant 3 : i32
    %mul3A_27 = arith.muli %add3A, %mul3A_26 : i32
    %add3A_28 = arith.constant 1 : i32
    %add3A_29 = arith.addi %mul3A_27, %add3A_28 : i32
    "tpu.region"() ({
      %run_scoped3A = tpu.sem_alloc : memref<!tpu.dma_semaphore, #tpu.memory_space<semaphore_mem>>
      %dma_start3A = arith.constant 0 : i32
      %dma_start3A_65 = arith.constant 0 : i32
      %dma_start3A_66 = tpu.memref_slice %arg2[%add3A_29, %dma_start3A, %dma_start3A_65] : memref<96x54x64xi32, #tpu.memory_space<hbm>> -> memref<1x54x64xi32, #tpu.memory_space<hbm>>
      %dma_start3A_67 = tpu.memref_squeeze %dma_start3A_66 : memref<1x54x64xi32, #tpu.memory_space<hbm>> -> memref<54x64xi32, #tpu.memory_space<hbm>>
      %dma_start3A_68 = arith.constant 0 : i32
      %dma_start3A_69 = arith.constant 0 : i32
      %dma_start3A_70 = tpu.memref_slice %arg2[%add3A_29, %dma_start3A_68, %dma_start3A_69] : memref<96x54x64xi32, #tpu.memory_space<hbm>> -> memref<1x54x64xi32, #tpu.memory_space<hbm>>
      %dma_start3A_71 = tpu.memref_squeeze %dma_start3A_70 : memref<1x54x64xi32, #tpu.memory_space<hbm>> -> memref<54x64xi32, #tpu.memory_space<hbm>>
      tpu.enqueue_dma source(%dma_start3A_71 : memref<54x64xi32, #tpu.memory_space<hbm>>) target(%arg8 : memref<54x64xi32, #tpu.memory_space<vmem>>) target_semaphore(%run_scoped3A : memref<!tpu.dma_semaphore, #tpu.memory_space<semaphore_mem>>)
      %dma_wait3A = arith.constant 0 : i32
      %dma_wait3A_72 = arith.constant 0 : i32
      %dma_wait3A_73 = tpu.memref_slice %arg2[%add3A_29, %dma_wait3A, %dma_wait3A_72] : memref<96x54x64xi32, #tpu.memory_space<hbm>> -> memref<1x54x64xi32, #tpu.memory_space<hbm>>
      %dma_wait3A_74 = tpu.memref_squeeze %dma_wait3A_73 : memref<1x54x64xi32, #tpu.memory_space<hbm>> -> memref<54x64xi32, #tpu.memory_space<hbm>>
      %dma_wait3A_75 = arith.constant 0 : i32
      %dma_wait3A_76 = arith.constant 0 : i32
      %dma_wait3A_77 = tpu.memref_slice %arg2[%add3A_29, %dma_wait3A_75, %dma_wait3A_76] : memref<96x54x64xi32, #tpu.memory_space<hbm>> -> memref<1x54x64xi32, #tpu.memory_space<hbm>>
      %dma_wait3A_78 = tpu.memref_squeeze %dma_wait3A_77 : memref<1x54x64xi32, #tpu.memory_space<hbm>> -> memref<54x64xi32, #tpu.memory_space<hbm>>
      tpu.wait_dma2 semaphore(%run_scoped3A : memref<!tpu.dma_semaphore, #tpu.memory_space<semaphore_mem>>) src(%dma_wait3A_78 : memref<54x64xi32, #tpu.memory_space<hbm>>) dst(%arg8 : memref<54x64xi32, #tpu.memory_space<vmem>>)
      tpu.yield
    }) : () -> ()
    %mul3A_30 = arith.constant 3 : i32
    %mul3A_31 = arith.muli %add3A, %mul3A_30 : i32
    %add3A_32 = arith.constant 1 : i32
    %add3A_33 = arith.addi %mul3A_31, %add3A_32 : i32
    "tpu.region"() ({
      %run_scoped3A = tpu.sem_alloc : memref<!tpu.dma_semaphore, #tpu.memory_space<semaphore_mem>>
      %dma_start3A = arith.constant 0 : i32
      %dma_start3A_65 = arith.constant 0 : i32
      %dma_start3A_66 = tpu.memref_slice %arg3[%add3A_33, %dma_start3A, %dma_start3A_65] : memref<96x54x64xi32, #tpu.memory_space<hbm>> -> memref<1x54x64xi32, #tpu.memory_space<hbm>>
      %dma_start3A_67 = tpu.memref_squeeze %dma_start3A_66 : memref<1x54x64xi32, #tpu.memory_space<hbm>> -> memref<54x64xi32, #tpu.memory_space<hbm>>
      %dma_start3A_68 = arith.constant 0 : i32
      %dma_start3A_69 = arith.constant 0 : i32
      %dma_start3A_70 = tpu.memref_slice %arg3[%add3A_33, %dma_start3A_68, %dma_start3A_69] : memref<96x54x64xi32, #tpu.memory_space<hbm>> -> memref<1x54x64xi32, #tpu.memory_space<hbm>>
      %dma_start3A_71 = tpu.memref_squeeze %dma_start3A_70 : memref<1x54x64xi32, #tpu.memory_space<hbm>> -> memref<54x64xi32, #tpu.memory_space<hbm>>
      tpu.enqueue_dma source(%dma_start3A_71 : memref<54x64xi32, #tpu.memory_space<hbm>>) target(%arg9 : memref<54x64xi32, #tpu.memory_space<vmem>>) target_semaphore(%run_scoped3A : memref<!tpu.dma_semaphore, #tpu.memory_space<semaphore_mem>>)
      %dma_wait3A = arith.constant 0 : i32
      %dma_wait3A_72 = arith.constant 0 : i32
      %dma_wait3A_73 = tpu.memref_slice %arg3[%add3A_33, %dma_wait3A, %dma_wait3A_72] : memref<96x54x64xi32, #tpu.memory_space<hbm>> -> memref<1x54x64xi32, #tpu.memory_space<hbm>>
      %dma_wait3A_74 = tpu.memref_squeeze %dma_wait3A_73 : memref<1x54x64xi32, #tpu.memory_space<hbm>> -> memref<54x64xi32, #tpu.memory_space<hbm>>
      %dma_wait3A_75 = arith.constant 0 : i32
      %dma_wait3A_76 = arith.constant 0 : i32
      %dma_wait3A_77 = tpu.memref_slice %arg3[%add3A_33, %dma_wait3A_75, %dma_wait3A_76] : memref<96x54x64xi32, #tpu.memory_space<hbm>> -> memref<1x54x64xi32, #tpu.memory_space<hbm>>
      %dma_wait3A_78 = tpu.memref_squeeze %dma_wait3A_77 : memref<1x54x64xi32, #tpu.memory_space<hbm>> -> memref<54x64xi32, #tpu.memory_space<hbm>>
      tpu.wait_dma2 semaphore(%run_scoped3A : memref<!tpu.dma_semaphore, #tpu.memory_space<semaphore_mem>>) src(%dma_wait3A_78 : memref<54x64xi32, #tpu.memory_space<hbm>>) dst(%arg9 : memref<54x64xi32, #tpu.memory_space<vmem>>)
      tpu.yield
    }) : () -> ()
    %convert_element_type3A_34 = arith.extui %gt3A_7 : i1 to i32
    %cond3A_35 = arith.constant 0 : i32
    %cond3A_36 = arith.cmpi ne, %convert_element_type3A_34, %cond3A_35 : i32
    scf.if %cond3A_36 {
      %dma_start3A = arith.constant 0 : i32
      %dma_start3A_65 = arith.constant 0 : i32
      %dma_start3A_66 = tpu.memref_slice %arg8[%dma_start3A, %dma_start3A_65] : memref<54x64xi32, #tpu.memory_space<vmem>> -> memref<1x64xi32, #tpu.memory_space<vmem>>
      %dma_start3A_67 = tpu.memref_squeeze %dma_start3A_66 : memref<1x64xi32, #tpu.memory_space<vmem>> -> memref<64xi32, #tpu.memory_space<vmem>>
      %dma_start3A_68 = arith.constant 0 : i32
      %dma_start3A_69 = arith.constant 0 : i32
      %dma_start3A_70 = tpu.memref_slice %arg4[%dma_start3A_68, %dma_start3A_69] : memref<10240x128xf32, #tpu.memory_space<hbm>> -> memref<10240x128xf32, #tpu.memory_space<hbm>>
      tpu.enqueue_indirect_dma source(%dma_start3A_70 : memref<10240x128xf32, #tpu.memory_space<hbm>>) target(%arg10 : memref<64x128xf32, #tpu.memory_space<vmem>>) offsets(%dma_start3A_67 : memref<64xi32, #tpu.memory_space<vmem>>) semaphore(%arg15 : memref<!tpu.dma_semaphore, #tpu.memory_space<semaphore_mem>>)
      %dma_start3A_71 = arith.constant 1 : i32
      %dma_start3A_72 = arith.constant 0 : i32
      %dma_start3A_73 = tpu.memref_slice %arg8[%dma_start3A_71, %dma_start3A_72] : memref<54x64xi32, #tpu.memory_space<vmem>> -> memref<1x64xi32, #tpu.memory_space<vmem>>
      %dma_start3A_74 = tpu.memref_squeeze %dma_start3A_73 : memref<1x64xi32, #tpu.memory_space<vmem>> -> memref<64xi32, #tpu.memory_space<vmem>>
      %dma_start3A_75 = arith.constant 0 : i32
      %dma_start3A_76 = arith.constant 0 : i32
      %dma_start3A_77 = tpu.memref_slice %arg4[%dma_start3A_75, %dma_start3A_76] : memref<10240x128xf32, #tpu.memory_space<hbm>> -> memref<10240x128xf32, #tpu.memory_space<hbm>>
      tpu.enqueue_indirect_dma source(%dma_start3A_77 : memref<10240x128xf32, #tpu.memory_space<hbm>>) target(%arg11 : memref<64x128xf32, #tpu.memory_space<vmem>>) offsets(%dma_start3A_74 : memref<64xi32, #tpu.memory_space<vmem>>) semaphore(%arg16 : memref<!tpu.dma_semaphore, #tpu.memory_space<semaphore_mem>>)
      %dma_start3A_78 = arith.constant 2 : i32
      %dma_start3A_79 = arith.constant 0 : i32
      %dma_start3A_80 = tpu.memref_slice %arg8[%dma_start3A_78, %dma_start3A_79] : memref<54x64xi32, #tpu.memory_space<vmem>> -> memref<1x64xi32, #tpu.memory_space<vmem>>
      %dma_start3A_81 = tpu.memref_squeeze %dma_start3A_80 : memref<1x64xi32, #tpu.memory_space<vmem>> -> memref<64xi32, #tpu.memory_space<vmem>>
      %dma_start3A_82 = arith.constant 0 : i32
      %dma_start3A_83 = arith.constant 0 : i32
      %dma_start3A_84 = tpu.memref_slice %arg4[%dma_start3A_82, %dma_start3A_83] : memref<10240x128xf32, #tpu.memory_space<hbm>> -> memref<10240x128xf32, #tpu.memory_space<hbm>>
      tpu.enqueue_indirect_dma source(%dma_start3A_84 : memref<10240x128xf32, #tpu.memory_space<hbm>>) target(%arg12 : memref<64x128xf32, #tpu.memory_space<vmem>>) offsets(%dma_start3A_81 : memref<64xi32, #tpu.memory_space<vmem>>) semaphore(%arg17 : memref<!tpu.dma_semaphore, #tpu.memory_space<semaphore_mem>>)
    } else {
    }
    %scan3A_37 = arith.constant 0 : i32
    %scan3A_38 = arith.constant 0 : i32
    %scan3A_39 = arith.constant 18 : i32
    %scan3A_40 = arith.addi %scan3A_38, %scan3A_39 : i32
    %scan3A_41 = arith.constant 1 : i32
    scf.for %scan3A_65 = %scan3A_38 to %scan3A_40 step %scan3A_41  : i32 {
      %mul3A_66 = arith.constant 3 : i32
      %mul3A_67 = arith.muli %mul3A_66, %scan3A_65 : i32
      %add3A_68 = arith.constant 1 : i32
      %add3A_69 = arith.addi %mul3A_67, %add3A_68 : i32
      %add3A_70 = arith.constant 2 : i32
      %add3A_71 = arith.addi %mul3A_67, %add3A_70 : i32
      %convert_element_type3A_72 = arith.extui %gt3A_7 : i1 to i32
      %cond3A_73 = arith.constant 0 : i32
      %cond3A_74 = arith.cmpi ne, %convert_element_type3A_72, %cond3A_73 : i32
      scf.if %cond3A_74 {
        %dma_wait3A_137 = arith.constant 0 : i32
        %dma_wait3A_138 = tpu.memref_slice %arg8[%mul3A_67, %dma_wait3A_137] : memref<54x64xi32, #tpu.memory_space<vmem>> -> memref<1x64xi32, #tpu.memory_space<vmem>>
        %dma_wait3A_139 = tpu.memref_squeeze %dma_wait3A_138 : memref<1x64xi32, #tpu.memory_space<vmem>> -> memref<64xi32, #tpu.memory_space<vmem>>
        %dma_wait3A_140 = arith.constant 0 : i32
        %dma_wait3A_141 = arith.constant 0 : i32
        %dma_wait3A_142 = tpu.memref_slice %arg4[%dma_wait3A_140, %dma_wait3A_141] : memref<10240x128xf32, #tpu.memory_space<hbm>> -> memref<10240x128xf32, #tpu.memory_space<hbm>>
        tpu.wait_indirect_dma semaphore(%arg15 : memref<!tpu.dma_semaphore, #tpu.memory_space<semaphore_mem>>) src(%dma_wait3A_142 : memref<10240x128xf32, #tpu.memory_space<hbm>>) dst(%arg10 : memref<64x128xf32, #tpu.memory_space<vmem>>)
      } else {
      }
      %dma_start3A = arith.constant 0 : i32
      %dma_start3A_75 = tpu.memref_slice %arg9[%mul3A_67, %dma_start3A] : memref<54x64xi32, #tpu.memory_space<vmem>> -> memref<1x64xi32, #tpu.memory_space<vmem>>
      %dma_start3A_76 = tpu.memref_squeeze %dma_start3A_75 : memref<1x64xi32, #tpu.memory_space<vmem>> -> memref<64xi32, #tpu.memory_space<vmem>>
      %dma_start3A_77 = arith.constant 0 : i32
      %dma_start3A_78 = arith.constant 0 : i32
      %dma_start3A_79 = tpu.memref_slice %arg14[%dma_start3A_77, %dma_start3A_78] : memref<10240x128xf32, #tpu.memory_space<vmem_shared>> -> memref<10240x128xf32, #tpu.memory_space<vmem_shared>>
      tpu.enqueue_indirect_dma source(%arg10 : memref<64x128xf32, #tpu.memory_space<vmem>>) target(%dma_start3A_79 : memref<10240x128xf32, #tpu.memory_space<vmem_shared>>) offsets(%dma_start3A_76 : memref<64xi32, #tpu.memory_space<vmem>>) semaphore(%arg18 : memref<!tpu.dma_semaphore, #tpu.memory_space<semaphore_mem>>) {add = true}
      %dma_wait3A = arith.constant 0 : i32
      %dma_wait3A_80 = tpu.memref_slice %arg9[%mul3A_67, %dma_wait3A] : memref<54x64xi32, #tpu.memory_space<vmem>> -> memref<1x64xi32, #tpu.memory_space<vmem>>
      %dma_wait3A_81 = tpu.memref_squeeze %dma_wait3A_80 : memref<1x64xi32, #tpu.memory_space<vmem>> -> memref<64xi32, #tpu.memory_space<vmem>>
      %dma_wait3A_82 = arith.constant 0 : i32
      %dma_wait3A_83 = arith.constant 0 : i32
      %dma_wait3A_84 = tpu.memref_slice %arg14[%dma_wait3A_82, %dma_wait3A_83] : memref<10240x128xf32, #tpu.memory_space<vmem_shared>> -> memref<10240x128xf32, #tpu.memory_space<vmem_shared>>
      tpu.wait_indirect_dma semaphore(%arg18 : memref<!tpu.dma_semaphore, #tpu.memory_space<semaphore_mem>>) src(%arg10 : memref<64x128xf32, #tpu.memory_space<vmem>>) dst(%dma_wait3A_84 : memref<10240x128xf32, #tpu.memory_space<vmem_shared>>)
      %add3A_85 = arith.constant 3 : i32
      %add3A_86 = arith.addi %mul3A_67, %add3A_85 : i32
      %lt3A = arith.constant 54 : i32
      %lt3A_87 = arith.cmpi slt, %add3A_86, %lt3A : i32
      %and3A = arith.andi %gt3A_7, %lt3A_87 : i1
      %convert_element_type3A_88 = arith.extui %and3A : i1 to i32
      %cond3A_89 = arith.constant 0 : i32
      %cond3A_90 = arith.cmpi ne, %convert_element_type3A_88, %cond3A_89 : i32
      scf.if %cond3A_90 {
        %add3A_137 = arith.constant 3 : i32
        %add3A_138 = arith.addi %mul3A_67, %add3A_137 : i32
        %dma_start3A_139 = arith.constant 0 : i32
        %dma_start3A_140 = tpu.memref_slice %arg8[%add3A_138, %dma_start3A_139] : memref<54x64xi32, #tpu.memory_space<vmem>> -> memref<1x64xi32, #tpu.memory_space<vmem>>
        %dma_start3A_141 = tpu.memref_squeeze %dma_start3A_140 : memref<1x64xi32, #tpu.memory_space<vmem>> -> memref<64xi32, #tpu.memory_space<vmem>>
        %dma_start3A_142 = arith.constant 0 : i32
        %dma_start3A_143 = arith.constant 0 : i32
        %dma_start3A_144 = tpu.memref_slice %arg4[%dma_start3A_142, %dma_start3A_143] : memref<10240x128xf32, #tpu.memory_space<hbm>> -> memref<10240x128xf32, #tpu.memory_space<hbm>>
        tpu.enqueue_indirect_dma source(%dma_start3A_144 : memref<10240x128xf32, #tpu.memory_space<hbm>>) target(%arg10 : memref<64x128xf32, #tpu.memory_space<vmem>>) offsets(%dma_start3A_141 : memref<64xi32, #tpu.memory_space<vmem>>) semaphore(%arg15 : memref<!tpu.dma_semaphore, #tpu.memory_space<semaphore_mem>>)
      } else {
      }
      %convert_element_type3A_91 = arith.extui %gt3A_7 : i1 to i32
      %cond3A_92 = arith.constant 0 : i32
      %cond3A_93 = arith.cmpi ne, %convert_element_type3A_91, %cond3A_92 : i32
      scf.if %cond3A_93 {
        %dma_wait3A_137 = arith.constant 0 : i32
        %dma_wait3A_138 = tpu.memref_slice %arg8[%add3A_69, %dma_wait3A_137] : memref<54x64xi32, #tpu.memory_space<vmem>> -> memref<1x64xi32, #tpu.memory_space<vmem>>
        %dma_wait3A_139 = tpu.memref_squeeze %dma_wait3A_138 : memref<1x64xi32, #tpu.memory_space<vmem>> -> memref<64xi32, #tpu.memory_space<vmem>>
        %dma_wait3A_140 = arith.constant 0 : i32
        %dma_wait3A_141 = arith.constant 0 : i32
        %dma_wait3A_142 = tpu.memref_slice %arg4[%dma_wait3A_140, %dma_wait3A_141] : memref<10240x128xf32, #tpu.memory_space<hbm>> -> memref<10240x128xf32, #tpu.memory_space<hbm>>
        tpu.wait_indirect_dma semaphore(%arg16 : memref<!tpu.dma_semaphore, #tpu.memory_space<semaphore_mem>>) src(%dma_wait3A_142 : memref<10240x128xf32, #tpu.memory_space<hbm>>) dst(%arg11 : memref<64x128xf32, #tpu.memory_space<vmem>>)
      } else {
      }
      %dma_start3A_94 = arith.constant 0 : i32
      %dma_start3A_95 = tpu.memref_slice %arg9[%add3A_69, %dma_start3A_94] : memref<54x64xi32, #tpu.memory_space<vmem>> -> memref<1x64xi32, #tpu.memory_space<vmem>>
      %dma_start3A_96 = tpu.memref_squeeze %dma_start3A_95 : memref<1x64xi32, #tpu.memory_space<vmem>> -> memref<64xi32, #tpu.memory_space<vmem>>
      %dma_start3A_97 = arith.constant 0 : i32
      %dma_start3A_98 = arith.constant 0 : i32
      %dma_start3A_99 = tpu.memref_slice %arg14[%dma_start3A_97, %dma_start3A_98] : memref<10240x128xf32, #tpu.memory_space<vmem_shared>> -> memref<10240x128xf32, #tpu.memory_space<vmem_shared>>
      tpu.enqueue_indirect_dma source(%arg11 : memref<64x128xf32, #tpu.memory_space<vmem>>) target(%dma_start3A_99 : memref<10240x128xf32, #tpu.memory_space<vmem_shared>>) offsets(%dma_start3A_96 : memref<64xi32, #tpu.memory_space<vmem>>) semaphore(%arg19 : memref<!tpu.dma_semaphore, #tpu.memory_space<semaphore_mem>>) {add = true}
      %dma_wait3A_100 = arith.constant 0 : i32
      %dma_wait3A_101 = tpu.memref_slice %arg9[%add3A_69, %dma_wait3A_100] : memref<54x64xi32, #tpu.memory_space<vmem>> -> memref<1x64xi32, #tpu.memory_space<vmem>>
      %dma_wait3A_102 = tpu.memref_squeeze %dma_wait3A_101 : memref<1x64xi32, #tpu.memory_space<vmem>> -> memref<64xi32, #tpu.memory_space<vmem>>
      %dma_wait3A_103 = arith.constant 0 : i32
      %dma_wait3A_104 = arith.constant 0 : i32
      %dma_wait3A_105 = tpu.memref_slice %arg14[%dma_wait3A_103, %dma_wait3A_104] : memref<10240x128xf32, #tpu.memory_space<vmem_shared>> -> memref<10240x128xf32, #tpu.memory_space<vmem_shared>>
      tpu.wait_indirect_dma semaphore(%arg19 : memref<!tpu.dma_semaphore, #tpu.memory_space<semaphore_mem>>) src(%arg11 : memref<64x128xf32, #tpu.memory_space<vmem>>) dst(%dma_wait3A_105 : memref<10240x128xf32, #tpu.memory_space<vmem_shared>>)
      %add3A_106 = arith.constant 3 : i32
      %add3A_107 = arith.addi %add3A_69, %add3A_106 : i32
      %lt3A_108 = arith.constant 54 : i32
      %lt3A_109 = arith.cmpi slt, %add3A_107, %lt3A_108 : i32
      %and3A_110 = arith.andi %gt3A_7, %lt3A_109 : i1
      %convert_element_type3A_111 = arith.extui %and3A_110 : i1 to i32
      %cond3A_112 = arith.constant 0 : i32
      %cond3A_113 = arith.cmpi ne, %convert_element_type3A_111, %cond3A_112 : i32
      scf.if %cond3A_113 {
        %add3A_137 = arith.constant 3 : i32
        %add3A_138 = arith.addi %add3A_69, %add3A_137 : i32
        %dma_start3A_139 = arith.constant 0 : i32
        %dma_start3A_140 = tpu.memref_slice %arg8[%add3A_138, %dma_start3A_139] : memref<54x64xi32, #tpu.memory_space<vmem>> -> memref<1x64xi32, #tpu.memory_space<vmem>>
        %dma_start3A_141 = tpu.memref_squeeze %dma_start3A_140 : memref<1x64xi32, #tpu.memory_space<vmem>> -> memref<64xi32, #tpu.memory_space<vmem>>
        %dma_start3A_142 = arith.constant 0 : i32
        %dma_start3A_143 = arith.constant 0 : i32
        %dma_start3A_144 = tpu.memref_slice %arg4[%dma_start3A_142, %dma_start3A_143] : memref<10240x128xf32, #tpu.memory_space<hbm>> -> memref<10240x128xf32, #tpu.memory_space<hbm>>
        tpu.enqueue_indirect_dma source(%dma_start3A_144 : memref<10240x128xf32, #tpu.memory_space<hbm>>) target(%arg11 : memref<64x128xf32, #tpu.memory_space<vmem>>) offsets(%dma_start3A_141 : memref<64xi32, #tpu.memory_space<vmem>>) semaphore(%arg16 : memref<!tpu.dma_semaphore, #tpu.memory_space<semaphore_mem>>)
      } else {
      }
      %convert_element_type3A_114 = arith.extui %gt3A_7 : i1 to i32
      %cond3A_115 = arith.constant 0 : i32
      %cond3A_116 = arith.cmpi ne, %convert_element_type3A_114, %cond3A_115 : i32
      scf.if %cond3A_116 {
        %dma_wait3A_137 = arith.constant 0 : i32
        %dma_wait3A_138 = tpu.memref_slice %arg8[%add3A_71, %dma_wait3A_137] : memref<54x64xi32, #tpu.memory_space<vmem>> -> memref<1x64xi32, #tpu.memory_space<vmem>>
        %dma_wait3A_139 = tpu.memref_squeeze %dma_wait3A_138 : memref<1x64xi32, #tpu.memory_space<vmem>> -> memref<64xi32, #tpu.memory_space<vmem>>
        %dma_wait3A_140 = arith.constant 0 : i32
        %dma_wait3A_141 = arith.constant 0 : i32
        %dma_wait3A_142 = tpu.memref_slice %arg4[%dma_wait3A_140, %dma_wait3A_141] : memref<10240x128xf32, #tpu.memory_space<hbm>> -> memref<10240x128xf32, #tpu.memory_space<hbm>>
        tpu.wait_indirect_dma semaphore(%arg17 : memref<!tpu.dma_semaphore, #tpu.memory_space<semaphore_mem>>) src(%dma_wait3A_142 : memref<10240x128xf32, #tpu.memory_space<hbm>>) dst(%arg12 : memref<64x128xf32, #tpu.memory_space<vmem>>)
      } else {
      }
      %dma_start3A_117 = arith.constant 0 : i32
      %dma_start3A_118 = tpu.memref_slice %arg9[%add3A_71, %dma_start3A_117] : memref<54x64xi32, #tpu.memory_space<vmem>> -> memref<1x64xi32, #tpu.memory_space<vmem>>
      %dma_start3A_119 = tpu.memref_squeeze %dma_start3A_118 : memref<1x64xi32, #tpu.memory_space<vmem>> -> memref<64xi32, #tpu.memory_space<vmem>>
      %dma_start3A_120 = arith.constant 0 : i32
      %dma_start3A_121 = arith.constant 0 : i32
      %dma_start3A_122 = tpu.memref_slice %arg14[%dma_start3A_120, %dma_start3A_121] : memref<10240x128xf32, #tpu.memory_space<vmem_shared>> -> memref<10240x128xf32, #tpu.memory_space<vmem_shared>>
      tpu.enqueue_indirect_dma source(%arg12 : memref<64x128xf32, #tpu.memory_space<vmem>>) target(%dma_start3A_122 : memref<10240x128xf32, #tpu.memory_space<vmem_shared>>) offsets(%dma_start3A_119 : memref<64xi32, #tpu.memory_space<vmem>>) semaphore(%arg20 : memref<!tpu.dma_semaphore, #tpu.memory_space<semaphore_mem>>) {add = true}
      %dma_wait3A_123 = arith.constant 0 : i32
      %dma_wait3A_124 = tpu.memref_slice %arg9[%add3A_71, %dma_wait3A_123] : memref<54x64xi32, #tpu.memory_space<vmem>> -> memref<1x64xi32, #tpu.memory_space<vmem>>
      %dma_wait3A_125 = tpu.memref_squeeze %dma_wait3A_124 : memref<1x64xi32, #tpu.memory_space<vmem>> -> memref<64xi32, #tpu.memory_space<vmem>>
      %dma_wait3A_126 = arith.constant 0 : i32
      %dma_wait3A_127 = arith.constant 0 : i32
      %dma_wait3A_128 = tpu.memref_slice %arg14[%dma_wait3A_126, %dma_wait3A_127] : memref<10240x128xf32, #tpu.memory_space<vmem_shared>> -> memref<10240x128xf32, #tpu.memory_space<vmem_shared>>
      tpu.wait_indirect_dma semaphore(%arg20 : memref<!tpu.dma_semaphore, #tpu.memory_space<semaphore_mem>>) src(%arg12 : memref<64x128xf32, #tpu.memory_space<vmem>>) dst(%dma_wait3A_128 : memref<10240x128xf32, #tpu.memory_space<vmem_shared>>)
      %add3A_129 = arith.constant 3 : i32
      %add3A_130 = arith.addi %add3A_71, %add3A_129 : i32
      %lt3A_131 = arith.constant 54 : i32
      %lt3A_132 = arith.cmpi slt, %add3A_130, %lt3A_131 : i32
      %and3A_133 = arith.andi %gt3A_7, %lt3A_132 : i1
      %convert_element_type3A_134 = arith.extui %and3A_133 : i1 to i32
      %cond3A_135 = arith.constant 0 : i32
      %cond3A_136 = arith.cmpi ne, %convert_element_type3A_134, %cond3A_135 : i32
      scf.if %cond3A_136 {
        %add3A_137 = arith.constant 3 : i32
        %add3A_138 = arith.addi %add3A_71, %add3A_137 : i32
        %dma_start3A_139 = arith.constant 0 : i32
        %dma_start3A_140 = tpu.memref_slice %arg8[%add3A_138, %dma_start3A_139] : memref<54x64xi32, #tpu.memory_space<vmem>> -> memref<1x64xi32, #tpu.memory_space<vmem>>
        %dma_start3A_141 = tpu.memref_squeeze %dma_start3A_140 : memref<1x64xi32, #tpu.memory_space<vmem>> -> memref<64xi32, #tpu.memory_space<vmem>>
        %dma_start3A_142 = arith.constant 0 : i32
        %dma_start3A_143 = arith.constant 0 : i32
        %dma_start3A_144 = tpu.memref_slice %arg4[%dma_start3A_142, %dma_start3A_143] : memref<10240x128xf32, #tpu.memory_space<hbm>> -> memref<10240x128xf32, #tpu.memory_space<hbm>>
        tpu.enqueue_indirect_dma source(%dma_start3A_144 : memref<10240x128xf32, #tpu.memory_space<hbm>>) target(%arg12 : memref<64x128xf32, #tpu.memory_space<vmem>>) offsets(%dma_start3A_141 : memref<64xi32, #tpu.memory_space<vmem>>) semaphore(%arg17 : memref<!tpu.dma_semaphore, #tpu.memory_space<semaphore_mem>>)
      } else {
      }
    }
    %scan3A_42 = arith.constant 18 : i32
    %mul3A_43 = arith.constant 3 : i32
    %mul3A_44 = arith.muli %add3A, %mul3A_43 : i32
    %add3A_45 = arith.constant 2 : i32
    %add3A_46 = arith.addi %mul3A_44, %add3A_45 : i32
    "tpu.region"() ({
      %run_scoped3A = tpu.sem_alloc : memref<!tpu.dma_semaphore, #tpu.memory_space<semaphore_mem>>
      %dma_start3A = arith.constant 0 : i32
      %dma_start3A_65 = arith.constant 0 : i32
      %dma_start3A_66 = tpu.memref_slice %arg2[%add3A_46, %dma_start3A, %dma_start3A_65] : memref<96x54x64xi32, #tpu.memory_space<hbm>> -> memref<1x54x64xi32, #tpu.memory_space<hbm>>
      %dma_start3A_67 = tpu.memref_squeeze %dma_start3A_66 : memref<1x54x64xi32, #tpu.memory_space<hbm>> -> memref<54x64xi32, #tpu.memory_space<hbm>>
      %dma_start3A_68 = arith.constant 0 : i32
      %dma_start3A_69 = arith.constant 0 : i32
      %dma_start3A_70 = tpu.memref_slice %arg2[%add3A_46, %dma_start3A_68, %dma_start3A_69] : memref<96x54x64xi32, #tpu.memory_space<hbm>> -> memref<1x54x64xi32, #tpu.memory_space<hbm>>
      %dma_start3A_71 = tpu.memref_squeeze %dma_start3A_70 : memref<1x54x64xi32, #tpu.memory_space<hbm>> -> memref<54x64xi32, #tpu.memory_space<hbm>>
      tpu.enqueue_dma source(%dma_start3A_71 : memref<54x64xi32, #tpu.memory_space<hbm>>) target(%arg8 : memref<54x64xi32, #tpu.memory_space<vmem>>) target_semaphore(%run_scoped3A : memref<!tpu.dma_semaphore, #tpu.memory_space<semaphore_mem>>)
      %dma_wait3A = arith.constant 0 : i32
      %dma_wait3A_72 = arith.constant 0 : i32
      %dma_wait3A_73 = tpu.memref_slice %arg2[%add3A_46, %dma_wait3A, %dma_wait3A_72] : memref<96x54x64xi32, #tpu.memory_space<hbm>> -> memref<1x54x64xi32, #tpu.memory_space<hbm>>
      %dma_wait3A_74 = tpu.memref_squeeze %dma_wait3A_73 : memref<1x54x64xi32, #tpu.memory_space<hbm>> -> memref<54x64xi32, #tpu.memory_space<hbm>>
      %dma_wait3A_75 = arith.constant 0 : i32
      %dma_wait3A_76 = arith.constant 0 : i32
      %dma_wait3A_77 = tpu.memref_slice %arg2[%add3A_46, %dma_wait3A_75, %dma_wait3A_76] : memref<96x54x64xi32, #tpu.memory_space<hbm>> -> memref<1x54x64xi32, #tpu.memory_space<hbm>>
      %dma_wait3A_78 = tpu.memref_squeeze %dma_wait3A_77 : memref<1x54x64xi32, #tpu.memory_space<hbm>> -> memref<54x64xi32, #tpu.memory_space<hbm>>
      tpu.wait_dma2 semaphore(%run_scoped3A : memref<!tpu.dma_semaphore, #tpu.memory_space<semaphore_mem>>) src(%dma_wait3A_78 : memref<54x64xi32, #tpu.memory_space<hbm>>) dst(%arg8 : memref<54x64xi32, #tpu.memory_space<vmem>>)
      tpu.yield
    }) : () -> ()
    %mul3A_47 = arith.constant 3 : i32
    %mul3A_48 = arith.muli %add3A, %mul3A_47 : i32
    %add3A_49 = arith.constant 2 : i32
    %add3A_50 = arith.addi %mul3A_48, %add3A_49 : i32
    "tpu.region"() ({
      %run_scoped3A = tpu.sem_alloc : memref<!tpu.dma_semaphore, #tpu.memory_space<semaphore_mem>>
      %dma_start3A = arith.constant 0 : i32
      %dma_start3A_65 = arith.constant 0 : i32
      %dma_start3A_66 = tpu.memref_slice %arg3[%add3A_50, %dma_start3A, %dma_start3A_65] : memref<96x54x64xi32, #tpu.memory_space<hbm>> -> memref<1x54x64xi32, #tpu.memory_space<hbm>>
      %dma_start3A_67 = tpu.memref_squeeze %dma_start3A_66 : memref<1x54x64xi32, #tpu.memory_space<hbm>> -> memref<54x64xi32, #tpu.memory_space<hbm>>
      %dma_start3A_68 = arith.constant 0 : i32
      %dma_start3A_69 = arith.constant 0 : i32
      %dma_start3A_70 = tpu.memref_slice %arg3[%add3A_50, %dma_start3A_68, %dma_start3A_69] : memref<96x54x64xi32, #tpu.memory_space<hbm>> -> memref<1x54x64xi32, #tpu.memory_space<hbm>>
      %dma_start3A_71 = tpu.memref_squeeze %dma_start3A_70 : memref<1x54x64xi32, #tpu.memory_space<hbm>> -> memref<54x64xi32, #tpu.memory_space<hbm>>
      tpu.enqueue_dma source(%dma_start3A_71 : memref<54x64xi32, #tpu.memory_space<hbm>>) target(%arg9 : memref<54x64xi32, #tpu.memory_space<vmem>>) target_semaphore(%run_scoped3A : memref<!tpu.dma_semaphore, #tpu.memory_space<semaphore_mem>>)
      %dma_wait3A = arith.constant 0 : i32
      %dma_wait3A_72 = arith.constant 0 : i32
      %dma_wait3A_73 = tpu.memref_slice %arg3[%add3A_50, %dma_wait3A, %dma_wait3A_72] : memref<96x54x64xi32, #tpu.memory_space<hbm>> -> memref<1x54x64xi32, #tpu.memory_space<hbm>>
      %dma_wait3A_74 = tpu.memref_squeeze %dma_wait3A_73 : memref<1x54x64xi32, #tpu.memory_space<hbm>> -> memref<54x64xi32, #tpu.memory_space<hbm>>
      %dma_wait3A_75 = arith.constant 0 : i32
      %dma_wait3A_76 = arith.constant 0 : i32
      %dma_wait3A_77 = tpu.memref_slice %arg3[%add3A_50, %dma_wait3A_75, %dma_wait3A_76] : memref<96x54x64xi32, #tpu.memory_space<hbm>> -> memref<1x54x64xi32, #tpu.memory_space<hbm>>
      %dma_wait3A_78 = tpu.memref_squeeze %dma_wait3A_77 : memref<1x54x64xi32, #tpu.memory_space<hbm>> -> memref<54x64xi32, #tpu.memory_space<hbm>>
      tpu.wait_dma2 semaphore(%run_scoped3A : memref<!tpu.dma_semaphore, #tpu.memory_space<semaphore_mem>>) src(%dma_wait3A_78 : memref<54x64xi32, #tpu.memory_space<hbm>>) dst(%arg9 : memref<54x64xi32, #tpu.memory_space<vmem>>)
      tpu.yield
    }) : () -> ()
    %convert_element_type3A_51 = arith.extui %gt3A_7 : i1 to i32
    %cond3A_52 = arith.constant 0 : i32
    %cond3A_53 = arith.cmpi ne, %convert_element_type3A_51, %cond3A_52 : i32
    scf.if %cond3A_53 {
      %dma_start3A = arith.constant 0 : i32
      %dma_start3A_65 = arith.constant 0 : i32
      %dma_start3A_66 = tpu.memref_slice %arg8[%dma_start3A, %dma_start3A_65] : memref<54x64xi32, #tpu.memory_space<vmem>> -> memref<1x64xi32, #tpu.memory_space<vmem>>
      %dma_start3A_67 = tpu.memref_squeeze %dma_start3A_66 : memref<1x64xi32, #tpu.memory_space<vmem>> -> memref<64xi32, #tpu.memory_space<vmem>>
      %dma_start3A_68 = arith.constant 0 : i32
      %dma_start3A_69 = arith.constant 0 : i32
      %dma_start3A_70 = tpu.memref_slice %arg4[%dma_start3A_68, %dma_start3A_69] : memref<10240x128xf32, #tpu.memory_space<hbm>> -> memref<10240x128xf32, #tpu.memory_space<hbm>>
      tpu.enqueue_indirect_dma source(%dma_start3A_70 : memref<10240x128xf32, #tpu.memory_space<hbm>>) target(%arg10 : memref<64x128xf32, #tpu.memory_space<vmem>>) offsets(%dma_start3A_67 : memref<64xi32, #tpu.memory_space<vmem>>) semaphore(%arg15 : memref<!tpu.dma_semaphore, #tpu.memory_space<semaphore_mem>>)
      %dma_start3A_71 = arith.constant 1 : i32
      %dma_start3A_72 = arith.constant 0 : i32
      %dma_start3A_73 = tpu.memref_slice %arg8[%dma_start3A_71, %dma_start3A_72] : memref<54x64xi32, #tpu.memory_space<vmem>> -> memref<1x64xi32, #tpu.memory_space<vmem>>
      %dma_start3A_74 = tpu.memref_squeeze %dma_start3A_73 : memref<1x64xi32, #tpu.memory_space<vmem>> -> memref<64xi32, #tpu.memory_space<vmem>>
      %dma_start3A_75 = arith.constant 0 : i32
      %dma_start3A_76 = arith.constant 0 : i32
      %dma_start3A_77 = tpu.memref_slice %arg4[%dma_start3A_75, %dma_start3A_76] : memref<10240x128xf32, #tpu.memory_space<hbm>> -> memref<10240x128xf32, #tpu.memory_space<hbm>>
      tpu.enqueue_indirect_dma source(%dma_start3A_77 : memref<10240x128xf32, #tpu.memory_space<hbm>>) target(%arg11 : memref<64x128xf32, #tpu.memory_space<vmem>>) offsets(%dma_start3A_74 : memref<64xi32, #tpu.memory_space<vmem>>) semaphore(%arg16 : memref<!tpu.dma_semaphore, #tpu.memory_space<semaphore_mem>>)
      %dma_start3A_78 = arith.constant 2 : i32
      %dma_start3A_79 = arith.constant 0 : i32
      %dma_start3A_80 = tpu.memref_slice %arg8[%dma_start3A_78, %dma_start3A_79] : memref<54x64xi32, #tpu.memory_space<vmem>> -> memref<1x64xi32, #tpu.memory_space<vmem>>
      %dma_start3A_81 = tpu.memref_squeeze %dma_start3A_80 : memref<1x64xi32, #tpu.memory_space<vmem>> -> memref<64xi32, #tpu.memory_space<vmem>>
      %dma_start3A_82 = arith.constant 0 : i32
      %dma_start3A_83 = arith.constant 0 : i32
      %dma_start3A_84 = tpu.memref_slice %arg4[%dma_start3A_82, %dma_start3A_83] : memref<10240x128xf32, #tpu.memory_space<hbm>> -> memref<10240x128xf32, #tpu.memory_space<hbm>>
      tpu.enqueue_indirect_dma source(%dma_start3A_84 : memref<10240x128xf32, #tpu.memory_space<hbm>>) target(%arg12 : memref<64x128xf32, #tpu.memory_space<vmem>>) offsets(%dma_start3A_81 : memref<64xi32, #tpu.memory_space<vmem>>) semaphore(%arg17 : memref<!tpu.dma_semaphore, #tpu.memory_space<semaphore_mem>>)
    } else {
    }
    %scan3A_54 = arith.constant 0 : i32
    %scan3A_55 = arith.constant 0 : i32
    %scan3A_56 = arith.constant 18 : i32
    %scan3A_57 = arith.addi %scan3A_55, %scan3A_56 : i32
    %scan3A_58 = arith.constant 1 : i32
    scf.for %scan3A_65 = %scan3A_55 to %scan3A_57 step %scan3A_58  : i32 {
      %mul3A_66 = arith.constant 3 : i32
      %mul3A_67 = arith.muli %mul3A_66, %scan3A_65 : i32
      %add3A_68 = arith.constant 1 : i32
      %add3A_69 = arith.addi %mul3A_67, %add3A_68 : i32
      %add3A_70 = arith.constant 2 : i32
      %add3A_71 = arith.addi %mul3A_67, %add3A_70 : i32
      %convert_element_type3A_72 = arith.extui %gt3A_7 : i1 to i32
      %cond3A_73 = arith.constant 0 : i32
      %cond3A_74 = arith.cmpi ne, %convert_element_type3A_72, %cond3A_73 : i32
      scf.if %cond3A_74 {
        %dma_wait3A_137 = arith.constant 0 : i32
        %dma_wait3A_138 = tpu.memref_slice %arg8[%mul3A_67, %dma_wait3A_137] : memref<54x64xi32, #tpu.memory_space<vmem>> -> memref<1x64xi32, #tpu.memory_space<vmem>>
        %dma_wait3A_139 = tpu.memref_squeeze %dma_wait3A_138 : memref<1x64xi32, #tpu.memory_space<vmem>> -> memref<64xi32, #tpu.memory_space<vmem>>
        %dma_wait3A_140 = arith.constant 0 : i32
        %dma_wait3A_141 = arith.constant 0 : i32
        %dma_wait3A_142 = tpu.memref_slice %arg4[%dma_wait3A_140, %dma_wait3A_141] : memref<10240x128xf32, #tpu.memory_space<hbm>> -> memref<10240x128xf32, #tpu.memory_space<hbm>>
        tpu.wait_indirect_dma semaphore(%arg15 : memref<!tpu.dma_semaphore, #tpu.memory_space<semaphore_mem>>) src(%dma_wait3A_142 : memref<10240x128xf32, #tpu.memory_space<hbm>>) dst(%arg10 : memref<64x128xf32, #tpu.memory_space<vmem>>)
      } else {
      }
      %dma_start3A = arith.constant 0 : i32
      %dma_start3A_75 = tpu.memref_slice %arg9[%mul3A_67, %dma_start3A] : memref<54x64xi32, #tpu.memory_space<vmem>> -> memref<1x64xi32, #tpu.memory_space<vmem>>
      %dma_start3A_76 = tpu.memref_squeeze %dma_start3A_75 : memref<1x64xi32, #tpu.memory_space<vmem>> -> memref<64xi32, #tpu.memory_space<vmem>>
      %dma_start3A_77 = arith.constant 0 : i32
      %dma_start3A_78 = arith.constant 0 : i32
      %dma_start3A_79 = tpu.memref_slice %arg14[%dma_start3A_77, %dma_start3A_78] : memref<10240x128xf32, #tpu.memory_space<vmem_shared>> -> memref<10240x128xf32, #tpu.memory_space<vmem_shared>>
      tpu.enqueue_indirect_dma source(%arg10 : memref<64x128xf32, #tpu.memory_space<vmem>>) target(%dma_start3A_79 : memref<10240x128xf32, #tpu.memory_space<vmem_shared>>) offsets(%dma_start3A_76 : memref<64xi32, #tpu.memory_space<vmem>>) semaphore(%arg18 : memref<!tpu.dma_semaphore, #tpu.memory_space<semaphore_mem>>) {add = true}
      %dma_wait3A = arith.constant 0 : i32
      %dma_wait3A_80 = tpu.memref_slice %arg9[%mul3A_67, %dma_wait3A] : memref<54x64xi32, #tpu.memory_space<vmem>> -> memref<1x64xi32, #tpu.memory_space<vmem>>
      %dma_wait3A_81 = tpu.memref_squeeze %dma_wait3A_80 : memref<1x64xi32, #tpu.memory_space<vmem>> -> memref<64xi32, #tpu.memory_space<vmem>>
      %dma_wait3A_82 = arith.constant 0 : i32
      %dma_wait3A_83 = arith.constant 0 : i32
      %dma_wait3A_84 = tpu.memref_slice %arg14[%dma_wait3A_82, %dma_wait3A_83] : memref<10240x128xf32, #tpu.memory_space<vmem_shared>> -> memref<10240x128xf32, #tpu.memory_space<vmem_shared>>
      tpu.wait_indirect_dma semaphore(%arg18 : memref<!tpu.dma_semaphore, #tpu.memory_space<semaphore_mem>>) src(%arg10 : memref<64x128xf32, #tpu.memory_space<vmem>>) dst(%dma_wait3A_84 : memref<10240x128xf32, #tpu.memory_space<vmem_shared>>)
      %add3A_85 = arith.constant 3 : i32
      %add3A_86 = arith.addi %mul3A_67, %add3A_85 : i32
      %lt3A = arith.constant 54 : i32
      %lt3A_87 = arith.cmpi slt, %add3A_86, %lt3A : i32
      %and3A = arith.andi %gt3A_7, %lt3A_87 : i1
      %convert_element_type3A_88 = arith.extui %and3A : i1 to i32
      %cond3A_89 = arith.constant 0 : i32
      %cond3A_90 = arith.cmpi ne, %convert_element_type3A_88, %cond3A_89 : i32
      scf.if %cond3A_90 {
        %add3A_137 = arith.constant 3 : i32
        %add3A_138 = arith.addi %mul3A_67, %add3A_137 : i32
        %dma_start3A_139 = arith.constant 0 : i32
        %dma_start3A_140 = tpu.memref_slice %arg8[%add3A_138, %dma_start3A_139] : memref<54x64xi32, #tpu.memory_space<vmem>> -> memref<1x64xi32, #tpu.memory_space<vmem>>
        %dma_start3A_141 = tpu.memref_squeeze %dma_start3A_140 : memref<1x64xi32, #tpu.memory_space<vmem>> -> memref<64xi32, #tpu.memory_space<vmem>>
        %dma_start3A_142 = arith.constant 0 : i32
        %dma_start3A_143 = arith.constant 0 : i32
        %dma_start3A_144 = tpu.memref_slice %arg4[%dma_start3A_142, %dma_start3A_143] : memref<10240x128xf32, #tpu.memory_space<hbm>> -> memref<10240x128xf32, #tpu.memory_space<hbm>>
        tpu.enqueue_indirect_dma source(%dma_start3A_144 : memref<10240x128xf32, #tpu.memory_space<hbm>>) target(%arg10 : memref<64x128xf32, #tpu.memory_space<vmem>>) offsets(%dma_start3A_141 : memref<64xi32, #tpu.memory_space<vmem>>) semaphore(%arg15 : memref<!tpu.dma_semaphore, #tpu.memory_space<semaphore_mem>>)
      } else {
      }
      %convert_element_type3A_91 = arith.extui %gt3A_7 : i1 to i32
      %cond3A_92 = arith.constant 0 : i32
      %cond3A_93 = arith.cmpi ne, %convert_element_type3A_91, %cond3A_92 : i32
      scf.if %cond3A_93 {
        %dma_wait3A_137 = arith.constant 0 : i32
        %dma_wait3A_138 = tpu.memref_slice %arg8[%add3A_69, %dma_wait3A_137] : memref<54x64xi32, #tpu.memory_space<vmem>> -> memref<1x64xi32, #tpu.memory_space<vmem>>
        %dma_wait3A_139 = tpu.memref_squeeze %dma_wait3A_138 : memref<1x64xi32, #tpu.memory_space<vmem>> -> memref<64xi32, #tpu.memory_space<vmem>>
        %dma_wait3A_140 = arith.constant 0 : i32
        %dma_wait3A_141 = arith.constant 0 : i32
        %dma_wait3A_142 = tpu.memref_slice %arg4[%dma_wait3A_140, %dma_wait3A_141] : memref<10240x128xf32, #tpu.memory_space<hbm>> -> memref<10240x128xf32, #tpu.memory_space<hbm>>
        tpu.wait_indirect_dma semaphore(%arg16 : memref<!tpu.dma_semaphore, #tpu.memory_space<semaphore_mem>>) src(%dma_wait3A_142 : memref<10240x128xf32, #tpu.memory_space<hbm>>) dst(%arg11 : memref<64x128xf32, #tpu.memory_space<vmem>>)
      } else {
      }
      %dma_start3A_94 = arith.constant 0 : i32
      %dma_start3A_95 = tpu.memref_slice %arg9[%add3A_69, %dma_start3A_94] : memref<54x64xi32, #tpu.memory_space<vmem>> -> memref<1x64xi32, #tpu.memory_space<vmem>>
      %dma_start3A_96 = tpu.memref_squeeze %dma_start3A_95 : memref<1x64xi32, #tpu.memory_space<vmem>> -> memref<64xi32, #tpu.memory_space<vmem>>
      %dma_start3A_97 = arith.constant 0 : i32
      %dma_start3A_98 = arith.constant 0 : i32
      %dma_start3A_99 = tpu.memref_slice %arg14[%dma_start3A_97, %dma_start3A_98] : memref<10240x128xf32, #tpu.memory_space<vmem_shared>> -> memref<10240x128xf32, #tpu.memory_space<vmem_shared>>
      tpu.enqueue_indirect_dma source(%arg11 : memref<64x128xf32, #tpu.memory_space<vmem>>) target(%dma_start3A_99 : memref<10240x128xf32, #tpu.memory_space<vmem_shared>>) offsets(%dma_start3A_96 : memref<64xi32, #tpu.memory_space<vmem>>) semaphore(%arg19 : memref<!tpu.dma_semaphore, #tpu.memory_space<semaphore_mem>>) {add = true}
      %dma_wait3A_100 = arith.constant 0 : i32
      %dma_wait3A_101 = tpu.memref_slice %arg9[%add3A_69, %dma_wait3A_100] : memref<54x64xi32, #tpu.memory_space<vmem>> -> memref<1x64xi32, #tpu.memory_space<vmem>>
      %dma_wait3A_102 = tpu.memref_squeeze %dma_wait3A_101 : memref<1x64xi32, #tpu.memory_space<vmem>> -> memref<64xi32, #tpu.memory_space<vmem>>
      %dma_wait3A_103 = arith.constant 0 : i32
      %dma_wait3A_104 = arith.constant 0 : i32
      %dma_wait3A_105 = tpu.memref_slice %arg14[%dma_wait3A_103, %dma_wait3A_104] : memref<10240x128xf32, #tpu.memory_space<vmem_shared>> -> memref<10240x128xf32, #tpu.memory_space<vmem_shared>>
      tpu.wait_indirect_dma semaphore(%arg19 : memref<!tpu.dma_semaphore, #tpu.memory_space<semaphore_mem>>) src(%arg11 : memref<64x128xf32, #tpu.memory_space<vmem>>) dst(%dma_wait3A_105 : memref<10240x128xf32, #tpu.memory_space<vmem_shared>>)
      %add3A_106 = arith.constant 3 : i32
      %add3A_107 = arith.addi %add3A_69, %add3A_106 : i32
      %lt3A_108 = arith.constant 54 : i32
      %lt3A_109 = arith.cmpi slt, %add3A_107, %lt3A_108 : i32
      %and3A_110 = arith.andi %gt3A_7, %lt3A_109 : i1
      %convert_element_type3A_111 = arith.extui %and3A_110 : i1 to i32
      %cond3A_112 = arith.constant 0 : i32
      %cond3A_113 = arith.cmpi ne, %convert_element_type3A_111, %cond3A_112 : i32
      scf.if %cond3A_113 {
        %add3A_137 = arith.constant 3 : i32
        %add3A_138 = arith.addi %add3A_69, %add3A_137 : i32
        %dma_start3A_139 = arith.constant 0 : i32
        %dma_start3A_140 = tpu.memref_slice %arg8[%add3A_138, %dma_start3A_139] : memref<54x64xi32, #tpu.memory_space<vmem>> -> memref<1x64xi32, #tpu.memory_space<vmem>>
        %dma_start3A_141 = tpu.memref_squeeze %dma_start3A_140 : memref<1x64xi32, #tpu.memory_space<vmem>> -> memref<64xi32, #tpu.memory_space<vmem>>
        %dma_start3A_142 = arith.constant 0 : i32
        %dma_start3A_143 = arith.constant 0 : i32
        %dma_start3A_144 = tpu.memref_slice %arg4[%dma_start3A_142, %dma_start3A_143] : memref<10240x128xf32, #tpu.memory_space<hbm>> -> memref<10240x128xf32, #tpu.memory_space<hbm>>
        tpu.enqueue_indirect_dma source(%dma_start3A_144 : memref<10240x128xf32, #tpu.memory_space<hbm>>) target(%arg11 : memref<64x128xf32, #tpu.memory_space<vmem>>) offsets(%dma_start3A_141 : memref<64xi32, #tpu.memory_space<vmem>>) semaphore(%arg16 : memref<!tpu.dma_semaphore, #tpu.memory_space<semaphore_mem>>)
      } else {
      }
      %convert_element_type3A_114 = arith.extui %gt3A_7 : i1 to i32
      %cond3A_115 = arith.constant 0 : i32
      %cond3A_116 = arith.cmpi ne, %convert_element_type3A_114, %cond3A_115 : i32
      scf.if %cond3A_116 {
        %dma_wait3A_137 = arith.constant 0 : i32
        %dma_wait3A_138 = tpu.memref_slice %arg8[%add3A_71, %dma_wait3A_137] : memref<54x64xi32, #tpu.memory_space<vmem>> -> memref<1x64xi32, #tpu.memory_space<vmem>>
        %dma_wait3A_139 = tpu.memref_squeeze %dma_wait3A_138 : memref<1x64xi32, #tpu.memory_space<vmem>> -> memref<64xi32, #tpu.memory_space<vmem>>
        %dma_wait3A_140 = arith.constant 0 : i32
        %dma_wait3A_141 = arith.constant 0 : i32
        %dma_wait3A_142 = tpu.memref_slice %arg4[%dma_wait3A_140, %dma_wait3A_141] : memref<10240x128xf32, #tpu.memory_space<hbm>> -> memref<10240x128xf32, #tpu.memory_space<hbm>>
        tpu.wait_indirect_dma semaphore(%arg17 : memref<!tpu.dma_semaphore, #tpu.memory_space<semaphore_mem>>) src(%dma_wait3A_142 : memref<10240x128xf32, #tpu.memory_space<hbm>>) dst(%arg12 : memref<64x128xf32, #tpu.memory_space<vmem>>)
      } else {
      }
      %dma_start3A_117 = arith.constant 0 : i32
      %dma_start3A_118 = tpu.memref_slice %arg9[%add3A_71, %dma_start3A_117] : memref<54x64xi32, #tpu.memory_space<vmem>> -> memref<1x64xi32, #tpu.memory_space<vmem>>
      %dma_start3A_119 = tpu.memref_squeeze %dma_start3A_118 : memref<1x64xi32, #tpu.memory_space<vmem>> -> memref<64xi32, #tpu.memory_space<vmem>>
      %dma_start3A_120 = arith.constant 0 : i32
      %dma_start3A_121 = arith.constant 0 : i32
      %dma_start3A_122 = tpu.memref_slice %arg14[%dma_start3A_120, %dma_start3A_121] : memref<10240x128xf32, #tpu.memory_space<vmem_shared>> -> memref<10240x128xf32, #tpu.memory_space<vmem_shared>>
      tpu.enqueue_indirect_dma source(%arg12 : memref<64x128xf32, #tpu.memory_space<vmem>>) target(%dma_start3A_122 : memref<10240x128xf32, #tpu.memory_space<vmem_shared>>) offsets(%dma_start3A_119 : memref<64xi32, #tpu.memory_space<vmem>>) semaphore(%arg20 : memref<!tpu.dma_semaphore, #tpu.memory_space<semaphore_mem>>) {add = true}
      %dma_wait3A_123 = arith.constant 0 : i32
      %dma_wait3A_124 = tpu.memref_slice %arg9[%add3A_71, %dma_wait3A_123] : memref<54x64xi32, #tpu.memory_space<vmem>> -> memref<1x64xi32, #tpu.memory_space<vmem>>
      %dma_wait3A_125 = tpu.memref_squeeze %dma_wait3A_124 : memref<1x64xi32, #tpu.memory_space<vmem>> -> memref<64xi32, #tpu.memory_space<vmem>>
      %dma_wait3A_126 = arith.constant 0 : i32
      %dma_wait3A_127 = arith.constant 0 : i32
      %dma_wait3A_128 = tpu.memref_slice %arg14[%dma_wait3A_126, %dma_wait3A_127] : memref<10240x128xf32, #tpu.memory_space<vmem_shared>> -> memref<10240x128xf32, #tpu.memory_space<vmem_shared>>
      tpu.wait_indirect_dma semaphore(%arg20 : memref<!tpu.dma_semaphore, #tpu.memory_space<semaphore_mem>>) src(%arg12 : memref<64x128xf32, #tpu.memory_space<vmem>>) dst(%dma_wait3A_128 : memref<10240x128xf32, #tpu.memory_space<vmem_shared>>)
      %add3A_129 = arith.constant 3 : i32
      %add3A_130 = arith.addi %add3A_71, %add3A_129 : i32
      %lt3A_131 = arith.constant 54 : i32
      %lt3A_132 = arith.cmpi slt, %add3A_130, %lt3A_131 : i32
      %and3A_133 = arith.andi %gt3A_7, %lt3A_132 : i1
      %convert_element_type3A_134 = arith.extui %and3A_133 : i1 to i32
      %cond3A_135 = arith.constant 0 : i32
      %cond3A_136 = arith.cmpi ne, %convert_element_type3A_134, %cond3A_135 : i32
      scf.if %cond3A_136 {
        %add3A_137 = arith.constant 3 : i32
        %add3A_138 = arith.addi %add3A_71, %add3A_137 : i32
        %dma_start3A_139 = arith.constant 0 : i32
        %dma_start3A_140 = tpu.memref_slice %arg8[%add3A_138, %dma_start3A_139] : memref<54x64xi32, #tpu.memory_space<vmem>> -> memref<1x64xi32, #tpu.memory_space<vmem>>
        %dma_start3A_141 = tpu.memref_squeeze %dma_start3A_140 : memref<1x64xi32, #tpu.memory_space<vmem>> -> memref<64xi32, #tpu.memory_space<vmem>>
        %dma_start3A_142 = arith.constant 0 : i32
        %dma_start3A_143 = arith.constant 0 : i32
        %dma_start3A_144 = tpu.memref_slice %arg4[%dma_start3A_142, %dma_start3A_143] : memref<10240x128xf32, #tpu.memory_space<hbm>> -> memref<10240x128xf32, #tpu.memory_space<hbm>>
        tpu.enqueue_indirect_dma source(%dma_start3A_144 : memref<10240x128xf32, #tpu.memory_space<hbm>>) target(%arg12 : memref<64x128xf32, #tpu.memory_space<vmem>>) offsets(%dma_start3A_141 : memref<64xi32, #tpu.memory_space<vmem>>) semaphore(%arg17 : memref<!tpu.dma_semaphore, #tpu.memory_space<semaphore_mem>>)
      } else {
      }
    }
    %scan3A_59 = arith.constant 18 : i32
    %barrier3A_60 = arith.constant 0 : index
    tpu.barrier barrier_id(%barrier3A_60)
    %mul3A_61 = arith.constant 640 : i32
    %mul3A_62 = arith.muli %arg1, %mul3A_61 : i32
    %mul3A_63 = arith.constant 640 : i32
    %mul3A_64 = arith.muli %arg1, %mul3A_63 : i32
    "tpu.region"() ({
      %run_scoped3A = tpu.sem_alloc : memref<!tpu.dma_semaphore, #tpu.memory_space<semaphore_mem>>
      %dma_start3A = arith.constant 0 : i32
      %dma_start3A_65 = tpu.memref_slice %arg7[%arg0, %mul3A_64, %dma_start3A] : memref<2x10240x128xf32, #tpu.memory_space<hbm>> -> memref<1x640x128xf32, #tpu.memory_space<hbm>>
      %dma_start3A_66 = tpu.memref_squeeze %dma_start3A_65 : memref<1x640x128xf32, #tpu.memory_space<hbm>> -> memref<640x128xf32, #tpu.memory_space<hbm>>
      %dma_start3A_67 = arith.constant 0 : i32
      %dma_start3A_68 = tpu.memref_slice %arg14[%mul3A_62, %dma_start3A_67] : memref<10240x128xf32, #tpu.memory_space<vmem_shared>> -> memref<640x128xf32, #tpu.memory_space<vmem_shared>>
      tpu.enqueue_dma source(%dma_start3A_68 : memref<640x128xf32, #tpu.memory_space<vmem_shared>>) target(%dma_start3A_66 : memref<640x128xf32, #tpu.memory_space<hbm>>) target_semaphore(%run_scoped3A : memref<!tpu.dma_semaphore, #tpu.memory_space<semaphore_mem>>)
      %dma_wait3A = arith.constant 0 : i32
      %dma_wait3A_69 = tpu.memref_slice %arg7[%arg0, %mul3A_64, %dma_wait3A] : memref<2x10240x128xf32, #tpu.memory_space<hbm>> -> memref<1x640x128xf32, #tpu.memory_space<hbm>>
      %dma_wait3A_70 = tpu.memref_squeeze %dma_wait3A_69 : memref<1x640x128xf32, #tpu.memory_space<hbm>> -> memref<640x128xf32, #tpu.memory_space<hbm>>
      %dma_wait3A_71 = arith.constant 0 : i32
      %dma_wait3A_72 = tpu.memref_slice %arg14[%mul3A_62, %dma_wait3A_71] : memref<10240x128xf32, #tpu.memory_space<vmem_shared>> -> memref<640x128xf32, #tpu.memory_space<vmem_shared>>
      tpu.wait_dma2 semaphore(%run_scoped3A : memref<!tpu.dma_semaphore, #tpu.memory_space<semaphore_mem>>) src(%dma_wait3A_72 : memref<640x128xf32, #tpu.memory_space<vmem_shared>>) dst(%dma_wait3A_70 : memref<640x128xf32, #tpu.memory_space<hbm>>)
      tpu.yield
    }) : () -> ()
    return
  }
}

#map = affine_map<(d0, d1) -> (0, 0, 0)>
#map1 = affine_map<(d0, d1) -> (0, 0)>
#map2 = affine_map<(d0, d1) -> (0)>
module attributes {stable_mosaic.version = 14 : i64} {
  func.func @_scat_body(%arg0: i32, %arg1: i32, %arg2: memref<96x54x64xi32, #tpu.memory_space<hbm>>, %arg3: memref<96x54x64xi32, #tpu.memory_space<hbm>>, %arg4: memref<10240x128xf32, #tpu.memory_space<hbm>>, %arg5: memref<10240x128xf32, #tpu.memory_space<hbm>>, %arg6: memref<16xi32, #tpu.memory_space<hbm>>, %arg7: memref<2x10240x128xf32, #tpu.memory_space<hbm>>, %arg8: memref<54x64xi32, #tpu.memory_space<vmem>>, %arg9: memref<54x64xi32, #tpu.memory_space<vmem>>, %arg10: memref<64x128xf32, #tpu.memory_space<vmem>>, %arg11: memref<64x128xf32, #tpu.memory_space<vmem>>, %arg12: memref<64x128xf32, #tpu.memory_space<vmem>>, %arg13: memref<16xi32, #tpu.memory_space<vmem>>, %arg14: memref<10240x128xf32, #tpu.memory_space<vmem_shared>>, %arg15: memref<!tpu.dma_semaphore, #tpu.memory_space<semaphore_mem>>, %arg16: memref<!tpu.dma_semaphore, #tpu.memory_space<semaphore_mem>>, %arg17: memref<!tpu.dma_semaphore, #tpu.memory_space<semaphore_mem>>, %arg18: memref<!tpu.dma_semaphore, #tpu.memory_space<semaphore_mem>>, %arg19: memref<!tpu.dma_semaphore, #tpu.memory_space<semaphore_mem>>, %arg20: memref<!tpu.dma_semaphore, #tpu.memory_space<semaphore_mem>>) attributes {dimension_semantics = [#tpu.dimension_semantics<core_parallel>, #tpu.dimension_semantics<subcore_parallel>], iteration_bounds = array<i64: 2, 16>, scalar_prefetch = 0 : i64, scratch_operands = 13 : i64, tpu.core_type = #tpu.core_type<sc_vector_subcore>, window_params = [{transform_indices = #map}, {transform_indices = #map}, {transform_indices = #map1}, {transform_indices = #map1}, {transform_indices = #map2}, {transform_indices = #map}]} {
    %mul3A = arith.constant 16 : i32
    %mul3A_0 = arith.muli %arg0, %mul3A : i32
    %add3A = arith.addi %mul3A_0, %arg1 : i32
    %mul3A_1 = arith.constant 640 : i32
    %mul3A_2 = arith.muli %arg1, %mul3A_1 : i32
    %mul3A_3 = arith.constant 640 : i32
    %mul3A_4 = arith.muli %arg1, %mul3A_3 : i32
    "tpu.region"() ({
      %run_scoped3A = tpu.sem_alloc : memref<!tpu.dma_semaphore, #tpu.memory_space<semaphore_mem>>
      %dma_start3A = arith.constant 0 : i32
      %dma_start3A_65 = tpu.memref_slice %arg14[%mul3A_4, %dma_start3A] : memref<10240x128xf32, #tpu.memory_space<vmem_shared>> -> memref<640x128xf32, #tpu.memory_space<vmem_shared>>
      %dma_start3A_66 = arith.constant 0 : i32
      %dma_start3A_67 = tpu.memref_slice %arg5[%mul3A_2, %dma_start3A_66] : memref<10240x128xf32, #tpu.memory_space<hbm>> -> memref<640x128xf32, #tpu.memory_space<hbm>>
      tpu.enqueue_dma source(%dma_start3A_67 : memref<640x128xf32, #tpu.memory_space<hbm>>) target(%dma_start3A_65 : memref<640x128xf32, #tpu.memory_space<vmem_shared>>) target_semaphore(%run_scoped3A : memref<!tpu.dma_semaphore, #tpu.memory_space<semaphore_mem>>)
      %dma_wait3A = arith.constant 0 : i32
      %dma_wait3A_68 = tpu.memref_slice %arg14[%mul3A_4, %dma_wait3A] : memref<10240x128xf32, #tpu.memory_space<vmem_shared>> -> memref<640x128xf32, #tpu.memory_space<vmem_shared>>
      %dma_wait3A_69 = arith.constant 0 : i32
      %dma_wait3A_70 = tpu.memref_slice %arg5[%mul3A_2, %dma_wait3A_69] : memref<10240x128xf32, #tpu.memory_space<hbm>> -> memref<640x128xf32, #tpu.memory_space<hbm>>
      tpu.wait_dma2 semaphore(%run_scoped3A : memref<!tpu.dma_semaphore, #tpu.memory_space<semaphore_mem>>) src(%dma_wait3A_70 : memref<640x128xf32, #tpu.memory_space<hbm>>) dst(%dma_wait3A_68 : memref<640x128xf32, #tpu.memory_space<vmem_shared>>)
      tpu.yield
    }) : () -> ()
    "tpu.region"() ({
      %run_scoped3A = tpu.sem_alloc : memref<!tpu.dma_semaphore, #tpu.memory_space<semaphore_mem>>
      tpu.enqueue_dma source(%arg6 : memref<16xi32, #tpu.memory_space<hbm>>) target(%arg13 : memref<16xi32, #tpu.memory_space<vmem>>) target_semaphore(%run_scoped3A : memref<!tpu.dma_semaphore, #tpu.memory_space<semaphore_mem>>)
      tpu.wait_dma2 semaphore(%run_scoped3A : memref<!tpu.dma_semaphore, #tpu.memory_space<semaphore_mem>>) src(%arg6 : memref<16xi32, #tpu.memory_space<hbm>>) dst(%arg13 : memref<16xi32, #tpu.memory_space<vmem>>)
      tpu.yield
    }) : () -> ()
    %get3A = arith.constant 0 : index
    %get3A_5 = tpu.vector_load %arg13[%get3A] {strides = array<i32>} : memref<16xi32, #tpu.memory_space<vmem>>, vector<16xi32>,
    %get3A_6 = vector.shape_cast %get3A_5 : vector<16xi32> to vector<16xi32>
    %slice3A = vector.extract_strided_slice %get3A_6 {offsets = [0], sizes = [1], strides = [1]} : vector<16xi32> to vector<1xi32>
    %squeeze3A = vector.extract %slice3A[0] : i32 from vector<1xi32>
    %gt3A = arith.constant 0 : i32
    %gt3A_7 = arith.cmpi sgt, %squeeze3A, %gt3A : i32
    %not3A = arith.constant true
    %not3A_8 = arith.xori %gt3A_7, %not3A : i1
    %convert_element_type3A = arith.extui %not3A_8 : i1 to i32
    %cond3A = arith.constant 0 : i32
    %cond3A_9 = arith.cmpi ne, %convert_element_type3A, %cond3A : i32
    scf.if %cond3A_9 {
      "tpu.region"() ({
        %run_scoped3A = tpu.sem_alloc : memref<!tpu.dma_semaphore, #tpu.memory_space<semaphore_mem>>
        %dma_start3A = arith.constant 0 : i32
        %dma_start3A_65 = arith.constant 0 : i32
        %dma_start3A_66 = tpu.memref_slice %arg4[%dma_start3A, %dma_start3A_65] : memref<10240x128xf32, #tpu.memory_space<hbm>> -> memref<64x128xf32, #tpu.memory_space<hbm>>
        %dma_start3A_67 = arith.constant 0 : i32
        %dma_start3A_68 = arith.constant 0 : i32
        %dma_start3A_69 = tpu.memref_slice %arg4[%dma_start3A_67, %dma_start3A_68] : memref<10240x128xf32, #tpu.memory_space<hbm>> -> memref<64x128xf32, #tpu.memory_space<hbm>>
        tpu.enqueue_dma source(%dma_start3A_69 : memref<64x128xf32, #tpu.memory_space<hbm>>) target(%arg10 : memref<64x128xf32, #tpu.memory_space<vmem>>) target_semaphore(%run_scoped3A : memref<!tpu.dma_semaphore, #tpu.memory_space<semaphore_mem>>)
        %dma_wait3A = arith.constant 0 : i32
        %dma_wait3A_70 = arith.constant 0 : i32
        %dma_wait3A_71 = tpu.memref_slice %arg4[%dma_wait3A, %dma_wait3A_70] : memref<10240x128xf32, #tpu.memory_space<hbm>> -> memref<64x128xf32, #tpu.memory_space<hbm>>
        %dma_wait3A_72 = arith.constant 0 : i32
        %dma_wait3A_73 = arith.constant 0 : i32
        %dma_wait3A_74 = tpu.memref_slice %arg4[%dma_wait3A_72, %dma_wait3A_73] : memref<10240x128xf32, #tpu.memory_space<hbm>> -> memref<64x128xf32, #tpu.memory_space<hbm>>
        tpu.wait_dma2 semaphore(%run_scoped3A : memref<!tpu.dma_semaphore, #tpu.memory_space<semaphore_mem>>) src(%dma_wait3A_74 : memref<64x128xf32, #tpu.memory_space<hbm>>) dst(%arg10 : memref<64x128xf32, #tpu.memory_space<vmem>>)
        tpu.yield
      }) : () -> ()
      "tpu.region"() ({
        %run_scoped3A = tpu.sem_alloc : memref<!tpu.dma_semaphore, #tpu.memory_space<semaphore_mem>>
        %dma_start3A = arith.constant 0 : i32
        %dma_start3A_65 = arith.constant 0 : i32
        %dma_start3A_66 = tpu.memref_slice %arg4[%dma_start3A, %dma_start3A_65] : memref<10240x128xf32, #tpu.memory_space<hbm>> -> memref<64x128xf32, #tpu.memory_space<hbm>>
        %dma_start3A_67 = arith.constant 0 : i32
        %dma_start3A_68 = arith.constant 0 : i32
        %dma_start3A_69 = tpu.memref_slice %arg4[%dma_start3A_67, %dma_start3A_68] : memref<10240x128xf32, #tpu.memory_space<hbm>> -> memref<64x128xf32, #tpu.memory_space<hbm>>
        tpu.enqueue_dma source(%dma_start3A_69 : memref<64x128xf32, #tpu.memory_space<hbm>>) target(%arg11 : memref<64x128xf32, #tpu.memory_space<vmem>>) target_semaphore(%run_scoped3A : memref<!tpu.dma_semaphore, #tpu.memory_space<semaphore_mem>>)
        %dma_wait3A = arith.constant 0 : i32
        %dma_wait3A_70 = arith.constant 0 : i32
        %dma_wait3A_71 = tpu.memref_slice %arg4[%dma_wait3A, %dma_wait3A_70] : memref<10240x128xf32, #tpu.memory_space<hbm>> -> memref<64x128xf32, #tpu.memory_space<hbm>>
        %dma_wait3A_72 = arith.constant 0 : i32
        %dma_wait3A_73 = arith.constant 0 : i32
        %dma_wait3A_74 = tpu.memref_slice %arg4[%dma_wait3A_72, %dma_wait3A_73] : memref<10240x128xf32, #tpu.memory_space<hbm>> -> memref<64x128xf32, #tpu.memory_space<hbm>>
        tpu.wait_dma2 semaphore(%run_scoped3A : memref<!tpu.dma_semaphore, #tpu.memory_space<semaphore_mem>>) src(%dma_wait3A_74 : memref<64x128xf32, #tpu.memory_space<hbm>>) dst(%arg11 : memref<64x128xf32, #tpu.memory_space<vmem>>)
        tpu.yield
      }) : () -> ()
      "tpu.region"() ({
        %run_scoped3A = tpu.sem_alloc : memref<!tpu.dma_semaphore, #tpu.memory_space<semaphore_mem>>
        %dma_start3A = arith.constant 0 : i32
        %dma_start3A_65 = arith.constant 0 : i32
        %dma_start3A_66 = tpu.memref_slice %arg4[%dma_start3A, %dma_start3A_65] : memref<10240x128xf32, #tpu.memory_space<hbm>> -> memref<64x128xf32, #tpu.memory_space<hbm>>
        %dma_start3A_67 = arith.constant 0 : i32
        %dma_start3A_68 = arith.constant 0 : i32
        %dma_start3A_69 = tpu.memref_slice %arg4[%dma_start3A_67, %dma_start3A_68] : memref<10240x128xf32, #tpu.memory_space<hbm>> -> memref<64x128xf32, #tpu.memory_space<hbm>>
        tpu.enqueue_dma source(%dma_start3A_69 : memref<64x128xf32, #tpu.memory_space<hbm>>) target(%arg12 : memref<64x128xf32, #tpu.memory_space<vmem>>) target_semaphore(%run_scoped3A : memref<!tpu.dma_semaphore, #tpu.memory_space<semaphore_mem>>)
        %dma_wait3A = arith.constant 0 : i32
        %dma_wait3A_70 = arith.constant 0 : i32
        %dma_wait3A_71 = tpu.memref_slice %arg4[%dma_wait3A, %dma_wait3A_70] : memref<10240x128xf32, #tpu.memory_space<hbm>> -> memref<64x128xf32, #tpu.memory_space<hbm>>
        %dma_wait3A_72 = arith.constant 0 : i32
        %dma_wait3A_73 = arith.constant 0 : i32
        %dma_wait3A_74 = tpu.memref_slice %arg4[%dma_wait3A_72, %dma_wait3A_73] : memref<10240x128xf32, #tpu.memory_space<hbm>> -> memref<64x128xf32, #tpu.memory_space<hbm>>
        tpu.wait_dma2 semaphore(%run_scoped3A : memref<!tpu.dma_semaphore, #tpu.memory_space<semaphore_mem>>) src(%dma_wait3A_74 : memref<64x128xf32, #tpu.memory_space<hbm>>) dst(%arg12 : memref<64x128xf32, #tpu.memory_space<vmem>>)
        tpu.yield
      }) : () -> ()
    } else {
    }
    %barrier3A = arith.constant 0 : index
    tpu.barrier barrier_id(%barrier3A)
    %mul3A_10 = arith.constant 3 : i32
    %mul3A_11 = arith.muli %add3A, %mul3A_10 : i32
    %add3A_12 = arith.constant 0 : i32
    %add3A_13 = arith.addi %mul3A_11, %add3A_12 : i32
    "tpu.region"() ({
      %run_scoped3A = tpu.sem_alloc : memref<!tpu.dma_semaphore, #tpu.memory_space<semaphore_mem>>
      %dma_start3A = arith.constant 0 : i32
      %dma_start3A_65 = arith.constant 0 : i32
      %dma_start3A_66 = tpu.memref_slice %arg2[%add3A_13, %dma_start3A, %dma_start3A_65] : memref<96x54x64xi32, #tpu.memory_space<hbm>> -> memref<1x54x64xi32, #tpu.memory_space<hbm>>
      %dma_start3A_67 = tpu.memref_squeeze %dma_start3A_66 : memref<1x54x64xi32, #tpu.memory_space<hbm>> -> memref<54x64xi32, #tpu.memory_space<hbm>>
      %dma_start3A_68 = arith.constant 0 : i32
      %dma_start3A_69 = arith.constant 0 : i32
      %dma_start3A_70 = tpu.memref_slice %arg2[%add3A_13, %dma_start3A_68, %dma_start3A_69] : memref<96x54x64xi32, #tpu.memory_space<hbm>> -> memref<1x54x64xi32, #tpu.memory_space<hbm>>
      %dma_start3A_71 = tpu.memref_squeeze %dma_start3A_70 : memref<1x54x64xi32, #tpu.memory_space<hbm>> -> memref<54x64xi32, #tpu.memory_space<hbm>>
      tpu.enqueue_dma source(%dma_start3A_71 : memref<54x64xi32, #tpu.memory_space<hbm>>) target(%arg8 : memref<54x64xi32, #tpu.memory_space<vmem>>) target_semaphore(%run_scoped3A : memref<!tpu.dma_semaphore, #tpu.memory_space<semaphore_mem>>)
      %dma_wait3A = arith.constant 0 : i32
      %dma_wait3A_72 = arith.constant 0 : i32
      %dma_wait3A_73 = tpu.memref_slice %arg2[%add3A_13, %dma_wait3A, %dma_wait3A_72] : memref<96x54x64xi32, #tpu.memory_space<hbm>> -> memref<1x54x64xi32, #tpu.memory_space<hbm>>
      %dma_wait3A_74 = tpu.memref_squeeze %dma_wait3A_73 : memref<1x54x64xi32, #tpu.memory_space<hbm>> -> memref<54x64xi32, #tpu.memory_space<hbm>>
      %dma_wait3A_75 = arith.constant 0 : i32
      %dma_wait3A_76 = arith.constant 0 : i32
      %dma_wait3A_77 = tpu.memref_slice %arg2[%add3A_13, %dma_wait3A_75, %dma_wait3A_76] : memref<96x54x64xi32, #tpu.memory_space<hbm>> -> memref<1x54x64xi32, #tpu.memory_space<hbm>>
      %dma_wait3A_78 = tpu.memref_squeeze %dma_wait3A_77 : memref<1x54x64xi32, #tpu.memory_space<hbm>> -> memref<54x64xi32, #tpu.memory_space<hbm>>
      tpu.wait_dma2 semaphore(%run_scoped3A : memref<!tpu.dma_semaphore, #tpu.memory_space<semaphore_mem>>) src(%dma_wait3A_78 : memref<54x64xi32, #tpu.memory_space<hbm>>) dst(%arg8 : memref<54x64xi32, #tpu.memory_space<vmem>>)
      tpu.yield
    }) : () -> ()
    %mul3A_14 = arith.constant 3 : i32
    %mul3A_15 = arith.muli %add3A, %mul3A_14 : i32
    %add3A_16 = arith.constant 0 : i32
    %add3A_17 = arith.addi %mul3A_15, %add3A_16 : i32
    "tpu.region"() ({
      %run_scoped3A = tpu.sem_alloc : memref<!tpu.dma_semaphore, #tpu.memory_space<semaphore_mem>>
      %dma_start3A = arith.constant 0 : i32
      %dma_start3A_65 = arith.constant 0 : i32
      %dma_start3A_66 = tpu.memref_slice %arg3[%add3A_17, %dma_start3A, %dma_start3A_65] : memref<96x54x64xi32, #tpu.memory_space<hbm>> -> memref<1x54x64xi32, #tpu.memory_space<hbm>>
      %dma_start3A_67 = tpu.memref_squeeze %dma_start3A_66 : memref<1x54x64xi32, #tpu.memory_space<hbm>> -> memref<54x64xi32, #tpu.memory_space<hbm>>
      %dma_start3A_68 = arith.constant 0 : i32
      %dma_start3A_69 = arith.constant 0 : i32
      %dma_start3A_70 = tpu.memref_slice %arg3[%add3A_17, %dma_start3A_68, %dma_start3A_69] : memref<96x54x64xi32, #tpu.memory_space<hbm>> -> memref<1x54x64xi32, #tpu.memory_space<hbm>>
      %dma_start3A_71 = tpu.memref_squeeze %dma_start3A_70 : memref<1x54x64xi32, #tpu.memory_space<hbm>> -> memref<54x64xi32, #tpu.memory_space<hbm>>
      tpu.enqueue_dma source(%dma_start3A_71 : memref<54x64xi32, #tpu.memory_space<hbm>>) target(%arg9 : memref<54x64xi32, #tpu.memory_space<vmem>>) target_semaphore(%run_scoped3A : memref<!tpu.dma_semaphore, #tpu.memory_space<semaphore_mem>>)
      %dma_wait3A = arith.constant 0 : i32
      %dma_wait3A_72 = arith.constant 0 : i32
      %dma_wait3A_73 = tpu.memref_slice %arg3[%add3A_17, %dma_wait3A, %dma_wait3A_72] : memref<96x54x64xi32, #tpu.memory_space<hbm>> -> memref<1x54x64xi32, #tpu.memory_space<hbm>>
      %dma_wait3A_74 = tpu.memref_squeeze %dma_wait3A_73 : memref<1x54x64xi32, #tpu.memory_space<hbm>> -> memref<54x64xi32, #tpu.memory_space<hbm>>
      %dma_wait3A_75 = arith.constant 0 : i32
      %dma_wait3A_76 = arith.constant 0 : i32
      %dma_wait3A_77 = tpu.memref_slice %arg3[%add3A_17, %dma_wait3A_75, %dma_wait3A_76] : memref<96x54x64xi32, #tpu.memory_space<hbm>> -> memref<1x54x64xi32, #tpu.memory_space<hbm>>
      %dma_wait3A_78 = tpu.memref_squeeze %dma_wait3A_77 : memref<1x54x64xi32, #tpu.memory_space<hbm>> -> memref<54x64xi32, #tpu.memory_space<hbm>>
      tpu.wait_dma2 semaphore(%run_scoped3A : memref<!tpu.dma_semaphore, #tpu.memory_space<semaphore_mem>>) src(%dma_wait3A_78 : memref<54x64xi32, #tpu.memory_space<hbm>>) dst(%arg9 : memref<54x64xi32, #tpu.memory_space<vmem>>)
      tpu.yield
    }) : () -> ()
    %convert_element_type3A_18 = arith.extui %gt3A_7 : i1 to i32
    %cond3A_19 = arith.constant 0 : i32
    %cond3A_20 = arith.cmpi ne, %convert_element_type3A_18, %cond3A_19 : i32
    scf.if %cond3A_20 {
      %dma_start3A = arith.constant 0 : i32
      %dma_start3A_65 = arith.constant 0 : i32
      %dma_start3A_66 = tpu.memref_slice %arg8[%dma_start3A, %dma_start3A_65] : memref<54x64xi32, #tpu.memory_space<vmem>> -> memref<1x64xi32, #tpu.memory_space<vmem>>
      %dma_start3A_67 = tpu.memref_squeeze %dma_start3A_66 : memref<1x64xi32, #tpu.memory_space<vmem>> -> memref<64xi32, #tpu.memory_space<vmem>>
      %dma_start3A_68 = arith.constant 0 : i32
      %dma_start3A_69 = arith.constant 0 : i32
      %dma_start3A_70 = tpu.memref_slice %arg4[%dma_start3A_68, %dma_start3A_69] : memref<10240x128xf32, #tpu.memory_space<hbm>> -> memref<10240x128xf32, #tpu.memory_space<hbm>>
      tpu.enqueue_indirect_dma source(%dma_start3A_70 : memref<10240x128xf32, #tpu.memory_space<hbm>>) target(%arg10 : memref<64x128xf32, #tpu.memory_space<vmem>>) offsets(%dma_start3A_67 : memref<64xi32, #tpu.memory_space<vmem>>) semaphore(%arg15 : memref<!tpu.dma_semaphore, #tpu.memory_space<semaphore_mem>>)
      %dma_start3A_71 = arith.constant 1 : i32
      %dma_start3A_72 = arith.constant 0 : i32
      %dma_start3A_73 = tpu.memref_slice %arg8[%dma_start3A_71, %dma_start3A_72] : memref<54x64xi32, #tpu.memory_space<vmem>> -> memref<1x64xi32, #tpu.memory_space<vmem>>
      %dma_start3A_74 = tpu.memref_squeeze %dma_start3A_73 : memref<1x64xi32, #tpu.memory_space<vmem>> -> memref<64xi32, #tpu.memory_space<vmem>>
      %dma_start3A_75 = arith.constant 0 : i32
      %dma_start3A_76 = arith.constant 0 : i32
      %dma_start3A_77 = tpu.memref_slice %arg4[%dma_start3A_75, %dma_start3A_76] : memref<10240x128xf32, #tpu.memory_space<hbm>> -> memref<10240x128xf32, #tpu.memory_space<hbm>>
      tpu.enqueue_indirect_dma source(%dma_start3A_77 : memref<10240x128xf32, #tpu.memory_space<hbm>>) target(%arg11 : memref<64x128xf32, #tpu.memory_space<vmem>>) offsets(%dma_start3A_74 : memref<64xi32, #tpu.memory_space<vmem>>) semaphore(%arg16 : memref<!tpu.dma_semaphore, #tpu.memory_space<semaphore_mem>>)
      %dma_start3A_78 = arith.constant 2 : i32
      %dma_start3A_79 = arith.constant 0 : i32
      %dma_start3A_80 = tpu.memref_slice %arg8[%dma_start3A_78, %dma_start3A_79] : memref<54x64xi32, #tpu.memory_space<vmem>> -> memref<1x64xi32, #tpu.memory_space<vmem>>
      %dma_start3A_81 = tpu.memref_squeeze %dma_start3A_80 : memref<1x64xi32, #tpu.memory_space<vmem>> -> memref<64xi32, #tpu.memory_space<vmem>>
      %dma_start3A_82 = arith.constant 0 : i32
      %dma_start3A_83 = arith.constant 0 : i32
      %dma_start3A_84 = tpu.memref_slice %arg4[%dma_start3A_82, %dma_start3A_83] : memref<10240x128xf32, #tpu.memory_space<hbm>> -> memref<10240x128xf32, #tpu.memory_space<hbm>>
      tpu.enqueue_indirect_dma source(%dma_start3A_84 : memref<10240x128xf32, #tpu.memory_space<hbm>>) target(%arg12 : memref<64x128xf32, #tpu.memory_space<vmem>>) offsets(%dma_start3A_81 : memref<64xi32, #tpu.memory_space<vmem>>) semaphore(%arg17 : memref<!tpu.dma_semaphore, #tpu.memory_space<semaphore_mem>>)
    } else {
    }
    %scan3A = arith.constant 0 : i32
    %scan3A_21 = arith.constant 0 : i32
    %scan3A_22 = arith.constant 18 : i32
    %scan3A_23 = arith.addi %scan3A_21, %scan3A_22 : i32
    %scan3A_24 = arith.constant 1 : i32
    scf.for %scan3A_65 = %scan3A_21 to %scan3A_23 step %scan3A_24  : i32 {
      %mul3A_66 = arith.constant 3 : i32
      %mul3A_67 = arith.muli %mul3A_66, %scan3A_65 : i32
      %add3A_68 = arith.constant 1 : i32
      %add3A_69 = arith.addi %mul3A_67, %add3A_68 : i32
      %add3A_70 = arith.constant 2 : i32
      %add3A_71 = arith.addi %mul3A_67, %add3A_70 : i32
      %convert_element_type3A_72 = arith.extui %gt3A_7 : i1 to i32
      %cond3A_73 = arith.constant 0 : i32
      %cond3A_74 = arith.cmpi ne, %convert_element_type3A_72, %cond3A_73 : i32
      scf.if %cond3A_74 {
        %dma_wait3A_137 = arith.constant 0 : i32
        %dma_wait3A_138 = tpu.memref_slice %arg8[%mul3A_67, %dma_wait3A_137] : memref<54x64xi32, #tpu.memory_space<vmem>> -> memref<1x64xi32, #tpu.memory_space<vmem>>
        %dma_wait3A_139 = tpu.memref_squeeze %dma_wait3A_138 : memref<1x64xi32, #tpu.memory_space<vmem>> -> memref<64xi32, #tpu.memory_space<vmem>>
        %dma_wait3A_140 = arith.constant 0 : i32
        %dma_wait3A_141 = arith.constant 0 : i32
        %dma_wait3A_142 = tpu.memref_slice %arg4[%dma_wait3A_140, %dma_wait3A_141] : memref<10240x128xf32, #tpu.memory_space<hbm>> -> memref<10240x128xf32, #tpu.memory_space<hbm>>
        tpu.wait_indirect_dma semaphore(%arg15 : memref<!tpu.dma_semaphore, #tpu.memory_space<semaphore_mem>>) src(%dma_wait3A_142 : memref<10240x128xf32, #tpu.memory_space<hbm>>) dst(%arg10 : memref<64x128xf32, #tpu.memory_space<vmem>>)
      } else {
      }
      %dma_start3A = arith.constant 0 : i32
      %dma_start3A_75 = tpu.memref_slice %arg9[%mul3A_67, %dma_start3A] : memref<54x64xi32, #tpu.memory_space<vmem>> -> memref<1x64xi32, #tpu.memory_space<vmem>>
      %dma_start3A_76 = tpu.memref_squeeze %dma_start3A_75 : memref<1x64xi32, #tpu.memory_space<vmem>> -> memref<64xi32, #tpu.memory_space<vmem>>
      %dma_start3A_77 = arith.constant 0 : i32
      %dma_start3A_78 = arith.constant 0 : i32
      %dma_start3A_79 = tpu.memref_slice %arg14[%dma_start3A_77, %dma_start3A_78] : memref<10240x128xf32, #tpu.memory_space<vmem_shared>> -> memref<10240x128xf32, #tpu.memory_space<vmem_shared>>
      tpu.enqueue_indirect_dma source(%arg10 : memref<64x128xf32, #tpu.memory_space<vmem>>) target(%dma_start3A_79 : memref<10240x128xf32, #tpu.memory_space<vmem_shared>>) offsets(%dma_start3A_76 : memref<64xi32, #tpu.memory_space<vmem>>) semaphore(%arg18 : memref<!tpu.dma_semaphore, #tpu.memory_space<semaphore_mem>>) {add = true}
      %dma_wait3A = arith.constant 0 : i32
      %dma_wait3A_80 = tpu.memref_slice %arg9[%mul3A_67, %dma_wait3A] : memref<54x64xi32, #tpu.memory_space<vmem>> -> memref<1x64xi32, #tpu.memory_space<vmem>>
      %dma_wait3A_81 = tpu.memref_squeeze %dma_wait3A_80 : memref<1x64xi32, #tpu.memory_space<vmem>> -> memref<64xi32, #tpu.memory_space<vmem>>
      %dma_wait3A_82 = arith.constant 0 : i32
      %dma_wait3A_83 = arith.constant 0 : i32
      %dma_wait3A_84 = tpu.memref_slice %arg14[%dma_wait3A_82, %dma_wait3A_83] : memref<10240x128xf32, #tpu.memory_space<vmem_shared>> -> memref<10240x128xf32, #tpu.memory_space<vmem_shared>>
      tpu.wait_indirect_dma semaphore(%arg18 : memref<!tpu.dma_semaphore, #tpu.memory_space<semaphore_mem>>) src(%arg10 : memref<64x128xf32, #tpu.memory_space<vmem>>) dst(%dma_wait3A_84 : memref<10240x128xf32, #tpu.memory_space<vmem_shared>>)
      %add3A_85 = arith.constant 3 : i32
      %add3A_86 = arith.addi %mul3A_67, %add3A_85 : i32
      %lt3A = arith.constant 54 : i32
      %lt3A_87 = arith.cmpi slt, %add3A_86, %lt3A : i32
      %and3A = arith.andi %gt3A_7, %lt3A_87 : i1
      %convert_element_type3A_88 = arith.extui %and3A : i1 to i32
      %cond3A_89 = arith.constant 0 : i32
      %cond3A_90 = arith.cmpi ne, %convert_element_type3A_88, %cond3A_89 : i32
      scf.if %cond3A_90 {
        %add3A_137 = arith.constant 3 : i32
        %add3A_138 = arith.addi %mul3A_67, %add3A_137 : i32
        %dma_start3A_139 = arith.constant 0 : i32
        %dma_start3A_140 = tpu.memref_slice %arg8[%add3A_138, %dma_start3A_139] : memref<54x64xi32, #tpu.memory_space<vmem>> -> memref<1x64xi32, #tpu.memory_space<vmem>>
        %dma_start3A_141 = tpu.memref_squeeze %dma_start3A_140 : memref<1x64xi32, #tpu.memory_space<vmem>> -> memref<64xi32, #tpu.memory_space<vmem>>
        %dma_start3A_142 = arith.constant 0 : i32
        %dma_start3A_143 = arith.constant 0 : i32
        %dma_start3A_144 = tpu.memref_slice %arg4[%dma_start3A_142, %dma_start3A_143] : memref<10240x128xf32, #tpu.memory_space<hbm>> -> memref<10240x128xf32, #tpu.memory_space<hbm>>
        tpu.enqueue_indirect_dma source(%dma_start3A_144 : memref<10240x128xf32, #tpu.memory_space<hbm>>) target(%arg10 : memref<64x128xf32, #tpu.memory_space<vmem>>) offsets(%dma_start3A_141 : memref<64xi32, #tpu.memory_space<vmem>>) semaphore(%arg15 : memref<!tpu.dma_semaphore, #tpu.memory_space<semaphore_mem>>)
      } else {
      }
      %convert_element_type3A_91 = arith.extui %gt3A_7 : i1 to i32
      %cond3A_92 = arith.constant 0 : i32
      %cond3A_93 = arith.cmpi ne, %convert_element_type3A_91, %cond3A_92 : i32
      scf.if %cond3A_93 {
        %dma_wait3A_137 = arith.constant 0 : i32
        %dma_wait3A_138 = tpu.memref_slice %arg8[%add3A_69, %dma_wait3A_137] : memref<54x64xi32, #tpu.memory_space<vmem>> -> memref<1x64xi32, #tpu.memory_space<vmem>>
        %dma_wait3A_139 = tpu.memref_squeeze %dma_wait3A_138 : memref<1x64xi32, #tpu.memory_space<vmem>> -> memref<64xi32, #tpu.memory_space<vmem>>
        %dma_wait3A_140 = arith.constant 0 : i32
        %dma_wait3A_141 = arith.constant 0 : i32
        %dma_wait3A_142 = tpu.memref_slice %arg4[%dma_wait3A_140, %dma_wait3A_141] : memref<10240x128xf32, #tpu.memory_space<hbm>> -> memref<10240x128xf32, #tpu.memory_space<hbm>>
        tpu.wait_indirect_dma semaphore(%arg16 : memref<!tpu.dma_semaphore, #tpu.memory_space<semaphore_mem>>) src(%dma_wait3A_142 : memref<10240x128xf32, #tpu.memory_space<hbm>>) dst(%arg11 : memref<64x128xf32, #tpu.memory_space<vmem>>)
      } else {
      }
      %dma_start3A_94 = arith.constant 0 : i32
      %dma_start3A_95 = tpu.memref_slice %arg9[%add3A_69, %dma_start3A_94] : memref<54x64xi32, #tpu.memory_space<vmem>> -> memref<1x64xi32, #tpu.memory_space<vmem>>
      %dma_start3A_96 = tpu.memref_squeeze %dma_start3A_95 : memref<1x64xi32, #tpu.memory_space<vmem>> -> memref<64xi32, #tpu.memory_space<vmem>>
      %dma_start3A_97 = arith.constant 0 : i32
      %dma_start3A_98 = arith.constant 0 : i32
      %dma_start3A_99 = tpu.memref_slice %arg14[%dma_start3A_97, %dma_start3A_98] : memref<10240x128xf32, #tpu.memory_space<vmem_shared>> -> memref<10240x128xf32, #tpu.memory_space<vmem_shared>>
      tpu.enqueue_indirect_dma source(%arg11 : memref<64x128xf32, #tpu.memory_space<vmem>>) target(%dma_start3A_99 : memref<10240x128xf32, #tpu.memory_space<vmem_shared>>) offsets(%dma_start3A_96 : memref<64xi32, #tpu.memory_space<vmem>>) semaphore(%arg19 : memref<!tpu.dma_semaphore, #tpu.memory_space<semaphore_mem>>) {add = true}
      %dma_wait3A_100 = arith.constant 0 : i32
      %dma_wait3A_101 = tpu.memref_slice %arg9[%add3A_69, %dma_wait3A_100] : memref<54x64xi32, #tpu.memory_space<vmem>> -> memref<1x64xi32, #tpu.memory_space<vmem>>
      %dma_wait3A_102 = tpu.memref_squeeze %dma_wait3A_101 : memref<1x64xi32, #tpu.memory_space<vmem>> -> memref<64xi32, #tpu.memory_space<vmem>>
      %dma_wait3A_103 = arith.constant 0 : i32
      %dma_wait3A_104 = arith.constant 0 : i32
      %dma_wait3A_105 = tpu.memref_slice %arg14[%dma_wait3A_103, %dma_wait3A_104] : memref<10240x128xf32, #tpu.memory_space<vmem_shared>> -> memref<10240x128xf32, #tpu.memory_space<vmem_shared>>
      tpu.wait_indirect_dma semaphore(%arg19 : memref<!tpu.dma_semaphore, #tpu.memory_space<semaphore_mem>>) src(%arg11 : memref<64x128xf32, #tpu.memory_space<vmem>>) dst(%dma_wait3A_105 : memref<10240x128xf32, #tpu.memory_space<vmem_shared>>)
      %add3A_106 = arith.constant 3 : i32
      %add3A_107 = arith.addi %add3A_69, %add3A_106 : i32
      %lt3A_108 = arith.constant 54 : i32
      %lt3A_109 = arith.cmpi slt, %add3A_107, %lt3A_108 : i32
      %and3A_110 = arith.andi %gt3A_7, %lt3A_109 : i1
      %convert_element_type3A_111 = arith.extui %and3A_110 : i1 to i32
      %cond3A_112 = arith.constant 0 : i32
      %cond3A_113 = arith.cmpi ne, %convert_element_type3A_111, %cond3A_112 : i32
      scf.if %cond3A_113 {
        %add3A_137 = arith.constant 3 : i32
        %add3A_138 = arith.addi %add3A_69, %add3A_137 : i32
        %dma_start3A_139 = arith.constant 0 : i32
        %dma_start3A_140 = tpu.memref_slice %arg8[%add3A_138, %dma_start3A_139] : memref<54x64xi32, #tpu.memory_space<vmem>> -> memref<1x64xi32, #tpu.memory_space<vmem>>
        %dma_start3A_141 = tpu.memref_squeeze %dma_start3A_140 : memref<1x64xi32, #tpu.memory_space<vmem>> -> memref<64xi32, #tpu.memory_space<vmem>>
        %dma_start3A_142 = arith.constant 0 : i32
        %dma_start3A_143 = arith.constant 0 : i32
        %dma_start3A_144 = tpu.memref_slice %arg4[%dma_start3A_142, %dma_start3A_143] : memref<10240x128xf32, #tpu.memory_space<hbm>> -> memref<10240x128xf32, #tpu.memory_space<hbm>>
        tpu.enqueue_indirect_dma source(%dma_start3A_144 : memref<10240x128xf32, #tpu.memory_space<hbm>>) target(%arg11 : memref<64x128xf32, #tpu.memory_space<vmem>>) offsets(%dma_start3A_141 : memref<64xi32, #tpu.memory_space<vmem>>) semaphore(%arg16 : memref<!tpu.dma_semaphore, #tpu.memory_space<semaphore_mem>>)
      } else {
      }
      %convert_element_type3A_114 = arith.extui %gt3A_7 : i1 to i32
      %cond3A_115 = arith.constant 0 : i32
      %cond3A_116 = arith.cmpi ne, %convert_element_type3A_114, %cond3A_115 : i32
      scf.if %cond3A_116 {
        %dma_wait3A_137 = arith.constant 0 : i32
        %dma_wait3A_138 = tpu.memref_slice %arg8[%add3A_71, %dma_wait3A_137] : memref<54x64xi32, #tpu.memory_space<vmem>> -> memref<1x64xi32, #tpu.memory_space<vmem>>
        %dma_wait3A_139 = tpu.memref_squeeze %dma_wait3A_138 : memref<1x64xi32, #tpu.memory_space<vmem>> -> memref<64xi32, #tpu.memory_space<vmem>>
        %dma_wait3A_140 = arith.constant 0 : i32
        %dma_wait3A_141 = arith.constant 0 : i32
        %dma_wait3A_142 = tpu.memref_slice %arg4[%dma_wait3A_140, %dma_wait3A_141] : memref<10240x128xf32, #tpu.memory_space<hbm>> -> memref<10240x128xf32, #tpu.memory_space<hbm>>
        tpu.wait_indirect_dma semaphore(%arg17 : memref<!tpu.dma_semaphore, #tpu.memory_space<semaphore_mem>>) src(%dma_wait3A_142 : memref<10240x128xf32, #tpu.memory_space<hbm>>) dst(%arg12 : memref<64x128xf32, #tpu.memory_space<vmem>>)
      } else {
      }
      %dma_start3A_117 = arith.constant 0 : i32
      %dma_start3A_118 = tpu.memref_slice %arg9[%add3A_71, %dma_start3A_117] : memref<54x64xi32, #tpu.memory_space<vmem>> -> memref<1x64xi32, #tpu.memory_space<vmem>>
      %dma_start3A_119 = tpu.memref_squeeze %dma_start3A_118 : memref<1x64xi32, #tpu.memory_space<vmem>> -> memref<64xi32, #tpu.memory_space<vmem>>
      %dma_start3A_120 = arith.constant 0 : i32
      %dma_start3A_121 = arith.constant 0 : i32
      %dma_start3A_122 = tpu.memref_slice %arg14[%dma_start3A_120, %dma_start3A_121] : memref<10240x128xf32, #tpu.memory_space<vmem_shared>> -> memref<10240x128xf32, #tpu.memory_space<vmem_shared>>
      tpu.enqueue_indirect_dma source(%arg12 : memref<64x128xf32, #tpu.memory_space<vmem>>) target(%dma_start3A_122 : memref<10240x128xf32, #tpu.memory_space<vmem_shared>>) offsets(%dma_start3A_119 : memref<64xi32, #tpu.memory_space<vmem>>) semaphore(%arg20 : memref<!tpu.dma_semaphore, #tpu.memory_space<semaphore_mem>>) {add = true}
      %dma_wait3A_123 = arith.constant 0 : i32
      %dma_wait3A_124 = tpu.memref_slice %arg9[%add3A_71, %dma_wait3A_123] : memref<54x64xi32, #tpu.memory_space<vmem>> -> memref<1x64xi32, #tpu.memory_space<vmem>>
      %dma_wait3A_125 = tpu.memref_squeeze %dma_wait3A_124 : memref<1x64xi32, #tpu.memory_space<vmem>> -> memref<64xi32, #tpu.memory_space<vmem>>
      %dma_wait3A_126 = arith.constant 0 : i32
      %dma_wait3A_127 = arith.constant 0 : i32
      %dma_wait3A_128 = tpu.memref_slice %arg14[%dma_wait3A_126, %dma_wait3A_127] : memref<10240x128xf32, #tpu.memory_space<vmem_shared>> -> memref<10240x128xf32, #tpu.memory_space<vmem_shared>>
      tpu.wait_indirect_dma semaphore(%arg20 : memref<!tpu.dma_semaphore, #tpu.memory_space<semaphore_mem>>) src(%arg12 : memref<64x128xf32, #tpu.memory_space<vmem>>) dst(%dma_wait3A_128 : memref<10240x128xf32, #tpu.memory_space<vmem_shared>>)
      %add3A_129 = arith.constant 3 : i32
      %add3A_130 = arith.addi %add3A_71, %add3A_129 : i32
      %lt3A_131 = arith.constant 54 : i32
      %lt3A_132 = arith.cmpi slt, %add3A_130, %lt3A_131 : i32
      %and3A_133 = arith.andi %gt3A_7, %lt3A_132 : i1
      %convert_element_type3A_134 = arith.extui %and3A_133 : i1 to i32
      %cond3A_135 = arith.constant 0 : i32
      %cond3A_136 = arith.cmpi ne, %convert_element_type3A_134, %cond3A_135 : i32
      scf.if %cond3A_136 {
        %add3A_137 = arith.constant 3 : i32
        %add3A_138 = arith.addi %add3A_71, %add3A_137 : i32
        %dma_start3A_139 = arith.constant 0 : i32
        %dma_start3A_140 = tpu.memref_slice %arg8[%add3A_138, %dma_start3A_139] : memref<54x64xi32, #tpu.memory_space<vmem>> -> memref<1x64xi32, #tpu.memory_space<vmem>>
        %dma_start3A_141 = tpu.memref_squeeze %dma_start3A_140 : memref<1x64xi32, #tpu.memory_space<vmem>> -> memref<64xi32, #tpu.memory_space<vmem>>
        %dma_start3A_142 = arith.constant 0 : i32
        %dma_start3A_143 = arith.constant 0 : i32
        %dma_start3A_144 = tpu.memref_slice %arg4[%dma_start3A_142, %dma_start3A_143] : memref<10240x128xf32, #tpu.memory_space<hbm>> -> memref<10240x128xf32, #tpu.memory_space<hbm>>
        tpu.enqueue_indirect_dma source(%dma_start3A_144 : memref<10240x128xf32, #tpu.memory_space<hbm>>) target(%arg12 : memref<64x128xf32, #tpu.memory_space<vmem>>) offsets(%dma_start3A_141 : memref<64xi32, #tpu.memory_space<vmem>>) semaphore(%arg17 : memref<!tpu.dma_semaphore, #tpu.memory_space<semaphore_mem>>)
      } else {
      }
    }
    %scan3A_25 = arith.constant 18 : i32
    %mul3A_26 = arith.constant 3 : i32
    %mul3A_27 = arith.muli %add3A, %mul3A_26 : i32
    %add3A_28 = arith.constant 1 : i32
    %add3A_29 = arith.addi %mul3A_27, %add3A_28 : i32
    "tpu.region"() ({
      %run_scoped3A = tpu.sem_alloc : memref<!tpu.dma_semaphore, #tpu.memory_space<semaphore_mem>>
      %dma_start3A = arith.constant 0 : i32
      %dma_start3A_65 = arith.constant 0 : i32
      %dma_start3A_66 = tpu.memref_slice %arg2[%add3A_29, %dma_start3A, %dma_start3A_65] : memref<96x54x64xi32, #tpu.memory_space<hbm>> -> memref<1x54x64xi32, #tpu.memory_space<hbm>>
      %dma_start3A_67 = tpu.memref_squeeze %dma_start3A_66 : memref<1x54x64xi32, #tpu.memory_space<hbm>> -> memref<54x64xi32, #tpu.memory_space<hbm>>
      %dma_start3A_68 = arith.constant 0 : i32
      %dma_start3A_69 = arith.constant 0 : i32
      %dma_start3A_70 = tpu.memref_slice %arg2[%add3A_29, %dma_start3A_68, %dma_start3A_69] : memref<96x54x64xi32, #tpu.memory_space<hbm>> -> memref<1x54x64xi32, #tpu.memory_space<hbm>>
      %dma_start3A_71 = tpu.memref_squeeze %dma_start3A_70 : memref<1x54x64xi32, #tpu.memory_space<hbm>> -> memref<54x64xi32, #tpu.memory_space<hbm>>
      tpu.enqueue_dma source(%dma_start3A_71 : memref<54x64xi32, #tpu.memory_space<hbm>>) target(%arg8 : memref<54x64xi32, #tpu.memory_space<vmem>>) target_semaphore(%run_scoped3A : memref<!tpu.dma_semaphore, #tpu.memory_space<semaphore_mem>>)
      %dma_wait3A = arith.constant 0 : i32
      %dma_wait3A_72 = arith.constant 0 : i32
      %dma_wait3A_73 = tpu.memref_slice %arg2[%add3A_29, %dma_wait3A, %dma_wait3A_72] : memref<96x54x64xi32, #tpu.memory_space<hbm>> -> memref<1x54x64xi32, #tpu.memory_space<hbm>>
      %dma_wait3A_74 = tpu.memref_squeeze %dma_wait3A_73 : memref<1x54x64xi32, #tpu.memory_space<hbm>> -> memref<54x64xi32, #tpu.memory_space<hbm>>
      %dma_wait3A_75 = arith.constant 0 : i32
      %dma_wait3A_76 = arith.constant 0 : i32
      %dma_wait3A_77 = tpu.memref_slice %arg2[%add3A_29, %dma_wait3A_75, %dma_wait3A_76] : memref<96x54x64xi32, #tpu.memory_space<hbm>> -> memref<1x54x64xi32, #tpu.memory_space<hbm>>
      %dma_wait3A_78 = tpu.memref_squeeze %dma_wait3A_77 : memref<1x54x64xi32, #tpu.memory_space<hbm>> -> memref<54x64xi32, #tpu.memory_space<hbm>>
      tpu.wait_dma2 semaphore(%run_scoped3A : memref<!tpu.dma_semaphore, #tpu.memory_space<semaphore_mem>>) src(%dma_wait3A_78 : memref<54x64xi32, #tpu.memory_space<hbm>>) dst(%arg8 : memref<54x64xi32, #tpu.memory_space<vmem>>)
      tpu.yield
    }) : () -> ()
    %mul3A_30 = arith.constant 3 : i32
    %mul3A_31 = arith.muli %add3A, %mul3A_30 : i32
    %add3A_32 = arith.constant 1 : i32
    %add3A_33 = arith.addi %mul3A_31, %add3A_32 : i32
    "tpu.region"() ({
      %run_scoped3A = tpu.sem_alloc : memref<!tpu.dma_semaphore, #tpu.memory_space<semaphore_mem>>
      %dma_start3A = arith.constant 0 : i32
      %dma_start3A_65 = arith.constant 0 : i32
      %dma_start3A_66 = tpu.memref_slice %arg3[%add3A_33, %dma_start3A, %dma_start3A_65] : memref<96x54x64xi32, #tpu.memory_space<hbm>> -> memref<1x54x64xi32, #tpu.memory_space<hbm>>
      %dma_start3A_67 = tpu.memref_squeeze %dma_start3A_66 : memref<1x54x64xi32, #tpu.memory_space<hbm>> -> memref<54x64xi32, #tpu.memory_space<hbm>>
      %dma_start3A_68 = arith.constant 0 : i32
      %dma_start3A_69 = arith.constant 0 : i32
      %dma_start3A_70 = tpu.memref_slice %arg3[%add3A_33, %dma_start3A_68, %dma_start3A_69] : memref<96x54x64xi32, #tpu.memory_space<hbm>> -> memref<1x54x64xi32, #tpu.memory_space<hbm>>
      %dma_start3A_71 = tpu.memref_squeeze %dma_start3A_70 : memref<1x54x64xi32, #tpu.memory_space<hbm>> -> memref<54x64xi32, #tpu.memory_space<hbm>>
      tpu.enqueue_dma source(%dma_start3A_71 : memref<54x64xi32, #tpu.memory_space<hbm>>) target(%arg9 : memref<54x64xi32, #tpu.memory_space<vmem>>) target_semaphore(%run_scoped3A : memref<!tpu.dma_semaphore, #tpu.memory_space<semaphore_mem>>)
      %dma_wait3A = arith.constant 0 : i32
      %dma_wait3A_72 = arith.constant 0 : i32
      %dma_wait3A_73 = tpu.memref_slice %arg3[%add3A_33, %dma_wait3A, %dma_wait3A_72] : memref<96x54x64xi32, #tpu.memory_space<hbm>> -> memref<1x54x64xi32, #tpu.memory_space<hbm>>
      %dma_wait3A_74 = tpu.memref_squeeze %dma_wait3A_73 : memref<1x54x64xi32, #tpu.memory_space<hbm>> -> memref<54x64xi32, #tpu.memory_space<hbm>>
      %dma_wait3A_75 = arith.constant 0 : i32
      %dma_wait3A_76 = arith.constant 0 : i32
      %dma_wait3A_77 = tpu.memref_slice %arg3[%add3A_33, %dma_wait3A_75, %dma_wait3A_76] : memref<96x54x64xi32, #tpu.memory_space<hbm>> -> memref<1x54x64xi32, #tpu.memory_space<hbm>>
      %dma_wait3A_78 = tpu.memref_squeeze %dma_wait3A_77 : memref<1x54x64xi32, #tpu.memory_space<hbm>> -> memref<54x64xi32, #tpu.memory_space<hbm>>
      tpu.wait_dma2 semaphore(%run_scoped3A : memref<!tpu.dma_semaphore, #tpu.memory_space<semaphore_mem>>) src(%dma_wait3A_78 : memref<54x64xi32, #tpu.memory_space<hbm>>) dst(%arg9 : memref<54x64xi32, #tpu.memory_space<vmem>>)
      tpu.yield
    }) : () -> ()
    %convert_element_type3A_34 = arith.extui %gt3A_7 : i1 to i32
    %cond3A_35 = arith.constant 0 : i32
    %cond3A_36 = arith.cmpi ne, %convert_element_type3A_34, %cond3A_35 : i32
    scf.if %cond3A_36 {
      %dma_start3A = arith.constant 0 : i32
      %dma_start3A_65 = arith.constant 0 : i32
      %dma_start3A_66 = tpu.memref_slice %arg8[%dma_start3A, %dma_start3A_65] : memref<54x64xi32, #tpu.memory_space<vmem>> -> memref<1x64xi32, #tpu.memory_space<vmem>>
      %dma_start3A_67 = tpu.memref_squeeze %dma_start3A_66 : memref<1x64xi32, #tpu.memory_space<vmem>> -> memref<64xi32, #tpu.memory_space<vmem>>
      %dma_start3A_68 = arith.constant 0 : i32
      %dma_start3A_69 = arith.constant 0 : i32
      %dma_start3A_70 = tpu.memref_slice %arg4[%dma_start3A_68, %dma_start3A_69] : memref<10240x128xf32, #tpu.memory_space<hbm>> -> memref<10240x128xf32, #tpu.memory_space<hbm>>
      tpu.enqueue_indirect_dma source(%dma_start3A_70 : memref<10240x128xf32, #tpu.memory_space<hbm>>) target(%arg10 : memref<64x128xf32, #tpu.memory_space<vmem>>) offsets(%dma_start3A_67 : memref<64xi32, #tpu.memory_space<vmem>>) semaphore(%arg15 : memref<!tpu.dma_semaphore, #tpu.memory_space<semaphore_mem>>)
      %dma_start3A_71 = arith.constant 1 : i32
      %dma_start3A_72 = arith.constant 0 : i32
      %dma_start3A_73 = tpu.memref_slice %arg8[%dma_start3A_71, %dma_start3A_72] : memref<54x64xi32, #tpu.memory_space<vmem>> -> memref<1x64xi32, #tpu.memory_space<vmem>>
      %dma_start3A_74 = tpu.memref_squeeze %dma_start3A_73 : memref<1x64xi32, #tpu.memory_space<vmem>> -> memref<64xi32, #tpu.memory_space<vmem>>
      %dma_start3A_75 = arith.constant 0 : i32
      %dma_start3A_76 = arith.constant 0 : i32
      %dma_start3A_77 = tpu.memref_slice %arg4[%dma_start3A_75, %dma_start3A_76] : memref<10240x128xf32, #tpu.memory_space<hbm>> -> memref<10240x128xf32, #tpu.memory_space<hbm>>
      tpu.enqueue_indirect_dma source(%dma_start3A_77 : memref<10240x128xf32, #tpu.memory_space<hbm>>) target(%arg11 : memref<64x128xf32, #tpu.memory_space<vmem>>) offsets(%dma_start3A_74 : memref<64xi32, #tpu.memory_space<vmem>>) semaphore(%arg16 : memref<!tpu.dma_semaphore, #tpu.memory_space<semaphore_mem>>)
      %dma_start3A_78 = arith.constant 2 : i32
      %dma_start3A_79 = arith.constant 0 : i32
      %dma_start3A_80 = tpu.memref_slice %arg8[%dma_start3A_78, %dma_start3A_79] : memref<54x64xi32, #tpu.memory_space<vmem>> -> memref<1x64xi32, #tpu.memory_space<vmem>>
      %dma_start3A_81 = tpu.memref_squeeze %dma_start3A_80 : memref<1x64xi32, #tpu.memory_space<vmem>> -> memref<64xi32, #tpu.memory_space<vmem>>
      %dma_start3A_82 = arith.constant 0 : i32
      %dma_start3A_83 = arith.constant 0 : i32
      %dma_start3A_84 = tpu.memref_slice %arg4[%dma_start3A_82, %dma_start3A_83] : memref<10240x128xf32, #tpu.memory_space<hbm>> -> memref<10240x128xf32, #tpu.memory_space<hbm>>
      tpu.enqueue_indirect_dma source(%dma_start3A_84 : memref<10240x128xf32, #tpu.memory_space<hbm>>) target(%arg12 : memref<64x128xf32, #tpu.memory_space<vmem>>) offsets(%dma_start3A_81 : memref<64xi32, #tpu.memory_space<vmem>>) semaphore(%arg17 : memref<!tpu.dma_semaphore, #tpu.memory_space<semaphore_mem>>)
    } else {
    }
    %scan3A_37 = arith.constant 0 : i32
    %scan3A_38 = arith.constant 0 : i32
    %scan3A_39 = arith.constant 18 : i32
    %scan3A_40 = arith.addi %scan3A_38, %scan3A_39 : i32
    %scan3A_41 = arith.constant 1 : i32
    scf.for %scan3A_65 = %scan3A_38 to %scan3A_40 step %scan3A_41  : i32 {
      %mul3A_66 = arith.constant 3 : i32
      %mul3A_67 = arith.muli %mul3A_66, %scan3A_65 : i32
      %add3A_68 = arith.constant 1 : i32
      %add3A_69 = arith.addi %mul3A_67, %add3A_68 : i32
      %add3A_70 = arith.constant 2 : i32
      %add3A_71 = arith.addi %mul3A_67, %add3A_70 : i32
      %convert_element_type3A_72 = arith.extui %gt3A_7 : i1 to i32
      %cond3A_73 = arith.constant 0 : i32
      %cond3A_74 = arith.cmpi ne, %convert_element_type3A_72, %cond3A_73 : i32
      scf.if %cond3A_74 {
        %dma_wait3A_137 = arith.constant 0 : i32
        %dma_wait3A_138 = tpu.memref_slice %arg8[%mul3A_67, %dma_wait3A_137] : memref<54x64xi32, #tpu.memory_space<vmem>> -> memref<1x64xi32, #tpu.memory_space<vmem>>
        %dma_wait3A_139 = tpu.memref_squeeze %dma_wait3A_138 : memref<1x64xi32, #tpu.memory_space<vmem>> -> memref<64xi32, #tpu.memory_space<vmem>>
        %dma_wait3A_140 = arith.constant 0 : i32
        %dma_wait3A_141 = arith.constant 0 : i32
        %dma_wait3A_142 = tpu.memref_slice %arg4[%dma_wait3A_140, %dma_wait3A_141] : memref<10240x128xf32, #tpu.memory_space<hbm>> -> memref<10240x128xf32, #tpu.memory_space<hbm>>
        tpu.wait_indirect_dma semaphore(%arg15 : memref<!tpu.dma_semaphore, #tpu.memory_space<semaphore_mem>>) src(%dma_wait3A_142 : memref<10240x128xf32, #tpu.memory_space<hbm>>) dst(%arg10 : memref<64x128xf32, #tpu.memory_space<vmem>>)
      } else {
      }
      %dma_start3A = arith.constant 0 : i32
      %dma_start3A_75 = tpu.memref_slice %arg9[%mul3A_67, %dma_start3A] : memref<54x64xi32, #tpu.memory_space<vmem>> -> memref<1x64xi32, #tpu.memory_space<vmem>>
      %dma_start3A_76 = tpu.memref_squeeze %dma_start3A_75 : memref<1x64xi32, #tpu.memory_space<vmem>> -> memref<64xi32, #tpu.memory_space<vmem>>
      %dma_start3A_77 = arith.constant 0 : i32
      %dma_start3A_78 = arith.constant 0 : i32
      %dma_start3A_79 = tpu.memref_slice %arg14[%dma_start3A_77, %dma_start3A_78] : memref<10240x128xf32, #tpu.memory_space<vmem_shared>> -> memref<10240x128xf32, #tpu.memory_space<vmem_shared>>
      tpu.enqueue_indirect_dma source(%arg10 : memref<64x128xf32, #tpu.memory_space<vmem>>) target(%dma_start3A_79 : memref<10240x128xf32, #tpu.memory_space<vmem_shared>>) offsets(%dma_start3A_76 : memref<64xi32, #tpu.memory_space<vmem>>) semaphore(%arg18 : memref<!tpu.dma_semaphore, #tpu.memory_space<semaphore_mem>>) {add = true}
      %dma_wait3A = arith.constant 0 : i32
      %dma_wait3A_80 = tpu.memref_slice %arg9[%mul3A_67, %dma_wait3A] : memref<54x64xi32, #tpu.memory_space<vmem>> -> memref<1x64xi32, #tpu.memory_space<vmem>>
      %dma_wait3A_81 = tpu.memref_squeeze %dma_wait3A_80 : memref<1x64xi32, #tpu.memory_space<vmem>> -> memref<64xi32, #tpu.memory_space<vmem>>
      %dma_wait3A_82 = arith.constant 0 : i32
      %dma_wait3A_83 = arith.constant 0 : i32
      %dma_wait3A_84 = tpu.memref_slice %arg14[%dma_wait3A_82, %dma_wait3A_83] : memref<10240x128xf32, #tpu.memory_space<vmem_shared>> -> memref<10240x128xf32, #tpu.memory_space<vmem_shared>>
      tpu.wait_indirect_dma semaphore(%arg18 : memref<!tpu.dma_semaphore, #tpu.memory_space<semaphore_mem>>) src(%arg10 : memref<64x128xf32, #tpu.memory_space<vmem>>) dst(%dma_wait3A_84 : memref<10240x128xf32, #tpu.memory_space<vmem_shared>>)
      %add3A_85 = arith.constant 3 : i32
      %add3A_86 = arith.addi %mul3A_67, %add3A_85 : i32
      %lt3A = arith.constant 54 : i32
      %lt3A_87 = arith.cmpi slt, %add3A_86, %lt3A : i32
      %and3A = arith.andi %gt3A_7, %lt3A_87 : i1
      %convert_element_type3A_88 = arith.extui %and3A : i1 to i32
      %cond3A_89 = arith.constant 0 : i32
      %cond3A_90 = arith.cmpi ne, %convert_element_type3A_88, %cond3A_89 : i32
      scf.if %cond3A_90 {
        %add3A_137 = arith.constant 3 : i32
        %add3A_138 = arith.addi %mul3A_67, %add3A_137 : i32
        %dma_start3A_139 = arith.constant 0 : i32
        %dma_start3A_140 = tpu.memref_slice %arg8[%add3A_138, %dma_start3A_139] : memref<54x64xi32, #tpu.memory_space<vmem>> -> memref<1x64xi32, #tpu.memory_space<vmem>>
        %dma_start3A_141 = tpu.memref_squeeze %dma_start3A_140 : memref<1x64xi32, #tpu.memory_space<vmem>> -> memref<64xi32, #tpu.memory_space<vmem>>
        %dma_start3A_142 = arith.constant 0 : i32
        %dma_start3A_143 = arith.constant 0 : i32
        %dma_start3A_144 = tpu.memref_slice %arg4[%dma_start3A_142, %dma_start3A_143] : memref<10240x128xf32, #tpu.memory_space<hbm>> -> memref<10240x128xf32, #tpu.memory_space<hbm>>
        tpu.enqueue_indirect_dma source(%dma_start3A_144 : memref<10240x128xf32, #tpu.memory_space<hbm>>) target(%arg10 : memref<64x128xf32, #tpu.memory_space<vmem>>) offsets(%dma_start3A_141 : memref<64xi32, #tpu.memory_space<vmem>>) semaphore(%arg15 : memref<!tpu.dma_semaphore, #tpu.memory_space<semaphore_mem>>)
      } else {
      }
      %convert_element_type3A_91 = arith.extui %gt3A_7 : i1 to i32
      %cond3A_92 = arith.constant 0 : i32
      %cond3A_93 = arith.cmpi ne, %convert_element_type3A_91, %cond3A_92 : i32
      scf.if %cond3A_93 {
        %dma_wait3A_137 = arith.constant 0 : i32
        %dma_wait3A_138 = tpu.memref_slice %arg8[%add3A_69, %dma_wait3A_137] : memref<54x64xi32, #tpu.memory_space<vmem>> -> memref<1x64xi32, #tpu.memory_space<vmem>>
        %dma_wait3A_139 = tpu.memref_squeeze %dma_wait3A_138 : memref<1x64xi32, #tpu.memory_space<vmem>> -> memref<64xi32, #tpu.memory_space<vmem>>
        %dma_wait3A_140 = arith.constant 0 : i32
        %dma_wait3A_141 = arith.constant 0 : i32
        %dma_wait3A_142 = tpu.memref_slice %arg4[%dma_wait3A_140, %dma_wait3A_141] : memref<10240x128xf32, #tpu.memory_space<hbm>> -> memref<10240x128xf32, #tpu.memory_space<hbm>>
        tpu.wait_indirect_dma semaphore(%arg16 : memref<!tpu.dma_semaphore, #tpu.memory_space<semaphore_mem>>) src(%dma_wait3A_142 : memref<10240x128xf32, #tpu.memory_space<hbm>>) dst(%arg11 : memref<64x128xf32, #tpu.memory_space<vmem>>)
      } else {
      }
      %dma_start3A_94 = arith.constant 0 : i32
      %dma_start3A_95 = tpu.memref_slice %arg9[%add3A_69, %dma_start3A_94] : memref<54x64xi32, #tpu.memory_space<vmem>> -> memref<1x64xi32, #tpu.memory_space<vmem>>
      %dma_start3A_96 = tpu.memref_squeeze %dma_start3A_95 : memref<1x64xi32, #tpu.memory_space<vmem>> -> memref<64xi32, #tpu.memory_space<vmem>>
      %dma_start3A_97 = arith.constant 0 : i32
      %dma_start3A_98 = arith.constant 0 : i32
      %dma_start3A_99 = tpu.memref_slice %arg14[%dma_start3A_97, %dma_start3A_98] : memref<10240x128xf32, #tpu.memory_space<vmem_shared>> -> memref<10240x128xf32, #tpu.memory_space<vmem_shared>>
      tpu.enqueue_indirect_dma source(%arg11 : memref<64x128xf32, #tpu.memory_space<vmem>>) target(%dma_start3A_99 : memref<10240x128xf32, #tpu.memory_space<vmem_shared>>) offsets(%dma_start3A_96 : memref<64xi32, #tpu.memory_space<vmem>>) semaphore(%arg19 : memref<!tpu.dma_semaphore, #tpu.memory_space<semaphore_mem>>) {add = true}
      %dma_wait3A_100 = arith.constant 0 : i32
      %dma_wait3A_101 = tpu.memref_slice %arg9[%add3A_69, %dma_wait3A_100] : memref<54x64xi32, #tpu.memory_space<vmem>> -> memref<1x64xi32, #tpu.memory_space<vmem>>
      %dma_wait3A_102 = tpu.memref_squeeze %dma_wait3A_101 : memref<1x64xi32, #tpu.memory_space<vmem>> -> memref<64xi32, #tpu.memory_space<vmem>>
      %dma_wait3A_103 = arith.constant 0 : i32
      %dma_wait3A_104 = arith.constant 0 : i32
      %dma_wait3A_105 = tpu.memref_slice %arg14[%dma_wait3A_103, %dma_wait3A_104] : memref<10240x128xf32, #tpu.memory_space<vmem_shared>> -> memref<10240x128xf32, #tpu.memory_space<vmem_shared>>
      tpu.wait_indirect_dma semaphore(%arg19 : memref<!tpu.dma_semaphore, #tpu.memory_space<semaphore_mem>>) src(%arg11 : memref<64x128xf32, #tpu.memory_space<vmem>>) dst(%dma_wait3A_105 : memref<10240x128xf32, #tpu.memory_space<vmem_shared>>)
      %add3A_106 = arith.constant 3 : i32
      %add3A_107 = arith.addi %add3A_69, %add3A_106 : i32
      %lt3A_108 = arith.constant 54 : i32
      %lt3A_109 = arith.cmpi slt, %add3A_107, %lt3A_108 : i32
      %and3A_110 = arith.andi %gt3A_7, %lt3A_109 : i1
      %convert_element_type3A_111 = arith.extui %and3A_110 : i1 to i32
      %cond3A_112 = arith.constant 0 : i32
      %cond3A_113 = arith.cmpi ne, %convert_element_type3A_111, %cond3A_112 : i32
      scf.if %cond3A_113 {
        %add3A_137 = arith.constant 3 : i32
        %add3A_138 = arith.addi %add3A_69, %add3A_137 : i32
        %dma_start3A_139 = arith.constant 0 : i32
        %dma_start3A_140 = tpu.memref_slice %arg8[%add3A_138, %dma_start3A_139] : memref<54x64xi32, #tpu.memory_space<vmem>> -> memref<1x64xi32, #tpu.memory_space<vmem>>
        %dma_start3A_141 = tpu.memref_squeeze %dma_start3A_140 : memref<1x64xi32, #tpu.memory_space<vmem>> -> memref<64xi32, #tpu.memory_space<vmem>>
        %dma_start3A_142 = arith.constant 0 : i32
        %dma_start3A_143 = arith.constant 0 : i32
        %dma_start3A_144 = tpu.memref_slice %arg4[%dma_start3A_142, %dma_start3A_143] : memref<10240x128xf32, #tpu.memory_space<hbm>> -> memref<10240x128xf32, #tpu.memory_space<hbm>>
        tpu.enqueue_indirect_dma source(%dma_start3A_144 : memref<10240x128xf32, #tpu.memory_space<hbm>>) target(%arg11 : memref<64x128xf32, #tpu.memory_space<vmem>>) offsets(%dma_start3A_141 : memref<64xi32, #tpu.memory_space<vmem>>) semaphore(%arg16 : memref<!tpu.dma_semaphore, #tpu.memory_space<semaphore_mem>>)
      } else {
      }
      %convert_element_type3A_114 = arith.extui %gt3A_7 : i1 to i32
      %cond3A_115 = arith.constant 0 : i32
      %cond3A_116 = arith.cmpi ne, %convert_element_type3A_114, %cond3A_115 : i32
      scf.if %cond3A_116 {
        %dma_wait3A_137 = arith.constant 0 : i32
        %dma_wait3A_138 = tpu.memref_slice %arg8[%add3A_71, %dma_wait3A_137] : memref<54x64xi32, #tpu.memory_space<vmem>> -> memref<1x64xi32, #tpu.memory_space<vmem>>
        %dma_wait3A_139 = tpu.memref_squeeze %dma_wait3A_138 : memref<1x64xi32, #tpu.memory_space<vmem>> -> memref<64xi32, #tpu.memory_space<vmem>>
        %dma_wait3A_140 = arith.constant 0 : i32
        %dma_wait3A_141 = arith.constant 0 : i32
        %dma_wait3A_142 = tpu.memref_slice %arg4[%dma_wait3A_140, %dma_wait3A_141] : memref<10240x128xf32, #tpu.memory_space<hbm>> -> memref<10240x128xf32, #tpu.memory_space<hbm>>
        tpu.wait_indirect_dma semaphore(%arg17 : memref<!tpu.dma_semaphore, #tpu.memory_space<semaphore_mem>>) src(%dma_wait3A_142 : memref<10240x128xf32, #tpu.memory_space<hbm>>) dst(%arg12 : memref<64x128xf32, #tpu.memory_space<vmem>>)
      } else {
      }
      %dma_start3A_117 = arith.constant 0 : i32
      %dma_start3A_118 = tpu.memref_slice %arg9[%add3A_71, %dma_start3A_117] : memref<54x64xi32, #tpu.memory_space<vmem>> -> memref<1x64xi32, #tpu.memory_space<vmem>>
      %dma_start3A_119 = tpu.memref_squeeze %dma_start3A_118 : memref<1x64xi32, #tpu.memory_space<vmem>> -> memref<64xi32, #tpu.memory_space<vmem>>
      %dma_start3A_120 = arith.constant 0 : i32
      %dma_start3A_121 = arith.constant 0 : i32
      %dma_start3A_122 = tpu.memref_slice %arg14[%dma_start3A_120, %dma_start3A_121] : memref<10240x128xf32, #tpu.memory_space<vmem_shared>> -> memref<10240x128xf32, #tpu.memory_space<vmem_shared>>
      tpu.enqueue_indirect_dma source(%arg12 : memref<64x128xf32, #tpu.memory_space<vmem>>) target(%dma_start3A_122 : memref<10240x128xf32, #tpu.memory_space<vmem_shared>>) offsets(%dma_start3A_119 : memref<64xi32, #tpu.memory_space<vmem>>) semaphore(%arg20 : memref<!tpu.dma_semaphore, #tpu.memory_space<semaphore_mem>>) {add = true}
      %dma_wait3A_123 = arith.constant 0 : i32
      %dma_wait3A_124 = tpu.memref_slice %arg9[%add3A_71, %dma_wait3A_123] : memref<54x64xi32, #tpu.memory_space<vmem>> -> memref<1x64xi32, #tpu.memory_space<vmem>>
      %dma_wait3A_125 = tpu.memref_squeeze %dma_wait3A_124 : memref<1x64xi32, #tpu.memory_space<vmem>> -> memref<64xi32, #tpu.memory_space<vmem>>
      %dma_wait3A_126 = arith.constant 0 : i32
      %dma_wait3A_127 = arith.constant 0 : i32
      %dma_wait3A_128 = tpu.memref_slice %arg14[%dma_wait3A_126, %dma_wait3A_127] : memref<10240x128xf32, #tpu.memory_space<vmem_shared>> -> memref<10240x128xf32, #tpu.memory_space<vmem_shared>>
      tpu.wait_indirect_dma semaphore(%arg20 : memref<!tpu.dma_semaphore, #tpu.memory_space<semaphore_mem>>) src(%arg12 : memref<64x128xf32, #tpu.memory_space<vmem>>) dst(%dma_wait3A_128 : memref<10240x128xf32, #tpu.memory_space<vmem_shared>>)
      %add3A_129 = arith.constant 3 : i32
      %add3A_130 = arith.addi %add3A_71, %add3A_129 : i32
      %lt3A_131 = arith.constant 54 : i32
      %lt3A_132 = arith.cmpi slt, %add3A_130, %lt3A_131 : i32
      %and3A_133 = arith.andi %gt3A_7, %lt3A_132 : i1
      %convert_element_type3A_134 = arith.extui %and3A_133 : i1 to i32
      %cond3A_135 = arith.constant 0 : i32
      %cond3A_136 = arith.cmpi ne, %convert_element_type3A_134, %cond3A_135 : i32
      scf.if %cond3A_136 {
        %add3A_137 = arith.constant 3 : i32
        %add3A_138 = arith.addi %add3A_71, %add3A_137 : i32
        %dma_start3A_139 = arith.constant 0 : i32
        %dma_start3A_140 = tpu.memref_slice %arg8[%add3A_138, %dma_start3A_139] : memref<54x64xi32, #tpu.memory_space<vmem>> -> memref<1x64xi32, #tpu.memory_space<vmem>>
        %dma_start3A_141 = tpu.memref_squeeze %dma_start3A_140 : memref<1x64xi32, #tpu.memory_space<vmem>> -> memref<64xi32, #tpu.memory_space<vmem>>
        %dma_start3A_142 = arith.constant 0 : i32
        %dma_start3A_143 = arith.constant 0 : i32
        %dma_start3A_144 = tpu.memref_slice %arg4[%dma_start3A_142, %dma_start3A_143] : memref<10240x128xf32, #tpu.memory_space<hbm>> -> memref<10240x128xf32, #tpu.memory_space<hbm>>
        tpu.enqueue_indirect_dma source(%dma_start3A_144 : memref<10240x128xf32, #tpu.memory_space<hbm>>) target(%arg12 : memref<64x128xf32, #tpu.memory_space<vmem>>) offsets(%dma_start3A_141 : memref<64xi32, #tpu.memory_space<vmem>>) semaphore(%arg17 : memref<!tpu.dma_semaphore, #tpu.memory_space<semaphore_mem>>)
      } else {
      }
    }
    %scan3A_42 = arith.constant 18 : i32
    %mul3A_43 = arith.constant 3 : i32
    %mul3A_44 = arith.muli %add3A, %mul3A_43 : i32
    %add3A_45 = arith.constant 2 : i32
    %add3A_46 = arith.addi %mul3A_44, %add3A_45 : i32
    "tpu.region"() ({
      %run_scoped3A = tpu.sem_alloc : memref<!tpu.dma_semaphore, #tpu.memory_space<semaphore_mem>>
      %dma_start3A = arith.constant 0 : i32
      %dma_start3A_65 = arith.constant 0 : i32
      %dma_start3A_66 = tpu.memref_slice %arg2[%add3A_46, %dma_start3A, %dma_start3A_65] : memref<96x54x64xi32, #tpu.memory_space<hbm>> -> memref<1x54x64xi32, #tpu.memory_space<hbm>>
      %dma_start3A_67 = tpu.memref_squeeze %dma_start3A_66 : memref<1x54x64xi32, #tpu.memory_space<hbm>> -> memref<54x64xi32, #tpu.memory_space<hbm>>
      %dma_start3A_68 = arith.constant 0 : i32
      %dma_start3A_69 = arith.constant 0 : i32
      %dma_start3A_70 = tpu.memref_slice %arg2[%add3A_46, %dma_start3A_68, %dma_start3A_69] : memref<96x54x64xi32, #tpu.memory_space<hbm>> -> memref<1x54x64xi32, #tpu.memory_space<hbm>>
      %dma_start3A_71 = tpu.memref_squeeze %dma_start3A_70 : memref<1x54x64xi32, #tpu.memory_space<hbm>> -> memref<54x64xi32, #tpu.memory_space<hbm>>
      tpu.enqueue_dma source(%dma_start3A_71 : memref<54x64xi32, #tpu.memory_space<hbm>>) target(%arg8 : memref<54x64xi32, #tpu.memory_space<vmem>>) target_semaphore(%run_scoped3A : memref<!tpu.dma_semaphore, #tpu.memory_space<semaphore_mem>>)
      %dma_wait3A = arith.constant 0 : i32
      %dma_wait3A_72 = arith.constant 0 : i32
      %dma_wait3A_73 = tpu.memref_slice %arg2[%add3A_46, %dma_wait3A, %dma_wait3A_72] : memref<96x54x64xi32, #tpu.memory_space<hbm>> -> memref<1x54x64xi32, #tpu.memory_space<hbm>>
      %dma_wait3A_74 = tpu.memref_squeeze %dma_wait3A_73 : memref<1x54x64xi32, #tpu.memory_space<hbm>> -> memref<54x64xi32, #tpu.memory_space<hbm>>
      %dma_wait3A_75 = arith.constant 0 : i32
      %dma_wait3A_76 = arith.constant 0 : i32
      %dma_wait3A_77 = tpu.memref_slice %arg2[%add3A_46, %dma_wait3A_75, %dma_wait3A_76] : memref<96x54x64xi32, #tpu.memory_space<hbm>> -> memref<1x54x64xi32, #tpu.memory_space<hbm>>
      %dma_wait3A_78 = tpu.memref_squeeze %dma_wait3A_77 : memref<1x54x64xi32, #tpu.memory_space<hbm>> -> memref<54x64xi32, #tpu.memory_space<hbm>>
      tpu.wait_dma2 semaphore(%run_scoped3A : memref<!tpu.dma_semaphore, #tpu.memory_space<semaphore_mem>>) src(%dma_wait3A_78 : memref<54x64xi32, #tpu.memory_space<hbm>>) dst(%arg8 : memref<54x64xi32, #tpu.memory_space<vmem>>)
      tpu.yield
    }) : () -> ()
    %mul3A_47 = arith.constant 3 : i32
    %mul3A_48 = arith.muli %add3A, %mul3A_47 : i32
    %add3A_49 = arith.constant 2 : i32
    %add3A_50 = arith.addi %mul3A_48, %add3A_49 : i32
    "tpu.region"() ({
      %run_scoped3A = tpu.sem_alloc : memref<!tpu.dma_semaphore, #tpu.memory_space<semaphore_mem>>
      %dma_start3A = arith.constant 0 : i32
      %dma_start3A_65 = arith.constant 0 : i32
      %dma_start3A_66 = tpu.memref_slice %arg3[%add3A_50, %dma_start3A, %dma_start3A_65] : memref<96x54x64xi32, #tpu.memory_space<hbm>> -> memref<1x54x64xi32, #tpu.memory_space<hbm>>
      %dma_start3A_67 = tpu.memref_squeeze %dma_start3A_66 : memref<1x54x64xi32, #tpu.memory_space<hbm>> -> memref<54x64xi32, #tpu.memory_space<hbm>>
      %dma_start3A_68 = arith.constant 0 : i32
      %dma_start3A_69 = arith.constant 0 : i32
      %dma_start3A_70 = tpu.memref_slice %arg3[%add3A_50, %dma_start3A_68, %dma_start3A_69] : memref<96x54x64xi32, #tpu.memory_space<hbm>> -> memref<1x54x64xi32, #tpu.memory_space<hbm>>
      %dma_start3A_71 = tpu.memref_squeeze %dma_start3A_70 : memref<1x54x64xi32, #tpu.memory_space<hbm>> -> memref<54x64xi32, #tpu.memory_space<hbm>>
      tpu.enqueue_dma source(%dma_start3A_71 : memref<54x64xi32, #tpu.memory_space<hbm>>) target(%arg9 : memref<54x64xi32, #tpu.memory_space<vmem>>) target_semaphore(%run_scoped3A : memref<!tpu.dma_semaphore, #tpu.memory_space<semaphore_mem>>)
      %dma_wait3A = arith.constant 0 : i32
      %dma_wait3A_72 = arith.constant 0 : i32
      %dma_wait3A_73 = tpu.memref_slice %arg3[%add3A_50, %dma_wait3A, %dma_wait3A_72] : memref<96x54x64xi32, #tpu.memory_space<hbm>> -> memref<1x54x64xi32, #tpu.memory_space<hbm>>
      %dma_wait3A_74 = tpu.memref_squeeze %dma_wait3A_73 : memref<1x54x64xi32, #tpu.memory_space<hbm>> -> memref<54x64xi32, #tpu.memory_space<hbm>>
      %dma_wait3A_75 = arith.constant 0 : i32
      %dma_wait3A_76 = arith.constant 0 : i32
      %dma_wait3A_77 = tpu.memref_slice %arg3[%add3A_50, %dma_wait3A_75, %dma_wait3A_76] : memref<96x54x64xi32, #tpu.memory_space<hbm>> -> memref<1x54x64xi32, #tpu.memory_space<hbm>>
      %dma_wait3A_78 = tpu.memref_squeeze %dma_wait3A_77 : memref<1x54x64xi32, #tpu.memory_space<hbm>> -> memref<54x64xi32, #tpu.memory_space<hbm>>
      tpu.wait_dma2 semaphore(%run_scoped3A : memref<!tpu.dma_semaphore, #tpu.memory_space<semaphore_mem>>) src(%dma_wait3A_78 : memref<54x64xi32, #tpu.memory_space<hbm>>) dst(%arg9 : memref<54x64xi32, #tpu.memory_space<vmem>>)
      tpu.yield
    }) : () -> ()
    %convert_element_type3A_51 = arith.extui %gt3A_7 : i1 to i32
    %cond3A_52 = arith.constant 0 : i32
    %cond3A_53 = arith.cmpi ne, %convert_element_type3A_51, %cond3A_52 : i32
    scf.if %cond3A_53 {
      %dma_start3A = arith.constant 0 : i32
      %dma_start3A_65 = arith.constant 0 : i32
      %dma_start3A_66 = tpu.memref_slice %arg8[%dma_start3A, %dma_start3A_65] : memref<54x64xi32, #tpu.memory_space<vmem>> -> memref<1x64xi32, #tpu.memory_space<vmem>>
      %dma_start3A_67 = tpu.memref_squeeze %dma_start3A_66 : memref<1x64xi32, #tpu.memory_space<vmem>> -> memref<64xi32, #tpu.memory_space<vmem>>
      %dma_start3A_68 = arith.constant 0 : i32
      %dma_start3A_69 = arith.constant 0 : i32
      %dma_start3A_70 = tpu.memref_slice %arg4[%dma_start3A_68, %dma_start3A_69] : memref<10240x128xf32, #tpu.memory_space<hbm>> -> memref<10240x128xf32, #tpu.memory_space<hbm>>
      tpu.enqueue_indirect_dma source(%dma_start3A_70 : memref<10240x128xf32, #tpu.memory_space<hbm>>) target(%arg10 : memref<64x128xf32, #tpu.memory_space<vmem>>) offsets(%dma_start3A_67 : memref<64xi32, #tpu.memory_space<vmem>>) semaphore(%arg15 : memref<!tpu.dma_semaphore, #tpu.memory_space<semaphore_mem>>)
      %dma_start3A_71 = arith.constant 1 : i32
      %dma_start3A_72 = arith.constant 0 : i32
      %dma_start3A_73 = tpu.memref_slice %arg8[%dma_start3A_71, %dma_start3A_72] : memref<54x64xi32, #tpu.memory_space<vmem>> -> memref<1x64xi32, #tpu.memory_space<vmem>>
      %dma_start3A_74 = tpu.memref_squeeze %dma_start3A_73 : memref<1x64xi32, #tpu.memory_space<vmem>> -> memref<64xi32, #tpu.memory_space<vmem>>
      %dma_start3A_75 = arith.constant 0 : i32
      %dma_start3A_76 = arith.constant 0 : i32
      %dma_start3A_77 = tpu.memref_slice %arg4[%dma_start3A_75, %dma_start3A_76] : memref<10240x128xf32, #tpu.memory_space<hbm>> -> memref<10240x128xf32, #tpu.memory_space<hbm>>
      tpu.enqueue_indirect_dma source(%dma_start3A_77 : memref<10240x128xf32, #tpu.memory_space<hbm>>) target(%arg11 : memref<64x128xf32, #tpu.memory_space<vmem>>) offsets(%dma_start3A_74 : memref<64xi32, #tpu.memory_space<vmem>>) semaphore(%arg16 : memref<!tpu.dma_semaphore, #tpu.memory_space<semaphore_mem>>)
      %dma_start3A_78 = arith.constant 2 : i32
      %dma_start3A_79 = arith.constant 0 : i32
      %dma_start3A_80 = tpu.memref_slice %arg8[%dma_start3A_78, %dma_start3A_79] : memref<54x64xi32, #tpu.memory_space<vmem>> -> memref<1x64xi32, #tpu.memory_space<vmem>>
      %dma_start3A_81 = tpu.memref_squeeze %dma_start3A_80 : memref<1x64xi32, #tpu.memory_space<vmem>> -> memref<64xi32, #tpu.memory_space<vmem>>
      %dma_start3A_82 = arith.constant 0 : i32
      %dma_start3A_83 = arith.constant 0 : i32
      %dma_start3A_84 = tpu.memref_slice %arg4[%dma_start3A_82, %dma_start3A_83] : memref<10240x128xf32, #tpu.memory_space<hbm>> -> memref<10240x128xf32, #tpu.memory_space<hbm>>
      tpu.enqueue_indirect_dma source(%dma_start3A_84 : memref<10240x128xf32, #tpu.memory_space<hbm>>) target(%arg12 : memref<64x128xf32, #tpu.memory_space<vmem>>) offsets(%dma_start3A_81 : memref<64xi32, #tpu.memory_space<vmem>>) semaphore(%arg17 : memref<!tpu.dma_semaphore, #tpu.memory_space<semaphore_mem>>)
    } else {
    }
    %scan3A_54 = arith.constant 0 : i32
    %scan3A_55 = arith.constant 0 : i32
    %scan3A_56 = arith.constant 18 : i32
    %scan3A_57 = arith.addi %scan3A_55, %scan3A_56 : i32
    %scan3A_58 = arith.constant 1 : i32
    scf.for %scan3A_65 = %scan3A_55 to %scan3A_57 step %scan3A_58  : i32 {
      %mul3A_66 = arith.constant 3 : i32
      %mul3A_67 = arith.muli %mul3A_66, %scan3A_65 : i32
      %add3A_68 = arith.constant 1 : i32
      %add3A_69 = arith.addi %mul3A_67, %add3A_68 : i32
      %add3A_70 = arith.constant 2 : i32
      %add3A_71 = arith.addi %mul3A_67, %add3A_70 : i32
      %convert_element_type3A_72 = arith.extui %gt3A_7 : i1 to i32
      %cond3A_73 = arith.constant 0 : i32
      %cond3A_74 = arith.cmpi ne, %convert_element_type3A_72, %cond3A_73 : i32
      scf.if %cond3A_74 {
        %dma_wait3A_137 = arith.constant 0 : i32
        %dma_wait3A_138 = tpu.memref_slice %arg8[%mul3A_67, %dma_wait3A_137] : memref<54x64xi32, #tpu.memory_space<vmem>> -> memref<1x64xi32, #tpu.memory_space<vmem>>
        %dma_wait3A_139 = tpu.memref_squeeze %dma_wait3A_138 : memref<1x64xi32, #tpu.memory_space<vmem>> -> memref<64xi32, #tpu.memory_space<vmem>>
        %dma_wait3A_140 = arith.constant 0 : i32
        %dma_wait3A_141 = arith.constant 0 : i32
        %dma_wait3A_142 = tpu.memref_slice %arg4[%dma_wait3A_140, %dma_wait3A_141] : memref<10240x128xf32, #tpu.memory_space<hbm>> -> memref<10240x128xf32, #tpu.memory_space<hbm>>
        tpu.wait_indirect_dma semaphore(%arg15 : memref<!tpu.dma_semaphore, #tpu.memory_space<semaphore_mem>>) src(%dma_wait3A_142 : memref<10240x128xf32, #tpu.memory_space<hbm>>) dst(%arg10 : memref<64x128xf32, #tpu.memory_space<vmem>>)
      } else {
      }
      %dma_start3A = arith.constant 0 : i32
      %dma_start3A_75 = tpu.memref_slice %arg9[%mul3A_67, %dma_start3A] : memref<54x64xi32, #tpu.memory_space<vmem>> -> memref<1x64xi32, #tpu.memory_space<vmem>>
      %dma_start3A_76 = tpu.memref_squeeze %dma_start3A_75 : memref<1x64xi32, #tpu.memory_space<vmem>> -> memref<64xi32, #tpu.memory_space<vmem>>
      %dma_start3A_77 = arith.constant 0 : i32
      %dma_start3A_78 = arith.constant 0 : i32
      %dma_start3A_79 = tpu.memref_slice %arg14[%dma_start3A_77, %dma_start3A_78] : memref<10240x128xf32, #tpu.memory_space<vmem_shared>> -> memref<10240x128xf32, #tpu.memory_space<vmem_shared>>
      tpu.enqueue_indirect_dma source(%arg10 : memref<64x128xf32, #tpu.memory_space<vmem>>) target(%dma_start3A_79 : memref<10240x128xf32, #tpu.memory_space<vmem_shared>>) offsets(%dma_start3A_76 : memref<64xi32, #tpu.memory_space<vmem>>) semaphore(%arg18 : memref<!tpu.dma_semaphore, #tpu.memory_space<semaphore_mem>>) {add = true}
      %dma_wait3A = arith.constant 0 : i32
      %dma_wait3A_80 = tpu.memref_slice %arg9[%mul3A_67, %dma_wait3A] : memref<54x64xi32, #tpu.memory_space<vmem>> -> memref<1x64xi32, #tpu.memory_space<vmem>>
      %dma_wait3A_81 = tpu.memref_squeeze %dma_wait3A_80 : memref<1x64xi32, #tpu.memory_space<vmem>> -> memref<64xi32, #tpu.memory_space<vmem>>
      %dma_wait3A_82 = arith.constant 0 : i32
      %dma_wait3A_83 = arith.constant 0 : i32
      %dma_wait3A_84 = tpu.memref_slice %arg14[%dma_wait3A_82, %dma_wait3A_83] : memref<10240x128xf32, #tpu.memory_space<vmem_shared>> -> memref<10240x128xf32, #tpu.memory_space<vmem_shared>>
      tpu.wait_indirect_dma semaphore(%arg18 : memref<!tpu.dma_semaphore, #tpu.memory_space<semaphore_mem>>) src(%arg10 : memref<64x128xf32, #tpu.memory_space<vmem>>) dst(%dma_wait3A_84 : memref<10240x128xf32, #tpu.memory_space<vmem_shared>>)
      %add3A_85 = arith.constant 3 : i32
      %add3A_86 = arith.addi %mul3A_67, %add3A_85 : i32
      %lt3A = arith.constant 54 : i32
      %lt3A_87 = arith.cmpi slt, %add3A_86, %lt3A : i32
      %and3A = arith.andi %gt3A_7, %lt3A_87 : i1
      %convert_element_type3A_88 = arith.extui %and3A : i1 to i32
      %cond3A_89 = arith.constant 0 : i32
      %cond3A_90 = arith.cmpi ne, %convert_element_type3A_88, %cond3A_89 : i32
      scf.if %cond3A_90 {
        %add3A_137 = arith.constant 3 : i32
        %add3A_138 = arith.addi %mul3A_67, %add3A_137 : i32
        %dma_start3A_139 = arith.constant 0 : i32
        %dma_start3A_140 = tpu.memref_slice %arg8[%add3A_138, %dma_start3A_139] : memref<54x64xi32, #tpu.memory_space<vmem>> -> memref<1x64xi32, #tpu.memory_space<vmem>>
        %dma_start3A_141 = tpu.memref_squeeze %dma_start3A_140 : memref<1x64xi32, #tpu.memory_space<vmem>> -> memref<64xi32, #tpu.memory_space<vmem>>
        %dma_start3A_142 = arith.constant 0 : i32
        %dma_start3A_143 = arith.constant 0 : i32
        %dma_start3A_144 = tpu.memref_slice %arg4[%dma_start3A_142, %dma_start3A_143] : memref<10240x128xf32, #tpu.memory_space<hbm>> -> memref<10240x128xf32, #tpu.memory_space<hbm>>
        tpu.enqueue_indirect_dma source(%dma_start3A_144 : memref<10240x128xf32, #tpu.memory_space<hbm>>) target(%arg10 : memref<64x128xf32, #tpu.memory_space<vmem>>) offsets(%dma_start3A_141 : memref<64xi32, #tpu.memory_space<vmem>>) semaphore(%arg15 : memref<!tpu.dma_semaphore, #tpu.memory_space<semaphore_mem>>)
      } else {
      }
      %convert_element_type3A_91 = arith.extui %gt3A_7 : i1 to i32
      %cond3A_92 = arith.constant 0 : i32
      %cond3A_93 = arith.cmpi ne, %convert_element_type3A_91, %cond3A_92 : i32
      scf.if %cond3A_93 {
        %dma_wait3A_137 = arith.constant 0 : i32
        %dma_wait3A_138 = tpu.memref_slice %arg8[%add3A_69, %dma_wait3A_137] : memref<54x64xi32, #tpu.memory_space<vmem>> -> memref<1x64xi32, #tpu.memory_space<vmem>>
        %dma_wait3A_139 = tpu.memref_squeeze %dma_wait3A_138 : memref<1x64xi32, #tpu.memory_space<vmem>> -> memref<64xi32, #tpu.memory_space<vmem>>
        %dma_wait3A_140 = arith.constant 0 : i32
        %dma_wait3A_141 = arith.constant 0 : i32
        %dma_wait3A_142 = tpu.memref_slice %arg4[%dma_wait3A_140, %dma_wait3A_141] : memref<10240x128xf32, #tpu.memory_space<hbm>> -> memref<10240x128xf32, #tpu.memory_space<hbm>>
        tpu.wait_indirect_dma semaphore(%arg16 : memref<!tpu.dma_semaphore, #tpu.memory_space<semaphore_mem>>) src(%dma_wait3A_142 : memref<10240x128xf32, #tpu.memory_space<hbm>>) dst(%arg11 : memref<64x128xf32, #tpu.memory_space<vmem>>)
      } else {
      }
      %dma_start3A_94 = arith.constant 0 : i32
      %dma_start3A_95 = tpu.memref_slice %arg9[%add3A_69, %dma_start3A_94] : memref<54x64xi32, #tpu.memory_space<vmem>> -> memref<1x64xi32, #tpu.memory_space<vmem>>
      %dma_start3A_96 = tpu.memref_squeeze %dma_start3A_95 : memref<1x64xi32, #tpu.memory_space<vmem>> -> memref<64xi32, #tpu.memory_space<vmem>>
      %dma_start3A_97 = arith.constant 0 : i32
      %dma_start3A_98 = arith.constant 0 : i32
      %dma_start3A_99 = tpu.memref_slice %arg14[%dma_start3A_97, %dma_start3A_98] : memref<10240x128xf32, #tpu.memory_space<vmem_shared>> -> memref<10240x128xf32, #tpu.memory_space<vmem_shared>>
      tpu.enqueue_indirect_dma source(%arg11 : memref<64x128xf32, #tpu.memory_space<vmem>>) target(%dma_start3A_99 : memref<10240x128xf32, #tpu.memory_space<vmem_shared>>) offsets(%dma_start3A_96 : memref<64xi32, #tpu.memory_space<vmem>>) semaphore(%arg19 : memref<!tpu.dma_semaphore, #tpu.memory_space<semaphore_mem>>) {add = true}
      %dma_wait3A_100 = arith.constant 0 : i32
      %dma_wait3A_101 = tpu.memref_slice %arg9[%add3A_69, %dma_wait3A_100] : memref<54x64xi32, #tpu.memory_space<vmem>> -> memref<1x64xi32, #tpu.memory_space<vmem>>
      %dma_wait3A_102 = tpu.memref_squeeze %dma_wait3A_101 : memref<1x64xi32, #tpu.memory_space<vmem>> -> memref<64xi32, #tpu.memory_space<vmem>>
      %dma_wait3A_103 = arith.constant 0 : i32
      %dma_wait3A_104 = arith.constant 0 : i32
      %dma_wait3A_105 = tpu.memref_slice %arg14[%dma_wait3A_103, %dma_wait3A_104] : memref<10240x128xf32, #tpu.memory_space<vmem_shared>> -> memref<10240x128xf32, #tpu.memory_space<vmem_shared>>
      tpu.wait_indirect_dma semaphore(%arg19 : memref<!tpu.dma_semaphore, #tpu.memory_space<semaphore_mem>>) src(%arg11 : memref<64x128xf32, #tpu.memory_space<vmem>>) dst(%dma_wait3A_105 : memref<10240x128xf32, #tpu.memory_space<vmem_shared>>)
      %add3A_106 = arith.constant 3 : i32
      %add3A_107 = arith.addi %add3A_69, %add3A_106 : i32
      %lt3A_108 = arith.constant 54 : i32
      %lt3A_109 = arith.cmpi slt, %add3A_107, %lt3A_108 : i32
      %and3A_110 = arith.andi %gt3A_7, %lt3A_109 : i1
      %convert_element_type3A_111 = arith.extui %and3A_110 : i1 to i32
      %cond3A_112 = arith.constant 0 : i32
      %cond3A_113 = arith.cmpi ne, %convert_element_type3A_111, %cond3A_112 : i32
      scf.if %cond3A_113 {
        %add3A_137 = arith.constant 3 : i32
        %add3A_138 = arith.addi %add3A_69, %add3A_137 : i32
        %dma_start3A_139 = arith.constant 0 : i32
        %dma_start3A_140 = tpu.memref_slice %arg8[%add3A_138, %dma_start3A_139] : memref<54x64xi32, #tpu.memory_space<vmem>> -> memref<1x64xi32, #tpu.memory_space<vmem>>
        %dma_start3A_141 = tpu.memref_squeeze %dma_start3A_140 : memref<1x64xi32, #tpu.memory_space<vmem>> -> memref<64xi32, #tpu.memory_space<vmem>>
        %dma_start3A_142 = arith.constant 0 : i32
        %dma_start3A_143 = arith.constant 0 : i32
        %dma_start3A_144 = tpu.memref_slice %arg4[%dma_start3A_142, %dma_start3A_143] : memref<10240x128xf32, #tpu.memory_space<hbm>> -> memref<10240x128xf32, #tpu.memory_space<hbm>>
        tpu.enqueue_indirect_dma source(%dma_start3A_144 : memref<10240x128xf32, #tpu.memory_space<hbm>>) target(%arg11 : memref<64x128xf32, #tpu.memory_space<vmem>>) offsets(%dma_start3A_141 : memref<64xi32, #tpu.memory_space<vmem>>) semaphore(%arg16 : memref<!tpu.dma_semaphore, #tpu.memory_space<semaphore_mem>>)
      } else {
      }
      %convert_element_type3A_114 = arith.extui %gt3A_7 : i1 to i32
      %cond3A_115 = arith.constant 0 : i32
      %cond3A_116 = arith.cmpi ne, %convert_element_type3A_114, %cond3A_115 : i32
      scf.if %cond3A_116 {
        %dma_wait3A_137 = arith.constant 0 : i32
        %dma_wait3A_138 = tpu.memref_slice %arg8[%add3A_71, %dma_wait3A_137] : memref<54x64xi32, #tpu.memory_space<vmem>> -> memref<1x64xi32, #tpu.memory_space<vmem>>
        %dma_wait3A_139 = tpu.memref_squeeze %dma_wait3A_138 : memref<1x64xi32, #tpu.memory_space<vmem>> -> memref<64xi32, #tpu.memory_space<vmem>>
        %dma_wait3A_140 = arith.constant 0 : i32
        %dma_wait3A_141 = arith.constant 0 : i32
        %dma_wait3A_142 = tpu.memref_slice %arg4[%dma_wait3A_140, %dma_wait3A_141] : memref<10240x128xf32, #tpu.memory_space<hbm>> -> memref<10240x128xf32, #tpu.memory_space<hbm>>
        tpu.wait_indirect_dma semaphore(%arg17 : memref<!tpu.dma_semaphore, #tpu.memory_space<semaphore_mem>>) src(%dma_wait3A_142 : memref<10240x128xf32, #tpu.memory_space<hbm>>) dst(%arg12 : memref<64x128xf32, #tpu.memory_space<vmem>>)
      } else {
      }
      %dma_start3A_117 = arith.constant 0 : i32
      %dma_start3A_118 = tpu.memref_slice %arg9[%add3A_71, %dma_start3A_117] : memref<54x64xi32, #tpu.memory_space<vmem>> -> memref<1x64xi32, #tpu.memory_space<vmem>>
      %dma_start3A_119 = tpu.memref_squeeze %dma_start3A_118 : memref<1x64xi32, #tpu.memory_space<vmem>> -> memref<64xi32, #tpu.memory_space<vmem>>
      %dma_start3A_120 = arith.constant 0 : i32
      %dma_start3A_121 = arith.constant 0 : i32
      %dma_start3A_122 = tpu.memref_slice %arg14[%dma_start3A_120, %dma_start3A_121] : memref<10240x128xf32, #tpu.memory_space<vmem_shared>> -> memref<10240x128xf32, #tpu.memory_space<vmem_shared>>
      tpu.enqueue_indirect_dma source(%arg12 : memref<64x128xf32, #tpu.memory_space<vmem>>) target(%dma_start3A_122 : memref<10240x128xf32, #tpu.memory_space<vmem_shared>>) offsets(%dma_start3A_119 : memref<64xi32, #tpu.memory_space<vmem>>) semaphore(%arg20 : memref<!tpu.dma_semaphore, #tpu.memory_space<semaphore_mem>>) {add = true}
      %dma_wait3A_123 = arith.constant 0 : i32
      %dma_wait3A_124 = tpu.memref_slice %arg9[%add3A_71, %dma_wait3A_123] : memref<54x64xi32, #tpu.memory_space<vmem>> -> memref<1x64xi32, #tpu.memory_space<vmem>>
      %dma_wait3A_125 = tpu.memref_squeeze %dma_wait3A_124 : memref<1x64xi32, #tpu.memory_space<vmem>> -> memref<64xi32, #tpu.memory_space<vmem>>
      %dma_wait3A_126 = arith.constant 0 : i32
      %dma_wait3A_127 = arith.constant 0 : i32
      %dma_wait3A_128 = tpu.memref_slice %arg14[%dma_wait3A_126, %dma_wait3A_127] : memref<10240x128xf32, #tpu.memory_space<vmem_shared>> -> memref<10240x128xf32, #tpu.memory_space<vmem_shared>>
      tpu.wait_indirect_dma semaphore(%arg20 : memref<!tpu.dma_semaphore, #tpu.memory_space<semaphore_mem>>) src(%arg12 : memref<64x128xf32, #tpu.memory_space<vmem>>) dst(%dma_wait3A_128 : memref<10240x128xf32, #tpu.memory_space<vmem_shared>>)
      %add3A_129 = arith.constant 3 : i32
      %add3A_130 = arith.addi %add3A_71, %add3A_129 : i32
      %lt3A_131 = arith.constant 54 : i32
      %lt3A_132 = arith.cmpi slt, %add3A_130, %lt3A_131 : i32
      %and3A_133 = arith.andi %gt3A_7, %lt3A_132 : i1
      %convert_element_type3A_134 = arith.extui %and3A_133 : i1 to i32
      %cond3A_135 = arith.constant 0 : i32
      %cond3A_136 = arith.cmpi ne, %convert_element_type3A_134, %cond3A_135 : i32
      scf.if %cond3A_136 {
        %add3A_137 = arith.constant 3 : i32
        %add3A_138 = arith.addi %add3A_71, %add3A_137 : i32
        %dma_start3A_139 = arith.constant 0 : i32
        %dma_start3A_140 = tpu.memref_slice %arg8[%add3A_138, %dma_start3A_139] : memref<54x64xi32, #tpu.memory_space<vmem>> -> memref<1x64xi32, #tpu.memory_space<vmem>>
        %dma_start3A_141 = tpu.memref_squeeze %dma_start3A_140 : memref<1x64xi32, #tpu.memory_space<vmem>> -> memref<64xi32, #tpu.memory_space<vmem>>
        %dma_start3A_142 = arith.constant 0 : i32
        %dma_start3A_143 = arith.constant 0 : i32
        %dma_start3A_144 = tpu.memref_slice %arg4[%dma_start3A_142, %dma_start3A_143] : memref<10240x128xf32, #tpu.memory_space<hbm>> -> memref<10240x128xf32, #tpu.memory_space<hbm>>
        tpu.enqueue_indirect_dma source(%dma_start3A_144 : memref<10240x128xf32, #tpu.memory_space<hbm>>) target(%arg12 : memref<64x128xf32, #tpu.memory_space<vmem>>) offsets(%dma_start3A_141 : memref<64xi32, #tpu.memory_space<vmem>>) semaphore(%arg17 : memref<!tpu.dma_semaphore, #tpu.memory_space<semaphore_mem>>)
      } else {
      }
    }
    %scan3A_59 = arith.constant 18 : i32
    %barrier3A_60 = arith.constant 0 : index
    tpu.barrier barrier_id(%barrier3A_60)
    %mul3A_61 = arith.constant 640 : i32
    %mul3A_62 = arith.muli %arg1, %mul3A_61 : i32
    %mul3A_63 = arith.constant 640 : i32
    %mul3A_64 = arith.muli %arg1, %mul3A_63 : i32
    "tpu.region"() ({
      %run_scoped3A = tpu.sem_alloc : memref<!tpu.dma_semaphore, #tpu.memory_space<semaphore_mem>>
      %dma_start3A = arith.constant 0 : i32
      %dma_start3A_65 = tpu.memref_slice %arg7[%arg0, %mul3A_64, %dma_start3A] : memref<2x10240x128xf32, #tpu.memory_space<hbm>> -> memref<1x640x128xf32, #tpu.memory_space<hbm>>
      %dma_start3A_66 = tpu.memref_squeeze %dma_start3A_65 : memref<1x640x128xf32, #tpu.memory_space<hbm>> -> memref<640x128xf32, #tpu.memory_space<hbm>>
      %dma_start3A_67 = arith.constant 0 : i32
      %dma_start3A_68 = tpu.memref_slice %arg14[%mul3A_62, %dma_start3A_67] : memref<10240x128xf32, #tpu.memory_space<vmem_shared>> -> memref<640x128xf32, #tpu.memory_space<vmem_shared>>
      tpu.enqueue_dma source(%dma_start3A_68 : memref<640x128xf32, #tpu.memory_space<vmem_shared>>) target(%dma_start3A_66 : memref<640x128xf32, #tpu.memory_space<hbm>>) target_semaphore(%run_scoped3A : memref<!tpu.dma_semaphore, #tpu.memory_space<semaphore_mem>>)
      %dma_wait3A = arith.constant 0 : i32
      %dma_wait3A_69 = tpu.memref_slice %arg7[%arg0, %mul3A_64, %dma_wait3A] : memref<2x10240x128xf32, #tpu.memory_space<hbm>> -> memref<1x640x128xf32, #tpu.memory_space<hbm>>
      %dma_wait3A_70 = tpu.memref_squeeze %dma_wait3A_69 : memref<1x640x128xf32, #tpu.memory_space<hbm>> -> memref<640x128xf32, #tpu.memory_space<hbm>>
      %dma_wait3A_71 = arith.constant 0 : i32
      %dma_wait3A_72 = tpu.memref_slice %arg14[%mul3A_62, %dma_wait3A_71] : memref<10240x128xf32, #tpu.memory_space<vmem_shared>> -> memref<640x128xf32, #tpu.memory_space<vmem_shared>>
      tpu.wait_dma2 semaphore(%run_scoped3A : memref<!tpu.dma_semaphore, #tpu.memory_space<semaphore_mem>>) src(%dma_wait3A_72 : memref<640x128xf32, #tpu.memory_space<vmem_shared>>) dst(%dma_wait3A_70 : memref<640x128xf32, #tpu.memory_space<hbm>>)
      tpu.yield
    }) : () -> ()
    return
  }
}

module attributes {stable_mosaic.version = 14 : i64} {
  func.func @_mm_body(%arg0: i32, %arg1: memref<1024x128xf32, #tpu.memory_space<vmem>>, %arg2: memref<128x128xf32, #tpu.memory_space<vmem>>, %arg3: memref<1024x8xf32, #tpu.memory_space<vmem>>, %arg4: memref<1024x8xf32, #tpu.memory_space<vmem>>, %arg5: memref<1024x128xf32, #tpu.memory_space<vmem>>) attributes {dimension_semantics = [#tpu.dimension_semantics<arbitrary>], iteration_bounds = array<i64: 10>, scalar_prefetch = 0 : i64, scratch_operands = 0 : i64, tpu.core_type = #tpu.core_type<tc>, window_params = [{transform_indices = @transform_0, window_bounds = array<i64: 1024, 128>}, {pipeline_mode = #tpu.pipeline_mode<synchronous>, transform_indices = @transform_1, window_bounds = array<i64: 128, 128>}, {transform_indices = @transform_2, window_bounds = array<i64: 1024, 8>}, {transform_indices = @transform_3, window_bounds = array<i64: 1024, 8>}, {transform_indices = @transform_4, window_bounds = array<i64: 1024, 128>}]} {
    %get3A = arith.constant 0 : index
    %get3A_0 = arith.constant 0 : index
    %get3A_1 = vector.load %arg3[%get3A, %get3A_0] : memref<1024x8xf32, #tpu.memory_space<vmem>>, vector<1024x1xf32>
    %get3A_2 = arith.constant 0 : index
    %get3A_3 = arith.constant 0 : index
    %get3A_4 = vector.load %arg4[%get3A_2, %get3A_3] : memref<1024x8xf32, #tpu.memory_space<vmem>>, vector<1024x1xf32>
    %add3A = arith.addf %get3A_1, %get3A_4 : vector<1024x1xf32>
    %gt3A = arith.constant 0.000000e+00 : f32
    %gt3A_5 = vector.broadcast %gt3A : f32 to vector<1024x1xf32>
    %gt3A_6 = arith.cmpf ogt, %add3A, %gt3A_5 : vector<1024x1xf32>
    %rsqrt3A = math.rsqrt %add3A : vector<1024x1xf32>
    %jit3A = arith.constant 0.000000e+00 : f32
    %broadcast_in_dim3A = vector.broadcast %jit3A : f32 to vector<1024x1xf32>
    %select_n3A = arith.select %gt3A_6, %rsqrt3A, %broadcast_in_dim3A : vector<1024x1xi1>, vector<1024x1xf32>
    %get3A_7 = arith.constant 0 : index
    %get3A_8 = arith.constant 0 : index
    %get3A_9 = vector.load %arg1[%get3A_7, %get3A_8] : memref<1024x128xf32, #tpu.memory_space<vmem>>, vector<1024x128xf32>
    %get3A_10 = arith.constant 0 : index
    %get3A_11 = arith.constant 0 : index
    %get3A_12 = vector.load %arg2[%get3A_10, %get3A_11] : memref<128x128xf32, #tpu.memory_space<vmem>>, vector<128x128xf32>
    %dot_general3A = arith.constant dense<0.000000e+00> : vector<1024x128xf32>
    %dot_general3A_13 = tpu.matmul %get3A_9, %get3A_12, %dot_general3A {dimension_numbers = #tpu.dot_dimension_numbers<[1], [0], [0], [1], [0, 0, 1, 1], [], []>, transpose_lhs_hint = false} : vector<1024x128xf32>, vector<128x128xf32>, vector<1024x128xf32> -> vector<1024x128xf32>
    %mul3A = vector.broadcast %select_n3A : vector<1024x1xf32> to vector<1024x128xf32>
    %mul3A_14 = arith.mulf %dot_general3A_13, %mul3A : vector<1024x128xf32>
    %swap3A = arith.constant 0 : index
    %swap3A_15 = arith.constant 0 : index
    %swap3A_16 = vector.load %arg5[%swap3A, %swap3A_15] : memref<1024x128xf32, #tpu.memory_space<vmem>>, vector<1024x128xf32>
    tpu.vector_store %arg5[%swap3A, %swap3A_15], %mul3A_14 {strides = array<i32>} : memref<1024x128xf32, #tpu.memory_space<vmem>>, vector<1024x128xf32>,
    return
  }
  func.func @transform_0(%arg0: i32) -> (i32, i32) {
    %c0_i32 = arith.constant 0 : i32
    %c0_i32_0 = arith.constant 0 : i32
    return %arg0, %c0_i32 : i32, i32
  }
  func.func @transform_1(%arg0: i32) -> (i32, i32) {
    %c0_i32 = arith.constant 0 : i32
    %c0_i32_0 = arith.constant 0 : i32
    %c0_i32_1 = arith.constant 0 : i32
    return %c0_i32, %c0_i32_0 : i32, i32
  }
  func.func @transform_2(%arg0: i32) -> (i32, i32) {
    %c0_i32 = arith.constant 0 : i32
    %c0_i32_0 = arith.constant 0 : i32
    return %arg0, %c0_i32 : i32, i32
  }
  func.func @transform_3(%arg0: i32) -> (i32, i32) {
    %c0_i32 = arith.constant 0 : i32
    %c0_i32_0 = arith.constant 0 : i32
    return %arg0, %c0_i32 : i32, i32
  }
  func.func @transform_4(%arg0: i32) -> (i32, i32) {
    %c0_i32 = arith.constant 0 : i32
    %c0_i32_0 = arith.constant 0 : i32
    return %arg0, %c0_i32 : i32, i32
  }
}

module attributes {stable_mosaic.version = 14 : i64} {
  func.func @_comb_mm_body(%arg0: i32, %arg1: memref<1024x128xf32, #tpu.memory_space<vmem>>, %arg2: memref<1024x128xf32, #tpu.memory_space<vmem>>, %arg3: memref<1024x8xf32, #tpu.memory_space<vmem>>, %arg4: memref<1024x8xf32, #tpu.memory_space<vmem>>, %arg5: memref<1x128xf32, #tpu.memory_space<vmem>>, %arg6: memref<128x128xf32, #tpu.memory_space<vmem>>, %arg7: memref<1024x128xf32, #tpu.memory_space<vmem>>, %arg8: memref<1024x128xf32, #tpu.memory_space<vmem>>) attributes {dimension_semantics = [#tpu.dimension_semantics<arbitrary>], iteration_bounds = array<i64: 10>, scalar_prefetch = 0 : i64, scratch_operands = 0 : i64, tpu.core_type = #tpu.core_type<tc>, window_params = [{transform_indices = @transform_0, window_bounds = array<i64: 1024, 128>}, {transform_indices = @transform_1, window_bounds = array<i64: 1024, 128>}, {transform_indices = @transform_2, window_bounds = array<i64: 1024, 8>}, {transform_indices = @transform_3, window_bounds = array<i64: 1024, 8>}, {pipeline_mode = #tpu.pipeline_mode<synchronous>, transform_indices = @transform_4, window_bounds = array<i64: 1, 128>}, {pipeline_mode = #tpu.pipeline_mode<synchronous>, transform_indices = @transform_5, window_bounds = array<i64: 128, 128>}, {transform_indices = @transform_6, window_bounds = array<i64: 1024, 128>}, {transform_indices = @transform_7, window_bounds = array<i64: 1024, 128>}]} {
    %get3A = arith.constant 0 : index
    %get3A_0 = arith.constant 0 : index
    %get3A_1 = vector.load %arg3[%get3A, %get3A_0] : memref<1024x8xf32, #tpu.memory_space<vmem>>, vector<1024x1xf32>
    %get3A_2 = arith.constant 0 : index
    %get3A_3 = arith.constant 0 : index
    %get3A_4 = vector.load %arg4[%get3A_2, %get3A_3] : memref<1024x8xf32, #tpu.memory_space<vmem>>, vector<1024x1xf32>
    %add3A = arith.addf %get3A_1, %get3A_4 : vector<1024x1xf32>
    %gt3A = arith.constant 0.000000e+00 : f32
    %gt3A_5 = vector.broadcast %gt3A : f32 to vector<1024x1xf32>
    %gt3A_6 = arith.cmpf ogt, %add3A, %gt3A_5 : vector<1024x1xf32>
    %rsqrt3A = math.rsqrt %add3A : vector<1024x1xf32>
    %jit3A = arith.constant 0.000000e+00 : f32
    %broadcast_in_dim3A = vector.broadcast %jit3A : f32 to vector<1024x1xf32>
    %select_n3A = arith.select %gt3A_6, %rsqrt3A, %broadcast_in_dim3A : vector<1024x1xi1>, vector<1024x1xf32>
    %get3A_7 = arith.constant 0 : index
    %get3A_8 = arith.constant 0 : index
    %get3A_9 = vector.load %arg1[%get3A_7, %get3A_8] : memref<1024x128xf32, #tpu.memory_space<vmem>>, vector<1024x128xf32>
    %get3A_10 = arith.constant 0 : index
    %get3A_11 = arith.constant 0 : index
    %get3A_12 = vector.load %arg2[%get3A_10, %get3A_11] : memref<1024x128xf32, #tpu.memory_space<vmem>>, vector<1024x128xf32>
    %add3A_13 = arith.addf %get3A_9, %get3A_12 : vector<1024x128xf32>
    %mul3A = vector.broadcast %select_n3A : vector<1024x1xf32> to vector<1024x128xf32>
    %mul3A_14 = arith.mulf %add3A_13, %mul3A : vector<1024x128xf32>
    %get3A_15 = arith.constant 0 : index
    %get3A_16 = arith.constant 0 : index
    %get3A_17 = vector.load %arg5[%get3A_15, %get3A_16] : memref<1x128xf32, #tpu.memory_space<vmem>>, vector<1x128xf32>
    %add3A_18 = vector.broadcast %get3A_17 : vector<1x128xf32> to vector<1024x128xf32>
    %add3A_19 = arith.addf %mul3A_14, %add3A_18 : vector<1024x128xf32>
    %swap3A = arith.constant 0 : index
    %swap3A_20 = arith.constant 0 : index
    %swap3A_21 = vector.load %arg7[%swap3A, %swap3A_20] : memref<1024x128xf32, #tpu.memory_space<vmem>>, vector<1024x128xf32>
    tpu.vector_store %arg7[%swap3A, %swap3A_20], %add3A_19 {strides = array<i32>} : memref<1024x128xf32, #tpu.memory_space<vmem>>, vector<1024x128xf32>,
    %get3A_22 = arith.constant 0 : index
    %get3A_23 = arith.constant 0 : index
    %get3A_24 = vector.load %arg6[%get3A_22, %get3A_23] : memref<128x128xf32, #tpu.memory_space<vmem>>, vector<128x128xf32>
    %dot_general3A = arith.constant dense<0.000000e+00> : vector<1024x128xf32>
    %dot_general3A_25 = tpu.matmul %add3A_19, %get3A_24, %dot_general3A {dimension_numbers = #tpu.dot_dimension_numbers<[1], [0], [0], [1], [0, 0, 1, 1], [], []>, transpose_lhs_hint = false} : vector<1024x128xf32>, vector<128x128xf32>, vector<1024x128xf32> -> vector<1024x128xf32>
    %mul3A_26 = vector.broadcast %select_n3A : vector<1024x1xf32> to vector<1024x128xf32>
    %mul3A_27 = arith.mulf %dot_general3A_25, %mul3A_26 : vector<1024x128xf32>
    %swap3A_28 = arith.constant 0 : index
    %swap3A_29 = arith.constant 0 : index
    %swap3A_30 = vector.load %arg8[%swap3A_28, %swap3A_29] : memref<1024x128xf32, #tpu.memory_space<vmem>>, vector<1024x128xf32>
    tpu.vector_store %arg8[%swap3A_28, %swap3A_29], %mul3A_27 {strides = array<i32>} : memref<1024x128xf32, #tpu.memory_space<vmem>>, vector<1024x128xf32>,
    return
  }
  func.func @transform_0(%arg0: i32) -> (i32, i32) {
    %c0_i32 = arith.constant 0 : i32
    %c0_i32_0 = arith.constant 0 : i32
    return %arg0, %c0_i32 : i32, i32
  }
  func.func @transform_1(%arg0: i32) -> (i32, i32) {
    %c0_i32 = arith.constant 0 : i32
    %c0_i32_0 = arith.constant 0 : i32
    return %arg0, %c0_i32 : i32, i32
  }
  func.func @transform_2(%arg0: i32) -> (i32, i32) {
    %c0_i32 = arith.constant 0 : i32
    %c0_i32_0 = arith.constant 0 : i32
    return %arg0, %c0_i32 : i32, i32
  }
  func.func @transform_3(%arg0: i32) -> (i32, i32) {
    %c0_i32 = arith.constant 0 : i32
    %c0_i32_0 = arith.constant 0 : i32
    return %arg0, %c0_i32 : i32, i32
  }
  func.func @transform_4(%arg0: i32) -> (i32, i32) {
    %c0_i32 = arith.constant 0 : i32
    %c0_i32_0 = arith.constant 0 : i32
    %c0_i32_1 = arith.constant 0 : i32
    return %c0_i32, %c0_i32_0 : i32, i32
  }
  func.func @transform_5(%arg0: i32) -> (i32, i32) {
    %c0_i32 = arith.constant 0 : i32
    %c0_i32_0 = arith.constant 0 : i32
    %c0_i32_1 = arith.constant 0 : i32
    return %c0_i32, %c0_i32_0 : i32, i32
  }
  func.func @transform_6(%arg0: i32) -> (i32, i32) {
    %c0_i32 = arith.constant 0 : i32
    %c0_i32_0 = arith.constant 0 : i32
    return %arg0, %c0_i32 : i32, i32
  }
  func.func @transform_7(%arg0: i32) -> (i32, i32) {
    %c0_i32 = arith.constant 0 : i32
    %c0_i32_0 = arith.constant 0 : i32
    return %arg0, %c0_i32 : i32, i32
  }
}

module attributes {stable_mosaic.version = 14 : i64} {
  func.func @_comb_body(%arg0: i32, %arg1: memref<1024x128xf32, #tpu.memory_space<vmem>>, %arg2: memref<1024x128xf32, #tpu.memory_space<vmem>>, %arg3: memref<1024x8xf32, #tpu.memory_space<vmem>>, %arg4: memref<1024x8xf32, #tpu.memory_space<vmem>>, %arg5: memref<1x128xf32, #tpu.memory_space<vmem>>, %arg6: memref<1024x128xf32, #tpu.memory_space<vmem>>) attributes {dimension_semantics = [#tpu.dimension_semantics<arbitrary>], iteration_bounds = array<i64: 10>, scalar_prefetch = 0 : i64, scratch_operands = 0 : i64, tpu.core_type = #tpu.core_type<tc>, window_params = [{transform_indices = @transform_0, window_bounds = array<i64: 1024, 128>}, {transform_indices = @transform_1, window_bounds = array<i64: 1024, 128>}, {transform_indices = @transform_2, window_bounds = array<i64: 1024, 8>}, {transform_indices = @transform_3, window_bounds = array<i64: 1024, 8>}, {pipeline_mode = #tpu.pipeline_mode<synchronous>, transform_indices = @transform_4, window_bounds = array<i64: 1, 128>}, {transform_indices = @transform_5, window_bounds = array<i64: 1024, 128>}]} {
    %get3A = arith.constant 0 : index
    %get3A_0 = arith.constant 0 : index
    %get3A_1 = vector.load %arg3[%get3A, %get3A_0] : memref<1024x8xf32, #tpu.memory_space<vmem>>, vector<1024x1xf32>
    %get3A_2 = arith.constant 0 : index
    %get3A_3 = arith.constant 0 : index
    %get3A_4 = vector.load %arg4[%get3A_2, %get3A_3] : memref<1024x8xf32, #tpu.memory_space<vmem>>, vector<1024x1xf32>
    %add3A = arith.addf %get3A_1, %get3A_4 : vector<1024x1xf32>
    %gt3A = arith.constant 0.000000e+00 : f32
    %gt3A_5 = vector.broadcast %gt3A : f32 to vector<1024x1xf32>
    %gt3A_6 = arith.cmpf ogt, %add3A, %gt3A_5 : vector<1024x1xf32>
    %rsqrt3A = math.rsqrt %add3A : vector<1024x1xf32>
    %jit3A = arith.constant 0.000000e+00 : f32
    %broadcast_in_dim3A = vector.broadcast %jit3A : f32 to vector<1024x1xf32>
    %select_n3A = arith.select %gt3A_6, %rsqrt3A, %broadcast_in_dim3A : vector<1024x1xi1>, vector<1024x1xf32>
    %get3A_7 = arith.constant 0 : index
    %get3A_8 = arith.constant 0 : index
    %get3A_9 = vector.load %arg1[%get3A_7, %get3A_8] : memref<1024x128xf32, #tpu.memory_space<vmem>>, vector<1024x128xf32>
    %get3A_10 = arith.constant 0 : index
    %get3A_11 = arith.constant 0 : index
    %get3A_12 = vector.load %arg2[%get3A_10, %get3A_11] : memref<1024x128xf32, #tpu.memory_space<vmem>>, vector<1024x128xf32>
    %add3A_13 = arith.addf %get3A_9, %get3A_12 : vector<1024x128xf32>
    %mul3A = vector.broadcast %select_n3A : vector<1024x1xf32> to vector<1024x128xf32>
    %mul3A_14 = arith.mulf %add3A_13, %mul3A : vector<1024x128xf32>
    %get3A_15 = arith.constant 0 : index
    %get3A_16 = arith.constant 0 : index
    %get3A_17 = vector.load %arg5[%get3A_15, %get3A_16] : memref<1x128xf32, #tpu.memory_space<vmem>>, vector<1x128xf32>
    %add3A_18 = vector.broadcast %get3A_17 : vector<1x128xf32> to vector<1024x128xf32>
    %add3A_19 = arith.addf %mul3A_14, %add3A_18 : vector<1024x128xf32>
    %swap3A = arith.constant 0 : index
    %swap3A_20 = arith.constant 0 : index
    %swap3A_21 = vector.load %arg6[%swap3A, %swap3A_20] : memref<1024x128xf32, #tpu.memory_space<vmem>>, vector<1024x128xf32>
    tpu.vector_store %arg6[%swap3A, %swap3A_20], %add3A_19 {strides = array<i32>} : memref<1024x128xf32, #tpu.memory_space<vmem>>, vector<1024x128xf32>,
    return
  }
  func.func @transform_0(%arg0: i32) -> (i32, i32) {
    %c0_i32 = arith.constant 0 : i32
    %c0_i32_0 = arith.constant 0 : i32
    return %arg0, %c0_i32 : i32, i32
  }
  func.func @transform_1(%arg0: i32) -> (i32, i32) {
    %c0_i32 = arith.constant 0 : i32
    %c0_i32_0 = arith.constant 0 : i32
    return %arg0, %c0_i32 : i32, i32
  }
  func.func @transform_2(%arg0: i32) -> (i32, i32) {
    %c0_i32 = arith.constant 0 : i32
    %c0_i32_0 = arith.constant 0 : i32
    return %arg0, %c0_i32 : i32, i32
  }
  func.func @transform_3(%arg0: i32) -> (i32, i32) {
    %c0_i32 = arith.constant 0 : i32
    %c0_i32_0 = arith.constant 0 : i32
    return %arg0, %c0_i32 : i32, i32
  }
  func.func @transform_4(%arg0: i32) -> (i32, i32) {
    %c0_i32 = arith.constant 0 : i32
    %c0_i32_0 = arith.constant 0 : i32
    %c0_i32_1 = arith.constant 0 : i32
    return %c0_i32, %c0_i32_0 : i32, i32
  }
  func.func @transform_5(%arg0: i32) -> (i32, i32) {
    %c0_i32 = arith.constant 0 : i32
    %c0_i32_0 = arith.constant 0 : i32
    return %arg0, %c0_i32 : i32, i32
  }
}

</mosaic_0001>

<sc_bundles>
// kernel: kernel.11.cloned.1.call-start
scs
__scs_entry_jumppad:
0x0: {  	(pc) =	sbr.rel $0x88, $3  }
0x1: {  	(tag) =	ssettag $0x0;
	lr =	simm.s32 $0x1  }
0x2: {  	[smem:$0x3F9B] =	sst lr;
	_ =	strace $0xD0000000  }
0x3: {  	_ = 	snop  }
0x4: {  	_ = 	snop  }
0x5: {  	_ = 	snop  }
0x6: {  	_ = 	snop  }
0x7: {  	_ = 	snop  }
__scs_overlays_trampoline_lowered:
0x8: {  	[smem:$0x3FAA] =	sst s0  }
0x9: {  	[smem:$0x3FAB] =	sst s1  }
0xa: {  	[smem:$0x3FAC] =	sst s2  }
0xb: {  	[smem:$0x3FAD] =	sst s3  }
0xc: {  	[smem:$0x3FAE] =	sst s4  }
0xd: {  	[smem:$0x3FAF] =	sst s5  }
0xe: {  	[smem:$0x3FB0] =	sst s6  }
0xf: {  	[smem:$0x3FB1] =	sst s7  }
0x10: {  	[smem:$0x3FB2] =	sst s8  }
0x11: {  	[smem:$0x3FB3] =	sst s9;
	s0 =	simm.s32 @!p0 $0x0  }
0x12: {  	s1 =	sld [smem:$0x3F99];
	s0 =	simm.s32 @p0 $0x1  }
0x13: {  	[smem:$0x3FB4] =	sst s0;
	s0 =	simm.s32 @!p1 $0x0  }
0x14: {  	s2 =	sld [smem:$0x3F98];
	s0 =	simm.s32 @p1 $0x1  }
0x15: {  	[smem:$0x3FB5] =	sst s0;
	s0 =	simm.s32 @!p2 $0x0  }
0x16: {  	s3 =	sld [smem:$0x3FDB];
	s0 =	simm.s32 @p2 $0x1  }
0x17: {  	s4 =	simm.s32 $0x1BF5;
	[smem:$0x3FB7] =	sst s0  }
0x18: {  	s0 =	sld [smem:$0x3F9A];
	_ =	swait.ge [sflag:s4], $0x0  }
0x19: {  	s7 =	sld [smem:$0x3F9B]  }
0x1a: {  	s8 =	sadd.s32 $0xFFFFE003, lr  }
0x1b: {  	s9 =	sadd.s32 $0xFFFFFEF7, lr;
	s5 =	simm.s32 $0xFFFFFFFF;
	p2 =	slt.u32 s8, $0xFFFFF086  }
0x1c: {  	p1 =	slt.u32 s9, $0xF7A;
	s5 =	simm.s32 @!p2 $0x0  }
0x1d: {  	s5 =	simm.s32 @p1 $0x1;
	p0 =	seq.s32 s7, s2  }
0x1e: {  	s7 =	smul.u32 @!p0 $0xF7A, s2;
	p2 =	seq.s32 @!p0 s5, $0x0  }
0x1f: {  	s9 =	smul.u32 $0xF7A, s1;
	s8 =	simm.s32 @!p0 $0x1BF5;
	p2 =	por !p2, p0  }
0x20: {  	[sflag:s8] =	ssyncset.s32 @!p0 $0xFFFFF086;
	s6 =	sadd.s32 @!p0 s3, s7;
	s7 =	simm.s32 @!p0 $0x108  }
0x21: {  	s3 =	sadd.s32 s3, s9;
	s6 =	sadd.s32 @!p0 $0x88, s6;
	s7 =	simm.s32 @p2 $0x1082  }
0x22: {  	[simem:s7], [sflag:s8] =	dma.local @!p0 [hbm:s6], $0xF7A  }
0x23: {  	s9 =	sor.u32 $0xD0000000, s2;
	s6 =	simm.s32 $0x108;
	_ =	swait.ge @!p0 [sflag:s8], $0x0  }
0x24: {  	s3 =	sadd.s32 $0x88, s3;
	s6 =	simm.s32 @!p1 $0x1082;
	[sflag:s4] =	ssyncset.s32 $0xFFFFF086  }
0x25: {  	[simem:s6], [sflag:s4] =	dma.local [hbm:s3], $0xF7A  }
0x26: {  	[smem:$0x3F9B] =	sst s1;
	(tag) =	ssettag s2;
	_ =	strace s9  }
0x27: {  	s1 =	sld [smem:$0x3FAB]  }
0x28: {  	s2 =	sld [smem:$0x3FAC]  }
0x29: {  	s4 =	sld [smem:$0x3FAE]  }
0x2a: {  	p0 =	seq.s32 s5, $0x0;
	s5 =	sld [smem:$0x3FAF]  }
0x2b: {  	s6 =	sld [smem:$0x3FB0]  }
0x2c: {  	s7 =	sld [smem:$0x3FB1]  }
0x2d: {  	s3 =	simm.s32 $0x108;
	s8 =	sld [smem:$0x3FB2]  }
0x2e: {  	s3 =	simm.s32 @!p0 $0x1082;
	s9 =	sld [smem:$0x3FB3]  }
0x2f: {  	lr =	sadd.s32 s0, s3;
	s0 =	sld [smem:$0x3FAA]  }
0x30: {  	s3 =	sld [smem:$0x3FAD]  }
0x31: {  	[smem:$0x3FB6] =	sst s10  }
0x32: {  	s10 =	sld [smem:$0x3FB4];
	_ =	sdelay $0x3  }
0x33: {  	p0 =	seq.s32 s10, $0x1;
	s10 =	sld [smem:$0x3FB6];
	_ =	sdelay $0x3  }
0x34: {  	[smem:$0x3FB6] =	sst s10  }
0x35: {  	s10 =	sld [smem:$0x3FB5];
	_ =	sdelay $0x3  }
0x36: {  	p1 =	seq.s32 s10, $0x1;
	s10 =	sld [smem:$0x3FB6];
	_ =	sdelay $0x3  }
0x37: {  	[smem:$0x3FB6] =	sst s10  }
0x38: {  	s10 =	sld [smem:$0x3FB7]  }
0x39: {  	_ = 	snop;
	(pc) =	sbr.ind lr, $3  }
0x3a: {  	_ = 	snop  }
0x3b: {  	_ = 	snop  }
0x3c: {  	p2 =	seq.s32 s10, $0x1;
	s10 =	sld [smem:$0x3FB6]  }
0x3d: {  	_ =	shalt  }
0x3e: {  	_ =	shalt  }
0x3f: {  	_ =	shalt  }
0x40: {  	_ =	shalt  }
0x41: {  	_ =	shalt  }
0x42: {  	_ =	shalt  }
0x43: {  	_ =	shalt  }
0x44: {  	_ =	shalt  }
0x45: {  	_ =	shalt  }
0x46: {  	_ =	shalt  }
0x47: {  	_ =	shalt  }
0x48: {  	_ =	shalt  }
0x49: {  	_ =	shalt  }
0x4a: {  	_ =	shalt  }
0x4b: {  	_ =	shalt  }
0x4c: {  	_ =	shalt  }
0x4d: {  	_ =	shalt  }
0x4e: {  	_ =	shalt  }
0x4f: {  	_ =	shalt  }
0x50: {  	_ =	shalt  }
0x51: {  	_ =	shalt  }
0x52: {  	_ =	shalt  }
0x53: {  	_ =	shalt  }
0x54: {  	_ =	shalt  }
0x55: {  	_ =	shalt  }
0x56: {  	_ =	shalt  }
0x57: {  	_ =	shalt  }
0x58: {  	_ =	shalt  }
0x59: {  	_ =	shalt  }
0x5a: {  	_ =	shalt  }
0x5b: {  	_ =	shalt  }
0x5c: {  	_ =	shalt  }
0x5d: {  	_ =	shalt  }
0x5e: {  	_ =	shalt  }
0x5f: {  	_ =	shalt  }
0x60: {  	_ =	shalt  }
0x61: {  	_ =	shalt  }
0x62: {  	_ =	shalt  }
0x63: {  	_ =	shalt  }
0x64: {  	_ =	shalt  }
0x65: {  	_ =	shalt  }
0x66: {  	_ =	shalt  }
0x67: {  	_ =	shalt  }
0x68: {  	_ =	shalt  }
0x69: {  	_ =	shalt  }
0x6a: {  	_ =	shalt  }
0x6b: {  	_ =	shalt  }
0x6c: {  	_ =	shalt  }
0x6d: {  	_ =	shalt  }
0x6e: {  	_ =	shalt  }
0x6f: {  	_ =	shalt  }
0x70: {  	_ =	shalt  }
0x71: {  	_ =	shalt  }
0x72: {  	_ =	shalt  }
0x73: {  	_ =	shalt  }
0x74: {  	_ =	shalt  }
0x75: {  	_ =	shalt  }
0x76: {  	_ =	shalt  }
0x77: {  	_ =	shalt  }
0x78: {  	_ =	shalt  }
0x79: {  	_ =	shalt  }
0x7a: {  	_ =	shalt  }
0x7b: {  	_ =	shalt  }
0x7c: {  	_ =	shalt  }
0x7d: {  	_ =	shalt  }
0x7e: {  	_ =	shalt  }
0x7f: {  	_ =	shalt  }
0x80: {  	_ =	shalt  }
0x81: {  	_ =	shalt  }
0x82: {  	_ =	shalt  }
0x83: {  	_ =	shalt  }
0x84: {  	_ =	shalt  }
0x85: {  	_ =	shalt  }
0x86: {  	_ =	shalt  }
0x87: {  	_ =	shalt  }
.Lfunc_end0:
.L_simem_size_0:
called_computation.1_lowered:
.L_overlay_start_0:
0x88: {  	s2 =	sld [smem:$0x3FD9]  }
0x89: {  	s3 =	sld [smem:$0x3FFE];
	_ =	sdelay $0x1  }
0x8a: {  	s1 =	srdreg.scid  }
0x8b: {  	s0 =	sand.u32 $0x1, s1  }
0x8c: {  	s14 =	sshll.u32 s0, $0xA;
	s2 =	sadd.s32 s3, s2  }
0x8d: {  	s2 =	sadd.s32 s2, s14  }
0x8e: {  	[smem:$0x3FC2] =	sst s2  }
0x8f: {  	_ = 	snop  }
0x90: {  	s2 =	sld [smem:$0x3FD0];
	_ =	sdelay $0x2  }
0x91: {  	s15 =	simm.s32 $0xA;
	s4 =	simm.s32 $0x10  }
0x92: {  	[smem:s4], [sflag:s15] =	dma.local [hbm:s2], $0x1  }
0x93: {  	_ =	swait.eq [sflag:s15], $0x1  }
0x94: {  	[sflag:s15] =	ssyncset.done $0x0  }
0x95: {  	[sflag:s15] =	ssyncadd.s32 $0xFFFFFFFF  }
0x96: {  	s16 =	sld [smem:$0x11];
	(tm) =	ssettm $0x1  }
0x97: {  	s17 =	sld [smem:$0x3FFB];
	_ =	sdelay $0x3  }
0x98: {  	_ =	strace s17  }
0x99: {  	s3 =	sld [smem:$0x3FFC];
	_ =	sdelay $0x3  }
0x9a: {  	_ =	strace s3  }
0x9b: {  	s3 =	sld [smem:$0x3FFD];
	_ =	sdelay $0x3  }
0x9c: {  	_ =	strace s3  }
0x9d: {  	_ =	strace $0x8FFFFFFF  }
0x9e: {  	s18 =	sld [smem:$0x3FDB];
	_ =	sdelay $0x1  }
0x9f: {  	s19 =	simm.s32 $_scs_section_size  }
0xa0: {  	s5 =	simm.s32 $_size__tile_overlayer_lowered;
	s6 =	simm.s32 $_tile_overlayer_lowered  }
0xa1: {  	s22 =	simm.s32 $0x1BFF;
	s21 =	sshll.u32 s6, $0x1;
	s3 =	sadd.s32 s19, s18  }
0xa2: {  	s7 =	simm.s32 $0x0;
	s20 =	sshll.u32 s5, $0x1;
	s5 =	sadd.s32 s21, s3  }
0xa3: {  	[timem:s7], [sflag:s22] =	dma.local [hbm:s5], s20  }
0xa4: {  	_ =	swait.ge [sflag:s22], s20  }
0xa5: {  	s4 =	ssub.s32 $0x0, s20;
	[sflag:s22] =	ssyncset.done $0x0  }
0xa6: {  	[sflag:s22] =	ssyncadd.s32 s4;
	_ =	sdelay $0x1  }
0xa7: {  	s23 =	simm.s32 $0x1B8B  }
0xa8: {  	_ =	swait.ge [sflag:s23], $0x1  }
0xa9: {  	[sflag:s23] =	ssyncset.done $0x0  }
0xaa: {  	s25 =	simm.s32 $0x1B8E;
	s24 =	sld [smem:$0x3FFE];
	[sflag:s23] =	ssyncadd.s32 $0xFFFFFFFF  }
0xab: {  	s26 =	simm.s32 $execute0_lowered;
	[smem:$0x3FD2] =	sst s25  }
0xac: {  	s5 =	sshll.u32 s26, $0x1;
	_ =	strace $0x80000049;
	[dreg:$0x1] =	wrdreg $0xFFFFFFFF  }
0xad: {  	s28 =	simm.s32 $_size_execute0_lowered;
	s3 =	sadd.s32 s3, s5;
	[dreg:$0x0] =	wrdreg $0x0  }
0xae: {  	s5 =	sshll.u32 s28, $0x1;
	[dreg:$0x2] =	wrdreg s3  }
0xaf: {  	[dreg:$0x3] =	wrdreg s5  }
0xb0: {  	[dreg:$0x4] =	wrdreg $0xC0  }
0xb1: {  	_ =	task [dreg:s7], $0x5FFFF  }
0xb2: {  	[dreg:$0x1] =	wrdreg $0xFFFFFFFF  }
0xb3: {  	[dreg:$0x0] =	wrdreg $0x60  }
0xb4: {  	[dreg:$0x2] =	wrdreg s16  }
0xb5: {  	[dreg:$0x3] =	wrdreg s24  }
0xb6: {  	[dreg:$0x4] =	wrdreg $0x98800  }
0xb7: {  	[dreg:$0x5] =	wrdreg $0x9  }
0xb8: {  	_ =	task.clear_ibuf [dreg:s7], $0x6FFFF;
	_ =	strace $0x90000049  }
0xb9: {  	s29 =	simm.s32 $0x9;
	_ =	strace $0x8000004B  }
0xba: {  	_ =	swait.ge [sflag:s29], $0x1  }
0xbb: {  	[sflag:s29] =	ssyncadd.s32 $0xFFFFFFFF  }
0xbc: {  	_ =	strace $0x9000004B  }
0xbd: {  	_ =	sfence  }
0xbe: {  	s30 =	sld [smem:$0x0];
	_ =	sdelay $0x2  }
0xbf: {  	s31 =	sshll.u32 s1, $0xD;
	s1 =	sshrl.u32 s1, $0x2  }
0xc0: {  	s3 =	sand.u32 $0x4000, s31;
	s1 =	sadd.s32 s1, s30  }
0xc1: {  	s0 =	sor.u32 s3, s0;
	s1 =	sshll.u32 s1, $0x11  }
0xc2: {  	s0 =	sor.u32 s1, s0  }
0xc3: {  	s0 =	sadd.s32 $0x8F2B, s0  }
0xc4: {  	[sflag:s0] =	ssyncadd.remote.s32 $0x1  }
0xc5: {  	_ =	sfence.sel $0xFFFF  }
0xc6: {  	[dreg:$0x0] =	wrdreg $0xFFFFFFFF;
	(pc) =	sbr.abs _section_cstart, $3  }
0xc7: {  	[dreg:$0x1] =	wrdreg $0xFFFFFFFF  }
0xc8: {  	_ =	task.clear_ibuf [dreg:s7], $0x2FFFF;
	_ =	strace $0x9FFFFFFF  }
0xc9: {  	(tm) =	ssettm $0x7FFFFFFF  }
tec
execute0_lowered:
.L_overlay_start_1:
0x0: {  	(tag) =	ssettag $0x1  }
0x1: {  	s0 =	rddreg [dreg:$0x0]  }
0x2: {  	s1 =	rddreg [dreg:$0x1]  }
0x3: {  	s2 =	rddreg [dreg:$0x2];
	s3 =	simm.s32 $0x0  }
0x4: {  	s12 =	stileid.u32;
	s4 =	srdreg.scid;
	s28 =	simm.s32 $0x3680  }
0x5: {  	s29 =	simm.s32 $0x0;
	[smem:$0x7FF] =	sst s3;
	s5 =	smul.u32 $0x14000, s12  }
0x6: {  	s6 =	sand.u32 $0x1, s4;
	s8 =	sadd.s32 $0x2C00, s1;
	s4 =	sadd.s32 $0x8FC00, s1  }
0x7: {  	s10 =	sadd.s32 $0xB7C00, s1;
	s16 =	smul.u32 $0x50000, s12;
	s21 =	sshll.u32 s12, $0x6  }
0x8: {  	_ =	strace $0x8000004A;
	s7 =	smul.u32 $0x140000, s6;
	[dreg:$0x4] =	wrdreg s10  }
0x9: {  	s15 =	sshll.u32 s6, $0x4;
	s17 =	ssub.s32 $0x2, s6;
	s9 =	sshrl.u32 s5, $0x3  }
0xa: {  	s18 =	sor.u32 s12, s15;
	s19 =	sshrl.u32 s17, $0x1;
	s10 =	sshrl.u32 s16, $0x2  }
0xb: {  	s9 =	sadd.s32 s9, s1;
	s5 =	sadd.s32 s5, s7;
	s11 =	smul.u32 $0x5400, s18  }
0xc: {  	s10 =	sadd.s32 s10, s2;
	s6 =	smul.u32 $0xA80, s18;
	s7 =	sor.u32 $0x1C07, s21  }
0xd: {  	s21 =	simm.s32 $0x3800;
	s5 =	sshrl.u32 s5, $0x3;
	s20 =	sadd.s32 $0x17C00, s9  }
0xe: {  	s16 =	sshrl.u32 s10, $0x3;
	s1 =	sadd.s32 s5, s1;
	s5 =	ssub.s32 s17, s19  }
0xf: {  	[dreg:$0x5] =	wrdreg s20;
	s22 =	sshrl.u32 s11, $0x3;
	s23 =	sadd.s32 s0, s6  }
0x10: {  	s6 =	sadd.s32 s8, s6;
	s17 =	simm.s32 $0x7;
	s19 =	simm.s32 $0x1C00  }
0x11: {  	s20 =	simm.s32 $0x40;
	[dreg:$0x6] =	wrdreg s23;
	s24 =	sadd.s32 $0x380, s22  }
0x12: {  	[dreg:$0x7] =	wrdreg s6;
	s26 =	sadd.s32 $0x700, s22;
	s14 =	sadd.s32 $0xB7E00, s1  }
.Ltmp0:
0x13: {  	s15 =	smax.u32 s5, $0x1;
	s25 =	sadd.s32 s0, s24;
	(pc) =	sbr.rel .LBB2_1-.Ltmp0, $4  }
0x14: {  	s22 =	simm.s32 $0x4;
	s30 =	sadd.s32 s8, s24;
	[dreg:$0x8] =	wrdreg s25  }
0x15: {  	s23 =	simm.s32 $0x7800;
	s0 =	sadd.s32 s0, s26;
	[dreg:$0x9] =	wrdreg s30  }
0x16: {  	s31 =	sadd.s32 s8, s26;
	s24 =	simm.s32 $0x6;
	[dreg:$0xa] =	wrdreg s0  }
0x17: {  	s26 =	simm.s32 $0x3580;
	[dreg:$0xb] =	wrdreg s31;
	s25 =	simm.s32 $0x1  }
.LBB2_19:
0x18: {  	[spmem:s2] =	stream.indirect.scatter.add.f32 [tilespmem:s21], [sflag:$0x4], $0x80, s26, s20, $0xb8;
	[tilespmem:$0x1D880] =	vst v63  }
0x19: {  	_ =	swait.ge [sflag:s22], $0x2000  }
0x1a: {  	s0 =	simm.s32 @p0 $0x40;
	[sflag:s22] =	ssyncset.done $0x0  }
0x1b: {  	s1 =	simm.s32 @p0 $0x3600;
	s5 =	simm.s32 @p0 $0x5800;
	[sflag:s22] =	ssyncadd.s32 $0xFFFFE000  }
0x1c: {  	[spmem:s2] =	stream.indirect.scatter.add.f32 @p0 [tilespmem:s5], [sflag:$0x5], $0x80, s1, s0, $0xb8;
	[tilespmem:$0x1D880] =	vst v63  }
0x1d: {  	s0 =	simm.s32 @!p0 $0x2  }
0x1e: {  	_ =	swait.ge @!p0 [sflag:s0], $0x2000  }
0x1f: {  	s1 =	simm.s32 @!p0 $0x3600;
	[sflag:s0] =	ssyncset.done @!p0 $0x0  }
0x20: {  	s5 =	simm.s32 @!p0 $0x5800;
	[sflag:s0] =	ssyncadd.s32 @!p0 $0xFFFFE000;
	s0 =	simm.s32 @!p0 $0x40  }
0x21: {  	[spmem:s2] =	stream.indirect.scatter.add.f32 @!p0 [tilespmem:s5], [sflag:$0x5], $0x80, s1, s0, $0xb8;
	[tilespmem:$0x1D880] =	vst v63  }
0x22: {  	s0 =	simm.s32 @!p0 $0x5  }
0x23: {  	_ =	swait.ge @!p0 [sflag:s0], $0x2000  }
0x24: {  	s1 =	simm.s32 @!p0 $0x3;
	[sflag:s0] =	ssyncset.done @!p0 $0x0  }
0x25: {  	s1 =	simm.s32 @p0 $0x5;
	[sflag:s0] =	ssyncadd.s32 @!p0 $0xFFFFE000  }
0x26: {  	_ =	swait.ge [sflag:s1], $0x2000  }
0x27: {  	[sflag:s1] =	ssyncset.done $0x0  }
0x28: {  	[sflag:s1] =	ssyncadd.s32 $0xFFFFE000  }
0x29: {  	[spmem:s2] =	stream.indirect.scatter.add.f32 [tilespmem:s23], [sflag:$0x6], $0x80, s28, s20, $0xb8;
	[tilespmem:$0x1D880] =	vst v63  }
0x2a: {  	_ =	swait.ge [sflag:s24], $0x2000  }
0x2b: {  	s29 =	sadd.s32 $0x1, s29;
	[sflag:s24] =	ssyncset.done $0x0  }
0x2c: {  	p0 =	sne.s32 s29, s15;
	[sflag:s24] =	ssyncadd.s32 $0xFFFFE000  }
.Ltmp1:
0x2d: {  	[bflag:$0x0] =	sbarrier.arrive $0xFFFF;
	(pc) =	sbr.rel @!p0 .LBB2_20-.Ltmp1, $4  }
0x2e: {  	[hbm:s14], [sflag:s7] =	dma.local [spmem:s16], $0x2800  }
0x2f: {  	_ =	swait.ge [sflag:s17], $0x2800  }
0x30: {  	[sflag:s17] =	ssyncset.done $0x0  }
0x31: {  	[sflag:s17] =	ssyncadd.s32 $0xFFFFD800  }
.LBB2_1:
0x32: {  	s0 =	rddreg [dreg:$0x5]  }
0x33: {  	[spmem:s16], [sflag:s7] =	dma.local [hbm:s0], $0x2800  }
0x34: {  	_ =	swait.ge [sflag:s17], $0x2800  }
0x35: {  	[sflag:s17] =	ssyncset.done $0x0  }
0x36: {  	s1 =	simm.s32 $0x9800;
	s12 =	rddreg [dreg:$0x4];
	[sflag:s17] =	ssyncadd.s32 $0xFFFFD800  }
0x37: {  	[tilespmem:s1], [sflag:$0x7] =	stream.linear.gather [hbm4b:s12+s3], $0x80, $0x38;
	[tilespmem:$0x1D880] =	vst v63  }
0x38: {  	_ =	swait.ge [sflag:s17], $0x80  }
0x39: {  	[sflag:s17] =	ssyncset.done $0x0  }
0x3a: {  	[sflag:s17] =	ssyncadd.s32 $0xFFFFFF80  }
0x3b: {  	v0 =	vld [tilespmem:$0x9800];
	_ =	sdelay $0x4  }
0x3c: {  	(v2sf) =	vpush v0, $0x0;
	_ =	sdelay $0xe  }
0x3d: {  	s13 =	spop (v2sf)  }
0x3e: {  	p0 =	sgt.s32 s13, $0x0  }
0x3f: {  	s1 =	simm.s32 @!p0 $0x0;
	s5 =	simm.s32 @!p0 $0x3800  }
0x40: {  	[tilespmem:s5], [sflag:$0x7] =	stream.linear.gather @!p0 [hbm4b:s4+s1], $0x2000, $0x38;
	[tilespmem:$0x1D880] =	vst v63  }
0x41: {  	s5 =	simm.s32 @!p0 $0x7  }
0x42: {  	_ =	swait.ge @!p0 [sflag:s5], $0x2000  }
0x43: {  	[sflag:s5] =	ssyncset.done @!p0 $0x0  }
0x44: {  	s6 =	simm.s32 @!p0 $0x5800;
	[sflag:s5] =	ssyncadd.s32 @!p0 $0xFFFFE000  }
0x45: {  	[tilespmem:s6], [sflag:$0x7] =	stream.linear.gather @!p0 [hbm4b:s4+s1], $0x2000, $0x38;
	[tilespmem:$0x1D880] =	vst v63  }
0x46: {  	_ =	swait.ge @!p0 [sflag:s5], $0x2000  }
0x47: {  	[sflag:s5] =	ssyncset.done @!p0 $0x0  }
0x48: {  	s6 =	simm.s32 @!p0 $0x7800;
	[sflag:s5] =	ssyncadd.s32 @!p0 $0xFFFFE000  }
0x49: {  	[tilespmem:s6], [sflag:$0x7] =	stream.linear.gather @!p0 [hbm4b:s4+s1], $0x2000, $0x38;
	[tilespmem:$0x1D880] =	vst v63  }
0x4a: {  	_ =	swait.ge @!p0 [sflag:s5], $0x2000  }
0x4b: {  	[sflag:s5] =	ssyncset.done @!p0 $0x0  }
0x4c: {  	[sflag:s5] =	ssyncadd.s32 @!p0 $0xFFFFE000  }
0x4d: {  	[bflag:$0x0] =	sbarrier.arrive $0xFFFF  }
0x4e: {  	s18 =	rddreg [dreg:$0x6]  }
0x4f: {  	[tilespmem:s3], [sflag:$0x7] =	stream.linear.gather [hbm4b:s18+s3], $0x1B00, $0x38;
	[tilespmem:$0x1D880] =	vst v63  }
0x50: {  	_ =	swait.ge [sflag:s17], $0x1B00  }
0x51: {  	[sflag:s17] =	ssyncset.done $0x0  }
0x52: {  	s31 =	rddreg [dreg:$0x7];
	[sflag:s17] =	ssyncadd.s32 $0xFFFFE500  }
0x53: {  	[tilespmem:s19], [sflag:$0x7] =	stream.linear.gather [hbm4b:s31+s3], $0x1B00, $0x38;
	[tilespmem:$0x1D880] =	vst v63  }
0x54: {  	p0 =	slt.s32 s13, $0x1;
	_ =	swait.ge [sflag:s17], $0x1B00  }
0x55: {  	s0 =	simm.s32 @!p0 $0x40;
	[sflag:s17] =	ssyncset.done $0x0  }
0x56: {  	s5 =	simm.s32 @!p0 $0x0;
	s1 =	simm.s32 @!p0 $0x3800;
	[sflag:s17] =	ssyncadd.s32 $0xFFFFE500  }
0x57: {  	[tilespmem:s1], [sflag:$0x1] =	stream.indirect.gather @!p0 [hbm4b:s4+s0], $0x80, s5, s0, $0xb8;
	[tilespmem:$0x1D880] =	vst v63  }
.Ltmp2:
0x58: {  	s6 =	simm.s32 @!p0 $0x80;
	s5 =	simm.s32 @!p0 $0x5800;
	(pc) =	sbr.rel .LBB2_2-.Ltmp2, $4  }
0x59: {  	[tilespmem:s5], [sflag:$0x2] =	stream.indirect.gather @!p0 [hbm4b:s4+s0], $0x80, s6, s0, $0xb8;
	[tilespmem:$0x1D880] =	vst v63  }
0x5a: {  	s30 =	simm.s32 $0x0;
	s8 =	simm.s32 @!p0 $0x7800;
	s6 =	simm.s32 @!p0 $0x100  }
0x5b: {  	[tilespmem:s8], [sflag:$0x3] =	stream.indirect.gather @!p0 [hbm4b:s4+s0], $0x80, s6, s0, $0xb8;
	[tilespmem:$0x1D880] =	vst v63  }
0x5c: {  	s18 =	simm.s32 $0x1C80;
	s6 =	simm.s32 $0x10;
	s8 =	simm.s32 $0x280  }
.LBB2_5:
.Ltmp3:
0x5d: {  	(pc) =	sbr.rel @p1 .LBB2_7-.Ltmp3, $1  }
0x5e: {  	_ =	sdelay $0x3  }
.LBB2_4:
0x5f: {  	s6 =	sadd.s32 $0xFFFFFFFF, s6;
	s8 =	sadd.s32 $0x180, s8;
	s18 =	sadd.s32 $0x180, s18  }
.LBB2_2:
0x60: {  	s9 =	simm.s32 @!p0 $0x1  }
0x61: {  	_ =	swait.ge @!p0 [sflag:s9], $0x2000  }
0x62: {  	[sflag:s9] =	ssyncset.done @!p0 $0x0  }
0x63: {  	s13 =	sadd.s32 $0xFFFFFF80, s18;
	[sflag:s9] =	ssyncadd.s32 @!p0 $0xFFFFE000  }
0x64: {  	[spmem:s2] =	stream.indirect.scatter.add.f32 [tilespmem:s21], [sflag:$0x4], $0x80, s13, s20, $0xb8;
	[tilespmem:$0x1D880] =	vst v63  }
0x65: {  	_ =	swait.ge [sflag:s22], $0x2000  }
0x66: {  	[sflag:s22] =	ssyncset.done $0x0  }
0x67: {  	s10 =	simm.s32 @p0 $0x5800;
	s9 =	simm.s32 @p0 $0x40;
	[sflag:s22] =	ssyncadd.s32 $0xFFFFE000  }
0x68: {  	[spmem:s2] =	stream.indirect.scatter.add.f32 @p0 [tilespmem:s10], [sflag:$0x5], $0x80, s18, s9, $0xb8;
	[tilespmem:$0x1D880] =	vst v63  }
0x69: {  	s9 =	sadd.s32 @!p0 $0xFFFFFF00, s8  }
0x6a: {  	[tilespmem:s1], [sflag:$0x1] =	stream.indirect.gather @!p0 [hbm4b:s4+s0], $0x80, s9, s0, $0xb8;
	[tilespmem:$0x1D880] =	vst v63  }
0x6b: {  	s9 =	simm.s32 @!p0 $0x2  }
0x6c: {  	_ =	swait.ge @!p0 [sflag:s9], $0x2000  }
0x6d: {  	[sflag:s9] =	ssyncset.done @!p0 $0x0  }
0x6e: {  	[sflag:s9] =	ssyncadd.s32 @!p0 $0xFFFFE000;
	s9 =	simm.s32 @!p0 $0x5  }
0x6f: {  	[spmem:s2] =	stream.indirect.scatter.add.f32 @!p0 [tilespmem:s5], [sflag:$0x5], $0x80, s18, s0, $0xb8;
	[tilespmem:$0x1D880] =	vst v63  }
0x70: {  	_ =	swait.ge @!p0 [sflag:s9], $0x2000  }
0x71: {  	[sflag:s9] =	ssyncset.done @!p0 $0x0  }
0x72: {  	[sflag:s9] =	ssyncadd.s32 @!p0 $0xFFFFE000;
	s9 =	sadd.s32 @!p0 $0xFFFFFF80, s8  }
0x73: {  	[tilespmem:s5], [sflag:$0x2] =	stream.indirect.gather @!p0 [hbm4b:s4+s0], $0x80, s9, s0, $0xb8;
	[tilespmem:$0x1D880] =	vst v63  }
0x74: {  	s9 =	simm.s32 @!p0 $0x3  }
0x75: {  	s9 =	simm.s32 @p0 $0x5  }
0x76: {  	_ =	swait.ge [sflag:s9], $0x2000  }
0x77: {  	[sflag:s9] =	ssyncset.done $0x0  }
.Ltmp4:
0x78: {  	s31 =	sadd.s32 $0x80, s18;
	[sflag:s9] =	ssyncadd.s32 $0xFFFFE000;
	(pc) =	sbr.rel @p0 .LBB2_5-.Ltmp4, $4  }
0x79: {  	[spmem:s2] =	stream.indirect.scatter.add.f32 [tilespmem:s23], [sflag:$0x6], $0x80, s31, s20, $0xb8;
	[tilespmem:$0x1D880] =	vst v63  }
0x7a: {  	_ =	swait.ge [sflag:s24], $0x2000  }
0x7b: {  	[sflag:s24] =	ssyncset.done $0x0  }
0x7c: {  	s30 =	sadd.s32 $0x1, s30;
	p1 =	seq.s32 s6, $0x0;
	[sflag:s24] =	ssyncadd.s32 $0xFFFFE000  }
.Ltmp5:
0x7d: {  	(pc) =	sbr.rel @!p1 .LBB2_4-.Ltmp5, $2  }
0x7e: {  	_ =	sdelay $0x2  }
0x7f: {  	[tilespmem:s23], [sflag:$0x3] =	stream.indirect.gather [hbm4b:s4+s20], $0x80, s8, s20, $0xb8;
	[tilespmem:$0x1D880] =	vst v63  }
0x80: {  	_ =	swait.ge [sflag:s25], $0x2000  }
0x81: {  	[sflag:s25] =	ssyncset.done $0x0  }
0x82: {  	[sflag:s25] =	ssyncadd.s32 $0xFFFFE000  }
.LBB2_7:
0x83: {  	[spmem:s2] =	stream.indirect.scatter.add.f32 [tilespmem:s21], [sflag:$0x4], $0x80, s26, s20, $0xb8;
	[tilespmem:$0x1D880] =	vst v63  }
0x84: {  	_ =	swait.ge [sflag:s22], $0x2000  }
0x85: {  	s30 =	simm.s32 @p0 $0x40;
	[sflag:s22] =	ssyncset.done $0x0  }
0x86: {  	s0 =	simm.s32 @p0 $0x3600;
	s31 =	simm.s32 @p0 $0x5800;
	[sflag:s22] =	ssyncadd.s32 $0xFFFFE000  }
0x87: {  	[spmem:s2] =	stream.indirect.scatter.add.f32 @p0 [tilespmem:s31], [sflag:$0x5], $0x80, s0, s30, $0xb8;
	[tilespmem:$0x1D880] =	vst v63  }
0x88: {  	s0 =	simm.s32 @!p0 $0x2  }
0x89: {  	_ =	swait.ge @!p0 [sflag:s0], $0x2000  }
0x8a: {  	s1 =	simm.s32 @!p0 $0x40;
	[sflag:s0] =	ssyncset.done @!p0 $0x0  }
0x8b: {  	s5 =	simm.s32 @!p0 $0x3600;
	s18 =	simm.s32 @!p0 $0x5800;
	[sflag:s0] =	ssyncadd.s32 @!p0 $0xFFFFE000  }
0x8c: {  	[spmem:s2] =	stream.indirect.scatter.add.f32 @!p0 [tilespmem:s18], [sflag:$0x5], $0x80, s5, s1, $0xb8;
	[tilespmem:$0x1D880] =	vst v63  }
0x8d: {  	s5 =	simm.s32 @!p0 $0x5  }
0x8e: {  	_ =	swait.ge @!p0 [sflag:s5], $0x2000  }
0x8f: {  	s6 =	simm.s32 @!p0 $0x3;
	[sflag:s5] =	ssyncset.done @!p0 $0x0  }
0x90: {  	s6 =	simm.s32 @p0 $0x5;
	[sflag:s5] =	ssyncadd.s32 @!p0 $0xFFFFE000  }
0x91: {  	_ =	swait.ge [sflag:s6], $0x2000  }
0x92: {  	[sflag:s6] =	ssyncset.done $0x0  }
0x93: {  	[sflag:s6] =	ssyncadd.s32 $0xFFFFE000  }
0x94: {  	[spmem:s2] =	stream.indirect.scatter.add.f32 [tilespmem:s23], [sflag:$0x6], $0x80, s28, s20, $0xb8;
	[tilespmem:$0x1D880] =	vst v63  }
0x95: {  	_ =	swait.ge [sflag:s24], $0x2000  }
0x96: {  	[sflag:s24] =	ssyncset.done $0x0  }
0x97: {  	s8 =	rddreg [dreg:$0x8];
	[sflag:s24] =	ssyncadd.s32 $0xFFFFE000  }
0x98: {  	[tilespmem:s3], [sflag:$0x7] =	stream.linear.gather [hbm4b:s8+s3], $0x1B00, $0x38;
	[tilespmem:$0x1D880] =	vst v63  }
0x99: {  	_ =	swait.ge [sflag:s17], $0x1B00  }
0x9a: {  	[sflag:s17] =	ssyncset.done $0x0  }
0x9b: {  	s13 =	rddreg [dreg:$0x9];
	[sflag:s17] =	ssyncadd.s32 $0xFFFFE500  }
0x9c: {  	[tilespmem:s19], [sflag:$0x7] =	stream.linear.gather [hbm4b:s13+s3], $0x1B00, $0x38;
	[tilespmem:$0x1D880] =	vst v63  }
0x9d: {  	_ =	swait.ge [sflag:s17], $0x1B00  }
0x9e: {  	[sflag:s17] =	ssyncset.done $0x0  }
0x9f: {  	s9 =	simm.s32 @!p0 $0x0;
	s8 =	simm.s32 @!p0 $0x3800;
	[sflag:s17] =	ssyncadd.s32 $0xFFFFE500  }
0xa0: {  	[tilespmem:s8], [sflag:$0x1] =	stream.indirect.gather @!p0 [hbm4b:s4+s1], $0x80, s9, s1, $0xb8;
	[tilespmem:$0x1D880] =	vst v63  }
.Ltmp6:
0xa1: {  	s9 =	simm.s32 @!p0 $0x80;
	(pc) =	sbr.rel .LBB2_8-.Ltmp6, $4  }
0xa2: {  	[tilespmem:s18], [sflag:$0x2] =	stream.indirect.gather @!p0 [hbm4b:s4+s1], $0x80, s9, s1, $0xb8;
	[tilespmem:$0x1D880] =	vst v63  }
0xa3: {  	s10 =	simm.s32 @!p0 $0x7800;
	s11 =	simm.s32 $0x280;
	s9 =	simm.s32 @!p0 $0x100  }
0xa4: {  	[tilespmem:s10], [sflag:$0x3] =	stream.indirect.gather @!p0 [hbm4b:s4+s1], $0x80, s9, s1, $0xb8;
	[tilespmem:$0x1D880] =	vst v63  }
0xa5: {  	s12 =	simm.s32 $0x1C80;
	s9 =	simm.s32 $0x0;
	s10 =	simm.s32 $0x10  }
.LBB2_11:
.Ltmp7:
0xa6: {  	(pc) =	sbr.rel @p1 .LBB2_13-.Ltmp7, $1  }
0xa7: {  	_ =	sdelay $0x3  }
.LBB2_10:
0xa8: {  	s10 =	sadd.s32 $0xFFFFFFFF, s10;
	s11 =	sadd.s32 $0x180, s11;
	s12 =	sadd.s32 $0x180, s12  }
.LBB2_8:
0xa9: {  	s13 =	simm.s32 @!p0 $0x1  }
0xaa: {  	_ =	swait.ge @!p0 [sflag:s13], $0x2000  }
0xab: {  	[sflag:s13] =	ssyncset.done @!p0 $0x0  }
0xac: {  	[sflag:s13] =	ssyncadd.s32 @!p0 $0xFFFFE000;
	s13 =	sadd.s32 $0xFFFFFF80, s12  }
0xad: {  	[spmem:s2] =	stream.indirect.scatter.add.f32 [tilespmem:s21], [sflag:$0x4], $0x80, s13, s20, $0xb8;
	[tilespmem:$0x1D880] =	vst v63  }
0xae: {  	_ =	swait.ge [sflag:s22], $0x2000  }
0xaf: {  	[sflag:s22] =	ssyncset.done $0x0  }
0xb0: {  	[sflag:s22] =	ssyncadd.s32 $0xFFFFE000  }
0xb1: {  	[spmem:s2] =	stream.indirect.scatter.add.f32 @p0 [tilespmem:s31], [sflag:$0x5], $0x80, s12, s30, $0xb8;
	[tilespmem:$0x1D880] =	vst v63  }
0xb2: {  	s13 =	sadd.s32 @!p0 $0xFFFFFF00, s11  }
0xb3: {  	[tilespmem:s8], [sflag:$0x1] =	stream.indirect.gather @!p0 [hbm4b:s4+s1], $0x80, s13, s1, $0xb8;
	[tilespmem:$0x1D880] =	vst v63  }
0xb4: {  	_ =	swait.ge @!p0 [sflag:s0], $0x2000  }
0xb5: {  	[sflag:s0] =	ssyncset.done @!p0 $0x0  }
0xb6: {  	[sflag:s0] =	ssyncadd.s32 @!p0 $0xFFFFE000  }
0xb7: {  	[spmem:s2] =	stream.indirect.scatter.add.f32 @!p0 [tilespmem:s18], [sflag:$0x5], $0x80, s12, s1, $0xb8;
	[tilespmem:$0x1D880] =	vst v63  }
0xb8: {  	_ =	swait.ge @!p0 [sflag:s5], $0x2000  }
0xb9: {  	[sflag:s5] =	ssyncset.done @!p0 $0x0  }
0xba: {  	s13 =	sadd.s32 @!p0 $0xFFFFFF80, s11;
	[sflag:s5] =	ssyncadd.s32 @!p0 $0xFFFFE000  }
0xbb: {  	[tilespmem:s18], [sflag:$0x2] =	stream.indirect.gather @!p0 [hbm4b:s4+s1], $0x80, s13, s1, $0xb8;
	[tilespmem:$0x1D880] =	vst v63  }
0xbc: {  	_ =	swait.ge [sflag:s6], $0x2000  }
0xbd: {  	[sflag:s6] =	ssyncset.done $0x0  }
.Ltmp8:
0xbe: {  	s13 =	sadd.s32 $0x80, s12;
	[sflag:s6] =	ssyncadd.s32 $0xFFFFE000;
	(pc) =	sbr.rel @p0 .LBB2_11-.Ltmp8, $4  }
0xbf: {  	[spmem:s2] =	stream.indirect.scatter.add.f32 [tilespmem:s23], [sflag:$0x6], $0x80, s13, s20, $0xb8;
	[tilespmem:$0x1D880] =	vst v63  }
0xc0: {  	_ =	swait.ge [sflag:s24], $0x2000  }
0xc1: {  	[sflag:s24] =	ssyncset.done $0x0  }
0xc2: {  	s9 =	sadd.s32 $0x1, s9;
	p1 =	seq.s32 s10, $0x0;
	[sflag:s24] =	ssyncadd.s32 $0xFFFFE000  }
.Ltmp9:
0xc3: {  	(pc) =	sbr.rel @!p1 .LBB2_10-.Ltmp9, $2  }
0xc4: {  	_ =	sdelay $0x2  }
0xc5: {  	[tilespmem:s23], [sflag:$0x3] =	stream.indirect.gather [hbm4b:s4+s20], $0x80, s11, s20, $0xb8;
	[tilespmem:$0x1D880] =	vst v63  }
0xc6: {  	_ =	swait.ge [sflag:s25], $0x2000  }
0xc7: {  	[sflag:s25] =	ssyncset.done $0x0  }
0xc8: {  	[sflag:s25] =	ssyncadd.s32 $0xFFFFE000  }
.LBB2_13:
0xc9: {  	[spmem:s2] =	stream.indirect.scatter.add.f32 [tilespmem:s21], [sflag:$0x4], $0x80, s26, s20, $0xb8;
	[tilespmem:$0x1D880] =	vst v63  }
0xca: {  	_ =	swait.ge [sflag:s22], $0x2000  }
0xcb: {  	s30 =	simm.s32 @p0 $0x40;
	[sflag:s22] =	ssyncset.done $0x0  }
0xcc: {  	s0 =	simm.s32 @p0 $0x3600;
	s31 =	simm.s32 @p0 $0x5800;
	[sflag:s22] =	ssyncadd.s32 $0xFFFFE000  }
0xcd: {  	[spmem:s2] =	stream.indirect.scatter.add.f32 @p0 [tilespmem:s31], [sflag:$0x5], $0x80, s0, s30, $0xb8;
	[tilespmem:$0x1D880] =	vst v63  }
0xce: {  	s0 =	simm.s32 @!p0 $0x2  }
0xcf: {  	_ =	swait.ge @!p0 [sflag:s0], $0x2000  }
0xd0: {  	s1 =	simm.s32 @!p0 $0x40;
	[sflag:s0] =	ssyncset.done @!p0 $0x0  }
0xd1: {  	s5 =	simm.s32 @!p0 $0x3600;
	s18 =	simm.s32 @!p0 $0x5800;
	[sflag:s0] =	ssyncadd.s32 @!p0 $0xFFFFE000  }
0xd2: {  	[spmem:s2] =	stream.indirect.scatter.add.f32 @!p0 [tilespmem:s18], [sflag:$0x5], $0x80, s5, s1, $0xb8;
	[tilespmem:$0x1D880] =	vst v63  }
0xd3: {  	s5 =	simm.s32 @!p0 $0x5  }
0xd4: {  	_ =	swait.ge @!p0 [sflag:s5], $0x2000  }
0xd5: {  	s6 =	simm.s32 @!p0 $0x3;
	[sflag:s5] =	ssyncset.done @!p0 $0x0  }
0xd6: {  	s6 =	simm.s32 @p0 $0x5;
	[sflag:s5] =	ssyncadd.s32 @!p0 $0xFFFFE000  }
0xd7: {  	_ =	swait.ge [sflag:s6], $0x2000  }
0xd8: {  	[sflag:s6] =	ssyncset.done $0x0  }
0xd9: {  	[sflag:s6] =	ssyncadd.s32 $0xFFFFE000  }
0xda: {  	[spmem:s2] =	stream.indirect.scatter.add.f32 [tilespmem:s23], [sflag:$0x6], $0x80, s28, s20, $0xb8;
	[tilespmem:$0x1D880] =	vst v63  }
0xdb: {  	_ =	swait.ge [sflag:s24], $0x2000  }
0xdc: {  	[sflag:s24] =	ssyncset.done $0x0  }
0xdd: {  	s8 =	rddreg [dreg:$0xa];
	[sflag:s24] =	ssyncadd.s32 $0xFFFFE000  }
0xde: {  	[tilespmem:s3], [sflag:$0x7] =	stream.linear.gather [hbm4b:s8+s3], $0x1B00, $0x38;
	[tilespmem:$0x1D880] =	vst v63  }
0xdf: {  	_ =	swait.ge [sflag:s17], $0x1B00  }
0xe0: {  	[sflag:s17] =	ssyncset.done $0x0  }
0xe1: {  	s13 =	rddreg [dreg:$0xb];
	[sflag:s17] =	ssyncadd.s32 $0xFFFFE500  }
0xe2: {  	[tilespmem:s19], [sflag:$0x7] =	stream.linear.gather [hbm4b:s13+s3], $0x1B00, $0x38;
	[tilespmem:$0x1D880] =	vst v63  }
0xe3: {  	_ =	swait.ge [sflag:s17], $0x1B00  }
0xe4: {  	[sflag:s17] =	ssyncset.done $0x0  }
0xe5: {  	s9 =	simm.s32 @!p0 $0x0;
	s8 =	simm.s32 @!p0 $0x3800;
	[sflag:s17] =	ssyncadd.s32 $0xFFFFE500  }
0xe6: {  	[tilespmem:s8], [sflag:$0x1] =	stream.indirect.gather @!p0 [hbm4b:s4+s1], $0x80, s9, s1, $0xb8;
	[tilespmem:$0x1D880] =	vst v63  }
.Ltmp10:
0xe7: {  	s9 =	simm.s32 @!p0 $0x80;
	(pc) =	sbr.rel .LBB2_14-.Ltmp10, $4  }
0xe8: {  	[tilespmem:s18], [sflag:$0x2] =	stream.indirect.gather @!p0 [hbm4b:s4+s1], $0x80, s9, s1, $0xb8;
	[tilespmem:$0x1D880] =	vst v63  }
0xe9: {  	s10 =	simm.s32 @!p0 $0x7800;
	s11 =	simm.s32 $0x280;
	s9 =	simm.s32 @!p0 $0x100  }
0xea: {  	[tilespmem:s10], [sflag:$0x3] =	stream.indirect.gather @!p0 [hbm4b:s4+s1], $0x80, s9, s1, $0xb8;
	[tilespmem:$0x1D880] =	vst v63  }
0xeb: {  	s12 =	simm.s32 $0x1C80;
	s9 =	simm.s32 $0x0;
	s10 =	simm.s32 $0x10  }
.LBB2_17:
.Ltmp11:
0xec: {  	(pc) =	sbr.rel @p1 .LBB2_19-.Ltmp11, $1  }
0xed: {  	_ =	sdelay $0x3  }
.LBB2_16:
0xee: {  	s10 =	sadd.s32 $0xFFFFFFFF, s10;
	s11 =	sadd.s32 $0x180, s11;
	s12 =	sadd.s32 $0x180, s12  }
.LBB2_14:
0xef: {  	s13 =	simm.s32 @!p0 $0x1  }
0xf0: {  	_ =	swait.ge @!p0 [sflag:s13], $0x2000  }
0xf1: {  	[sflag:s13] =	ssyncset.done @!p0 $0x0  }
0xf2: {  	[sflag:s13] =	ssyncadd.s32 @!p0 $0xFFFFE000;
	s13 =	sadd.s32 $0xFFFFFF80, s12  }
0xf3: {  	[spmem:s2] =	stream.indirect.scatter.add.f32 [tilespmem:s21], [sflag:$0x4], $0x80, s13, s20, $0xb8;
	[tilespmem:$0x1D880] =	vst v63  }
0xf4: {  	_ =	swait.ge [sflag:s22], $0x2000  }
0xf5: {  	[sflag:s22] =	ssyncset.done $0x0  }
0xf6: {  	[sflag:s22] =	ssyncadd.s32 $0xFFFFE000  }
0xf7: {  	[spmem:s2] =	stream.indirect.scatter.add.f32 @p0 [tilespmem:s31], [sflag:$0x5], $0x80, s12, s30, $0xb8;
	[tilespmem:$0x1D880] =	vst v63  }
0xf8: {  	s13 =	sadd.s32 @!p0 $0xFFFFFF00, s11  }
0xf9: {  	[tilespmem:s8], [sflag:$0x1] =	stream.indirect.gather @!p0 [hbm4b:s4+s1], $0x80, s13, s1, $0xb8;
	[tilespmem:$0x1D880] =	vst v63  }
0xfa: {  	_ =	swait.ge @!p0 [sflag:s0], $0x2000  }
0xfb: {  	[sflag:s0] =	ssyncset.done @!p0 $0x0  }
0xfc: {  	[sflag:s0] =	ssyncadd.s32 @!p0 $0xFFFFE000  }
0xfd: {  	[spmem:s2] =	stream.indirect.scatter.add.f32 @!p0 [tilespmem:s18], [sflag:$0x5], $0x80, s12, s1, $0xb8;
	[tilespmem:$0x1D880] =	vst v63  }
0xfe: {  	_ =	swait.ge @!p0 [sflag:s5], $0x2000  }
0xff: {  	[sflag:s5] =	ssyncset.done @!p0 $0x0  }
0x100: {  	s13 =	sadd.s32 @!p0 $0xFFFFFF80, s11;
	[sflag:s5] =	ssyncadd.s32 @!p0 $0xFFFFE000  }
0x101: {  	[tilespmem:s18], [sflag:$0x2] =	stream.indirect.gather @!p0 [hbm4b:s4+s1], $0x80, s13, s1, $0xb8;
	[tilespmem:$0x1D880] =	vst v63  }
0x102: {  	_ =	swait.ge [sflag:s6], $0x2000  }
0x103: {  	[sflag:s6] =	ssyncset.done $0x0  }
.Ltmp12:
0x104: {  	s13 =	sadd.s32 $0x80, s12;
	[sflag:s6] =	ssyncadd.s32 $0xFFFFE000;
	(pc) =	sbr.rel @p0 .LBB2_17-.Ltmp12, $4  }
0x105: {  	[spmem:s2] =	stream.indirect.scatter.add.f32 [tilespmem:s23], [sflag:$0x6], $0x80, s13, s20, $0xb8;
	[tilespmem:$0x1D880] =	vst v63  }
0x106: {  	_ =	swait.ge [sflag:s24], $0x2000  }
0x107: {  	[sflag:s24] =	ssyncset.done $0x0  }
0x108: {  	s9 =	sadd.s32 $0x1, s9;
	p1 =	seq.s32 s10, $0x0;
	[sflag:s24] =	ssyncadd.s32 $0xFFFFE000  }
.Ltmp13:
0x109: {  	(pc) =	sbr.rel @!p1 .LBB2_16-.Ltmp13, $2  }
0x10a: {  	_ =	sdelay $0x2  }
0x10b: {  	[tilespmem:s23], [sflag:$0x3] =	stream.indirect.gather [hbm4b:s4+s20], $0x80, s11, s20, $0xb8;
	[tilespmem:$0x1D880] =	vst v63  }
.Ltmp14:
0x10c: {  	(pc) =	sbr.rel .LBB2_19-.Ltmp14, $4  }
0x10d: {  	_ = 	snop  }
0x10e: {  	_ =	swait.ge [sflag:s25], $0x2000  }
0x10f: {  	[sflag:s25] =	ssyncset.done $0x0  }
0x110: {  	[sflag:s25] =	ssyncadd.s32 $0xFFFFE000  }
.LBB2_20:
0x111: {  	_ =	sfence.sel $0x180000  }
0x112: {  	[bflag:$0x0] =	sbarrier.arrive $0xFFFF  }
0x113: {  	_ =	strace $0x9000004A  }
0x114: {  	s0 =	stileid.u32;
	[bflag:$0x2] =	sbarrier.arrive $0xFFFF  }
0x115: {  	p0 =	sne.s32 s0, $0x0;
	s0 =	rddreg [dreg:$0x3]  }
0x116: {  	s0 =	sadd.s32 @!p0 $0x100000, s0  }
0x117: {  	[sflag:s0] =	ssyncadd.tile.s32 @!p0 $0x1;
	_ =	shalt  }
.Lfunc_end2:
_tile_overlayer_lowered:
.L_overlay_start_2:
0x118: {  	(tag) =	ssettag $0x2  }
0x119: {  	s0 =	rddreg [dreg:$0x0];
	s2 =	stileid.u32  }
0x11a: {  	s1 =	rddreg [dreg:$0x1];
	p0 =	sne.s32 s2, $0x0  }
0x11b: {  	s3 =	rddreg [dreg:$0x2];
	[bflag:$0x3] =	sbarrier.arrive $0xFFFF;
	s2 =	simm.s32 @!p0 $0x1C07  }
0x11c: {  	[timem:s3], [sflag:s2] =	dma.local @!p0 [hbm:s0], s1  }
0x11d: {  	s0 =	simm.s32 @!p0 $0x7  }
0x11e: {  	_ =	swait.ge @!p0 [sflag:s0], s1  }
0x11f: {  	s1 =	ssub.s32 @!p0 $0x0, s1;
	[sflag:s0] =	ssyncset.done @!p0 $0x0  }
0x120: {  	[sflag:s0] =	ssyncadd.s32 @!p0 s1  }
0x121: {  	[bflag:$0x3] =	sbarrier.arrive $0xFFFF  }
0x122: {  	_ =	shalt  }

// kernel: kernel.14.cloned.1.call-start
scs
__scs_entry_jumppad:
0x0: {  	(pc) =	sbr.rel $0x88, $3  }
0x1: {  	(tag) =	ssettag $0x0;
	lr =	simm.s32 $0x1  }
0x2: {  	[smem:$0x3F9B] =	sst lr;
	_ =	strace $0xD0000000  }
0x3: {  	_ = 	snop  }
0x4: {  	_ = 	snop  }
0x5: {  	_ = 	snop  }
0x6: {  	_ = 	snop  }
0x7: {  	_ = 	snop  }
__scs_overlays_trampoline_lowered:
0x8: {  	[smem:$0x3FAA] =	sst s0  }
0x9: {  	[smem:$0x3FAB] =	sst s1  }
0xa: {  	[smem:$0x3FAC] =	sst s2  }
0xb: {  	[smem:$0x3FAD] =	sst s3  }
0xc: {  	[smem:$0x3FAE] =	sst s4  }
0xd: {  	[smem:$0x3FAF] =	sst s5  }
0xe: {  	[smem:$0x3FB0] =	sst s6  }
0xf: {  	[smem:$0x3FB1] =	sst s7  }
0x10: {  	[smem:$0x3FB2] =	sst s8  }
0x11: {  	[smem:$0x3FB3] =	sst s9;
	s0 =	simm.s32 @!p0 $0x0  }
0x12: {  	s1 =	sld [smem:$0x3F99];
	s0 =	simm.s32 @p0 $0x1  }
0x13: {  	[smem:$0x3FB4] =	sst s0;
	s0 =	simm.s32 @!p1 $0x0  }
0x14: {  	s2 =	sld [smem:$0x3F98];
	s0 =	simm.s32 @p1 $0x1  }
0x15: {  	[smem:$0x3FB5] =	sst s0;
	s0 =	simm.s32 @!p2 $0x0  }
0x16: {  	s3 =	sld [smem:$0x3FDB];
	s0 =	simm.s32 @p2 $0x1  }
0x17: {  	s4 =	simm.s32 $0x1BF5;
	[smem:$0x3FB7] =	sst s0  }
0x18: {  	s0 =	sld [smem:$0x3F9A];
	_ =	swait.ge [sflag:s4], $0x0  }
0x19: {  	s7 =	sld [smem:$0x3F9B]  }
0x1a: {  	s8 =	sadd.s32 $0xFFFFE003, lr  }
0x1b: {  	s9 =	sadd.s32 $0xFFFFFEF7, lr;
	s5 =	simm.s32 $0xFFFFFFFF;
	p2 =	slt.u32 s8, $0xFFFFF086  }
0x1c: {  	p1 =	slt.u32 s9, $0xF7A;
	s5 =	simm.s32 @!p2 $0x0  }
0x1d: {  	s5 =	simm.s32 @p1 $0x1;
	p0 =	seq.s32 s7, s2  }
0x1e: {  	s7 =	smul.u32 @!p0 $0xF7A, s2;
	p2 =	seq.s32 @!p0 s5, $0x0  }
0x1f: {  	s9 =	smul.u32 $0xF7A, s1;
	s8 =	simm.s32 @!p0 $0x1BF5;
	p2 =	por !p2, p0  }
0x20: {  	[sflag:s8] =	ssyncset.s32 @!p0 $0xFFFFF086;
	s6 =	sadd.s32 @!p0 s3, s7;
	s7 =	simm.s32 @!p0 $0x108  }
0x21: {  	s3 =	sadd.s32 s3, s9;
	s6 =	sadd.s32 @!p0 $0x88, s6;
	s7 =	simm.s32 @p2 $0x1082  }
0x22: {  	[simem:s7], [sflag:s8] =	dma.local @!p0 [hbm:s6], $0xF7A  }
0x23: {  	s9 =	sor.u32 $0xD0000000, s2;
	s6 =	simm.s32 $0x108;
	_ =	swait.ge @!p0 [sflag:s8], $0x0  }
0x24: {  	s3 =	sadd.s32 $0x88, s3;
	s6 =	simm.s32 @!p1 $0x1082;
	[sflag:s4] =	ssyncset.s32 $0xFFFFF086  }
0x25: {  	[simem:s6], [sflag:s4] =	dma.local [hbm:s3], $0xF7A  }
0x26: {  	[smem:$0x3F9B] =	sst s1;
	(tag) =	ssettag s2;
	_ =	strace s9  }
0x27: {  	s1 =	sld [smem:$0x3FAB]  }
0x28: {  	s2 =	sld [smem:$0x3FAC]  }
0x29: {  	s4 =	sld [smem:$0x3FAE]  }
0x2a: {  	p0 =	seq.s32 s5, $0x0;
	s5 =	sld [smem:$0x3FAF]  }
0x2b: {  	s6 =	sld [smem:$0x3FB0]  }
0x2c: {  	s7 =	sld [smem:$0x3FB1]  }
0x2d: {  	s3 =	simm.s32 $0x108;
	s8 =	sld [smem:$0x3FB2]  }
0x2e: {  	s3 =	simm.s32 @!p0 $0x1082;
	s9 =	sld [smem:$0x3FB3]  }
0x2f: {  	lr =	sadd.s32 s0, s3;
	s0 =	sld [smem:$0x3FAA]  }
0x30: {  	s3 =	sld [smem:$0x3FAD]  }
0x31: {  	[smem:$0x3FB6] =	sst s10  }
0x32: {  	s10 =	sld [smem:$0x3FB4];
	_ =	sdelay $0x3  }
0x33: {  	p0 =	seq.s32 s10, $0x1;
	s10 =	sld [smem:$0x3FB6];
	_ =	sdelay $0x3  }
0x34: {  	[smem:$0x3FB6] =	sst s10  }
0x35: {  	s10 =	sld [smem:$0x3FB5];
	_ =	sdelay $0x3  }
0x36: {  	p1 =	seq.s32 s10, $0x1;
	s10 =	sld [smem:$0x3FB6];
	_ =	sdelay $0x3  }
0x37: {  	[smem:$0x3FB6] =	sst s10  }
0x38: {  	s10 =	sld [smem:$0x3FB7]  }
0x39: {  	_ = 	snop;
	(pc) =	sbr.ind lr, $3  }
0x3a: {  	_ = 	snop  }
0x3b: {  	_ = 	snop  }
0x3c: {  	p2 =	seq.s32 s10, $0x1;
	s10 =	sld [smem:$0x3FB6]  }
0x3d: {  	_ =	shalt  }
0x3e: {  	_ =	shalt  }
0x3f: {  	_ =	shalt  }
0x40: {  	_ =	shalt  }
0x41: {  	_ =	shalt  }
0x42: {  	_ =	shalt  }
0x43: {  	_ =	shalt  }
0x44: {  	_ =	shalt  }
0x45: {  	_ =	shalt  }
0x46: {  	_ =	shalt  }
0x47: {  	_ =	shalt  }
0x48: {  	_ =	shalt  }
0x49: {  	_ =	shalt  }
0x4a: {  	_ =	shalt  }
0x4b: {  	_ =	shalt  }
0x4c: {  	_ =	shalt  }
0x4d: {  	_ =	shalt  }
0x4e: {  	_ =	shalt  }
0x4f: {  	_ =	shalt  }
0x50: {  	_ =	shalt  }
0x51: {  	_ =	shalt  }
0x52: {  	_ =	shalt  }
0x53: {  	_ =	shalt  }
0x54: {  	_ =	shalt  }
0x55: {  	_ =	shalt  }
0x56: {  	_ =	shalt  }
0x57: {  	_ =	shalt  }
0x58: {  	_ =	shalt  }
0x59: {  	_ =	shalt  }
0x5a: {  	_ =	shalt  }
0x5b: {  	_ =	shalt  }
0x5c: {  	_ =	shalt  }
0x5d: {  	_ =	shalt  }
0x5e: {  	_ =	shalt  }
0x5f: {  	_ =	shalt  }
0x60: {  	_ =	shalt  }
0x61: {  	_ =	shalt  }
0x62: {  	_ =	shalt  }
0x63: {  	_ =	shalt  }
0x64: {  	_ =	shalt  }
0x65: {  	_ =	shalt  }
0x66: {  	_ =	shalt  }
0x67: {  	_ =	shalt  }
0x68: {  	_ =	shalt  }
0x69: {  	_ =	shalt  }
0x6a: {  	_ =	shalt  }
0x6b: {  	_ =	shalt  }
0x6c: {  	_ =	shalt  }
0x6d: {  	_ =	shalt  }
0x6e: {  	_ =	shalt  }
0x6f: {  	_ =	shalt  }
0x70: {  	_ =	shalt  }
0x71: {  	_ =	shalt  }
0x72: {  	_ =	shalt  }
0x73: {  	_ =	shalt  }
0x74: {  	_ =	shalt  }
0x75: {  	_ =	shalt  }
0x76: {  	_ =	shalt  }
0x77: {  	_ =	shalt  }
0x78: {  	_ =	shalt  }
0x79: {  	_ =	shalt  }
0x7a: {  	_ =	shalt  }
0x7b: {  	_ =	shalt  }
0x7c: {  	_ =	shalt  }
0x7d: {  	_ =	shalt  }
0x7e: {  	_ =	shalt  }
0x7f: {  	_ =	shalt  }
0x80: {  	_ =	shalt  }
0x81: {  	_ =	shalt  }
0x82: {  	_ =	shalt  }
0x83: {  	_ =	shalt  }
0x84: {  	_ =	shalt  }
0x85: {  	_ =	shalt  }
0x86: {  	_ =	shalt  }
0x87: {  	_ =	shalt  }
.Lfunc_end0:
.L_simem_size_0:
called_computation.2_lowered:
.L_overlay_start_0:
0x88: {  	s2 =	sld [smem:$0x3FD9]  }
0x89: {  	s3 =	sld [smem:$0x3FFE];
	_ =	sdelay $0x1  }
0x8a: {  	s1 =	srdreg.scid  }
0x8b: {  	s0 =	sand.u32 $0x1, s1  }
0x8c: {  	s14 =	sshll.u32 s0, $0xA;
	s2 =	sadd.s32 s3, s2  }
0x8d: {  	s2 =	sadd.s32 s2, s14  }
0x8e: {  	[smem:$0x3FC2] =	sst s2  }
0x8f: {  	_ = 	snop  }
0x90: {  	s2 =	sld [smem:$0x3FD0];
	_ =	sdelay $0x2  }
0x91: {  	s15 =	simm.s32 $0xA;
	s4 =	simm.s32 $0x10  }
0x92: {  	[smem:s4], [sflag:s15] =	dma.local [hbm:s2], $0x1  }
0x93: {  	_ =	swait.eq [sflag:s15], $0x1  }
0x94: {  	[sflag:s15] =	ssyncset.done $0x0  }
0x95: {  	[sflag:s15] =	ssyncadd.s32 $0xFFFFFFFF  }
0x96: {  	s16 =	sld [smem:$0x11];
	(tm) =	ssettm $0x1  }
0x97: {  	s17 =	sld [smem:$0x3FFB];
	_ =	sdelay $0x3  }
0x98: {  	_ =	strace s17  }
0x99: {  	s3 =	sld [smem:$0x3FFC];
	_ =	sdelay $0x3  }
0x9a: {  	_ =	strace s3  }
0x9b: {  	s3 =	sld [smem:$0x3FFD];
	_ =	sdelay $0x3  }
0x9c: {  	_ =	strace s3  }
0x9d: {  	_ =	strace $0x8FFFFFFF  }
0x9e: {  	s18 =	sld [smem:$0x3FDB];
	_ =	sdelay $0x1  }
0x9f: {  	s19 =	simm.s32 $_scs_section_size  }
0xa0: {  	s5 =	simm.s32 $_size__tile_overlayer_lowered;
	s6 =	simm.s32 $_tile_overlayer_lowered  }
0xa1: {  	s22 =	simm.s32 $0x1BFF;
	s21 =	sshll.u32 s6, $0x1;
	s3 =	sadd.s32 s19, s18  }
0xa2: {  	s7 =	simm.s32 $0x0;
	s20 =	sshll.u32 s5, $0x1;
	s5 =	sadd.s32 s21, s3  }
0xa3: {  	[timem:s7], [sflag:s22] =	dma.local [hbm:s5], s20  }
0xa4: {  	_ =	swait.ge [sflag:s22], s20  }
0xa5: {  	s4 =	ssub.s32 $0x0, s20;
	[sflag:s22] =	ssyncset.done $0x0  }
0xa6: {  	[sflag:s22] =	ssyncadd.s32 s4;
	_ =	sdelay $0x1  }
0xa7: {  	s23 =	simm.s32 $0x1B8B  }
0xa8: {  	_ =	swait.ge [sflag:s23], $0x1  }
0xa9: {  	[sflag:s23] =	ssyncset.done $0x0  }
0xaa: {  	s25 =	simm.s32 $0x1B8E;
	s24 =	sld [smem:$0x3FFE];
	[sflag:s23] =	ssyncadd.s32 $0xFFFFFFFF  }
0xab: {  	s26 =	simm.s32 $execute0_lowered;
	[smem:$0x3FD2] =	sst s25  }
0xac: {  	s5 =	sshll.u32 s26, $0x1;
	_ =	strace $0x8000004C;
	[dreg:$0x1] =	wrdreg $0xFFFFFFFF  }
0xad: {  	s28 =	simm.s32 $_size_execute0_lowered;
	s3 =	sadd.s32 s3, s5;
	[dreg:$0x0] =	wrdreg $0x0  }
0xae: {  	s5 =	sshll.u32 s28, $0x1;
	[dreg:$0x2] =	wrdreg s3  }
0xaf: {  	[dreg:$0x3] =	wrdreg s5  }
0xb0: {  	[dreg:$0x4] =	wrdreg $0xC0  }
0xb1: {  	_ =	task [dreg:s7], $0x5FFFF  }
0xb2: {  	[dreg:$0x1] =	wrdreg $0xFFFFFFFF  }
0xb3: {  	[dreg:$0x0] =	wrdreg $0x60  }
0xb4: {  	[dreg:$0x2] =	wrdreg s16  }
0xb5: {  	[dreg:$0x3] =	wrdreg s24  }
0xb6: {  	[dreg:$0x4] =	wrdreg $0x98800  }
0xb7: {  	[dreg:$0x5] =	wrdreg $0x9  }
0xb8: {  	_ =	task.clear_ibuf [dreg:s7], $0x6FFFF;
	_ =	strace $0x9000004C  }
0xb9: {  	s29 =	simm.s32 $0x9;
	_ =	strace $0x8000004E  }
0xba: {  	_ =	swait.ge [sflag:s29], $0x1  }
0xbb: {  	[sflag:s29] =	ssyncadd.s32 $0xFFFFFFFF  }
0xbc: {  	_ =	strace $0x9000004E  }
0xbd: {  	_ =	sfence  }
0xbe: {  	s30 =	sld [smem:$0x0];
	_ =	sdelay $0x2  }
0xbf: {  	s31 =	sshll.u32 s1, $0xD;
	s1 =	sshrl.u32 s1, $0x2  }
0xc0: {  	s3 =	sand.u32 $0x4000, s31;
	s1 =	sadd.s32 s1, s30  }
0xc1: {  	s0 =	sor.u32 s3, s0;
	s1 =	sshll.u32 s1, $0x11  }
0xc2: {  	s0 =	sor.u32 s1, s0  }
0xc3: {  	s0 =	sadd.s32 $0x8F2B, s0  }
0xc4: {  	[sflag:s0] =	ssyncadd.remote.s32 $0x1  }
0xc5: {  	_ =	sfence.sel $0xFFFF  }
0xc6: {  	[dreg:$0x0] =	wrdreg $0xFFFFFFFF;
	(pc) =	sbr.abs _section_cstart, $3  }
0xc7: {  	[dreg:$0x1] =	wrdreg $0xFFFFFFFF  }
0xc8: {  	_ =	task.clear_ibuf [dreg:s7], $0x2FFFF;
	_ =	strace $0x9FFFFFFF  }
0xc9: {  	(tm) =	ssettm $0x7FFFFFFF  }
tec
execute0_lowered:
.L_overlay_start_1:
0x0: {  	(tag) =	ssettag $0x1  }
0x1: {  	s0 =	rddreg [dreg:$0x0]  }
0x2: {  	s1 =	rddreg [dreg:$0x1]  }
0x3: {  	s2 =	rddreg [dreg:$0x2];
	s3 =	simm.s32 $0x0  }
0x4: {  	s12 =	stileid.u32;
	s4 =	srdreg.scid;
	s28 =	simm.s32 $0x3680  }
0x5: {  	s29 =	simm.s32 $0x0;
	[smem:$0x7FF] =	sst s3;
	s5 =	smul.u32 $0x14000, s12  }
0x6: {  	s6 =	sand.u32 $0x1, s4;
	s8 =	sadd.s32 $0x2C00, s1;
	s4 =	sadd.s32 $0x8FC00, s1  }
0x7: {  	s10 =	sadd.s32 $0xB7C00, s1;
	s16 =	smul.u32 $0x50000, s12;
	s21 =	sshll.u32 s12, $0x6  }
0x8: {  	_ =	strace $0x8000004D;
	s7 =	smul.u32 $0x140000, s6;
	[dreg:$0x4] =	wrdreg s10  }
0x9: {  	s15 =	sshll.u32 s6, $0x4;
	s17 =	ssub.s32 $0x2, s6;
	s9 =	sshrl.u32 s5, $0x3  }
0xa: {  	s18 =	sor.u32 s12, s15;
	s19 =	sshrl.u32 s17, $0x1;
	s10 =	sshrl.u32 s16, $0x2  }
0xb: {  	s9 =	sadd.s32 s9, s1;
	s5 =	sadd.s32 s5, s7;
	s11 =	smul.u32 $0x5400, s18  }
0xc: {  	s10 =	sadd.s32 s10, s2;
	s6 =	smul.u32 $0xA80, s18;
	s7 =	sor.u32 $0x1C07, s21  }
0xd: {  	s21 =	simm.s32 $0x3800;
	s5 =	sshrl.u32 s5, $0x3;
	s20 =	sadd.s32 $0x17C00, s9  }
0xe: {  	s16 =	sshrl.u32 s10, $0x3;
	s1 =	sadd.s32 s5, s1;
	s5 =	ssub.s32 s17, s19  }
0xf: {  	[dreg:$0x5] =	wrdreg s20;
	s22 =	sshrl.u32 s11, $0x3;
	s23 =	sadd.s32 s0, s6  }
0x10: {  	s6 =	sadd.s32 s8, s6;
	s17 =	simm.s32 $0x7;
	s19 =	simm.s32 $0x1C00  }
0x11: {  	s20 =	simm.s32 $0x40;
	[dreg:$0x6] =	wrdreg s23;
	s24 =	sadd.s32 $0x380, s22  }
0x12: {  	[dreg:$0x7] =	wrdreg s6;
	s26 =	sadd.s32 $0x700, s22;
	s14 =	sadd.s32 $0xB7E00, s1  }
.Ltmp0:
0x13: {  	s15 =	smax.u32 s5, $0x1;
	s25 =	sadd.s32 s0, s24;
	(pc) =	sbr.rel .LBB2_1-.Ltmp0, $4  }
0x14: {  	s22 =	simm.s32 $0x4;
	s30 =	sadd.s32 s8, s24;
	[dreg:$0x8] =	wrdreg s25  }
0x15: {  	s23 =	simm.s32 $0x7800;
	s0 =	sadd.s32 s0, s26;
	[dreg:$0x9] =	wrdreg s30  }
0x16: {  	s31 =	sadd.s32 s8, s26;
	s24 =	simm.s32 $0x6;
	[dreg:$0xa] =	wrdreg s0  }
0x17: {  	s26 =	simm.s32 $0x3580;
	[dreg:$0xb] =	wrdreg s31;
	s25 =	simm.s32 $0x1  }
.LBB2_19:
0x18: {  	[spmem:s2] =	stream.indirect.scatter.add.f32 [tilespmem:s21], [sflag:$0x4], $0x80, s26, s20, $0xb8;
	[tilespmem:$0x1D880] =	vst v63  }
0x19: {  	_ =	swait.ge [sflag:s22], $0x2000  }
0x1a: {  	s0 =	simm.s32 @p0 $0x40;
	[sflag:s22] =	ssyncset.done $0x0  }
0x1b: {  	s1 =	simm.s32 @p0 $0x3600;
	s5 =	simm.s32 @p0 $0x5800;
	[sflag:s22] =	ssyncadd.s32 $0xFFFFE000  }
0x1c: {  	[spmem:s2] =	stream.indirect.scatter.add.f32 @p0 [tilespmem:s5], [sflag:$0x5], $0x80, s1, s0, $0xb8;
	[tilespmem:$0x1D880] =	vst v63  }
0x1d: {  	s0 =	simm.s32 @!p0 $0x2  }
0x1e: {  	_ =	swait.ge @!p0 [sflag:s0], $0x2000  }
0x1f: {  	s1 =	simm.s32 @!p0 $0x3600;
	[sflag:s0] =	ssyncset.done @!p0 $0x0  }
0x20: {  	s5 =	simm.s32 @!p0 $0x5800;
	[sflag:s0] =	ssyncadd.s32 @!p0 $0xFFFFE000;
	s0 =	simm.s32 @!p0 $0x40  }
0x21: {  	[spmem:s2] =	stream.indirect.scatter.add.f32 @!p0 [tilespmem:s5], [sflag:$0x5], $0x80, s1, s0, $0xb8;
	[tilespmem:$0x1D880] =	vst v63  }
0x22: {  	s0 =	simm.s32 @!p0 $0x5  }
0x23: {  	_ =	swait.ge @!p0 [sflag:s0], $0x2000  }
0x24: {  	s1 =	simm.s32 @!p0 $0x3;
	[sflag:s0] =	ssyncset.done @!p0 $0x0  }
0x25: {  	s1 =	simm.s32 @p0 $0x5;
	[sflag:s0] =	ssyncadd.s32 @!p0 $0xFFFFE000  }
0x26: {  	_ =	swait.ge [sflag:s1], $0x2000  }
0x27: {  	[sflag:s1] =	ssyncset.done $0x0  }
0x28: {  	[sflag:s1] =	ssyncadd.s32 $0xFFFFE000  }
0x29: {  	[spmem:s2] =	stream.indirect.scatter.add.f32 [tilespmem:s23], [sflag:$0x6], $0x80, s28, s20, $0xb8;
	[tilespmem:$0x1D880] =	vst v63  }
0x2a: {  	_ =	swait.ge [sflag:s24], $0x2000  }
0x2b: {  	s29 =	sadd.s32 $0x1, s29;
	[sflag:s24] =	ssyncset.done $0x0  }
0x2c: {  	p0 =	sne.s32 s29, s15;
	[sflag:s24] =	ssyncadd.s32 $0xFFFFE000  }
.Ltmp1:
0x2d: {  	[bflag:$0x0] =	sbarrier.arrive $0xFFFF;
	(pc) =	sbr.rel @!p0 .LBB2_20-.Ltmp1, $4  }
0x2e: {  	[hbm:s14], [sflag:s7] =	dma.local [spmem:s16], $0x2800  }
0x2f: {  	_ =	swait.ge [sflag:s17], $0x2800  }
0x30: {  	[sflag:s17] =	ssyncset.done $0x0  }
0x31: {  	[sflag:s17] =	ssyncadd.s32 $0xFFFFD800  }
.LBB2_1:
0x32: {  	s0 =	rddreg [dreg:$0x5]  }
0x33: {  	[spmem:s16], [sflag:s7] =	dma.local [hbm:s0], $0x2800  }
0x34: {  	_ =	swait.ge [sflag:s17], $0x2800  }
0x35: {  	[sflag:s17] =	ssyncset.done $0x0  }
0x36: {  	s1 =	simm.s32 $0x9800;
	s12 =	rddreg [dreg:$0x4];
	[sflag:s17] =	ssyncadd.s32 $0xFFFFD800  }
0x37: {  	[tilespmem:s1], [sflag:$0x7] =	stream.linear.gather [hbm4b:s12+s3], $0x80, $0x38;
	[tilespmem:$0x1D880] =	vst v63  }
0x38: {  	_ =	swait.ge [sflag:s17], $0x80  }
0x39: {  	[sflag:s17] =	ssyncset.done $0x0  }
0x3a: {  	[sflag:s17] =	ssyncadd.s32 $0xFFFFFF80  }
0x3b: {  	v0 =	vld [tilespmem:$0x9800];
	_ =	sdelay $0x4  }
0x3c: {  	(v2sf) =	vpush v0, $0x0;
	_ =	sdelay $0xe  }
0x3d: {  	s13 =	spop (v2sf)  }
0x3e: {  	p0 =	sgt.s32 s13, $0x0  }
0x3f: {  	s1 =	simm.s32 @!p0 $0x0;
	s5 =	simm.s32 @!p0 $0x3800  }
0x40: {  	[tilespmem:s5], [sflag:$0x7] =	stream.linear.gather @!p0 [hbm4b:s4+s1], $0x2000, $0x38;
	[tilespmem:$0x1D880] =	vst v63  }
0x41: {  	s5 =	simm.s32 @!p0 $0x7  }
0x42: {  	_ =	swait.ge @!p0 [sflag:s5], $0x2000  }
0x43: {  	[sflag:s5] =	ssyncset.done @!p0 $0x0  }
0x44: {  	s6 =	simm.s32 @!p0 $0x5800;
	[sflag:s5] =	ssyncadd.s32 @!p0 $0xFFFFE000  }
0x45: {  	[tilespmem:s6], [sflag:$0x7] =	stream.linear.gather @!p0 [hbm4b:s4+s1], $0x2000, $0x38;
	[tilespmem:$0x1D880] =	vst v63  }
0x46: {  	_ =	swait.ge @!p0 [sflag:s5], $0x2000  }
0x47: {  	[sflag:s5] =	ssyncset.done @!p0 $0x0  }
0x48: {  	s6 =	simm.s32 @!p0 $0x7800;
	[sflag:s5] =	ssyncadd.s32 @!p0 $0xFFFFE000  }
0x49: {  	[tilespmem:s6], [sflag:$0x7] =	stream.linear.gather @!p0 [hbm4b:s4+s1], $0x2000, $0x38;
	[tilespmem:$0x1D880] =	vst v63  }
0x4a: {  	_ =	swait.ge @!p0 [sflag:s5], $0x2000  }
0x4b: {  	[sflag:s5] =	ssyncset.done @!p0 $0x0  }
0x4c: {  	[sflag:s5] =	ssyncadd.s32 @!p0 $0xFFFFE000  }
0x4d: {  	[bflag:$0x0] =	sbarrier.arrive $0xFFFF  }
0x4e: {  	s18 =	rddreg [dreg:$0x6]  }
0x4f: {  	[tilespmem:s3], [sflag:$0x7] =	stream.linear.gather [hbm4b:s18+s3], $0x1B00, $0x38;
	[tilespmem:$0x1D880] =	vst v63  }
0x50: {  	_ =	swait.ge [sflag:s17], $0x1B00  }
0x51: {  	[sflag:s17] =	ssyncset.done $0x0  }
0x52: {  	s31 =	rddreg [dreg:$0x7];
	[sflag:s17] =	ssyncadd.s32 $0xFFFFE500  }
0x53: {  	[tilespmem:s19], [sflag:$0x7] =	stream.linear.gather [hbm4b:s31+s3], $0x1B00, $0x38;
	[tilespmem:$0x1D880] =	vst v63  }
0x54: {  	p0 =	slt.s32 s13, $0x1;
	_ =	swait.ge [sflag:s17], $0x1B00  }
0x55: {  	s0 =	simm.s32 @!p0 $0x40;
	[sflag:s17] =	ssyncset.done $0x0  }
0x56: {  	s5 =	simm.s32 @!p0 $0x0;
	s1 =	simm.s32 @!p0 $0x3800;
	[sflag:s17] =	ssyncadd.s32 $0xFFFFE500  }
0x57: {  	[tilespmem:s1], [sflag:$0x1] =	stream.indirect.gather @!p0 [hbm4b:s4+s0], $0x80, s5, s0, $0xb8;
	[tilespmem:$0x1D880] =	vst v63  }
.Ltmp2:
0x58: {  	s6 =	simm.s32 @!p0 $0x80;
	s5 =	simm.s32 @!p0 $0x5800;
	(pc) =	sbr.rel .LBB2_2-.Ltmp2, $4  }
0x59: {  	[tilespmem:s5], [sflag:$0x2] =	stream.indirect.gather @!p0 [hbm4b:s4+s0], $0x80, s6, s0, $0xb8;
	[tilespmem:$0x1D880] =	vst v63  }
0x5a: {  	s30 =	simm.s32 $0x0;
	s8 =	simm.s32 @!p0 $0x7800;
	s6 =	simm.s32 @!p0 $0x100  }
0x5b: {  	[tilespmem:s8], [sflag:$0x3] =	stream.indirect.gather @!p0 [hbm4b:s4+s0], $0x80, s6, s0, $0xb8;
	[tilespmem:$0x1D880] =	vst v63  }
0x5c: {  	s18 =	simm.s32 $0x1C80;
	s6 =	simm.s32 $0x10;
	s8 =	simm.s32 $0x280  }
.LBB2_5:
.Ltmp3:
0x5d: {  	(pc) =	sbr.rel @p1 .LBB2_7-.Ltmp3, $1  }
0x5e: {  	_ =	sdelay $0x3  }
.LBB2_4:
0x5f: {  	s6 =	sadd.s32 $0xFFFFFFFF, s6;
	s8 =	sadd.s32 $0x180, s8;
	s18 =	sadd.s32 $0x180, s18  }
.LBB2_2:
0x60: {  	s9 =	simm.s32 @!p0 $0x1  }
0x61: {  	_ =	swait.ge @!p0 [sflag:s9], $0x2000  }
0x62: {  	[sflag:s9] =	ssyncset.done @!p0 $0x0  }
0x63: {  	s13 =	sadd.s32 $0xFFFFFF80, s18;
	[sflag:s9] =	ssyncadd.s32 @!p0 $0xFFFFE000  }
0x64: {  	[spmem:s2] =	stream.indirect.scatter.add.f32 [tilespmem:s21], [sflag:$0x4], $0x80, s13, s20, $0xb8;
	[tilespmem:$0x1D880] =	vst v63  }
0x65: {  	_ =	swait.ge [sflag:s22], $0x2000  }
0x66: {  	[sflag:s22] =	ssyncset.done $0x0  }
0x67: {  	s10 =	simm.s32 @p0 $0x5800;
	s9 =	simm.s32 @p0 $0x40;
	[sflag:s22] =	ssyncadd.s32 $0xFFFFE000  }
0x68: {  	[spmem:s2] =	stream.indirect.scatter.add.f32 @p0 [tilespmem:s10], [sflag:$0x5], $0x80, s18, s9, $0xb8;
	[tilespmem:$0x1D880] =	vst v63  }
0x69: {  	s9 =	sadd.s32 @!p0 $0xFFFFFF00, s8  }
0x6a: {  	[tilespmem:s1], [sflag:$0x1] =	stream.indirect.gather @!p0 [hbm4b:s4+s0], $0x80, s9, s0, $0xb8;
	[tilespmem:$0x1D880] =	vst v63  }
0x6b: {  	s9 =	simm.s32 @!p0 $0x2  }
0x6c: {  	_ =	swait.ge @!p0 [sflag:s9], $0x2000  }
0x6d: {  	[sflag:s9] =	ssyncset.done @!p0 $0x0  }
0x6e: {  	[sflag:s9] =	ssyncadd.s32 @!p0 $0xFFFFE000;
	s9 =	simm.s32 @!p0 $0x5  }
0x6f: {  	[spmem:s2] =	stream.indirect.scatter.add.f32 @!p0 [tilespmem:s5], [sflag:$0x5], $0x80, s18, s0, $0xb8;
	[tilespmem:$0x1D880] =	vst v63  }
0x70: {  	_ =	swait.ge @!p0 [sflag:s9], $0x2000  }
0x71: {  	[sflag:s9] =	ssyncset.done @!p0 $0x0  }
0x72: {  	[sflag:s9] =	ssyncadd.s32 @!p0 $0xFFFFE000;
	s9 =	sadd.s32 @!p0 $0xFFFFFF80, s8  }
0x73: {  	[tilespmem:s5], [sflag:$0x2] =	stream.indirect.gather @!p0 [hbm4b:s4+s0], $0x80, s9, s0, $0xb8;
	[tilespmem:$0x1D880] =	vst v63  }
0x74: {  	s9 =	simm.s32 @!p0 $0x3  }
0x75: {  	s9 =	simm.s32 @p0 $0x5  }
0x76: {  	_ =	swait.ge [sflag:s9], $0x2000  }
0x77: {  	[sflag:s9] =	ssyncset.done $0x0  }
.Ltmp4:
0x78: {  	s31 =	sadd.s32 $0x80, s18;
	[sflag:s9] =	ssyncadd.s32 $0xFFFFE000;
	(pc) =	sbr.rel @p0 .LBB2_5-.Ltmp4, $4  }
0x79: {  	[spmem:s2] =	stream.indirect.scatter.add.f32 [tilespmem:s23], [sflag:$0x6], $0x80, s31, s20, $0xb8;
	[tilespmem:$0x1D880] =	vst v63  }
0x7a: {  	_ =	swait.ge [sflag:s24], $0x2000  }
0x7b: {  	[sflag:s24] =	ssyncset.done $0x0  }
0x7c: {  	s30 =	sadd.s32 $0x1, s30;
	p1 =	seq.s32 s6, $0x0;
	[sflag:s24] =	ssyncadd.s32 $0xFFFFE000  }
.Ltmp5:
0x7d: {  	(pc) =	sbr.rel @!p1 .LBB2_4-.Ltmp5, $2  }
0x7e: {  	_ =	sdelay $0x2  }
0x7f: {  	[tilespmem:s23], [sflag:$0x3] =	stream.indirect.gather [hbm4b:s4+s20], $0x80, s8, s20, $0xb8;
	[tilespmem:$0x1D880] =	vst v63  }
0x80: {  	_ =	swait.ge [sflag:s25], $0x2000  }
0x81: {  	[sflag:s25] =	ssyncset.done $0x0  }
0x82: {  	[sflag:s25] =	ssyncadd.s32 $0xFFFFE000  }
.LBB2_7:
0x83: {  	[spmem:s2] =	stream.indirect.scatter.add.f32 [tilespmem:s21], [sflag:$0x4], $0x80, s26, s20, $0xb8;
	[tilespmem:$0x1D880] =	vst v63  }
0x84: {  	_ =	swait.ge [sflag:s22], $0x2000  }
0x85: {  	s30 =	simm.s32 @p0 $0x40;
	[sflag:s22] =	ssyncset.done $0x0  }
0x86: {  	s0 =	simm.s32 @p0 $0x3600;
	s31 =	simm.s32 @p0 $0x5800;
	[sflag:s22] =	ssyncadd.s32 $0xFFFFE000  }
0x87: {  	[spmem:s2] =	stream.indirect.scatter.add.f32 @p0 [tilespmem:s31], [sflag:$0x5], $0x80, s0, s30, $0xb8;
	[tilespmem:$0x1D880] =	vst v63  }
0x88: {  	s0 =	simm.s32 @!p0 $0x2  }
0x89: {  	_ =	swait.ge @!p0 [sflag:s0], $0x2000  }
0x8a: {  	s1 =	simm.s32 @!p0 $0x40;
	[sflag:s0] =	ssyncset.done @!p0 $0x0  }
0x8b: {  	s5 =	simm.s32 @!p0 $0x3600;
	s18 =	simm.s32 @!p0 $0x5800;
	[sflag:s0] =	ssyncadd.s32 @!p0 $0xFFFFE000  }
0x8c: {  	[spmem:s2] =	stream.indirect.scatter.add.f32 @!p0 [tilespmem:s18], [sflag:$0x5], $0x80, s5, s1, $0xb8;
	[tilespmem:$0x1D880] =	vst v63  }
0x8d: {  	s5 =	simm.s32 @!p0 $0x5  }
0x8e: {  	_ =	swait.ge @!p0 [sflag:s5], $0x2000  }
0x8f: {  	s6 =	simm.s32 @!p0 $0x3;
	[sflag:s5] =	ssyncset.done @!p0 $0x0  }
0x90: {  	s6 =	simm.s32 @p0 $0x5;
	[sflag:s5] =	ssyncadd.s32 @!p0 $0xFFFFE000  }
0x91: {  	_ =	swait.ge [sflag:s6], $0x2000  }
0x92: {  	[sflag:s6] =	ssyncset.done $0x0  }
0x93: {  	[sflag:s6] =	ssyncadd.s32 $0xFFFFE000  }
0x94: {  	[spmem:s2] =	stream.indirect.scatter.add.f32 [tilespmem:s23], [sflag:$0x6], $0x80, s28, s20, $0xb8;
	[tilespmem:$0x1D880] =	vst v63  }
0x95: {  	_ =	swait.ge [sflag:s24], $0x2000  }
0x96: {  	[sflag:s24] =	ssyncset.done $0x0  }
0x97: {  	s8 =	rddreg [dreg:$0x8];
	[sflag:s24] =	ssyncadd.s32 $0xFFFFE000  }
0x98: {  	[tilespmem:s3], [sflag:$0x7] =	stream.linear.gather [hbm4b:s8+s3], $0x1B00, $0x38;
	[tilespmem:$0x1D880] =	vst v63  }
0x99: {  	_ =	swait.ge [sflag:s17], $0x1B00  }
0x9a: {  	[sflag:s17] =	ssyncset.done $0x0  }
0x9b: {  	s13 =	rddreg [dreg:$0x9];
	[sflag:s17] =	ssyncadd.s32 $0xFFFFE500  }
0x9c: {  	[tilespmem:s19], [sflag:$0x7] =	stream.linear.gather [hbm4b:s13+s3], $0x1B00, $0x38;
	[tilespmem:$0x1D880] =	vst v63  }
0x9d: {  	_ =	swait.ge [sflag:s17], $0x1B00  }
0x9e: {  	[sflag:s17] =	ssyncset.done $0x0  }
0x9f: {  	s9 =	simm.s32 @!p0 $0x0;
	s8 =	simm.s32 @!p0 $0x3800;
	[sflag:s17] =	ssyncadd.s32 $0xFFFFE500  }
0xa0: {  	[tilespmem:s8], [sflag:$0x1] =	stream.indirect.gather @!p0 [hbm4b:s4+s1], $0x80, s9, s1, $0xb8;
	[tilespmem:$0x1D880] =	vst v63  }
.Ltmp6:
0xa1: {  	s9 =	simm.s32 @!p0 $0x80;
	(pc) =	sbr.rel .LBB2_8-.Ltmp6, $4  }
0xa2: {  	[tilespmem:s18], [sflag:$0x2] =	stream.indirect.gather @!p0 [hbm4b:s4+s1], $0x80, s9, s1, $0xb8;
	[tilespmem:$0x1D880] =	vst v63  }
0xa3: {  	s10 =	simm.s32 @!p0 $0x7800;
	s11 =	simm.s32 $0x280;
	s9 =	simm.s32 @!p0 $0x100  }
0xa4: {  	[tilespmem:s10], [sflag:$0x3] =	stream.indirect.gather @!p0 [hbm4b:s4+s1], $0x80, s9, s1, $0xb8;
	[tilespmem:$0x1D880] =	vst v63  }
0xa5: {  	s12 =	simm.s32 $0x1C80;
	s9 =	simm.s32 $0x0;
	s10 =	simm.s32 $0x10  }
.LBB2_11:
.Ltmp7:
0xa6: {  	(pc) =	sbr.rel @p1 .LBB2_13-.Ltmp7, $1  }
0xa7: {  	_ =	sdelay $0x3  }
.LBB2_10:
0xa8: {  	s10 =	sadd.s32 $0xFFFFFFFF, s10;
	s11 =	sadd.s32 $0x180, s11;
	s12 =	sadd.s32 $0x180, s12  }
.LBB2_8:
0xa9: {  	s13 =	simm.s32 @!p0 $0x1  }
0xaa: {  	_ =	swait.ge @!p0 [sflag:s13], $0x2000  }
0xab: {  	[sflag:s13] =	ssyncset.done @!p0 $0x0  }
0xac: {  	[sflag:s13] =	ssyncadd.s32 @!p0 $0xFFFFE000;
	s13 =	sadd.s32 $0xFFFFFF80, s12  }
0xad: {  	[spmem:s2] =	stream.indirect.scatter.add.f32 [tilespmem:s21], [sflag:$0x4], $0x80, s13, s20, $0xb8;
	[tilespmem:$0x1D880] =	vst v63  }
0xae: {  	_ =	swait.ge [sflag:s22], $0x2000  }
0xaf: {  	[sflag:s22] =	ssyncset.done $0x0  }
0xb0: {  	[sflag:s22] =	ssyncadd.s32 $0xFFFFE000  }
0xb1: {  	[spmem:s2] =	stream.indirect.scatter.add.f32 @p0 [tilespmem:s31], [sflag:$0x5], $0x80, s12, s30, $0xb8;
	[tilespmem:$0x1D880] =	vst v63  }
0xb2: {  	s13 =	sadd.s32 @!p0 $0xFFFFFF00, s11  }
0xb3: {  	[tilespmem:s8], [sflag:$0x1] =	stream.indirect.gather @!p0 [hbm4b:s4+s1], $0x80, s13, s1, $0xb8;
	[tilespmem:$0x1D880] =	vst v63  }
0xb4: {  	_ =	swait.ge @!p0 [sflag:s0], $0x2000  }
0xb5: {  	[sflag:s0] =	ssyncset.done @!p0 $0x0  }
0xb6: {  	[sflag:s0] =	ssyncadd.s32 @!p0 $0xFFFFE000  }
0xb7: {  	[spmem:s2] =	stream.indirect.scatter.add.f32 @!p0 [tilespmem:s18], [sflag:$0x5], $0x80, s12, s1, $0xb8;
	[tilespmem:$0x1D880] =	vst v63  }
0xb8: {  	_ =	swait.ge @!p0 [sflag:s5], $0x2000  }
0xb9: {  	[sflag:s5] =	ssyncset.done @!p0 $0x0  }
0xba: {  	s13 =	sadd.s32 @!p0 $0xFFFFFF80, s11;
	[sflag:s5] =	ssyncadd.s32 @!p0 $0xFFFFE000  }
0xbb: {  	[tilespmem:s18], [sflag:$0x2] =	stream.indirect.gather @!p0 [hbm4b:s4+s1], $0x80, s13, s1, $0xb8;
	[tilespmem:$0x1D880] =	vst v63  }
0xbc: {  	_ =	swait.ge [sflag:s6], $0x2000  }
0xbd: {  	[sflag:s6] =	ssyncset.done $0x0  }
.Ltmp8:
0xbe: {  	s13 =	sadd.s32 $0x80, s12;
	[sflag:s6] =	ssyncadd.s32 $0xFFFFE000;
	(pc) =	sbr.rel @p0 .LBB2_11-.Ltmp8, $4  }
0xbf: {  	[spmem:s2] =	stream.indirect.scatter.add.f32 [tilespmem:s23], [sflag:$0x6], $0x80, s13, s20, $0xb8;
	[tilespmem:$0x1D880] =	vst v63  }
0xc0: {  	_ =	swait.ge [sflag:s24], $0x2000  }
0xc1: {  	[sflag:s24] =	ssyncset.done $0x0  }
0xc2: {  	s9 =	sadd.s32 $0x1, s9;
	p1 =	seq.s32 s10, $0x0;
	[sflag:s24] =	ssyncadd.s32 $0xFFFFE000  }
.Ltmp9:
0xc3: {  	(pc) =	sbr.rel @!p1 .LBB2_10-.Ltmp9, $2  }
0xc4: {  	_ =	sdelay $0x2  }
0xc5: {  	[tilespmem:s23], [sflag:$0x3] =	stream.indirect.gather [hbm4b:s4+s20], $0x80, s11, s20, $0xb8;
	[tilespmem:$0x1D880] =	vst v63  }
0xc6: {  	_ =	swait.ge [sflag:s25], $0x2000  }
0xc7: {  	[sflag:s25] =	ssyncset.done $0x0  }
0xc8: {  	[sflag:s25] =	ssyncadd.s32 $0xFFFFE000  }
.LBB2_13:
0xc9: {  	[spmem:s2] =	stream.indirect.scatter.add.f32 [tilespmem:s21], [sflag:$0x4], $0x80, s26, s20, $0xb8;
	[tilespmem:$0x1D880] =	vst v63  }
0xca: {  	_ =	swait.ge [sflag:s22], $0x2000  }
0xcb: {  	s30 =	simm.s32 @p0 $0x40;
	[sflag:s22] =	ssyncset.done $0x0  }
0xcc: {  	s0 =	simm.s32 @p0 $0x3600;
	s31 =	simm.s32 @p0 $0x5800;
	[sflag:s22] =	ssyncadd.s32 $0xFFFFE000  }
0xcd: {  	[spmem:s2] =	stream.indirect.scatter.add.f32 @p0 [tilespmem:s31], [sflag:$0x5], $0x80, s0, s30, $0xb8;
	[tilespmem:$0x1D880] =	vst v63  }
0xce: {  	s0 =	simm.s32 @!p0 $0x2  }
0xcf: {  	_ =	swait.ge @!p0 [sflag:s0], $0x2000  }
0xd0: {  	s1 =	simm.s32 @!p0 $0x40;
	[sflag:s0] =	ssyncset.done @!p0 $0x0  }
0xd1: {  	s5 =	simm.s32 @!p0 $0x3600;
	s18 =	simm.s32 @!p0 $0x5800;
	[sflag:s0] =	ssyncadd.s32 @!p0 $0xFFFFE000  }
0xd2: {  	[spmem:s2] =	stream.indirect.scatter.add.f32 @!p0 [tilespmem:s18], [sflag:$0x5], $0x80, s5, s1, $0xb8;
	[tilespmem:$0x1D880] =	vst v63  }
0xd3: {  	s5 =	simm.s32 @!p0 $0x5  }
0xd4: {  	_ =	swait.ge @!p0 [sflag:s5], $0x2000  }
0xd5: {  	s6 =	simm.s32 @!p0 $0x3;
	[sflag:s5] =	ssyncset.done @!p0 $0x0  }
0xd6: {  	s6 =	simm.s32 @p0 $0x5;
	[sflag:s5] =	ssyncadd.s32 @!p0 $0xFFFFE000  }
0xd7: {  	_ =	swait.ge [sflag:s6], $0x2000  }
0xd8: {  	[sflag:s6] =	ssyncset.done $0x0  }
0xd9: {  	[sflag:s6] =	ssyncadd.s32 $0xFFFFE000  }
0xda: {  	[spmem:s2] =	stream.indirect.scatter.add.f32 [tilespmem:s23], [sflag:$0x6], $0x80, s28, s20, $0xb8;
	[tilespmem:$0x1D880] =	vst v63  }
0xdb: {  	_ =	swait.ge [sflag:s24], $0x2000  }
0xdc: {  	[sflag:s24] =	ssyncset.done $0x0  }
0xdd: {  	s8 =	rddreg [dreg:$0xa];
	[sflag:s24] =	ssyncadd.s32 $0xFFFFE000  }
0xde: {  	[tilespmem:s3], [sflag:$0x7] =	stream.linear.gather [hbm4b:s8+s3], $0x1B00, $0x38;
	[tilespmem:$0x1D880] =	vst v63  }
0xdf: {  	_ =	swait.ge [sflag:s17], $0x1B00  }
0xe0: {  	[sflag:s17] =	ssyncset.done $0x0  }
0xe1: {  	s13 =	rddreg [dreg:$0xb];
	[sflag:s17] =	ssyncadd.s32 $0xFFFFE500  }
0xe2: {  	[tilespmem:s19], [sflag:$0x7] =	stream.linear.gather [hbm4b:s13+s3], $0x1B00, $0x38;
	[tilespmem:$0x1D880] =	vst v63  }
0xe3: {  	_ =	swait.ge [sflag:s17], $0x1B00  }
0xe4: {  	[sflag:s17] =	ssyncset.done $0x0  }
0xe5: {  	s9 =	simm.s32 @!p0 $0x0;
	s8 =	simm.s32 @!p0 $0x3800;
	[sflag:s17] =	ssyncadd.s32 $0xFFFFE500  }
0xe6: {  	[tilespmem:s8], [sflag:$0x1] =	stream.indirect.gather @!p0 [hbm4b:s4+s1], $0x80, s9, s1, $0xb8;
	[tilespmem:$0x1D880] =	vst v63  }
.Ltmp10:
0xe7: {  	s9 =	simm.s32 @!p0 $0x80;
	(pc) =	sbr.rel .LBB2_14-.Ltmp10, $4  }
0xe8: {  	[tilespmem:s18], [sflag:$0x2] =	stream.indirect.gather @!p0 [hbm4b:s4+s1], $0x80, s9, s1, $0xb8;
	[tilespmem:$0x1D880] =	vst v63  }
0xe9: {  	s10 =	simm.s32 @!p0 $0x7800;
	s11 =	simm.s32 $0x280;
	s9 =	simm.s32 @!p0 $0x100  }
0xea: {  	[tilespmem:s10], [sflag:$0x3] =	stream.indirect.gather @!p0 [hbm4b:s4+s1], $0x80, s9, s1, $0xb8;
	[tilespmem:$0x1D880] =	vst v63  }
0xeb: {  	s12 =	simm.s32 $0x1C80;
	s9 =	simm.s32 $0x0;
	s10 =	simm.s32 $0x10  }
.LBB2_17:
.Ltmp11:
0xec: {  	(pc) =	sbr.rel @p1 .LBB2_19-.Ltmp11, $1  }
0xed: {  	_ =	sdelay $0x3  }
.LBB2_16:
0xee: {  	s10 =	sadd.s32 $0xFFFFFFFF, s10;
	s11 =	sadd.s32 $0x180, s11;
	s12 =	sadd.s32 $0x180, s12  }
.LBB2_14:
0xef: {  	s13 =	simm.s32 @!p0 $0x1  }
0xf0: {  	_ =	swait.ge @!p0 [sflag:s13], $0x2000  }
0xf1: {  	[sflag:s13] =	ssyncset.done @!p0 $0x0  }
0xf2: {  	[sflag:s13] =	ssyncadd.s32 @!p0 $0xFFFFE000;
	s13 =	sadd.s32 $0xFFFFFF80, s12  }
0xf3: {  	[spmem:s2] =	stream.indirect.scatter.add.f32 [tilespmem:s21], [sflag:$0x4], $0x80, s13, s20, $0xb8;
	[tilespmem:$0x1D880] =	vst v63  }
0xf4: {  	_ =	swait.ge [sflag:s22], $0x2000  }
0xf5: {  	[sflag:s22] =	ssyncset.done $0x0  }
0xf6: {  	[sflag:s22] =	ssyncadd.s32 $0xFFFFE000  }
0xf7: {  	[spmem:s2] =	stream.indirect.scatter.add.f32 @p0 [tilespmem:s31], [sflag:$0x5], $0x80, s12, s30, $0xb8;
	[tilespmem:$0x1D880] =	vst v63  }
0xf8: {  	s13 =	sadd.s32 @!p0 $0xFFFFFF00, s11  }
0xf9: {  	[tilespmem:s8], [sflag:$0x1] =	stream.indirect.gather @!p0 [hbm4b:s4+s1], $0x80, s13, s1, $0xb8;
	[tilespmem:$0x1D880] =	vst v63  }
0xfa: {  	_ =	swait.ge @!p0 [sflag:s0], $0x2000  }
0xfb: {  	[sflag:s0] =	ssyncset.done @!p0 $0x0  }
0xfc: {  	[sflag:s0] =	ssyncadd.s32 @!p0 $0xFFFFE000  }
0xfd: {  	[spmem:s2] =	stream.indirect.scatter.add.f32 @!p0 [tilespmem:s18], [sflag:$0x5], $0x80, s12, s1, $0xb8;
	[tilespmem:$0x1D880] =	vst v63  }
0xfe: {  	_ =	swait.ge @!p0 [sflag:s5], $0x2000  }
0xff: {  	[sflag:s5] =	ssyncset.done @!p0 $0x0  }
0x100: {  	s13 =	sadd.s32 @!p0 $0xFFFFFF80, s11;
	[sflag:s5] =	ssyncadd.s32 @!p0 $0xFFFFE000  }
0x101: {  	[tilespmem:s18], [sflag:$0x2] =	stream.indirect.gather @!p0 [hbm4b:s4+s1], $0x80, s13, s1, $0xb8;
	[tilespmem:$0x1D880] =	vst v63  }
0x102: {  	_ =	swait.ge [sflag:s6], $0x2000  }
0x103: {  	[sflag:s6] =	ssyncset.done $0x0  }
.Ltmp12:
0x104: {  	s13 =	sadd.s32 $0x80, s12;
	[sflag:s6] =	ssyncadd.s32 $0xFFFFE000;
	(pc) =	sbr.rel @p0 .LBB2_17-.Ltmp12, $4  }
0x105: {  	[spmem:s2] =	stream.indirect.scatter.add.f32 [tilespmem:s23], [sflag:$0x6], $0x80, s13, s20, $0xb8;
	[tilespmem:$0x1D880] =	vst v63  }
0x106: {  	_ =	swait.ge [sflag:s24], $0x2000  }
0x107: {  	[sflag:s24] =	ssyncset.done $0x0  }
0x108: {  	s9 =	sadd.s32 $0x1, s9;
	p1 =	seq.s32 s10, $0x0;
	[sflag:s24] =	ssyncadd.s32 $0xFFFFE000  }
.Ltmp13:
0x109: {  	(pc) =	sbr.rel @!p1 .LBB2_16-.Ltmp13, $2  }
0x10a: {  	_ =	sdelay $0x2  }
0x10b: {  	[tilespmem:s23], [sflag:$0x3] =	stream.indirect.gather [hbm4b:s4+s20], $0x80, s11, s20, $0xb8;
	[tilespmem:$0x1D880] =	vst v63  }
.Ltmp14:
0x10c: {  	(pc) =	sbr.rel .LBB2_19-.Ltmp14, $4  }
0x10d: {  	_ = 	snop  }
0x10e: {  	_ =	swait.ge [sflag:s25], $0x2000  }
0x10f: {  	[sflag:s25] =	ssyncset.done $0x0  }
0x110: {  	[sflag:s25] =	ssyncadd.s32 $0xFFFFE000  }
.LBB2_20:
0x111: {  	_ =	sfence.sel $0x180000  }
0x112: {  	[bflag:$0x0] =	sbarrier.arrive $0xFFFF  }
0x113: {  	_ =	strace $0x9000004D  }
0x114: {  	s0 =	stileid.u32;
	[bflag:$0x2] =	sbarrier.arrive $0xFFFF  }
0x115: {  	p0 =	sne.s32 s0, $0x0;
	s0 =	rddreg [dreg:$0x3]  }
0x116: {  	s0 =	sadd.s32 @!p0 $0x100000, s0  }
0x117: {  	[sflag:s0] =	ssyncadd.tile.s32 @!p0 $0x1;
	_ =	shalt  }
.Lfunc_end2:
_tile_overlayer_lowered:
.L_overlay_start_2:
0x118: {  	(tag) =	ssettag $0x2  }
0x119: {  	s0 =	rddreg [dreg:$0x0];
	s2 =	stileid.u32  }
0x11a: {  	s1 =	rddreg [dreg:$0x1];
	p0 =	sne.s32 s2, $0x0  }
0x11b: {  	s3 =	rddreg [dreg:$0x2];
	[bflag:$0x3] =	sbarrier.arrive $0xFFFF;
	s2 =	simm.s32 @!p0 $0x1C07  }
0x11c: {  	[timem:s3], [sflag:s2] =	dma.local @!p0 [hbm:s0], s1  }
0x11d: {  	s0 =	simm.s32 @!p0 $0x7  }
0x11e: {  	_ =	swait.ge @!p0 [sflag:s0], s1  }
0x11f: {  	s1 =	ssub.s32 @!p0 $0x0, s1;
	[sflag:s0] =	ssyncset.done @!p0 $0x0  }
0x120: {  	[sflag:s0] =	ssyncadd.s32 @!p0 s1  }
0x121: {  	[bflag:$0x3] =	sbarrier.arrive $0xFFFF  }
0x122: {  	_ =	shalt  }

// kernel: kernel.8.cloned.1.call-start
scs
__scs_entry_jumppad:
0x0: {  	(pc) =	sbr.rel $0x88, $3  }
0x1: {  	(tag) =	ssettag $0x0;
	lr =	simm.s32 $0x1  }
0x2: {  	[smem:$0x3F9B] =	sst lr;
	_ =	strace $0xD0000000  }
0x3: {  	_ = 	snop  }
0x4: {  	_ = 	snop  }
0x5: {  	_ = 	snop  }
0x6: {  	_ = 	snop  }
0x7: {  	_ = 	snop  }
__scs_overlays_trampoline_lowered:
0x8: {  	[smem:$0x3FAA] =	sst s0  }
0x9: {  	[smem:$0x3FAB] =	sst s1  }
0xa: {  	[smem:$0x3FAC] =	sst s2  }
0xb: {  	[smem:$0x3FAD] =	sst s3  }
0xc: {  	[smem:$0x3FAE] =	sst s4  }
0xd: {  	[smem:$0x3FAF] =	sst s5  }
0xe: {  	[smem:$0x3FB0] =	sst s6  }
0xf: {  	[smem:$0x3FB1] =	sst s7  }
0x10: {  	[smem:$0x3FB2] =	sst s8  }
0x11: {  	[smem:$0x3FB3] =	sst s9;
	s0 =	simm.s32 @!p0 $0x0  }
0x12: {  	s1 =	sld [smem:$0x3F99];
	s0 =	simm.s32 @p0 $0x1  }
0x13: {  	[smem:$0x3FB4] =	sst s0;
	s0 =	simm.s32 @!p1 $0x0  }
0x14: {  	s2 =	sld [smem:$0x3F98];
	s0 =	simm.s32 @p1 $0x1  }
0x15: {  	[smem:$0x3FB5] =	sst s0;
	s0 =	simm.s32 @!p2 $0x0  }
0x16: {  	s3 =	sld [smem:$0x3FDB];
	s0 =	simm.s32 @p2 $0x1  }
0x17: {  	s4 =	simm.s32 $0x1BF5;
	[smem:$0x3FB7] =	sst s0  }
0x18: {  	s0 =	sld [smem:$0x3F9A];
	_ =	swait.ge [sflag:s4], $0x0  }
0x19: {  	s7 =	sld [smem:$0x3F9B]  }
0x1a: {  	s8 =	sadd.s32 $0xFFFFE003, lr  }
0x1b: {  	s9 =	sadd.s32 $0xFFFFFEF7, lr;
	s5 =	simm.s32 $0xFFFFFFFF;
	p2 =	slt.u32 s8, $0xFFFFF086  }
0x1c: {  	p1 =	slt.u32 s9, $0xF7A;
	s5 =	simm.s32 @!p2 $0x0  }
0x1d: {  	s5 =	simm.s32 @p1 $0x1;
	p0 =	seq.s32 s7, s2  }
0x1e: {  	s7 =	smul.u32 @!p0 $0xF7A, s2;
	p2 =	seq.s32 @!p0 s5, $0x0  }
0x1f: {  	s9 =	smul.u32 $0xF7A, s1;
	s8 =	simm.s32 @!p0 $0x1BF5;
	p2 =	por !p2, p0  }
0x20: {  	[sflag:s8] =	ssyncset.s32 @!p0 $0xFFFFF086;
	s6 =	sadd.s32 @!p0 s3, s7;
	s7 =	simm.s32 @!p0 $0x108  }
0x21: {  	s3 =	sadd.s32 s3, s9;
	s6 =	sadd.s32 @!p0 $0x88, s6;
	s7 =	simm.s32 @p2 $0x1082  }
0x22: {  	[simem:s7], [sflag:s8] =	dma.local @!p0 [hbm:s6], $0xF7A  }
0x23: {  	s9 =	sor.u32 $0xD0000000, s2;
	s6 =	simm.s32 $0x108;
	_ =	swait.ge @!p0 [sflag:s8], $0x0  }
0x24: {  	s3 =	sadd.s32 $0x88, s3;
	s6 =	simm.s32 @!p1 $0x1082;
	[sflag:s4] =	ssyncset.s32 $0xFFFFF086  }
0x25: {  	[simem:s6], [sflag:s4] =	dma.local [hbm:s3], $0xF7A  }
0x26: {  	[smem:$0x3F9B] =	sst s1;
	(tag) =	ssettag s2;
	_ =	strace s9  }
0x27: {  	s1 =	sld [smem:$0x3FAB]  }
0x28: {  	s2 =	sld [smem:$0x3FAC]  }
0x29: {  	s4 =	sld [smem:$0x3FAE]  }
0x2a: {  	p0 =	seq.s32 s5, $0x0;
	s5 =	sld [smem:$0x3FAF]  }
0x2b: {  	s6 =	sld [smem:$0x3FB0]  }
0x2c: {  	s7 =	sld [smem:$0x3FB1]  }
0x2d: {  	s3 =	simm.s32 $0x108;
	s8 =	sld [smem:$0x3FB2]  }
0x2e: {  	s3 =	simm.s32 @!p0 $0x1082;
	s9 =	sld [smem:$0x3FB3]  }
0x2f: {  	lr =	sadd.s32 s0, s3;
	s0 =	sld [smem:$0x3FAA]  }
0x30: {  	s3 =	sld [smem:$0x3FAD]  }
0x31: {  	[smem:$0x3FB6] =	sst s10  }
0x32: {  	s10 =	sld [smem:$0x3FB4];
	_ =	sdelay $0x3  }
0x33: {  	p0 =	seq.s32 s10, $0x1;
	s10 =	sld [smem:$0x3FB6];
	_ =	sdelay $0x3  }
0x34: {  	[smem:$0x3FB6] =	sst s10  }
0x35: {  	s10 =	sld [smem:$0x3FB5];
	_ =	sdelay $0x3  }
0x36: {  	p1 =	seq.s32 s10, $0x1;
	s10 =	sld [smem:$0x3FB6];
	_ =	sdelay $0x3  }
0x37: {  	[smem:$0x3FB6] =	sst s10  }
0x38: {  	s10 =	sld [smem:$0x3FB7]  }
0x39: {  	_ = 	snop;
	(pc) =	sbr.ind lr, $3  }
0x3a: {  	_ = 	snop  }
0x3b: {  	_ = 	snop  }
0x3c: {  	p2 =	seq.s32 s10, $0x1;
	s10 =	sld [smem:$0x3FB6]  }
0x3d: {  	_ =	shalt  }
0x3e: {  	_ =	shalt  }
0x3f: {  	_ =	shalt  }
0x40: {  	_ =	shalt  }
0x41: {  	_ =	shalt  }
0x42: {  	_ =	shalt  }
0x43: {  	_ =	shalt  }
0x44: {  	_ =	shalt  }
0x45: {  	_ =	shalt  }
0x46: {  	_ =	shalt  }
0x47: {  	_ =	shalt  }
0x48: {  	_ =	shalt  }
0x49: {  	_ =	shalt  }
0x4a: {  	_ =	shalt  }
0x4b: {  	_ =	shalt  }
0x4c: {  	_ =	shalt  }
0x4d: {  	_ =	shalt  }
0x4e: {  	_ =	shalt  }
0x4f: {  	_ =	shalt  }
0x50: {  	_ =	shalt  }
0x51: {  	_ =	shalt  }
0x52: {  	_ =	shalt  }
0x53: {  	_ =	shalt  }
0x54: {  	_ =	shalt  }
0x55: {  	_ =	shalt  }
0x56: {  	_ =	shalt  }
0x57: {  	_ =	shalt  }
0x58: {  	_ =	shalt  }
0x59: {  	_ =	shalt  }
0x5a: {  	_ =	shalt  }
0x5b: {  	_ =	shalt  }
0x5c: {  	_ =	shalt  }
0x5d: {  	_ =	shalt  }
0x5e: {  	_ =	shalt  }
0x5f: {  	_ =	shalt  }
0x60: {  	_ =	shalt  }
0x61: {  	_ =	shalt  }
0x62: {  	_ =	shalt  }
0x63: {  	_ =	shalt  }
0x64: {  	_ =	shalt  }
0x65: {  	_ =	shalt  }
0x66: {  	_ =	shalt  }
0x67: {  	_ =	shalt  }
0x68: {  	_ =	shalt  }
0x69: {  	_ =	shalt  }
0x6a: {  	_ =	shalt  }
0x6b: {  	_ =	shalt  }
0x6c: {  	_ =	shalt  }
0x6d: {  	_ =	shalt  }
0x6e: {  	_ =	shalt  }
0x6f: {  	_ =	shalt  }
0x70: {  	_ =	shalt  }
0x71: {  	_ =	shalt  }
0x72: {  	_ =	shalt  }
0x73: {  	_ =	shalt  }
0x74: {  	_ =	shalt  }
0x75: {  	_ =	shalt  }
0x76: {  	_ =	shalt  }
0x77: {  	_ =	shalt  }
0x78: {  	_ =	shalt  }
0x79: {  	_ =	shalt  }
0x7a: {  	_ =	shalt  }
0x7b: {  	_ =	shalt  }
0x7c: {  	_ =	shalt  }
0x7d: {  	_ =	shalt  }
0x7e: {  	_ =	shalt  }
0x7f: {  	_ =	shalt  }
0x80: {  	_ =	shalt  }
0x81: {  	_ =	shalt  }
0x82: {  	_ =	shalt  }
0x83: {  	_ =	shalt  }
0x84: {  	_ =	shalt  }
0x85: {  	_ =	shalt  }
0x86: {  	_ =	shalt  }
0x87: {  	_ =	shalt  }
.Lfunc_end0:
.L_simem_size_0:
called_computation_lowered:
.L_overlay_start_0:
0x88: {  	s2 =	sld [smem:$0x3FD9]  }
0x89: {  	s3 =	sld [smem:$0x3FFE];
	_ =	sdelay $0x1  }
0x8a: {  	s1 =	srdreg.scid  }
0x8b: {  	s0 =	sand.u32 $0x1, s1  }
0x8c: {  	s14 =	sshll.u32 s0, $0xA;
	s2 =	sadd.s32 s3, s2  }
0x8d: {  	s2 =	sadd.s32 s2, s14  }
0x8e: {  	[smem:$0x3FC2] =	sst s2  }
0x8f: {  	_ = 	snop  }
0x90: {  	s2 =	sld [smem:$0x3FD0];
	_ =	sdelay $0x2  }
0x91: {  	s15 =	simm.s32 $0xA;
	s4 =	simm.s32 $0x10  }
0x92: {  	[smem:s4], [sflag:s15] =	dma.local [hbm:s2], $0x1  }
0x93: {  	_ =	swait.eq [sflag:s15], $0x1  }
0x94: {  	[sflag:s15] =	ssyncset.done $0x0  }
0x95: {  	s16 =	sld [smem:$0x10];
	[sflag:s15] =	ssyncadd.s32 $0xFFFFFFFF  }
0x96: {  	s17 =	sld [smem:$0x11];
	(tm) =	ssettm $0x1  }
0x97: {  	s18 =	sld [smem:$0x3FFB];
	_ =	sdelay $0x3  }
0x98: {  	_ =	strace s18  }
0x99: {  	s4 =	sld [smem:$0x3FFC];
	_ =	sdelay $0x3  }
0x9a: {  	_ =	strace s4  }
0x9b: {  	s4 =	sld [smem:$0x3FFD];
	_ =	sdelay $0x3  }
0x9c: {  	_ =	strace s4  }
0x9d: {  	_ =	strace $0x8FFFFFFF  }
0x9e: {  	s19 =	sld [smem:$0x3FDB];
	_ =	sdelay $0x1  }
0x9f: {  	s5 =	simm.s32 $_scs_section_size  }
0xa0: {  	s6 =	simm.s32 $_size__tile_overlayer_lowered;
	s7 =	simm.s32 $_tile_overlayer_lowered  }
0xa1: {  	s22 =	simm.s32 $0x1BFF;
	s21 =	sshll.u32 s7, $0x1;
	s4 =	sadd.s32 s5, s19  }
0xa2: {  	s8 =	simm.s32 $0x0;
	s20 =	sshll.u32 s6, $0x1;
	s6 =	sadd.s32 s21, s4  }
0xa3: {  	[timem:s8], [sflag:s22] =	dma.local [hbm:s6], s20  }
0xa4: {  	_ =	swait.ge [sflag:s22], s20  }
0xa5: {  	s5 =	ssub.s32 $0x0, s20;
	[sflag:s22] =	ssyncset.done $0x0  }
0xa6: {  	[sflag:s22] =	ssyncadd.s32 s5;
	_ =	sdelay $0x1  }
0xa7: {  	s23 =	simm.s32 $0x1B8B  }
0xa8: {  	_ =	swait.ge [sflag:s23], $0x1  }
0xa9: {  	[sflag:s23] =	ssyncset.done $0x0  }
0xaa: {  	s25 =	simm.s32 $0x1B8E;
	s24 =	sld [smem:$0x3FFE];
	[sflag:s23] =	ssyncadd.s32 $0xFFFFFFFF  }
0xab: {  	s26 =	simm.s32 $execute0_lowered;
	[smem:$0x3FD2] =	sst s25  }
0xac: {  	s6 =	sshll.u32 s26, $0x1;
	_ =	strace $0x80000046;
	[dreg:$0x1] =	wrdreg $0xFFFFFFFF  }
0xad: {  	s28 =	simm.s32 $_size_execute0_lowered;
	s4 =	sadd.s32 s4, s6;
	[dreg:$0x0] =	wrdreg $0x0  }
0xae: {  	s6 =	sshll.u32 s28, $0x1;
	[dreg:$0x2] =	wrdreg s4  }
0xaf: {  	[dreg:$0x3] =	wrdreg s6  }
0xb0: {  	[dreg:$0x4] =	wrdreg $0xC0  }
0xb1: {  	_ =	task [dreg:s8], $0x5FFFF  }
0xb2: {  	[dreg:$0x1] =	wrdreg $0xFFFFFFFF  }
0xb3: {  	[dreg:$0x0] =	wrdreg $0x60  }
0xb4: {  	[dreg:$0x2] =	wrdreg s17  }
0xb5: {  	[dreg:$0x3] =	wrdreg s24  }
0xb6: {  	[dreg:$0x4] =	wrdreg s16  }
0xb7: {  	[dreg:$0x5] =	wrdreg $0x98800  }
0xb8: {  	[dreg:$0x6] =	wrdreg $0x9  }
0xb9: {  	_ =	task.clear_ibuf [dreg:s8], $0x7FFFF;
	_ =	strace $0x90000046  }
0xba: {  	s29 =	simm.s32 $0x9;
	_ =	strace $0x80000048  }
0xbb: {  	_ =	swait.ge [sflag:s29], $0x1  }
0xbc: {  	[sflag:s29] =	ssyncadd.s32 $0xFFFFFFFF  }
0xbd: {  	_ =	strace $0x90000048  }
0xbe: {  	_ =	sfence  }
0xbf: {  	s30 =	sld [smem:$0x0];
	_ =	sdelay $0x2  }
0xc0: {  	s31 =	sshll.u32 s1, $0xD;
	s1 =	sshrl.u32 s1, $0x2  }
0xc1: {  	s3 =	sand.u32 $0x4000, s31;
	s1 =	sadd.s32 s1, s30  }
0xc2: {  	s0 =	sor.u32 s3, s0;
	s1 =	sshll.u32 s1, $0x11  }
0xc3: {  	s0 =	sor.u32 s1, s0  }
0xc4: {  	s0 =	sadd.s32 $0x8F2B, s0  }
0xc5: {  	[sflag:s0] =	ssyncadd.remote.s32 $0x1  }
0xc6: {  	_ =	sfence.sel $0xFFFF  }
0xc7: {  	[dreg:$0x0] =	wrdreg $0xFFFFFFFF;
	(pc) =	sbr.abs _section_cstart, $3  }
0xc8: {  	[dreg:$0x1] =	wrdreg $0xFFFFFFFF  }
0xc9: {  	_ =	task.clear_ibuf [dreg:s8], $0x2FFFF;
	_ =	strace $0x9FFFFFFF  }
0xca: {  	(tm) =	ssettm $0x7FFFFFFF  }
0xcb: {  	_ =	shalt  }
tec
execute0_lowered:
.L_overlay_start_1:
0x0: {  	(tag) =	ssettag $0x1  }
0x1: {  	s0 =	rddreg [dreg:$0x0]  }
0x2: {  	s1 =	rddreg [dreg:$0x1]  }
0x3: {  	s3 =	rddreg [dreg:$0x3]  }
0x4: {  	s12 =	stileid.u32;
	s2 =	srdreg.scid  }
0x5: {  	s4 =	simm.s32 $0x0;
	s28 =	simm.s32 $0x3680;
	s29 =	simm.s32 $0x0  }
0x6: {  	s6 =	smul.u32 $0x14000, s12;
	s2 =	sand.u32 $0x1, s2;
	[smem:$0x7FF] =	sst s4  }
0x7: {  	s8 =	sadd.s32 $0x2C00, s1;
	s5 =	sadd.s32 $0x3FC00, s1;
	s10 =	smul.u32 $0x50000, s12  }
0x8: {  	s21 =	sshll.u32 s12, $0x6;
	s7 =	smul.u32 $0x140000, s2;
	_ =	strace $0x80000047  }
0x9: {  	s17 =	sshll.u32 s2, $0x4;
	s2 =	ssub.s32 $0x2, s2;
	s9 =	sshrl.u32 s6, $0x3  }
0xa: {  	s18 =	sor.u32 s12, s17;
	s19 =	sshrl.u32 s2, $0x1;
	s10 =	sshrl.u32 s10, $0x2  }
0xb: {  	s17 =	simm.s32 $0x7;
	s9 =	sadd.s32 s9, s1;
	s6 =	sadd.s32 s6, s7  }
0xc: {  	s11 =	smul.u32 $0x5400, s18;
	s2 =	ssub.s32 s2, s19;
	s10 =	sadd.s32 s10, s3  }
0xd: {  	s7 =	sor.u32 $0x1C07, s21;
	s19 =	simm.s32 $0x1C00;
	s21 =	simm.s32 $0x3800  }
0xe: {  	s6 =	sshrl.u32 s6, $0x3;
	s20 =	sadd.s32 $0x17C00, s9;
	s15 =	smax.u32 s2, $0x1  }
0xf: {  	s16 =	sshrl.u32 s10, $0x3;
	s1 =	sadd.s32 s6, s1;
	s6 =	smul.u32 $0xA80, s18  }
0x10: {  	[dreg:$0x5] =	wrdreg s20;
	s22 =	sshrl.u32 s11, $0x3;
	s20 =	simm.s32 $0x40  }
0x11: {  	s24 =	sadd.s32 $0x380, s22;
	s26 =	sadd.s32 $0x700, s22;
	s23 =	sadd.s32 s0, s6  }
0x12: {  	s14 =	sadd.s32 $0x67C00, s1;
	s6 =	sadd.s32 s8, s6;
	[dreg:$0x6] =	wrdreg s23  }
.Ltmp0:
0x13: {  	s25 =	sadd.s32 s0, s24;
	[dreg:$0x7] =	wrdreg s6;
	(pc) =	sbr.rel .LBB2_1-.Ltmp0, $4  }
0x14: {  	s22 =	simm.s32 $0x4;
	s30 =	sadd.s32 s8, s24;
	[dreg:$0x8] =	wrdreg s25  }
0x15: {  	s0 =	sadd.s32 s0, s26;
	s31 =	sadd.s32 s8, s26;
	[dreg:$0x9] =	wrdreg s30  }
0x16: {  	s24 =	simm.s32 $0x6;
	s26 =	simm.s32 $0x3580;
	[dreg:$0xa] =	wrdreg s0  }
0x17: {  	[dreg:$0xb] =	wrdreg s31;
	s23 =	simm.s32 $0x7800;
	s25 =	simm.s32 $0x1  }
.LBB2_19:
0x18: {  	[spmem:s3] =	stream.indirect.scatter.add.f32 [tilespmem:s21], [sflag:$0x4], $0x80, s26, s20, $0xb8;
	[tilespmem:$0x1D880] =	vst v63  }
0x19: {  	_ =	swait.ge [sflag:s22], $0x2000  }
0x1a: {  	s0 =	simm.s32 @p0 $0x40;
	[sflag:s22] =	ssyncset.done $0x0  }
0x1b: {  	s1 =	simm.s32 @p0 $0x3600;
	s2 =	simm.s32 @p0 $0x5800;
	[sflag:s22] =	ssyncadd.s32 $0xFFFFE000  }
0x1c: {  	[spmem:s3] =	stream.indirect.scatter.add.f32 @p0 [tilespmem:s2], [sflag:$0x5], $0x80, s1, s0, $0xb8;
	[tilespmem:$0x1D880] =	vst v63  }
0x1d: {  	s0 =	simm.s32 @!p0 $0x2  }
0x1e: {  	_ =	swait.ge @!p0 [sflag:s0], $0x2000  }
0x1f: {  	s1 =	simm.s32 @!p0 $0x3600;
	[sflag:s0] =	ssyncset.done @!p0 $0x0  }
0x20: {  	s2 =	simm.s32 @!p0 $0x5800;
	[sflag:s0] =	ssyncadd.s32 @!p0 $0xFFFFE000;
	s0 =	simm.s32 @!p0 $0x40  }
0x21: {  	[spmem:s3] =	stream.indirect.scatter.add.f32 @!p0 [tilespmem:s2], [sflag:$0x5], $0x80, s1, s0, $0xb8;
	[tilespmem:$0x1D880] =	vst v63  }
0x22: {  	s0 =	simm.s32 @!p0 $0x5  }
0x23: {  	_ =	swait.ge @!p0 [sflag:s0], $0x2000  }
0x24: {  	s1 =	simm.s32 @!p0 $0x3;
	[sflag:s0] =	ssyncset.done @!p0 $0x0  }
0x25: {  	s1 =	simm.s32 @p0 $0x5;
	[sflag:s0] =	ssyncadd.s32 @!p0 $0xFFFFE000  }
0x26: {  	_ =	swait.ge [sflag:s1], $0x2000  }
0x27: {  	[sflag:s1] =	ssyncset.done $0x0  }
0x28: {  	[sflag:s1] =	ssyncadd.s32 $0xFFFFE000  }
0x29: {  	[spmem:s3] =	stream.indirect.scatter.add.f32 [tilespmem:s23], [sflag:$0x6], $0x80, s28, s20, $0xb8;
	[tilespmem:$0x1D880] =	vst v63  }
0x2a: {  	_ =	swait.ge [sflag:s24], $0x2000  }
0x2b: {  	s29 =	sadd.s32 $0x1, s29;
	[sflag:s24] =	ssyncset.done $0x0  }
0x2c: {  	p0 =	sne.s32 s29, s15;
	[sflag:s24] =	ssyncadd.s32 $0xFFFFE000  }
.Ltmp1:
0x2d: {  	[bflag:$0x0] =	sbarrier.arrive $0xFFFF;
	(pc) =	sbr.rel @!p0 .LBB2_20-.Ltmp1, $4  }
0x2e: {  	[hbm:s14], [sflag:s7] =	dma.local [spmem:s16], $0x2800  }
0x2f: {  	_ =	swait.ge [sflag:s17], $0x2800  }
0x30: {  	[sflag:s17] =	ssyncset.done $0x0  }
0x31: {  	[sflag:s17] =	ssyncadd.s32 $0xFFFFD800  }
.LBB2_1:
0x32: {  	s0 =	rddreg [dreg:$0x5]  }
0x33: {  	[spmem:s16], [sflag:s7] =	dma.local [hbm:s0], $0x2800  }
0x34: {  	_ =	swait.ge [sflag:s17], $0x2800  }
0x35: {  	[sflag:s17] =	ssyncset.done $0x0  }
0x36: {  	[sflag:s17] =	ssyncadd.s32 $0xFFFFD800  }
0x37: {  	s1 =	simm.s32 $0x9800;
	s12 =	rddreg [dreg:$0x2]  }
0x38: {  	[tilespmem:s1], [sflag:$0x7] =	stream.linear.gather [hbm4b:s12+s4], $0x80, $0x38;
	[tilespmem:$0x1D880] =	vst v63  }
0x39: {  	_ =	swait.ge [sflag:s17], $0x80  }
0x3a: {  	[sflag:s17] =	ssyncset.done $0x0  }
0x3b: {  	[sflag:s17] =	ssyncadd.s32 $0xFFFFFF80  }
0x3c: {  	v0 =	vld [tilespmem:$0x9800];
	_ =	sdelay $0x4  }
0x3d: {  	(v2sf) =	vpush v0, $0x0;
	_ =	sdelay $0xe  }
0x3e: {  	s13 =	spop (v2sf)  }
0x3f: {  	p0 =	sgt.s32 s13, $0x0  }
0x40: {  	s1 =	simm.s32 @!p0 $0x0;
	s2 =	simm.s32 @!p0 $0x3800  }
0x41: {  	[tilespmem:s2], [sflag:$0x7] =	stream.linear.gather @!p0 [hbm4b:s5+s1], $0x2000, $0x38;
	[tilespmem:$0x1D880] =	vst v63  }
0x42: {  	s2 =	simm.s32 @!p0 $0x7  }
0x43: {  	_ =	swait.ge @!p0 [sflag:s2], $0x2000  }
0x44: {  	[sflag:s2] =	ssyncset.done @!p0 $0x0  }
0x45: {  	s6 =	simm.s32 @!p0 $0x5800;
	[sflag:s2] =	ssyncadd.s32 @!p0 $0xFFFFE000  }
0x46: {  	[tilespmem:s6], [sflag:$0x7] =	stream.linear.gather @!p0 [hbm4b:s5+s1], $0x2000, $0x38;
	[tilespmem:$0x1D880] =	vst v63  }
0x47: {  	_ =	swait.ge @!p0 [sflag:s2], $0x2000  }
0x48: {  	[sflag:s2] =	ssyncset.done @!p0 $0x0  }
0x49: {  	s6 =	simm.s32 @!p0 $0x7800;
	[sflag:s2] =	ssyncadd.s32 @!p0 $0xFFFFE000  }
0x4a: {  	[tilespmem:s6], [sflag:$0x7] =	stream.linear.gather @!p0 [hbm4b:s5+s1], $0x2000, $0x38;
	[tilespmem:$0x1D880] =	vst v63  }
0x4b: {  	_ =	swait.ge @!p0 [sflag:s2], $0x2000  }
0x4c: {  	[sflag:s2] =	ssyncset.done @!p0 $0x0  }
0x4d: {  	[sflag:s2] =	ssyncadd.s32 @!p0 $0xFFFFE000  }
0x4e: {  	[bflag:$0x0] =	sbarrier.arrive $0xFFFF  }
0x4f: {  	s18 =	rddreg [dreg:$0x6]  }
0x50: {  	[tilespmem:s4], [sflag:$0x7] =	stream.linear.gather [hbm4b:s18+s4], $0x1B00, $0x38;
	[tilespmem:$0x1D880] =	vst v63  }
0x51: {  	_ =	swait.ge [sflag:s17], $0x1B00  }
0x52: {  	[sflag:s17] =	ssyncset.done $0x0  }
0x53: {  	s31 =	rddreg [dreg:$0x7];
	[sflag:s17] =	ssyncadd.s32 $0xFFFFE500  }
0x54: {  	[tilespmem:s19], [sflag:$0x7] =	stream.linear.gather [hbm4b:s31+s4], $0x1B00, $0x38;
	[tilespmem:$0x1D880] =	vst v63  }
0x55: {  	p0 =	slt.s32 s13, $0x1;
	_ =	swait.ge [sflag:s17], $0x1B00  }
0x56: {  	s0 =	simm.s32 @!p0 $0x40;
	[sflag:s17] =	ssyncset.done $0x0  }
0x57: {  	s2 =	simm.s32 @!p0 $0x0;
	s1 =	simm.s32 @!p0 $0x3800;
	[sflag:s17] =	ssyncadd.s32 $0xFFFFE500  }
0x58: {  	[tilespmem:s1], [sflag:$0x1] =	stream.indirect.gather @!p0 [hbm4b:s5+s0], $0x80, s2, s0, $0xb8;
	[tilespmem:$0x1D880] =	vst v63  }
.Ltmp2:
0x59: {  	s6 =	simm.s32 @!p0 $0x80;
	s2 =	simm.s32 @!p0 $0x5800;
	(pc) =	sbr.rel .LBB2_2-.Ltmp2, $4  }
0x5a: {  	[tilespmem:s2], [sflag:$0x2] =	stream.indirect.gather @!p0 [hbm4b:s5+s0], $0x80, s6, s0, $0xb8;
	[tilespmem:$0x1D880] =	vst v63  }
0x5b: {  	s30 =	simm.s32 $0x0;
	s8 =	simm.s32 @!p0 $0x7800;
	s6 =	simm.s32 @!p0 $0x100  }
0x5c: {  	[tilespmem:s8], [sflag:$0x3] =	stream.indirect.gather @!p0 [hbm4b:s5+s0], $0x80, s6, s0, $0xb8;
	[tilespmem:$0x1D880] =	vst v63  }
0x5d: {  	s18 =	simm.s32 $0x1C80;
	s6 =	simm.s32 $0x10;
	s8 =	simm.s32 $0x280  }
.LBB2_5:
.Ltmp3:
0x5e: {  	(pc) =	sbr.rel @p1 .LBB2_7-.Ltmp3, $1  }
0x5f: {  	_ =	sdelay $0x3  }
.LBB2_4:
0x60: {  	s6 =	sadd.s32 $0xFFFFFFFF, s6;
	s8 =	sadd.s32 $0x180, s8;
	s18 =	sadd.s32 $0x180, s18  }
.LBB2_2:
0x61: {  	s9 =	simm.s32 @!p0 $0x1  }
0x62: {  	_ =	swait.ge @!p0 [sflag:s9], $0x2000  }
0x63: {  	[sflag:s9] =	ssyncset.done @!p0 $0x0  }
0x64: {  	s13 =	sadd.s32 $0xFFFFFF80, s18;
	[sflag:s9] =	ssyncadd.s32 @!p0 $0xFFFFE000  }
0x65: {  	[spmem:s3] =	stream.indirect.scatter.add.f32 [tilespmem:s21], [sflag:$0x4], $0x80, s13, s20, $0xb8;
	[tilespmem:$0x1D880] =	vst v63  }
0x66: {  	_ =	swait.ge [sflag:s22], $0x2000  }
0x67: {  	[sflag:s22] =	ssyncset.done $0x0  }
0x68: {  	s10 =	simm.s32 @p0 $0x5800;
	s9 =	simm.s32 @p0 $0x40;
	[sflag:s22] =	ssyncadd.s32 $0xFFFFE000  }
0x69: {  	[spmem:s3] =	stream.indirect.scatter.add.f32 @p0 [tilespmem:s10], [sflag:$0x5], $0x80, s18, s9, $0xb8;
	[tilespmem:$0x1D880] =	vst v63  }
0x6a: {  	s9 =	sadd.s32 @!p0 $0xFFFFFF00, s8  }
0x6b: {  	[tilespmem:s1], [sflag:$0x1] =	stream.indirect.gather @!p0 [hbm4b:s5+s0], $0x80, s9, s0, $0xb8;
	[tilespmem:$0x1D880] =	vst v63  }
0x6c: {  	s9 =	simm.s32 @!p0 $0x2  }
0x6d: {  	_ =	swait.ge @!p0 [sflag:s9], $0x2000  }
0x6e: {  	[sflag:s9] =	ssyncset.done @!p0 $0x0  }
0x6f: {  	[sflag:s9] =	ssyncadd.s32 @!p0 $0xFFFFE000;
	s9 =	simm.s32 @!p0 $0x5  }
0x70: {  	[spmem:s3] =	stream.indirect.scatter.add.f32 @!p0 [tilespmem:s2], [sflag:$0x5], $0x80, s18, s0, $0xb8;
	[tilespmem:$0x1D880] =	vst v63  }
0x71: {  	_ =	swait.ge @!p0 [sflag:s9], $0x2000  }
0x72: {  	[sflag:s9] =	ssyncset.done @!p0 $0x0  }
0x73: {  	[sflag:s9] =	ssyncadd.s32 @!p0 $0xFFFFE000;
	s9 =	sadd.s32 @!p0 $0xFFFFFF80, s8  }
0x74: {  	[tilespmem:s2], [sflag:$0x2] =	stream.indirect.gather @!p0 [hbm4b:s5+s0], $0x80, s9, s0, $0xb8;
	[tilespmem:$0x1D880] =	vst v63  }
0x75: {  	s9 =	simm.s32 @!p0 $0x3  }
0x76: {  	s9 =	simm.s32 @p0 $0x5  }
0x77: {  	_ =	swait.ge [sflag:s9], $0x2000  }
0x78: {  	[sflag:s9] =	ssyncset.done $0x0  }
.Ltmp4:
0x79: {  	s31 =	sadd.s32 $0x80, s18;
	[sflag:s9] =	ssyncadd.s32 $0xFFFFE000;
	(pc) =	sbr.rel @p0 .LBB2_5-.Ltmp4, $4  }
0x7a: {  	[spmem:s3] =	stream.indirect.scatter.add.f32 [tilespmem:s23], [sflag:$0x6], $0x80, s31, s20, $0xb8;
	[tilespmem:$0x1D880] =	vst v63  }
0x7b: {  	_ =	swait.ge [sflag:s24], $0x2000  }
0x7c: {  	[sflag:s24] =	ssyncset.done $0x0  }
0x7d: {  	s30 =	sadd.s32 $0x1, s30;
	p1 =	seq.s32 s6, $0x0;
	[sflag:s24] =	ssyncadd.s32 $0xFFFFE000  }
.Ltmp5:
0x7e: {  	(pc) =	sbr.rel @!p1 .LBB2_4-.Ltmp5, $2  }
0x7f: {  	_ =	sdelay $0x2  }
0x80: {  	[tilespmem:s23], [sflag:$0x3] =	stream.indirect.gather [hbm4b:s5+s20], $0x80, s8, s20, $0xb8;
	[tilespmem:$0x1D880] =	vst v63  }
0x81: {  	_ =	swait.ge [sflag:s25], $0x2000  }
0x82: {  	[sflag:s25] =	ssyncset.done $0x0  }
0x83: {  	[sflag:s25] =	ssyncadd.s32 $0xFFFFE000  }
.LBB2_7:
0x84: {  	[spmem:s3] =	stream.indirect.scatter.add.f32 [tilespmem:s21], [sflag:$0x4], $0x80, s26, s20, $0xb8;
	[tilespmem:$0x1D880] =	vst v63  }
0x85: {  	_ =	swait.ge [sflag:s22], $0x2000  }
0x86: {  	s30 =	simm.s32 @p0 $0x40;
	[sflag:s22] =	ssyncset.done $0x0  }
0x87: {  	s0 =	simm.s32 @p0 $0x3600;
	s31 =	simm.s32 @p0 $0x5800;
	[sflag:s22] =	ssyncadd.s32 $0xFFFFE000  }
0x88: {  	[spmem:s3] =	stream.indirect.scatter.add.f32 @p0 [tilespmem:s31], [sflag:$0x5], $0x80, s0, s30, $0xb8;
	[tilespmem:$0x1D880] =	vst v63  }
0x89: {  	s0 =	simm.s32 @!p0 $0x2  }
0x8a: {  	_ =	swait.ge @!p0 [sflag:s0], $0x2000  }
0x8b: {  	s1 =	simm.s32 @!p0 $0x40;
	s6 =	simm.s32 @!p0 $0x3600;
	[sflag:s0] =	ssyncset.done @!p0 $0x0  }
0x8c: {  	s2 =	simm.s32 @!p0 $0x5800;
	s18 =	simm.s32 @!p0 $0x5;
	[sflag:s0] =	ssyncadd.s32 @!p0 $0xFFFFE000  }
0x8d: {  	[spmem:s3] =	stream.indirect.scatter.add.f32 @!p0 [tilespmem:s2], [sflag:$0x5], $0x80, s6, s1, $0xb8;
	[tilespmem:$0x1D880] =	vst v63  }
0x8e: {  	_ =	swait.ge @!p0 [sflag:s18], $0x2000  }
0x8f: {  	s6 =	simm.s32 @!p0 $0x3;
	[sflag:s18] =	ssyncset.done @!p0 $0x0  }
0x90: {  	s6 =	simm.s32 @p0 $0x5;
	[sflag:s18] =	ssyncadd.s32 @!p0 $0xFFFFE000  }
0x91: {  	_ =	swait.ge [sflag:s6], $0x2000  }
0x92: {  	[sflag:s6] =	ssyncset.done $0x0  }
0x93: {  	[sflag:s6] =	ssyncadd.s32 $0xFFFFE000  }
0x94: {  	[spmem:s3] =	stream.indirect.scatter.add.f32 [tilespmem:s23], [sflag:$0x6], $0x80, s28, s20, $0xb8;
	[tilespmem:$0x1D880] =	vst v63  }
0x95: {  	_ =	swait.ge [sflag:s24], $0x2000  }
0x96: {  	[sflag:s24] =	ssyncset.done $0x0  }
0x97: {  	s8 =	rddreg [dreg:$0x8];
	[sflag:s24] =	ssyncadd.s32 $0xFFFFE000  }
0x98: {  	[tilespmem:s4], [sflag:$0x7] =	stream.linear.gather [hbm4b:s8+s4], $0x1B00, $0x38;
	[tilespmem:$0x1D880] =	vst v63  }
0x99: {  	_ =	swait.ge [sflag:s17], $0x1B00  }
0x9a: {  	[sflag:s17] =	ssyncset.done $0x0  }
0x9b: {  	s13 =	rddreg [dreg:$0x9];
	[sflag:s17] =	ssyncadd.s32 $0xFFFFE500  }
0x9c: {  	[tilespmem:s19], [sflag:$0x7] =	stream.linear.gather [hbm4b:s13+s4], $0x1B00, $0x38;
	[tilespmem:$0x1D880] =	vst v63  }
0x9d: {  	_ =	swait.ge [sflag:s17], $0x1B00  }
0x9e: {  	[sflag:s17] =	ssyncset.done $0x0  }
0x9f: {  	s9 =	simm.s32 @!p0 $0x0;
	s8 =	simm.s32 @!p0 $0x3800;
	[sflag:s17] =	ssyncadd.s32 $0xFFFFE500  }
0xa0: {  	[tilespmem:s8], [sflag:$0x1] =	stream.indirect.gather @!p0 [hbm4b:s5+s1], $0x80, s9, s1, $0xb8;
	[tilespmem:$0x1D880] =	vst v63  }
.Ltmp6:
0xa1: {  	s9 =	simm.s32 @!p0 $0x80;
	(pc) =	sbr.rel .LBB2_8-.Ltmp6, $4  }
0xa2: {  	[tilespmem:s2], [sflag:$0x2] =	stream.indirect.gather @!p0 [hbm4b:s5+s1], $0x80, s9, s1, $0xb8;
	[tilespmem:$0x1D880] =	vst v63  }
0xa3: {  	s10 =	simm.s32 @!p0 $0x7800;
	s11 =	simm.s32 $0x280;
	s9 =	simm.s32 @!p0 $0x100  }
0xa4: {  	[tilespmem:s10], [sflag:$0x3] =	stream.indirect.gather @!p0 [hbm4b:s5+s1], $0x80, s9, s1, $0xb8;
	[tilespmem:$0x1D880] =	vst v63  }
0xa5: {  	s12 =	simm.s32 $0x1C80;
	s9 =	simm.s32 $0x0;
	s10 =	simm.s32 $0x10  }
.LBB2_11:
.Ltmp7:
0xa6: {  	(pc) =	sbr.rel @p1 .LBB2_13-.Ltmp7, $1  }
0xa7: {  	_ =	sdelay $0x3  }
.LBB2_10:
0xa8: {  	s10 =	sadd.s32 $0xFFFFFFFF, s10;
	s11 =	sadd.s32 $0x180, s11;
	s12 =	sadd.s32 $0x180, s12  }
.LBB2_8:
0xa9: {  	s13 =	simm.s32 @!p0 $0x1  }
0xaa: {  	_ =	swait.ge @!p0 [sflag:s13], $0x2000  }
0xab: {  	[sflag:s13] =	ssyncset.done @!p0 $0x0  }
0xac: {  	[sflag:s13] =	ssyncadd.s32 @!p0 $0xFFFFE000;
	s13 =	sadd.s32 $0xFFFFFF80, s12  }
0xad: {  	[spmem:s3] =	stream.indirect.scatter.add.f32 [tilespmem:s21], [sflag:$0x4], $0x80, s13, s20, $0xb8;
	[tilespmem:$0x1D880] =	vst v63  }
0xae: {  	_ =	swait.ge [sflag:s22], $0x2000  }
0xaf: {  	[sflag:s22] =	ssyncset.done $0x0  }
0xb0: {  	[sflag:s22] =	ssyncadd.s32 $0xFFFFE000  }
0xb1: {  	[spmem:s3] =	stream.indirect.scatter.add.f32 @p0 [tilespmem:s31], [sflag:$0x5], $0x80, s12, s30, $0xb8;
	[tilespmem:$0x1D880] =	vst v63  }
0xb2: {  	s13 =	sadd.s32 @!p0 $0xFFFFFF00, s11  }
0xb3: {  	[tilespmem:s8], [sflag:$0x1] =	stream.indirect.gather @!p0 [hbm4b:s5+s1], $0x80, s13, s1, $0xb8;
	[tilespmem:$0x1D880] =	vst v63  }
0xb4: {  	_ =	swait.ge @!p0 [sflag:s0], $0x2000  }
0xb5: {  	[sflag:s0] =	ssyncset.done @!p0 $0x0  }
0xb6: {  	[sflag:s0] =	ssyncadd.s32 @!p0 $0xFFFFE000  }
0xb7: {  	[spmem:s3] =	stream.indirect.scatter.add.f32 @!p0 [tilespmem:s2], [sflag:$0x5], $0x80, s12, s1, $0xb8;
	[tilespmem:$0x1D880] =	vst v63  }
0xb8: {  	_ =	swait.ge @!p0 [sflag:s18], $0x2000  }
0xb9: {  	[sflag:s18] =	ssyncset.done @!p0 $0x0  }
0xba: {  	s13 =	sadd.s32 @!p0 $0xFFFFFF80, s11;
	[sflag:s18] =	ssyncadd.s32 @!p0 $0xFFFFE000  }
0xbb: {  	[tilespmem:s2], [sflag:$0x2] =	stream.indirect.gather @!p0 [hbm4b:s5+s1], $0x80, s13, s1, $0xb8;
	[tilespmem:$0x1D880] =	vst v63  }
0xbc: {  	_ =	swait.ge [sflag:s6], $0x2000  }
0xbd: {  	[sflag:s6] =	ssyncset.done $0x0  }
.Ltmp8:
0xbe: {  	s13 =	sadd.s32 $0x80, s12;
	[sflag:s6] =	ssyncadd.s32 $0xFFFFE000;
	(pc) =	sbr.rel @p0 .LBB2_11-.Ltmp8, $4  }
0xbf: {  	[spmem:s3] =	stream.indirect.scatter.add.f32 [tilespmem:s23], [sflag:$0x6], $0x80, s13, s20, $0xb8;
	[tilespmem:$0x1D880] =	vst v63  }
0xc0: {  	_ =	swait.ge [sflag:s24], $0x2000  }
0xc1: {  	[sflag:s24] =	ssyncset.done $0x0  }
0xc2: {  	s9 =	sadd.s32 $0x1, s9;
	p1 =	seq.s32 s10, $0x0;
	[sflag:s24] =	ssyncadd.s32 $0xFFFFE000  }
.Ltmp9:
0xc3: {  	(pc) =	sbr.rel @!p1 .LBB2_10-.Ltmp9, $2  }
0xc4: {  	_ =	sdelay $0x2  }
0xc5: {  	[tilespmem:s23], [sflag:$0x3] =	stream.indirect.gather [hbm4b:s5+s20], $0x80, s11, s20, $0xb8;
	[tilespmem:$0x1D880] =	vst v63  }
0xc6: {  	_ =	swait.ge [sflag:s25], $0x2000  }
0xc7: {  	[sflag:s25] =	ssyncset.done $0x0  }
0xc8: {  	[sflag:s25] =	ssyncadd.s32 $0xFFFFE000  }
.LBB2_13:
0xc9: {  	[spmem:s3] =	stream.indirect.scatter.add.f32 [tilespmem:s21], [sflag:$0x4], $0x80, s26, s20, $0xb8;
	[tilespmem:$0x1D880] =	vst v63  }
0xca: {  	_ =	swait.ge [sflag:s22], $0x2000  }
0xcb: {  	s30 =	simm.s32 @p0 $0x40;
	[sflag:s22] =	ssyncset.done $0x0  }
0xcc: {  	s0 =	simm.s32 @p0 $0x3600;
	s31 =	simm.s32 @p0 $0x5800;
	[sflag:s22] =	ssyncadd.s32 $0xFFFFE000  }
0xcd: {  	[spmem:s3] =	stream.indirect.scatter.add.f32 @p0 [tilespmem:s31], [sflag:$0x5], $0x80, s0, s30, $0xb8;
	[tilespmem:$0x1D880] =	vst v63  }
0xce: {  	s0 =	simm.s32 @!p0 $0x2  }
0xcf: {  	_ =	swait.ge @!p0 [sflag:s0], $0x2000  }
0xd0: {  	s1 =	simm.s32 @!p0 $0x40;
	s6 =	simm.s32 @!p0 $0x3600;
	[sflag:s0] =	ssyncset.done @!p0 $0x0  }
0xd1: {  	s2 =	simm.s32 @!p0 $0x5800;
	s18 =	simm.s32 @!p0 $0x5;
	[sflag:s0] =	ssyncadd.s32 @!p0 $0xFFFFE000  }
0xd2: {  	[spmem:s3] =	stream.indirect.scatter.add.f32 @!p0 [tilespmem:s2], [sflag:$0x5], $0x80, s6, s1, $0xb8;
	[tilespmem:$0x1D880] =	vst v63  }
0xd3: {  	_ =	swait.ge @!p0 [sflag:s18], $0x2000  }
0xd4: {  	s6 =	simm.s32 @!p0 $0x3;
	[sflag:s18] =	ssyncset.done @!p0 $0x0  }
0xd5: {  	s6 =	simm.s32 @p0 $0x5;
	[sflag:s18] =	ssyncadd.s32 @!p0 $0xFFFFE000  }
0xd6: {  	_ =	swait.ge [sflag:s6], $0x2000  }
0xd7: {  	[sflag:s6] =	ssyncset.done $0x0  }
0xd8: {  	[sflag:s6] =	ssyncadd.s32 $0xFFFFE000  }
0xd9: {  	[spmem:s3] =	stream.indirect.scatter.add.f32 [tilespmem:s23], [sflag:$0x6], $0x80, s28, s20, $0xb8;
	[tilespmem:$0x1D880] =	vst v63  }
0xda: {  	_ =	swait.ge [sflag:s24], $0x2000  }
0xdb: {  	[sflag:s24] =	ssyncset.done $0x0  }
0xdc: {  	s8 =	rddreg [dreg:$0xa];
	[sflag:s24] =	ssyncadd.s32 $0xFFFFE000  }
0xdd: {  	[tilespmem:s4], [sflag:$0x7] =	stream.linear.gather [hbm4b:s8+s4], $0x1B00, $0x38;
	[tilespmem:$0x1D880] =	vst v63  }
0xde: {  	_ =	swait.ge [sflag:s17], $0x1B00  }
0xdf: {  	[sflag:s17] =	ssyncset.done $0x0  }
0xe0: {  	s13 =	rddreg [dreg:$0xb];
	[sflag:s17] =	ssyncadd.s32 $0xFFFFE500  }
0xe1: {  	[tilespmem:s19], [sflag:$0x7] =	stream.linear.gather [hbm4b:s13+s4], $0x1B00, $0x38;
	[tilespmem:$0x1D880] =	vst v63  }
0xe2: {  	_ =	swait.ge [sflag:s17], $0x1B00  }
0xe3: {  	[sflag:s17] =	ssyncset.done $0x0  }
0xe4: {  	s9 =	simm.s32 @!p0 $0x0;
	s8 =	simm.s32 @!p0 $0x3800;
	[sflag:s17] =	ssyncadd.s32 $0xFFFFE500  }
0xe5: {  	[tilespmem:s8], [sflag:$0x1] =	stream.indirect.gather @!p0 [hbm4b:s5+s1], $0x80, s9, s1, $0xb8;
	[tilespmem:$0x1D880] =	vst v63  }
.Ltmp10:
0xe6: {  	s9 =	simm.s32 @!p0 $0x80;
	(pc) =	sbr.rel .LBB2_14-.Ltmp10, $4  }
0xe7: {  	[tilespmem:s2], [sflag:$0x2] =	stream.indirect.gather @!p0 [hbm4b:s5+s1], $0x80, s9, s1, $0xb8;
	[tilespmem:$0x1D880] =	vst v63  }
0xe8: {  	s10 =	simm.s32 @!p0 $0x7800;
	s11 =	simm.s32 $0x280;
	s9 =	simm.s32 @!p0 $0x100  }
0xe9: {  	[tilespmem:s10], [sflag:$0x3] =	stream.indirect.gather @!p0 [hbm4b:s5+s1], $0x80, s9, s1, $0xb8;
	[tilespmem:$0x1D880] =	vst v63  }
0xea: {  	s12 =	simm.s32 $0x1C80;
	s9 =	simm.s32 $0x0;
	s10 =	simm.s32 $0x10  }
.LBB2_17:
.Ltmp11:
0xeb: {  	(pc) =	sbr.rel @p1 .LBB2_19-.Ltmp11, $1  }
0xec: {  	_ =	sdelay $0x3  }
.LBB2_16:
0xed: {  	s10 =	sadd.s32 $0xFFFFFFFF, s10;
	s11 =	sadd.s32 $0x180, s11;
	s12 =	sadd.s32 $0x180, s12  }
.LBB2_14:
0xee: {  	s13 =	simm.s32 @!p0 $0x1  }
0xef: {  	_ =	swait.ge @!p0 [sflag:s13], $0x2000  }
0xf0: {  	[sflag:s13] =	ssyncset.done @!p0 $0x0  }
0xf1: {  	[sflag:s13] =	ssyncadd.s32 @!p0 $0xFFFFE000;
	s13 =	sadd.s32 $0xFFFFFF80, s12  }
0xf2: {  	[spmem:s3] =	stream.indirect.scatter.add.f32 [tilespmem:s21], [sflag:$0x4], $0x80, s13, s20, $0xb8;
	[tilespmem:$0x1D880] =	vst v63  }
0xf3: {  	_ =	swait.ge [sflag:s22], $0x2000  }
0xf4: {  	[sflag:s22] =	ssyncset.done $0x0  }
0xf5: {  	[sflag:s22] =	ssyncadd.s32 $0xFFFFE000  }
0xf6: {  	[spmem:s3] =	stream.indirect.scatter.add.f32 @p0 [tilespmem:s31], [sflag:$0x5], $0x80, s12, s30, $0xb8;
	[tilespmem:$0x1D880] =	vst v63  }
0xf7: {  	s13 =	sadd.s32 @!p0 $0xFFFFFF00, s11  }
0xf8: {  	[tilespmem:s8], [sflag:$0x1] =	stream.indirect.gather @!p0 [hbm4b:s5+s1], $0x80, s13, s1, $0xb8;
	[tilespmem:$0x1D880] =	vst v63  }
0xf9: {  	_ =	swait.ge @!p0 [sflag:s0], $0x2000  }
0xfa: {  	[sflag:s0] =	ssyncset.done @!p0 $0x0  }
0xfb: {  	[sflag:s0] =	ssyncadd.s32 @!p0 $0xFFFFE000  }
0xfc: {  	[spmem:s3] =	stream.indirect.scatter.add.f32 @!p0 [tilespmem:s2], [sflag:$0x5], $0x80, s12, s1, $0xb8;
	[tilespmem:$0x1D880] =	vst v63  }
0xfd: {  	_ =	swait.ge @!p0 [sflag:s18], $0x2000  }
0xfe: {  	[sflag:s18] =	ssyncset.done @!p0 $0x0  }
0xff: {  	s13 =	sadd.s32 @!p0 $0xFFFFFF80, s11;
	[sflag:s18] =	ssyncadd.s32 @!p0 $0xFFFFE000  }
0x100: {  	[tilespmem:s2], [sflag:$0x2] =	stream.indirect.gather @!p0 [hbm4b:s5+s1], $0x80, s13, s1, $0xb8;
	[tilespmem:$0x1D880] =	vst v63  }
0x101: {  	_ =	swait.ge [sflag:s6], $0x2000  }
0x102: {  	[sflag:s6] =	ssyncset.done $0x0  }
.Ltmp12:
0x103: {  	s13 =	sadd.s32 $0x80, s12;
	[sflag:s6] =	ssyncadd.s32 $0xFFFFE000;
	(pc) =	sbr.rel @p0 .LBB2_17-.Ltmp12, $4  }
0x104: {  	[spmem:s3] =	stream.indirect.scatter.add.f32 [tilespmem:s23], [sflag:$0x6], $0x80, s13, s20, $0xb8;
	[tilespmem:$0x1D880] =	vst v63  }
0x105: {  	_ =	swait.ge [sflag:s24], $0x2000  }
0x106: {  	[sflag:s24] =	ssyncset.done $0x0  }
0x107: {  	s9 =	sadd.s32 $0x1, s9;
	p1 =	seq.s32 s10, $0x0;
	[sflag:s24] =	ssyncadd.s32 $0xFFFFE000  }
.Ltmp13:
0x108: {  	(pc) =	sbr.rel @!p1 .LBB2_16-.Ltmp13, $2  }
0x109: {  	_ =	sdelay $0x2  }
0x10a: {  	[tilespmem:s23], [sflag:$0x3] =	stream.indirect.gather [hbm4b:s5+s20], $0x80, s11, s20, $0xb8;
	[tilespmem:$0x1D880] =	vst v63  }
.Ltmp14:
0x10b: {  	(pc) =	sbr.rel .LBB2_19-.Ltmp14, $4  }
0x10c: {  	_ = 	snop  }
0x10d: {  	_ =	swait.ge [sflag:s25], $0x2000  }
0x10e: {  	[sflag:s25] =	ssyncset.done $0x0  }
0x10f: {  	[sflag:s25] =	ssyncadd.s32 $0xFFFFE000  }
.LBB2_20:
0x110: {  	_ =	sfence.sel $0x180000  }
0x111: {  	[bflag:$0x0] =	sbarrier.arrive $0xFFFF  }
0x112: {  	_ =	strace $0x90000047  }
0x113: {  	s0 =	stileid.u32;
	[bflag:$0x2] =	sbarrier.arrive $0xFFFF  }
0x114: {  	p0 =	sne.s32 s0, $0x0;
	s0 =	rddreg [dreg:$0x4]  }
0x115: {  	s0 =	sadd.s32 @!p0 $0x100000, s0  }
0x116: {  	[sflag:s0] =	ssyncadd.tile.s32 @!p0 $0x1;
	_ =	shalt  }
.Lfunc_end2:
_tile_overlayer_lowered:
.L_overlay_start_2:
0x117: {  	(tag) =	ssettag $0x2  }
0x118: {  	s0 =	rddreg [dreg:$0x0];
	s2 =	stileid.u32  }
0x119: {  	s1 =	rddreg [dreg:$0x1];
	p0 =	sne.s32 s2, $0x0  }
0x11a: {  	s3 =	rddreg [dreg:$0x2];
	[bflag:$0x3] =	sbarrier.arrive $0xFFFF;
	s2 =	simm.s32 @!p0 $0x1C07  }
0x11b: {  	[timem:s3], [sflag:s2] =	dma.local @!p0 [hbm:s0], s1  }
0x11c: {  	s0 =	simm.s32 @!p0 $0x7  }
0x11d: {  	_ =	swait.ge @!p0 [sflag:s0], s1  }
0x11e: {  	s1 =	ssub.s32 @!p0 $0x0, s1;
	[sflag:s0] =	ssyncset.done @!p0 $0x0  }
0x11f: {  	[sflag:s0] =	ssyncadd.s32 @!p0 s1  }
0x120: {  	[bflag:$0x3] =	sbarrier.arrive $0xFFFF  }
0x121: {  	_ =	shalt  }

</sc_bundles>
